<compile_context>
chip_gen: v7x
topology: tpu7x:2x2x1
jax: 0.10.2.dev20260603
libtpu: 0.0.44.dev20260713+nightly
codegen_flags: <defaults>
</compile_context>

<pallas_src>
import functools

import jax
import jax.numpy as jnp
from jax import lax
from jax.experimental import pallas as pl
from jax.experimental.pallas import tpu as pltpu
from jax.experimental.pallas import tpu_sc as plsc

N = 50000
E = 1600000
NP = 51200
ROWS = NP // 16
TPR = ROWS // 16
EPT = E // 16
WDW = 2000
NWIN = EPT // WDW
RCH = 128
NCH = ROWS // RCH


def _sc_body(feats_hbm, edge_hbm, rel_hbm, norm_hbm, par_hbm, out_hbm,
             x_v, agg_v, hbuf, sbuf, dbuf, rbuf, nbuf,
             sbuf2, dbuf2, rbuf2, nbuf2,
             wtab0_v, wtab1_v, pad_v, par_v, idx_v,
             sem_a, sem_b, sem_r, spmem_acc):
    cid = lax.axis_index("c")
    sid = lax.axis_index("s")

    pltpu.sync_copy(feats_hbm.at[cid], x_v)
    pltpu.sync_copy(par_hbm, par_v)

    lanes = jnp.arange(16, dtype=jnp.int32)

    def _mkidx(t, _):
        idx_v[t >> 3, pl.ds((t & 7) * 16, 16)] = t * 16 + lanes
        return _

    lax.fori_loop(0, NCH * 8, _mkidx, None)

    even = (2 * lanes) & 15
    odd = (2 * lanes + 1) & 15
    for row, wtab_v in ((0, wtab0_v), (2, wtab1_v)):
        prod = par_v[row, :] * par_v[row + 1, :]
        pad_v[pl.ds(0, 16)] = prod
        wtab_v[pl.ds(0, 16)] = (plsc.load_gather(pad_v, [even])
                                + plsc.load_gather(pad_v, [odd]))

    b0 = par_v[4, :]
    b1 = par_v[5, :]

    zero16 = jnp.zeros((16,), jnp.float32)

    def _zero(r, _):
        agg_v[r, :] = zero16
        return _

    lax.fori_loop(0, ROWS, _zero, None)
    pltpu.sync_copy(agg_v.at[pl.ds(sid * TPR, TPR)],
                    spmem_acc.at[pl.ds(sid * TPR, TPR)])
    plsc.subcore_barrier()

    ebase = sid * EPT

    def _hbm_slices(g):
        off = ebase + g * WDW
        return (edge_hbm.at[0, pl.ds(off, WDW)], edge_hbm.at[1, pl.ds(off, WDW)],
                rel_hbm.at[pl.ds(off, WDW)], norm_hbm.at[pl.ds(off, WDW)])

    slots = ((sbuf, dbuf, rbuf, nbuf, sem_a),
             (sbuf2, dbuf2, rbuf2, nbuf2, sem_b))

    def _issue(slot, g):
        bufs = slots[slot]
        for src, dst in zip(_hbm_slices(g), bufs[:4]):
            pltpu.async_copy(src, dst, bufs[4])

    def _wait(slot, g):
        bufs = slots[slot]
        for src, dst in zip(_hbm_slices(g), bufs[:4]):
            pltpu.make_async_copy(src, dst, bufs[4]).wait()

    def _edge_pass(wtab_v):
        def _compute(slot):
            sb, db, rb, nb, _ = slots[slot]

            def _inner(k, _):
                s16 = sb[pl.ds(k * 16, 16)]
                d16 = db[pl.ds(k * 16, 16)]
                r16 = rb[pl.ds(k * 16, 16)]
                n16 = nb[pl.ds(k * 16, 16)]
                xg = plsc.load_gather(x_v, [s16 >> 4, s16 & 15])
                wg = plsc.load_gather(wtab_v, [r16])
                plsc.addupdate_scatter(agg_v, [d16 >> 4, d16 & 15],
                                       xg * wg * n16)
                return _

            lax.fori_loop(0, WDW // 16, _inner, None, unroll=5)

        _issue(0, 0)

        def _pair(i, _):
            g0 = 2 * i
            _issue(1, g0 + 1)
            _wait(0, g0)
            _compute(0)

            @pl.when(i + 1 < NWIN // 2)
            def _():
                _issue(0, g0 + 2)

            _wait(1, g0 + 1)
            _compute(1)
            return _

        lax.fori_loop(0, NWIN // 2, _pair, None)

    def _reduce_to_spmem():
        descs = [
            pltpu.async_copy(agg_v.at[pl.ds(j * RCH, RCH)],
                             spmem_acc.at[idx_v.at[j]], sem_r, add=True)
            for j in range(NCH)
        ]
        for d in descs:
            d.wait()
        plsc.subcore_barrier()

    _edge_pass(wtab0_v)
    _reduce_to_spmem()

    pltpu.sync_copy(spmem_acc.at[pl.ds(sid * TPR, TPR)], hbuf)
    pltpu.sync_copy(feats_hbm.at[cid, pl.ds(sid * TPR, TPR)],
                    agg_v.at[pl.ds(0, TPR)])

    def _hk(r, _):
        hbuf[r, :] = (jnp.maximum(hbuf[r, :] + b0, 0.0) + agg_v[r, :])
        return _

    lax.fori_loop(0, TPR, _hk, None)
    pltpu.sync_copy(hbuf, spmem_acc.at[pl.ds(sid * TPR, TPR)])
    plsc.subcore_barrier()

    pltpu.sync_copy(spmem_acc, x_v)
    plsc.subcore_barrier()
    lax.fori_loop(0, ROWS, _zero, None)
    pltpu.sync_copy(agg_v.at[pl.ds(sid * TPR, TPR)],
                    spmem_acc.at[pl.ds(sid * TPR, TPR)])
    plsc.subcore_barrier()

    _edge_pass(wtab1_v)
    _reduce_to_spmem()

    pltpu.sync_copy(spmem_acc.at[pl.ds(sid * TPR, TPR)], hbuf)
    pltpu.sync_copy(feats_hbm.at[cid, pl.ds(sid * TPR, TPR)],
                    agg_v.at[pl.ds(0, TPR)])

    def _fk(r, _):
        hbuf[r, :] = hbuf[r, :] + b1 + agg_v[r, :]
        return _

    lax.fori_loop(0, TPR, _fk, None)
    pltpu.sync_copy(hbuf, out_hbm.at[cid, pl.ds(sid * TPR, TPR)])


def _sc_kernel(*args):
    mesh = plsc.VectorSubcoreMesh(core_axis_name="c", subcore_axis_name="s",
                                  num_cores=2, num_subcores=16)
    return pl.kernel(
        _sc_body,
            out_type=jax.ShapeDtypeStruct((2, ROWS, 16), jnp.float32),
            mesh=mesh,
            compiler_params=pltpu.CompilerParams(
                needs_layout_passes=False, use_tc_tiling_on_sc=False),
            scratch_types=[
                pltpu.VMEM((ROWS, 16), jnp.float32),
                pltpu.VMEM((ROWS, 16), jnp.float32),
                pltpu.VMEM((TPR, 16), jnp.float32),
                pltpu.VMEM((WDW,), jnp.int32),
                pltpu.VMEM((WDW,), jnp.int32),
                pltpu.VMEM((WDW,), jnp.int32),
                pltpu.VMEM((WDW,), jnp.float32),
                pltpu.VMEM((WDW,), jnp.int32),
                pltpu.VMEM((WDW,), jnp.int32),
                pltpu.VMEM((WDW,), jnp.int32),
                pltpu.VMEM((WDW,), jnp.float32),
                pltpu.VMEM((128,), jnp.float32),
                pltpu.VMEM((128,), jnp.float32),
                pltpu.VMEM((128,), jnp.float32),
                pltpu.VMEM((6, 16), jnp.float32),
                pltpu.VMEM((NCH, RCH), jnp.int32),
                pltpu.SemaphoreType.DMA,
                pltpu.SemaphoreType.DMA,
                pltpu.SemaphoreType.DMA,
                pltpu.VMEM_SHARED((ROWS, 16), jnp.float32),
            ],
        )(*args)


def _tc_head_body(x_ref, w_ref, b_ref, o_ref, ybuf):
    j = pl.program_id(0)
    y = lax.dot_general(
        x_ref[...], w_ref[...], (((1,), (1,)), ((), ())),
        preferred_element_type=jnp.float32)
    ybuf[:, pl.ds(j * 128, 128)] = y

    @pl.when(j == pl.num_programs(0) - 1)
    def _():
        yy = ybuf[...] + b_ref[...]
        logit = jnp.sum(yy[0:1, :] * yy[1:2, :], axis=1, keepdims=True)
        o_ref[...] = jax.nn.sigmoid(logit)


def _tc_head(x2, w_net, b_net):
    return pl.pallas_call(
        _tc_head_body,
        grid=(8,),
        in_specs=[
            pl.BlockSpec((2, N), lambda j: (0, 0)),
            pl.BlockSpec((128, N), lambda j: (j, 0)),
            pl.BlockSpec((1, 1024), lambda j: (0, 0)),
        ],
        out_specs=pl.BlockSpec((1, 1), lambda j: (0, 0)),
        out_shape=jax.ShapeDtypeStruct((1, 1), jnp.float32),
        scratch_shapes=[pltpu.VMEM((2, 1024), jnp.float32)],
        compiler_params=pltpu.CompilerParams(
            vmem_limit_bytes=120 * 1024 * 1024),
    )(x2, w_net, b_net.reshape(1, 1024))


def kernel(feat1, feat2, edge_index, rel_type, norm,
           bases0, w_comp0, bias0, bases1, w_comp1, bias1,
           W_net, b_net):
    feats = jnp.concatenate(
        [feat1.reshape(1, N), feat2.reshape(1, N)], axis=0)
    feats = jnp.pad(feats, ((0, 0), (0, NP - N))).reshape(2, ROWS, 16)
    nrm = norm.reshape(E)
    par = jnp.stack([
        w_comp0.reshape(16),
        jnp.tile(bases0.reshape(2), 8),
        w_comp1.reshape(16),
        jnp.tile(bases1.reshape(2), 8),
        jnp.broadcast_to(bias0, (16,)),
        jnp.broadcast_to(bias1, (16,)),
    ])

    f = _sc_kernel(feats, edge_index, rel_type, nrm, par)
    x2 = f.reshape(2, NP)[:, :N]
    return _tc_head(x2, W_net, b_net)

# --- scband reference (transcript-rebuilt; emitter-appended) ---
"""Pipeline reference for scband-ppimodel-61692910240011 (READ-ONLY COPY).

The authoritative reference and input builder live on the scoring server;
editing this copy changes nothing except your own understanding.
"""

import jax, jax.numpy as jnp
import numpy as np

N = 50000
E = 1600000
R = 8
B = 2


def setup_inputs(seed: int = 0) -> dict:
    key = jax.random.key(seed)
    ks = jax.random.split(key, 12)
    feat1 = jax.random.normal(ks[0], (N, 1), dtype=jnp.float32)
    feat2 = jax.random.normal(ks[1], (N, 1), dtype=jnp.float32)
    edge_index = jax.random.randint(ks[2], (2, E), 0, N, dtype=jnp.int32)
    rel_type = jax.random.randint(ks[3], (E,), 0, R, dtype=jnp.int32)
    norm = jax.random.uniform(ks[4], (E, 1), dtype=jnp.float32)
    # RelGraphConv basis-decomposition parameters, h_dim=1, two layers
    bases0 = jax.random.normal(ks[5], (B, 1, 1), dtype=jnp.float32) * 0.5
    w_comp0 = jax.random.normal(ks[6], (R, B), dtype=jnp.float32) * 0.5
    bias0 = jnp.zeros((1,), dtype=jnp.float32)
    bases1 = jax.random.normal(ks[7], (B, 1, 1), dtype=jnp.float32) * 0.5
    w_comp1 = jax.random.normal(ks[8], (R, B), dtype=jnp.float32) * 0.5
    bias1 = jnp.zeros((1,), dtype=jnp.float32)
    # self.net = Linear(num_nodes, 1024)
    W_net = jax.random.normal(ks[9], (1024, N), dtype=jnp.float32) * 0.004
    b_net = jnp.zeros((1024,), dtype=jnp.float32)
    return {"feat1": feat1, "feat2": feat2, "edge_index": edge_index,
            "rel_type": rel_type, "norm": norm,
            "bases0": bases0, "w_comp0": w_comp0, "bias0": bias0,
            "bases1": bases1, "w_comp1": w_comp1, "bias1": bias1,
            "W_net": W_net, "b_net": b_net}


def _rgcn_layer(x, src, dst, etype, norm, bases, w_comp, bias, act):
    # basis decomposition: W[r] = sum_b w_comp[r,b] * bases[b]
    W = jnp.einsum('rb,bio->rio', w_comp, bases)  # [R, 1, 1]
    We = W[etype]                                  # [E, 1, 1] gather
    h_src = x[src]                                 # [E, 1] gather
    msg = jnp.einsum('ei,eio->eo', h_src, We)      # [E, 1]
    msg = msg * norm
    agg = jax.ops.segment_sum(msg, dst, num_segments=N)  # scatter-add
    h = agg + bias
    if act:
        h = jax.nn.relu(h)
    return h


def reference(feat1, feat2, edge_index, rel_type, norm,
              bases0, w_comp0, bias0, bases1, w_comp1, bias1,
              W_net, b_net):
    src = edge_index[0]
    dst = edge_index[1]
    layers = [(bases0, w_comp0, bias0, True), (bases1, w_comp1, bias1, False)]

    def forward_each(feat):
        initial = feat
        x = feat
        for bases, w_comp, bias, act in layers:
            x = _rgcn_layer(x, src, dst, rel_type, norm, bases, w_comp, bias, act)
            x = x + initial
        x = x.reshape(-1, N * 1)          # [1, N]
        x = x @ W_net.T + b_net           # [1, 1024]
        return x

    x1 = forward_each(feat1)
    x2 = forward_each(feat2)
    out = jnp.sum(x1 * x2, axis=1, keepdims=True)  # [1, 1]
    return jax.nn.sigmoid(out)

if __name__ == "__main__":
    import jax
    _d = setup_inputs()
    print(jax.jit(kernel)(*tuple(_d.values())))

</pallas_src>

<mosaic_0001>
#map = affine_map<(d0, d1) -> (0, 0, 0)>
#map1 = affine_map<(d0, d1) -> (0, 0)>
#map2 = affine_map<(d0, d1) -> (0)>
module attributes {stable_mosaic.version = 14 : i64} {
  func.func @_sc_body(%arg0: i32, %arg1: i32, %arg2: memref<2x3200x16xf32, #tpu.memory_space<hbm>>, %arg3: memref<2x1600000xi32, #tpu.memory_space<hbm>>, %arg4: memref<1600000xi32, #tpu.memory_space<hbm>>, %arg5: memref<1600000xf32, #tpu.memory_space<hbm>>, %arg6: memref<6x16xf32, #tpu.memory_space<hbm>>, %arg7: memref<2x3200x16xf32, #tpu.memory_space<hbm>>, %arg8: memref<3200x16xf32, #tpu.memory_space<vmem>>, %arg9: memref<3200x16xf32, #tpu.memory_space<vmem>>, %arg10: memref<200x16xf32, #tpu.memory_space<vmem>>, %arg11: memref<2000xi32, #tpu.memory_space<vmem>>, %arg12: memref<2000xi32, #tpu.memory_space<vmem>>, %arg13: memref<2000xi32, #tpu.memory_space<vmem>>, %arg14: memref<2000xf32, #tpu.memory_space<vmem>>, %arg15: memref<2000xi32, #tpu.memory_space<vmem>>, %arg16: memref<2000xi32, #tpu.memory_space<vmem>>, %arg17: memref<2000xi32, #tpu.memory_space<vmem>>, %arg18: memref<2000xf32, #tpu.memory_space<vmem>>, %arg19: memref<128xf32, #tpu.memory_space<vmem>>, %arg20: memref<128xf32, #tpu.memory_space<vmem>>, %arg21: memref<128xf32, #tpu.memory_space<vmem>>, %arg22: memref<6x16xf32, #tpu.memory_space<vmem>>, %arg23: memref<25x128xi32, #tpu.memory_space<vmem>>, %arg24: memref<!tpu.dma_semaphore, #tpu.memory_space<semaphore_mem>>, %arg25: memref<!tpu.dma_semaphore, #tpu.memory_space<semaphore_mem>>, %arg26: memref<!tpu.dma_semaphore, #tpu.memory_space<semaphore_mem>>, %arg27: memref<3200x16xf32, #tpu.memory_space<vmem_shared>>) attributes {dimension_semantics = [#tpu.dimension_semantics<core_parallel>, #tpu.dimension_semantics<subcore_parallel>], iteration_bounds = array<i64: 2, 16>, scalar_prefetch = 0 : i64, scratch_operands = 20 : i64, tpu.core_type = #tpu.core_type<sc_vector_subcore>, window_params = [{transform_indices = #map}, {transform_indices = #map1}, {transform_indices = #map2}, {transform_indices = #map2}, {transform_indices = #map1}, {transform_indices = #map}]} {
    "tpu.region"() ({
      %run_scoped3A = tpu.sem_alloc : memref<!tpu.dma_semaphore, #tpu.memory_space<semaphore_mem>>
      %dma_start3A_1141 = arith.constant 0 : i32
      %dma_start3A_1142 = arith.constant 0 : i32
      %dma_start3A_1143 = tpu.memref_slice %arg2[%arg0, %dma_start3A_1141, %dma_start3A_1142] : memref<2x3200x16xf32, #tpu.memory_space<hbm>> -> memref<1x3200x16xf32, #tpu.memory_space<hbm>>
      %dma_start3A_1144 = tpu.memref_squeeze %dma_start3A_1143 : memref<1x3200x16xf32, #tpu.memory_space<hbm>> -> memref<3200x16xf32, #tpu.memory_space<hbm>>
      %dma_start3A_1145 = arith.constant 0 : i32
      %dma_start3A_1146 = arith.constant 0 : i32
      %dma_start3A_1147 = tpu.memref_slice %arg2[%arg0, %dma_start3A_1145, %dma_start3A_1146] : memref<2x3200x16xf32, #tpu.memory_space<hbm>> -> memref<1x3200x16xf32, #tpu.memory_space<hbm>>
      %dma_start3A_1148 = tpu.memref_squeeze %dma_start3A_1147 : memref<1x3200x16xf32, #tpu.memory_space<hbm>> -> memref<3200x16xf32, #tpu.memory_space<hbm>>
      tpu.enqueue_dma source(%dma_start3A_1148 : memref<3200x16xf32, #tpu.memory_space<hbm>>) target(%arg8 : memref<3200x16xf32, #tpu.memory_space<vmem>>) target_semaphore(%run_scoped3A : memref<!tpu.dma_semaphore, #tpu.memory_space<semaphore_mem>>)
      %dma_wait3A_1149 = arith.constant 0 : i32
      %dma_wait3A_1150 = arith.constant 0 : i32
      %dma_wait3A_1151 = tpu.memref_slice %arg2[%arg0, %dma_wait3A_1149, %dma_wait3A_1150] : memref<2x3200x16xf32, #tpu.memory_space<hbm>> -> memref<1x3200x16xf32, #tpu.memory_space<hbm>>
      %dma_wait3A_1152 = tpu.memref_squeeze %dma_wait3A_1151 : memref<1x3200x16xf32, #tpu.memory_space<hbm>> -> memref<3200x16xf32, #tpu.memory_space<hbm>>
      %dma_wait3A_1153 = arith.constant 0 : i32
      %dma_wait3A_1154 = arith.constant 0 : i32
      %dma_wait3A_1155 = tpu.memref_slice %arg2[%arg0, %dma_wait3A_1153, %dma_wait3A_1154] : memref<2x3200x16xf32, #tpu.memory_space<hbm>> -> memref<1x3200x16xf32, #tpu.memory_space<hbm>>
      %dma_wait3A_1156 = tpu.memref_squeeze %dma_wait3A_1155 : memref<1x3200x16xf32, #tpu.memory_space<hbm>> -> memref<3200x16xf32, #tpu.memory_space<hbm>>
      tpu.wait_dma2 semaphore(%run_scoped3A : memref<!tpu.dma_semaphore, #tpu.memory_space<semaphore_mem>>) src(%dma_wait3A_1156 : memref<3200x16xf32, #tpu.memory_space<hbm>>) dst(%arg8 : memref<3200x16xf32, #tpu.memory_space<vmem>>)
      tpu.yield
    }) : () -> ()
    "tpu.region"() ({
      %run_scoped3A = tpu.sem_alloc : memref<!tpu.dma_semaphore, #tpu.memory_space<semaphore_mem>>
      tpu.enqueue_dma source(%arg6 : memref<6x16xf32, #tpu.memory_space<hbm>>) target(%arg22 : memref<6x16xf32, #tpu.memory_space<vmem>>) target_semaphore(%run_scoped3A : memref<!tpu.dma_semaphore, #tpu.memory_space<semaphore_mem>>)
      tpu.wait_dma2 semaphore(%run_scoped3A : memref<!tpu.dma_semaphore, #tpu.memory_space<semaphore_mem>>) src(%arg6 : memref<6x16xf32, #tpu.memory_space<hbm>>) dst(%arg22 : memref<6x16xf32, #tpu.memory_space<vmem>>)
      tpu.yield
    }) : () -> ()
    %iota3A = tpu.iota {dimensions = array<i32: 0>} : vector<16xi32>
    %scan3A = arith.constant 0 : i32
    %scan3A_0 = arith.constant 200 : i32
    %scan3A_1 = arith.addi %scan3A, %scan3A_0 : i32
    %scan3A_2 = arith.constant 1 : i32
    scf.for %scan3A_1141 = %scan3A to %scan3A_1 step %scan3A_2  : i32 {
      %mul3A_1142 = arith.constant 16 : i32
      %mul3A_1143 = arith.muli %scan3A_1141, %mul3A_1142 : i32
      %add3A_1144 = vector.broadcast %mul3A_1143 : i32 to vector<16xi32>
      %add3A_1145 = arith.addi %add3A_1144, %iota3A : vector<16xi32>
      %shift_right_arithmetic3A = arith.constant 3 : i32
      %shift_right_arithmetic3A_1146 = arith.shrsi %scan3A_1141, %shift_right_arithmetic3A : i32
      %and3A_1147 = arith.constant 7 : i32
      %and3A_1148 = arith.andi %scan3A_1141, %and3A_1147 : i32
      %mul3A_1149 = arith.constant 16 : i32
      %mul3A_1150 = arith.muli %and3A_1148, %mul3A_1149 : i32
      %swap3A_1151 = arith.index_cast %shift_right_arithmetic3A_1146 : i32 to index
      %swap3A_1152 = arith.index_cast %mul3A_1150 : i32 to index
      %swap3A_1153 = tpu.vector_load %arg23[%swap3A_1151, %swap3A_1152] {strides = array<i32>} : memref<25x128xi32, #tpu.memory_space<vmem>>, vector<16xi32>,
      tpu.vector_store %arg23[%swap3A_1151, %swap3A_1152], %add3A_1145 {strides = array<i32>} : memref<25x128xi32, #tpu.memory_space<vmem>>, vector<16xi32>,
    }
    %scan3A_3 = arith.constant 200 : i32
    %mul3A = arith.constant 2 : i32
    %mul3A_4 = vector.broadcast %mul3A : i32 to vector<16xi32>
    %mul3A_5 = arith.muli %mul3A_4, %iota3A : vector<16xi32>
    %and3A = arith.constant 15 : i32
    %and3A_6 = vector.broadcast %and3A : i32 to vector<16xi32>
    %and3A_7 = arith.andi %mul3A_5, %and3A_6 : vector<16xi32>
    %mul3A_8 = arith.constant 2 : i32
    %mul3A_9 = vector.broadcast %mul3A_8 : i32 to vector<16xi32>
    %mul3A_10 = arith.muli %mul3A_9, %iota3A : vector<16xi32>
    %add3A = arith.constant 1 : i32
    %add3A_11 = vector.broadcast %add3A : i32 to vector<16xi32>
    %add3A_12 = arith.addi %mul3A_10, %add3A_11 : vector<16xi32>
    %and3A_13 = arith.constant 15 : i32
    %and3A_14 = vector.broadcast %and3A_13 : i32 to vector<16xi32>
    %and3A_15 = arith.andi %add3A_12, %and3A_14 : vector<16xi32>
    %get3A = arith.constant 0 : i32
    %get3A_16 = arith.index_cast %get3A : i32 to index
    %get3A_17 = arith.constant 0 : index
    %get3A_18 = tpu.vector_load %arg22[%get3A_16, %get3A_17] {strides = array<i32>} : memref<6x16xf32, #tpu.memory_space<vmem>>, vector<16xf32>,
    %get3A_19 = arith.constant 1 : i32
    %get3A_20 = arith.index_cast %get3A_19 : i32 to index
    %get3A_21 = arith.constant 0 : index
    %get3A_22 = tpu.vector_load %arg22[%get3A_20, %get3A_21] {strides = array<i32>} : memref<6x16xf32, #tpu.memory_space<vmem>>, vector<16xf32>,
    %mul3A_23 = arith.mulf %get3A_18, %get3A_22 : vector<16xf32>
    %swap3A = arith.constant 0 : index
    %swap3A_24 = tpu.vector_load %arg21[%swap3A] {strides = array<i32>} : memref<128xf32, #tpu.memory_space<vmem>>, vector<16xf32>,
    tpu.vector_store %arg21[%swap3A], %mul3A_23 {strides = array<i32>} : memref<128xf32, #tpu.memory_space<vmem>>, vector<16xf32>,
    %gather3A = tpu.vector_load_idx %arg21[%and3A_7] : memref<128xf32, #tpu.memory_space<vmem>>[vector<16xi32>], vector<16xf32>,
    %gather3A_25 = tpu.vector_load_idx %arg21[%and3A_15] : memref<128xf32, #tpu.memory_space<vmem>>[vector<16xi32>], vector<16xf32>,
    %add3A_26 = arith.addf %gather3A, %gather3A_25 : vector<16xf32>
    %swap3A_27 = arith.constant 0 : index
    %swap3A_28 = tpu.vector_load %arg19[%swap3A_27] {strides = array<i32>} : memref<128xf32, #tpu.memory_space<vmem>>, vector<16xf32>,
    tpu.vector_store %arg19[%swap3A_27], %add3A_26 {strides = array<i32>} : memref<128xf32, #tpu.memory_space<vmem>>, vector<16xf32>,
    %get3A_29 = arith.constant 2 : i32
    %get3A_30 = arith.index_cast %get3A_29 : i32 to index
    %get3A_31 = arith.constant 0 : index
    %get3A_32 = tpu.vector_load %arg22[%get3A_30, %get3A_31] {strides = array<i32>} : memref<6x16xf32, #tpu.memory_space<vmem>>, vector<16xf32>,
    %get3A_33 = arith.constant 3 : i32
    %get3A_34 = arith.index_cast %get3A_33 : i32 to index
    %get3A_35 = arith.constant 0 : index
    %get3A_36 = tpu.vector_load %arg22[%get3A_34, %get3A_35] {strides = array<i32>} : memref<6x16xf32, #tpu.memory_space<vmem>>, vector<16xf32>,
    %mul3A_37 = arith.mulf %get3A_32, %get3A_36 : vector<16xf32>
    %swap3A_38 = arith.constant 0 : index
    %swap3A_39 = tpu.vector_load %arg21[%swap3A_38] {strides = array<i32>} : memref<128xf32, #tpu.memory_space<vmem>>, vector<16xf32>,
    tpu.vector_store %arg21[%swap3A_38], %mul3A_37 {strides = array<i32>} : memref<128xf32, #tpu.memory_space<vmem>>, vector<16xf32>,
    %gather3A_40 = tpu.vector_load_idx %arg21[%and3A_7] : memref<128xf32, #tpu.memory_space<vmem>>[vector<16xi32>], vector<16xf32>,
    %gather3A_41 = tpu.vector_load_idx %arg21[%and3A_15] : memref<128xf32, #tpu.memory_space<vmem>>[vector<16xi32>], vector<16xf32>,
    %add3A_42 = arith.addf %gather3A_40, %gather3A_41 : vector<16xf32>
    %swap3A_43 = arith.constant 0 : index
    %swap3A_44 = tpu.vector_load %arg20[%swap3A_43] {strides = array<i32>} : memref<128xf32, #tpu.memory_space<vmem>>, vector<16xf32>,
    tpu.vector_store %arg20[%swap3A_43], %add3A_42 {strides = array<i32>} : memref<128xf32, #tpu.memory_space<vmem>>, vector<16xf32>,
    %get3A_45 = arith.constant 4 : i32
    %get3A_46 = arith.index_cast %get3A_45 : i32 to index
    %get3A_47 = arith.constant 0 : index
    %get3A_48 = tpu.vector_load %arg22[%get3A_46, %get3A_47] {strides = array<i32>} : memref<6x16xf32, #tpu.memory_space<vmem>>, vector<16xf32>,
    %get3A_49 = arith.constant 5 : i32
    %get3A_50 = arith.index_cast %get3A_49 : i32 to index
    %get3A_51 = arith.constant 0 : index
    %get3A_52 = tpu.vector_load %arg22[%get3A_50, %get3A_51] {strides = array<i32>} : memref<6x16xf32, #tpu.memory_space<vmem>>, vector<16xf32>,
    %broadcast_in_dim3A = arith.constant 0.000000e+00 : f32
    %broadcast_in_dim3A_53 = vector.broadcast %broadcast_in_dim3A : f32 to vector<16xf32>
    %scan3A_54 = arith.constant 0 : i32
    %scan3A_55 = arith.constant 3200 : i32
    %scan3A_56 = arith.addi %scan3A_54, %scan3A_55 : i32
    %scan3A_57 = arith.constant 1 : i32
    scf.for %scan3A_1141 = %scan3A_54 to %scan3A_56 step %scan3A_57  : i32 {
      %swap3A_1142 = arith.index_cast %scan3A_1141 : i32 to index
      %swap3A_1143 = arith.constant 0 : index
      %swap3A_1144 = tpu.vector_load %arg9[%swap3A_1142, %swap3A_1143] {strides = array<i32>} : memref<3200x16xf32, #tpu.memory_space<vmem>>, vector<16xf32>,
      tpu.vector_store %arg9[%swap3A_1142, %swap3A_1143], %broadcast_in_dim3A_53 {strides = array<i32>} : memref<3200x16xf32, #tpu.memory_space<vmem>>, vector<16xf32>,
    }
    %scan3A_58 = arith.constant 3200 : i32
    %mul3A_59 = arith.constant 200 : i32
    %mul3A_60 = arith.muli %arg1, %mul3A_59 : i32
    %mul3A_61 = arith.constant 200 : i32
    %mul3A_62 = arith.muli %arg1, %mul3A_61 : i32
    "tpu.region"() ({
      %run_scoped3A = tpu.sem_alloc : memref<!tpu.dma_semaphore, #tpu.memory_space<semaphore_mem>>
      %dma_start3A_1141 = arith.constant 0 : i32
      %dma_start3A_1142 = tpu.memref_slice %arg9[%mul3A_60, %dma_start3A_1141] : memref<3200x16xf32, #tpu.memory_space<vmem>> -> memref<200x16xf32, #tpu.memory_space<vmem>>
      %dma_start3A_1143 = arith.constant 0 : i32
      %dma_start3A_1144 = tpu.memref_slice %arg27[%mul3A_62, %dma_start3A_1143] : memref<3200x16xf32, #tpu.memory_space<vmem_shared>> -> memref<200x16xf32, #tpu.memory_space<vmem_shared>>
      %dma_start3A_1145 = arith.constant 0 : i32
      %dma_start3A_1146 = tpu.memref_slice %arg27[%mul3A_62, %dma_start3A_1145] : memref<3200x16xf32, #tpu.memory_space<vmem_shared>> -> memref<200x16xf32, #tpu.memory_space<vmem_shared>>
      %dma_start3A_1147 = arith.constant 0 : i32
      %dma_start3A_1148 = tpu.memref_slice %arg9[%mul3A_60, %dma_start3A_1147] : memref<3200x16xf32, #tpu.memory_space<vmem>> -> memref<200x16xf32, #tpu.memory_space<vmem>>
      tpu.enqueue_dma source(%dma_start3A_1148 : memref<200x16xf32, #tpu.memory_space<vmem>>) target(%dma_start3A_1146 : memref<200x16xf32, #tpu.memory_space<vmem_shared>>) target_semaphore(%run_scoped3A : memref<!tpu.dma_semaphore, #tpu.memory_space<semaphore_mem>>)
      %dma_wait3A_1149 = arith.constant 0 : i32
      %dma_wait3A_1150 = tpu.memref_slice %arg9[%mul3A_60, %dma_wait3A_1149] : memref<3200x16xf32, #tpu.memory_space<vmem>> -> memref<200x16xf32, #tpu.memory_space<vmem>>
      %dma_wait3A_1151 = arith.constant 0 : i32
      %dma_wait3A_1152 = tpu.memref_slice %arg27[%mul3A_62, %dma_wait3A_1151] : memref<3200x16xf32, #tpu.memory_space<vmem_shared>> -> memref<200x16xf32, #tpu.memory_space<vmem_shared>>
      %dma_wait3A_1153 = arith.constant 0 : i32
      %dma_wait3A_1154 = tpu.memref_slice %arg27[%mul3A_62, %dma_wait3A_1153] : memref<3200x16xf32, #tpu.memory_space<vmem_shared>> -> memref<200x16xf32, #tpu.memory_space<vmem_shared>>
      %dma_wait3A_1155 = arith.constant 0 : i32
      %dma_wait3A_1156 = tpu.memref_slice %arg9[%mul3A_60, %dma_wait3A_1155] : memref<3200x16xf32, #tpu.memory_space<vmem>> -> memref<200x16xf32, #tpu.memory_space<vmem>>
      tpu.wait_dma2 semaphore(%run_scoped3A : memref<!tpu.dma_semaphore, #tpu.memory_space<semaphore_mem>>) src(%dma_wait3A_1156 : memref<200x16xf32, #tpu.memory_space<vmem>>) dst(%dma_wait3A_1154 : memref<200x16xf32, #tpu.memory_space<vmem_shared>>)
      tpu.yield
    }) : () -> ()
    %barrier3A = arith.constant 0 : index
    tpu.barrier barrier_id(%barrier3A)
    %mul3A_63 = arith.constant 100000 : i32
    %mul3A_64 = arith.muli %arg1, %mul3A_63 : i32
    %add3A_65 = arith.constant 0 : i32
    %add3A_66 = arith.addi %mul3A_64, %add3A_65 : i32
    %dma_start3A = arith.constant 0 : i32
    %dma_start3A_67 = tpu.memref_slice %arg3[%dma_start3A, %add3A_66] : memref<2x1600000xi32, #tpu.memory_space<hbm>> -> memref<1x2000xi32, #tpu.memory_space<hbm>>
    %dma_start3A_68 = tpu.memref_squeeze %dma_start3A_67 : memref<1x2000xi32, #tpu.memory_space<hbm>> -> memref<2000xi32, #tpu.memory_space<hbm>>
    %dma_start3A_69 = tpu.memref_slice %arg3[%dma_start3A, %add3A_66] : memref<2x1600000xi32, #tpu.memory_space<hbm>> -> memref<1x2000xi32, #tpu.memory_space<hbm>>
    %dma_start3A_70 = tpu.memref_squeeze %dma_start3A_69 : memref<1x2000xi32, #tpu.memory_space<hbm>> -> memref<2000xi32, #tpu.memory_space<hbm>>
    tpu.enqueue_dma source(%dma_start3A_70 : memref<2000xi32, #tpu.memory_space<hbm>>) target(%arg11 : memref<2000xi32, #tpu.memory_space<vmem>>) target_semaphore(%arg24 : memref<!tpu.dma_semaphore, #tpu.memory_space<semaphore_mem>>)
    %dma_start3A_71 = arith.constant 1 : i32
    %dma_start3A_72 = tpu.memref_slice %arg3[%dma_start3A_71, %add3A_66] : memref<2x1600000xi32, #tpu.memory_space<hbm>> -> memref<1x2000xi32, #tpu.memory_space<hbm>>
    %dma_start3A_73 = tpu.memref_squeeze %dma_start3A_72 : memref<1x2000xi32, #tpu.memory_space<hbm>> -> memref<2000xi32, #tpu.memory_space<hbm>>
    %dma_start3A_74 = tpu.memref_slice %arg3[%dma_start3A_71, %add3A_66] : memref<2x1600000xi32, #tpu.memory_space<hbm>> -> memref<1x2000xi32, #tpu.memory_space<hbm>>
    %dma_start3A_75 = tpu.memref_squeeze %dma_start3A_74 : memref<1x2000xi32, #tpu.memory_space<hbm>> -> memref<2000xi32, #tpu.memory_space<hbm>>
    tpu.enqueue_dma source(%dma_start3A_75 : memref<2000xi32, #tpu.memory_space<hbm>>) target(%arg12 : memref<2000xi32, #tpu.memory_space<vmem>>) target_semaphore(%arg24 : memref<!tpu.dma_semaphore, #tpu.memory_space<semaphore_mem>>)
    %dma_start3A_76 = tpu.memref_slice %arg4[%add3A_66] : memref<1600000xi32, #tpu.memory_space<hbm>> -> memref<2000xi32, #tpu.memory_space<hbm>>
    %dma_start3A_77 = tpu.memref_slice %arg4[%add3A_66] : memref<1600000xi32, #tpu.memory_space<hbm>> -> memref<2000xi32, #tpu.memory_space<hbm>>
    tpu.enqueue_dma source(%dma_start3A_77 : memref<2000xi32, #tpu.memory_space<hbm>>) target(%arg13 : memref<2000xi32, #tpu.memory_space<vmem>>) target_semaphore(%arg24 : memref<!tpu.dma_semaphore, #tpu.memory_space<semaphore_mem>>)
    %dma_start3A_78 = tpu.memref_slice %arg5[%add3A_66] : memref<1600000xf32, #tpu.memory_space<hbm>> -> memref<2000xf32, #tpu.memory_space<hbm>>
    %dma_start3A_79 = tpu.memref_slice %arg5[%add3A_66] : memref<1600000xf32, #tpu.memory_space<hbm>> -> memref<2000xf32, #tpu.memory_space<hbm>>
    tpu.enqueue_dma source(%dma_start3A_79 : memref<2000xf32, #tpu.memory_space<hbm>>) target(%arg14 : memref<2000xf32, #tpu.memory_space<vmem>>) target_semaphore(%arg24 : memref<!tpu.dma_semaphore, #tpu.memory_space<semaphore_mem>>)
    %scan3A_80 = arith.constant 0 : i32
    %scan3A_81 = arith.constant 25 : i32
    %scan3A_82 = arith.addi %scan3A_80, %scan3A_81 : i32
    %scan3A_83 = arith.constant 1 : i32
    scf.for %scan3A_1141 = %scan3A_80 to %scan3A_82 step %scan3A_83  : i32 {
      %mul3A_1142 = arith.constant 2 : i32
      %mul3A_1143 = arith.muli %mul3A_1142, %scan3A_1141 : i32
      %add3A_1144 = arith.constant 1 : i32
      %add3A_1145 = arith.addi %mul3A_1143, %add3A_1144 : i32
      %mul3A_1146 = arith.constant 2000 : i32
      %mul3A_1147 = arith.muli %add3A_1145, %mul3A_1146 : i32
      %add3A_1148 = arith.addi %mul3A_64, %mul3A_1147 : i32
      %dma_start3A_1149 = arith.constant 0 : i32
      %dma_start3A_1150 = tpu.memref_slice %arg3[%dma_start3A_1149, %add3A_1148] : memref<2x1600000xi32, #tpu.memory_space<hbm>> -> memref<1x2000xi32, #tpu.memory_space<hbm>>
      %dma_start3A_1151 = tpu.memref_squeeze %dma_start3A_1150 : memref<1x2000xi32, #tpu.memory_space<hbm>> -> memref<2000xi32, #tpu.memory_space<hbm>>
      %dma_start3A_1152 = tpu.memref_slice %arg3[%dma_start3A_1149, %add3A_1148] : memref<2x1600000xi32, #tpu.memory_space<hbm>> -> memref<1x2000xi32, #tpu.memory_space<hbm>>
      %dma_start3A_1153 = tpu.memref_squeeze %dma_start3A_1152 : memref<1x2000xi32, #tpu.memory_space<hbm>> -> memref<2000xi32, #tpu.memory_space<hbm>>
      tpu.enqueue_dma source(%dma_start3A_1153 : memref<2000xi32, #tpu.memory_space<hbm>>) target(%arg15 : memref<2000xi32, #tpu.memory_space<vmem>>) target_semaphore(%arg25 : memref<!tpu.dma_semaphore, #tpu.memory_space<semaphore_mem>>)
      %dma_start3A_1154 = arith.constant 1 : i32
      %dma_start3A_1155 = tpu.memref_slice %arg3[%dma_start3A_1154, %add3A_1148] : memref<2x1600000xi32, #tpu.memory_space<hbm>> -> memref<1x2000xi32, #tpu.memory_space<hbm>>
      %dma_start3A_1156 = tpu.memref_squeeze %dma_start3A_1155 : memref<1x2000xi32, #tpu.memory_space<hbm>> -> memref<2000xi32, #tpu.memory_space<hbm>>
      %dma_start3A_1157 = tpu.memref_slice %arg3[%dma_start3A_1154, %add3A_1148] : memref<2x1600000xi32, #tpu.memory_space<hbm>> -> memref<1x2000xi32, #tpu.memory_space<hbm>>
      %dma_start3A_1158 = tpu.memref_squeeze %dma_start3A_1157 : memref<1x2000xi32, #tpu.memory_space<hbm>> -> memref<2000xi32, #tpu.memory_space<hbm>>
      tpu.enqueue_dma source(%dma_start3A_1158 : memref<2000xi32, #tpu.memory_space<hbm>>) target(%arg16 : memref<2000xi32, #tpu.memory_space<vmem>>) target_semaphore(%arg25 : memref<!tpu.dma_semaphore, #tpu.memory_space<semaphore_mem>>)
      %dma_start3A_1159 = tpu.memref_slice %arg4[%add3A_1148] : memref<1600000xi32, #tpu.memory_space<hbm>> -> memref<2000xi32, #tpu.memory_space<hbm>>
      %dma_start3A_1160 = tpu.memref_slice %arg4[%add3A_1148] : memref<1600000xi32, #tpu.memory_space<hbm>> -> memref<2000xi32, #tpu.memory_space<hbm>>
      tpu.enqueue_dma source(%dma_start3A_1160 : memref<2000xi32, #tpu.memory_space<hbm>>) target(%arg17 : memref<2000xi32, #tpu.memory_space<vmem>>) target_semaphore(%arg25 : memref<!tpu.dma_semaphore, #tpu.memory_space<semaphore_mem>>)
      %dma_start3A_1161 = tpu.memref_slice %arg5[%add3A_1148] : memref<1600000xf32, #tpu.memory_space<hbm>> -> memref<2000xf32, #tpu.memory_space<hbm>>
      %dma_start3A_1162 = tpu.memref_slice %arg5[%add3A_1148] : memref<1600000xf32, #tpu.memory_space<hbm>> -> memref<2000xf32, #tpu.memory_space<hbm>>
      tpu.enqueue_dma source(%dma_start3A_1162 : memref<2000xf32, #tpu.memory_space<hbm>>) target(%arg18 : memref<2000xf32, #tpu.memory_space<vmem>>) target_semaphore(%arg25 : memref<!tpu.dma_semaphore, #tpu.memory_space<semaphore_mem>>)
      %mul3A_1163 = arith.constant 2000 : i32
      %mul3A_1164 = arith.muli %mul3A_1143, %mul3A_1163 : i32
      %add3A_1165 = arith.addi %mul3A_64, %mul3A_1164 : i32
      %dma_wait3A_1166 = arith.constant 0 : i32
      %dma_wait3A_1167 = tpu.memref_slice %arg3[%dma_wait3A_1166, %add3A_1165] : memref<2x1600000xi32, #tpu.memory_space<hbm>> -> memref<1x2000xi32, #tpu.memory_space<hbm>>
      %dma_wait3A_1168 = tpu.memref_squeeze %dma_wait3A_1167 : memref<1x2000xi32, #tpu.memory_space<hbm>> -> memref<2000xi32, #tpu.memory_space<hbm>>
      %dma_wait3A_1169 = tpu.memref_slice %arg3[%dma_wait3A_1166, %add3A_1165] : memref<2x1600000xi32, #tpu.memory_space<hbm>> -> memref<1x2000xi32, #tpu.memory_space<hbm>>
      %dma_wait3A_1170 = tpu.memref_squeeze %dma_wait3A_1169 : memref<1x2000xi32, #tpu.memory_space<hbm>> -> memref<2000xi32, #tpu.memory_space<hbm>>
      tpu.wait_dma2 semaphore(%arg24 : memref<!tpu.dma_semaphore, #tpu.memory_space<semaphore_mem>>) src(%dma_wait3A_1170 : memref<2000xi32, #tpu.memory_space<hbm>>) dst(%arg11 : memref<2000xi32, #tpu.memory_space<vmem>>)
      %dma_wait3A_1171 = arith.constant 1 : i32
      %dma_wait3A_1172 = tpu.memref_slice %arg3[%dma_wait3A_1171, %add3A_1165] : memref<2x1600000xi32, #tpu.memory_space<hbm>> -> memref<1x2000xi32, #tpu.memory_space<hbm>>
      %dma_wait3A_1173 = tpu.memref_squeeze %dma_wait3A_1172 : memref<1x2000xi32, #tpu.memory_space<hbm>> -> memref<2000xi32, #tpu.memory_space<hbm>>
      %dma_wait3A_1174 = tpu.memref_slice %arg3[%dma_wait3A_1171, %add3A_1165] : memref<2x1600000xi32, #tpu.memory_space<hbm>> -> memref<1x2000xi32, #tpu.memory_space<hbm>>
      %dma_wait3A_1175 = tpu.memref_squeeze %dma_wait3A_1174 : memref<1x2000xi32, #tpu.memory_space<hbm>> -> memref<2000xi32, #tpu.memory_space<hbm>>
      tpu.wait_dma2 semaphore(%arg24 : memref<!tpu.dma_semaphore, #tpu.memory_space<semaphore_mem>>) src(%dma_wait3A_1175 : memref<2000xi32, #tpu.memory_space<hbm>>) dst(%arg12 : memref<2000xi32, #tpu.memory_space<vmem>>)
      %dma_wait3A_1176 = tpu.memref_slice %arg4[%add3A_1165] : memref<1600000xi32, #tpu.memory_space<hbm>> -> memref<2000xi32, #tpu.memory_space<hbm>>
      %dma_wait3A_1177 = tpu.memref_slice %arg4[%add3A_1165] : memref<1600000xi32, #tpu.memory_space<hbm>> -> memref<2000xi32, #tpu.memory_space<hbm>>
      tpu.wait_dma2 semaphore(%arg24 : memref<!tpu.dma_semaphore, #tpu.memory_space<semaphore_mem>>) src(%dma_wait3A_1177 : memref<2000xi32, #tpu.memory_space<hbm>>) dst(%arg13 : memref<2000xi32, #tpu.memory_space<vmem>>)
      %dma_wait3A_1178 = tpu.memref_slice %arg5[%add3A_1165] : memref<1600000xf32, #tpu.memory_space<hbm>> -> memref<2000xf32, #tpu.memory_space<hbm>>
      %dma_wait3A_1179 = tpu.memref_slice %arg5[%add3A_1165] : memref<1600000xf32, #tpu.memory_space<hbm>> -> memref<2000xf32, #tpu.memory_space<hbm>>
      tpu.wait_dma2 semaphore(%arg24 : memref<!tpu.dma_semaphore, #tpu.memory_space<semaphore_mem>>) src(%dma_wait3A_1179 : memref<2000xf32, #tpu.memory_space<hbm>>) dst(%arg14 : memref<2000xf32, #tpu.memory_space<vmem>>)
      %scan3A_1180 = arith.constant 0 : i32
      %scan3A_1181 = arith.constant 125 : i32
      %scan3A_1182 = arith.addi %scan3A_1180, %scan3A_1181 : i32
      %scan3A_1183 = arith.constant 5 : i32
      scf.for %scan3A_1213 = %scan3A_1180 to %scan3A_1182 step %scan3A_1183  : i32 {
        %mul3A_1214 = arith.constant 16 : i32
        %mul3A_1215 = arith.muli %scan3A_1213, %mul3A_1214 : i32
        %get3A_1216 = arith.index_cast %mul3A_1215 : i32 to index
        %get3A_1217 = tpu.vector_load %arg11[%get3A_1216] {strides = array<i32>} : memref<2000xi32, #tpu.memory_space<vmem>>, vector<16xi32>,
        %mul3A_1218 = arith.constant 16 : i32
        %mul3A_1219 = arith.muli %scan3A_1213, %mul3A_1218 : i32
        %get3A_1220 = arith.index_cast %mul3A_1219 : i32 to index
        %get3A_1221 = tpu.vector_load %arg12[%get3A_1220] {strides = array<i32>} : memref<2000xi32, #tpu.memory_space<vmem>>, vector<16xi32>,
        %mul3A_1222 = arith.constant 16 : i32
        %mul3A_1223 = arith.muli %scan3A_1213, %mul3A_1222 : i32
        %get3A_1224 = arith.index_cast %mul3A_1223 : i32 to index
        %get3A_1225 = tpu.vector_load %arg13[%get3A_1224] {strides = array<i32>} : memref<2000xi32, #tpu.memory_space<vmem>>, vector<16xi32>,
        %mul3A_1226 = arith.constant 16 : i32
        %mul3A_1227 = arith.muli %scan3A_1213, %mul3A_1226 : i32
        %get3A_1228 = arith.index_cast %mul3A_1227 : i32 to index
        %get3A_1229 = tpu.vector_load %arg14[%get3A_1228] {strides = array<i32>} : memref<2000xf32, #tpu.memory_space<vmem>>, vector<16xf32>,
        %shift_right_arithmetic3A = arith.constant 4 : i32
        %shift_right_arithmetic3A_1230 = vector.broadcast %shift_right_arithmetic3A : i32 to vector<16xi32>
        %shift_right_arithmetic3A_1231 = arith.shrsi %get3A_1217, %shift_right_arithmetic3A_1230 : vector<16xi32>
        %and3A_1232 = arith.constant 15 : i32
        %and3A_1233 = vector.broadcast %and3A_1232 : i32 to vector<16xi32>
        %and3A_1234 = arith.andi %get3A_1217, %and3A_1233 : vector<16xi32>
        %gather3A_1235 = tpu.vector_load_idx %arg8[%shift_right_arithmetic3A_1231, %and3A_1234] : memref<3200x16xf32, #tpu.memory_space<vmem>>[vector<16xi32>, vector<16xi32>], vector<16xf32>,
        %gather3A_1236 = tpu.vector_load_idx %arg19[%get3A_1225] : memref<128xf32, #tpu.memory_space<vmem>>[vector<16xi32>], vector<16xf32>,
        %shift_right_arithmetic3A_1237 = arith.constant 4 : i32
        %shift_right_arithmetic3A_1238 = vector.broadcast %shift_right_arithmetic3A_1237 : i32 to vector<16xi32>
        %shift_right_arithmetic3A_1239 = arith.shrsi %get3A_1221, %shift_right_arithmetic3A_1238 : vector<16xi32>
        %and3A_1240 = arith.constant 15 : i32
        %and3A_1241 = vector.broadcast %and3A_1240 : i32 to vector<16xi32>
        %and3A_1242 = arith.andi %get3A_1221, %and3A_1241 : vector<16xi32>
        %mul3A_1243 = arith.mulf %gather3A_1235, %gather3A_1236 : vector<16xf32>
        %mul3A_1244 = arith.mulf %mul3A_1243, %get3A_1229 : vector<16xf32>
        tpu.vector_store_idx %arg9[%shift_right_arithmetic3A_1239, %and3A_1242], %mul3A_1244 {add = true} : memref<3200x16xf32, #tpu.memory_space<vmem>>[vector<16xi32>, vector<16xi32>], vector<16xf32>,
        %scan3A_1245 = arith.constant 1 : i32
        %scan3A_1246 = arith.addi %scan3A_1213, %scan3A_1245 : i32
        %mul3A_1247 = arith.constant 16 : i32
        %mul3A_1248 = arith.muli %scan3A_1246, %mul3A_1247 : i32
        %get3A_1249 = arith.index_cast %mul3A_1248 : i32 to index
        %get3A_1250 = tpu.vector_load %arg11[%get3A_1249] {strides = array<i32>} : memref<2000xi32, #tpu.memory_space<vmem>>, vector<16xi32>,
        %mul3A_1251 = arith.constant 16 : i32
        %mul3A_1252 = arith.muli %scan3A_1246, %mul3A_1251 : i32
        %get3A_1253 = arith.index_cast %mul3A_1252 : i32 to index
        %get3A_1254 = tpu.vector_load %arg12[%get3A_1253] {strides = array<i32>} : memref<2000xi32, #tpu.memory_space<vmem>>, vector<16xi32>,
        %mul3A_1255 = arith.constant 16 : i32
        %mul3A_1256 = arith.muli %scan3A_1246, %mul3A_1255 : i32
        %get3A_1257 = arith.index_cast %mul3A_1256 : i32 to index
        %get3A_1258 = tpu.vector_load %arg13[%get3A_1257] {strides = array<i32>} : memref<2000xi32, #tpu.memory_space<vmem>>, vector<16xi32>,
        %mul3A_1259 = arith.constant 16 : i32
        %mul3A_1260 = arith.muli %scan3A_1246, %mul3A_1259 : i32
        %get3A_1261 = arith.index_cast %mul3A_1260 : i32 to index
        %get3A_1262 = tpu.vector_load %arg14[%get3A_1261] {strides = array<i32>} : memref<2000xf32, #tpu.memory_space<vmem>>, vector<16xf32>,
        %shift_right_arithmetic3A_1263 = arith.constant 4 : i32
        %shift_right_arithmetic3A_1264 = vector.broadcast %shift_right_arithmetic3A_1263 : i32 to vector<16xi32>
        %shift_right_arithmetic3A_1265 = arith.shrsi %get3A_1250, %shift_right_arithmetic3A_1264 : vector<16xi32>
        %and3A_1266 = arith.constant 15 : i32
        %and3A_1267 = vector.broadcast %and3A_1266 : i32 to vector<16xi32>
        %and3A_1268 = arith.andi %get3A_1250, %and3A_1267 : vector<16xi32>
        %gather3A_1269 = tpu.vector_load_idx %arg8[%shift_right_arithmetic3A_1265, %and3A_1268] : memref<3200x16xf32, #tpu.memory_space<vmem>>[vector<16xi32>, vector<16xi32>], vector<16xf32>,
        %gather3A_1270 = tpu.vector_load_idx %arg19[%get3A_1258] : memref<128xf32, #tpu.memory_space<vmem>>[vector<16xi32>], vector<16xf32>,
        %shift_right_arithmetic3A_1271 = arith.constant 4 : i32
        %shift_right_arithmetic3A_1272 = vector.broadcast %shift_right_arithmetic3A_1271 : i32 to vector<16xi32>
        %shift_right_arithmetic3A_1273 = arith.shrsi %get3A_1254, %shift_right_arithmetic3A_1272 : vector<16xi32>
        %and3A_1274 = arith.constant 15 : i32
        %and3A_1275 = vector.broadcast %and3A_1274 : i32 to vector<16xi32>
        %and3A_1276 = arith.andi %get3A_1254, %and3A_1275 : vector<16xi32>
        %mul3A_1277 = arith.mulf %gather3A_1269, %gather3A_1270 : vector<16xf32>
        %mul3A_1278 = arith.mulf %mul3A_1277, %get3A_1262 : vector<16xf32>
        tpu.vector_store_idx %arg9[%shift_right_arithmetic3A_1273, %and3A_1276], %mul3A_1278 {add = true} : memref<3200x16xf32, #tpu.memory_space<vmem>>[vector<16xi32>, vector<16xi32>], vector<16xf32>,
        %scan3A_1279 = arith.constant 2 : i32
        %scan3A_1280 = arith.addi %scan3A_1213, %scan3A_1279 : i32
        %mul3A_1281 = arith.constant 16 : i32
        %mul3A_1282 = arith.muli %scan3A_1280, %mul3A_1281 : i32
        %get3A_1283 = arith.index_cast %mul3A_1282 : i32 to index
        %get3A_1284 = tpu.vector_load %arg11[%get3A_1283] {strides = array<i32>} : memref<2000xi32, #tpu.memory_space<vmem>>, vector<16xi32>,
        %mul3A_1285 = arith.constant 16 : i32
        %mul3A_1286 = arith.muli %scan3A_1280, %mul3A_1285 : i32
        %get3A_1287 = arith.index_cast %mul3A_1286 : i32 to index
        %get3A_1288 = tpu.vector_load %arg12[%get3A_1287] {strides = array<i32>} : memref<2000xi32, #tpu.memory_space<vmem>>, vector<16xi32>,
        %mul3A_1289 = arith.constant 16 : i32
        %mul3A_1290 = arith.muli %scan3A_1280, %mul3A_1289 : i32
        %get3A_1291 = arith.index_cast %mul3A_1290 : i32 to index
        %get3A_1292 = tpu.vector_load %arg13[%get3A_1291] {strides = array<i32>} : memref<2000xi32, #tpu.memory_space<vmem>>, vector<16xi32>,
        %mul3A_1293 = arith.constant 16 : i32
        %mul3A_1294 = arith.muli %scan3A_1280, %mul3A_1293 : i32
        %get3A_1295 = arith.index_cast %mul3A_1294 : i32 to index
        %get3A_1296 = tpu.vector_load %arg14[%get3A_1295] {strides = array<i32>} : memref<2000xf32, #tpu.memory_space<vmem>>, vector<16xf32>,
        %shift_right_arithmetic3A_1297 = arith.constant 4 : i32
        %shift_right_arithmetic3A_1298 = vector.broadcast %shift_right_arithmetic3A_1297 : i32 to vector<16xi32>
        %shift_right_arithmetic3A_1299 = arith.shrsi %get3A_1284, %shift_right_arithmetic3A_1298 : vector<16xi32>
        %and3A_1300 = arith.constant 15 : i32
        %and3A_1301 = vector.broadcast %and3A_1300 : i32 to vector<16xi32>
        %and3A_1302 = arith.andi %get3A_1284, %and3A_1301 : vector<16xi32>
        %gather3A_1303 = tpu.vector_load_idx %arg8[%shift_right_arithmetic3A_1299, %and3A_1302] : memref<3200x16xf32, #tpu.memory_space<vmem>>[vector<16xi32>, vector<16xi32>], vector<16xf32>,
        %gather3A_1304 = tpu.vector_load_idx %arg19[%get3A_1292] : memref<128xf32, #tpu.memory_space<vmem>>[vector<16xi32>], vector<16xf32>,
        %shift_right_arithmetic3A_1305 = arith.constant 4 : i32
        %shift_right_arithmetic3A_1306 = vector.broadcast %shift_right_arithmetic3A_1305 : i32 to vector<16xi32>
        %shift_right_arithmetic3A_1307 = arith.shrsi %get3A_1288, %shift_right_arithmetic3A_1306 : vector<16xi32>
        %and3A_1308 = arith.constant 15 : i32
        %and3A_1309 = vector.broadcast %and3A_1308 : i32 to vector<16xi32>
        %and3A_1310 = arith.andi %get3A_1288, %and3A_1309 : vector<16xi32>
        %mul3A_1311 = arith.mulf %gather3A_1303, %gather3A_1304 : vector<16xf32>
        %mul3A_1312 = arith.mulf %mul3A_1311, %get3A_1296 : vector<16xf32>
        tpu.vector_store_idx %arg9[%shift_right_arithmetic3A_1307, %and3A_1310], %mul3A_1312 {add = true} : memref<3200x16xf32, #tpu.memory_space<vmem>>[vector<16xi32>, vector<16xi32>], vector<16xf32>,
        %scan3A_1313 = arith.constant 3 : i32
        %scan3A_1314 = arith.addi %scan3A_1213, %scan3A_1313 : i32
        %mul3A_1315 = arith.constant 16 : i32
        %mul3A_1316 = arith.muli %scan3A_1314, %mul3A_1315 : i32
        %get3A_1317 = arith.index_cast %mul3A_1316 : i32 to index
        %get3A_1318 = tpu.vector_load %arg11[%get3A_1317] {strides = array<i32>} : memref<2000xi32, #tpu.memory_space<vmem>>, vector<16xi32>,
        %mul3A_1319 = arith.constant 16 : i32
        %mul3A_1320 = arith.muli %scan3A_1314, %mul3A_1319 : i32
        %get3A_1321 = arith.index_cast %mul3A_1320 : i32 to index
        %get3A_1322 = tpu.vector_load %arg12[%get3A_1321] {strides = array<i32>} : memref<2000xi32, #tpu.memory_space<vmem>>, vector<16xi32>,
        %mul3A_1323 = arith.constant 16 : i32
        %mul3A_1324 = arith.muli %scan3A_1314, %mul3A_1323 : i32
        %get3A_1325 = arith.index_cast %mul3A_1324 : i32 to index
        %get3A_1326 = tpu.vector_load %arg13[%get3A_1325] {strides = array<i32>} : memref<2000xi32, #tpu.memory_space<vmem>>, vector<16xi32>,
        %mul3A_1327 = arith.constant 16 : i32
        %mul3A_1328 = arith.muli %scan3A_1314, %mul3A_1327 : i32
        %get3A_1329 = arith.index_cast %mul3A_1328 : i32 to index
        %get3A_1330 = tpu.vector_load %arg14[%get3A_1329] {strides = array<i32>} : memref<2000xf32, #tpu.memory_space<vmem>>, vector<16xf32>,
        %shift_right_arithmetic3A_1331 = arith.constant 4 : i32
        %shift_right_arithmetic3A_1332 = vector.broadcast %shift_right_arithmetic3A_1331 : i32 to vector<16xi32>
        %shift_right_arithmetic3A_1333 = arith.shrsi %get3A_1318, %shift_right_arithmetic3A_1332 : vector<16xi32>
        %and3A_1334 = arith.constant 15 : i32
        %and3A_1335 = vector.broadcast %and3A_1334 : i32 to vector<16xi32>
        %and3A_1336 = arith.andi %get3A_1318, %and3A_1335 : vector<16xi32>
        %gather3A_1337 = tpu.vector_load_idx %arg8[%shift_right_arithmetic3A_1333, %and3A_1336] : memref<3200x16xf32, #tpu.memory_space<vmem>>[vector<16xi32>, vector<16xi32>], vector<16xf32>,
        %gather3A_1338 = tpu.vector_load_idx %arg19[%get3A_1326] : memref<128xf32, #tpu.memory_space<vmem>>[vector<16xi32>], vector<16xf32>,
        %shift_right_arithmetic3A_1339 = arith.constant 4 : i32
        %shift_right_arithmetic3A_1340 = vector.broadcast %shift_right_arithmetic3A_1339 : i32 to vector<16xi32>
        %shift_right_arithmetic3A_1341 = arith.shrsi %get3A_1322, %shift_right_arithmetic3A_1340 : vector<16xi32>
        %and3A_1342 = arith.constant 15 : i32
        %and3A_1343 = vector.broadcast %and3A_1342 : i32 to vector<16xi32>
        %and3A_1344 = arith.andi %get3A_1322, %and3A_1343 : vector<16xi32>
        %mul3A_1345 = arith.mulf %gather3A_1337, %gather3A_1338 : vector<16xf32>
        %mul3A_1346 = arith.mulf %mul3A_1345, %get3A_1330 : vector<16xf32>
        tpu.vector_store_idx %arg9[%shift_right_arithmetic3A_1341, %and3A_1344], %mul3A_1346 {add = true} : memref<3200x16xf32, #tpu.memory_space<vmem>>[vector<16xi32>, vector<16xi32>], vector<16xf32>,
        %scan3A_1347 = arith.constant 4 : i32
        %scan3A_1348 = arith.addi %scan3A_1213, %scan3A_1347 : i32
        %mul3A_1349 = arith.constant 16 : i32
        %mul3A_1350 = arith.muli %scan3A_1348, %mul3A_1349 : i32
        %get3A_1351 = arith.index_cast %mul3A_1350 : i32 to index
        %get3A_1352 = tpu.vector_load %arg11[%get3A_1351] {strides = array<i32>} : memref<2000xi32, #tpu.memory_space<vmem>>, vector<16xi32>,
        %mul3A_1353 = arith.constant 16 : i32
        %mul3A_1354 = arith.muli %scan3A_1348, %mul3A_1353 : i32
        %get3A_1355 = arith.index_cast %mul3A_1354 : i32 to index
        %get3A_1356 = tpu.vector_load %arg12[%get3A_1355] {strides = array<i32>} : memref<2000xi32, #tpu.memory_space<vmem>>, vector<16xi32>,
        %mul3A_1357 = arith.constant 16 : i32
        %mul3A_1358 = arith.muli %scan3A_1348, %mul3A_1357 : i32
        %get3A_1359 = arith.index_cast %mul3A_1358 : i32 to index
        %get3A_1360 = tpu.vector_load %arg13[%get3A_1359] {strides = array<i32>} : memref<2000xi32, #tpu.memory_space<vmem>>, vector<16xi32>,
        %mul3A_1361 = arith.constant 16 : i32
        %mul3A_1362 = arith.muli %scan3A_1348, %mul3A_1361 : i32
        %get3A_1363 = arith.index_cast %mul3A_1362 : i32 to index
        %get3A_1364 = tpu.vector_load %arg14[%get3A_1363] {strides = array<i32>} : memref<2000xf32, #tpu.memory_space<vmem>>, vector<16xf32>,
        %shift_right_arithmetic3A_1365 = arith.constant 4 : i32
        %shift_right_arithmetic3A_1366 = vector.broadcast %shift_right_arithmetic3A_1365 : i32 to vector<16xi32>
        %shift_right_arithmetic3A_1367 = arith.shrsi %get3A_1352, %shift_right_arithmetic3A_1366 : vector<16xi32>
        %and3A_1368 = arith.constant 15 : i32
        %and3A_1369 = vector.broadcast %and3A_1368 : i32 to vector<16xi32>
        %and3A_1370 = arith.andi %get3A_1352, %and3A_1369 : vector<16xi32>
        %gather3A_1371 = tpu.vector_load_idx %arg8[%shift_right_arithmetic3A_1367, %and3A_1370] : memref<3200x16xf32, #tpu.memory_space<vmem>>[vector<16xi32>, vector<16xi32>], vector<16xf32>,
        %gather3A_1372 = tpu.vector_load_idx %arg19[%get3A_1360] : memref<128xf32, #tpu.memory_space<vmem>>[vector<16xi32>], vector<16xf32>,
        %shift_right_arithmetic3A_1373 = arith.constant 4 : i32
        %shift_right_arithmetic3A_1374 = vector.broadcast %shift_right_arithmetic3A_1373 : i32 to vector<16xi32>
        %shift_right_arithmetic3A_1375 = arith.shrsi %get3A_1356, %shift_right_arithmetic3A_1374 : vector<16xi32>
        %and3A_1376 = arith.constant 15 : i32
        %and3A_1377 = vector.broadcast %and3A_1376 : i32 to vector<16xi32>
        %and3A_1378 = arith.andi %get3A_1356, %and3A_1377 : vector<16xi32>
        %mul3A_1379 = arith.mulf %gather3A_1371, %gather3A_1372 : vector<16xf32>
        %mul3A_1380 = arith.mulf %mul3A_1379, %get3A_1364 : vector<16xf32>
        tpu.vector_store_idx %arg9[%shift_right_arithmetic3A_1375, %and3A_1378], %mul3A_1380 {add = true} : memref<3200x16xf32, #tpu.memory_space<vmem>>[vector<16xi32>, vector<16xi32>], vector<16xf32>,
      }
      %scan3A_1184 = arith.constant 125 : i32
      %add3A_1185 = arith.constant 1 : i32
      %add3A_1186 = arith.addi %scan3A_1141, %add3A_1185 : i32
      %lt3A = arith.constant 25 : i32
      %lt3A_1187 = arith.cmpi slt, %add3A_1186, %lt3A : i32
      %convert_element_type3A = arith.extui %lt3A_1187 : i1 to i32
      %cond3A = arith.constant 0 : i32
      %cond3A_1188 = arith.cmpi ne, %convert_element_type3A, %cond3A : i32
      scf.if %cond3A_1188 {
        %add3A_1213 = arith.constant 2 : i32
        %add3A_1214 = arith.addi %mul3A_1143, %add3A_1213 : i32
        %mul3A_1215 = arith.constant 2000 : i32
        %mul3A_1216 = arith.muli %add3A_1214, %mul3A_1215 : i32
        %add3A_1217 = arith.addi %mul3A_64, %mul3A_1216 : i32
        %dma_start3A_1218 = arith.constant 0 : i32
        %dma_start3A_1219 = tpu.memref_slice %arg3[%dma_start3A_1218, %add3A_1217] : memref<2x1600000xi32, #tpu.memory_space<hbm>> -> memref<1x2000xi32, #tpu.memory_space<hbm>>
        %dma_start3A_1220 = tpu.memref_squeeze %dma_start3A_1219 : memref<1x2000xi32, #tpu.memory_space<hbm>> -> memref<2000xi32, #tpu.memory_space<hbm>>
        %dma_start3A_1221 = tpu.memref_slice %arg3[%dma_start3A_1218, %add3A_1217] : memref<2x1600000xi32, #tpu.memory_space<hbm>> -> memref<1x2000xi32, #tpu.memory_space<hbm>>
        %dma_start3A_1222 = tpu.memref_squeeze %dma_start3A_1221 : memref<1x2000xi32, #tpu.memory_space<hbm>> -> memref<2000xi32, #tpu.memory_space<hbm>>
        tpu.enqueue_dma source(%dma_start3A_1222 : memref<2000xi32, #tpu.memory_space<hbm>>) target(%arg11 : memref<2000xi32, #tpu.memory_space<vmem>>) target_semaphore(%arg24 : memref<!tpu.dma_semaphore, #tpu.memory_space<semaphore_mem>>)
        %dma_start3A_1223 = arith.constant 1 : i32
        %dma_start3A_1224 = tpu.memref_slice %arg3[%dma_start3A_1223, %add3A_1217] : memref<2x1600000xi32, #tpu.memory_space<hbm>> -> memref<1x2000xi32, #tpu.memory_space<hbm>>
        %dma_start3A_1225 = tpu.memref_squeeze %dma_start3A_1224 : memref<1x2000xi32, #tpu.memory_space<hbm>> -> memref<2000xi32, #tpu.memory_space<hbm>>
        %dma_start3A_1226 = tpu.memref_slice %arg3[%dma_start3A_1223, %add3A_1217] : memref<2x1600000xi32, #tpu.memory_space<hbm>> -> memref<1x2000xi32, #tpu.memory_space<hbm>>
        %dma_start3A_1227 = tpu.memref_squeeze %dma_start3A_1226 : memref<1x2000xi32, #tpu.memory_space<hbm>> -> memref<2000xi32, #tpu.memory_space<hbm>>
        tpu.enqueue_dma source(%dma_start3A_1227 : memref<2000xi32, #tpu.memory_space<hbm>>) target(%arg12 : memref<2000xi32, #tpu.memory_space<vmem>>) target_semaphore(%arg24 : memref<!tpu.dma_semaphore, #tpu.memory_space<semaphore_mem>>)
        %dma_start3A_1228 = tpu.memref_slice %arg4[%add3A_1217] : memref<1600000xi32, #tpu.memory_space<hbm>> -> memref<2000xi32, #tpu.memory_space<hbm>>
        %dma_start3A_1229 = tpu.memref_slice %arg4[%add3A_1217] : memref<1600000xi32, #tpu.memory_space<hbm>> -> memref<2000xi32, #tpu.memory_space<hbm>>
        tpu.enqueue_dma source(%dma_start3A_1229 : memref<2000xi32, #tpu.memory_space<hbm>>) target(%arg13 : memref<2000xi32, #tpu.memory_space<vmem>>) target_semaphore(%arg24 : memref<!tpu.dma_semaphore, #tpu.memory_space<semaphore_mem>>)
        %dma_start3A_1230 = tpu.memref_slice %arg5[%add3A_1217] : memref<1600000xf32, #tpu.memory_space<hbm>> -> memref<2000xf32, #tpu.memory_space<hbm>>
        %dma_start3A_1231 = tpu.memref_slice %arg5[%add3A_1217] : memref<1600000xf32, #tpu.memory_space<hbm>> -> memref<2000xf32, #tpu.memory_space<hbm>>
        tpu.enqueue_dma source(%dma_start3A_1231 : memref<2000xf32, #tpu.memory_space<hbm>>) target(%arg14 : memref<2000xf32, #tpu.memory_space<vmem>>) target_semaphore(%arg24 : memref<!tpu.dma_semaphore, #tpu.memory_space<semaphore_mem>>)
      } else {
      }
      %add3A_1189 = arith.constant 1 : i32
      %add3A_1190 = arith.addi %mul3A_1143, %add3A_1189 : i32
      %mul3A_1191 = arith.constant 2000 : i32
      %mul3A_1192 = arith.muli %add3A_1190, %mul3A_1191 : i32
      %add3A_1193 = arith.addi %mul3A_64, %mul3A_1192 : i32
      %dma_wait3A_1194 = arith.constant 0 : i32
      %dma_wait3A_1195 = tpu.memref_slice %arg3[%dma_wait3A_1194, %add3A_1193] : memref<2x1600000xi32, #tpu.memory_space<hbm>> -> memref<1x2000xi32, #tpu.memory_space<hbm>>
      %dma_wait3A_1196 = tpu.memref_squeeze %dma_wait3A_1195 : memref<1x2000xi32, #tpu.memory_space<hbm>> -> memref<2000xi32, #tpu.memory_space<hbm>>
      %dma_wait3A_1197 = tpu.memref_slice %arg3[%dma_wait3A_1194, %add3A_1193] : memref<2x1600000xi32, #tpu.memory_space<hbm>> -> memref<1x2000xi32, #tpu.memory_space<hbm>>
      %dma_wait3A_1198 = tpu.memref_squeeze %dma_wait3A_1197 : memref<1x2000xi32, #tpu.memory_space<hbm>> -> memref<2000xi32, #tpu.memory_space<hbm>>
      tpu.wait_dma2 semaphore(%arg25 : memref<!tpu.dma_semaphore, #tpu.memory_space<semaphore_mem>>) src(%dma_wait3A_1198 : memref<2000xi32, #tpu.memory_space<hbm>>) dst(%arg15 : memref<2000xi32, #tpu.memory_space<vmem>>)
      %dma_wait3A_1199 = arith.constant 1 : i32
      %dma_wait3A_1200 = tpu.memref_slice %arg3[%dma_wait3A_1199, %add3A_1193] : memref<2x1600000xi32, #tpu.memory_space<hbm>> -> memref<1x2000xi32, #tpu.memory_space<hbm>>
      %dma_wait3A_1201 = tpu.memref_squeeze %dma_wait3A_1200 : memref<1x2000xi32, #tpu.memory_space<hbm>> -> memref<2000xi32, #tpu.memory_space<hbm>>
      %dma_wait3A_1202 = tpu.memref_slice %arg3[%dma_wait3A_1199, %add3A_1193] : memref<2x1600000xi32, #tpu.memory_space<hbm>> -> memref<1x2000xi32, #tpu.memory_space<hbm>>
      %dma_wait3A_1203 = tpu.memref_squeeze %dma_wait3A_1202 : memref<1x2000xi32, #tpu.memory_space<hbm>> -> memref<2000xi32, #tpu.memory_space<hbm>>
      tpu.wait_dma2 semaphore(%arg25 : memref<!tpu.dma_semaphore, #tpu.memory_space<semaphore_mem>>) src(%dma_wait3A_1203 : memref<2000xi32, #tpu.memory_space<hbm>>) dst(%arg16 : memref<2000xi32, #tpu.memory_space<vmem>>)
      %dma_wait3A_1204 = tpu.memref_slice %arg4[%add3A_1193] : memref<1600000xi32, #tpu.memory_space<hbm>> -> memref<2000xi32, #tpu.memory_space<hbm>>
      %dma_wait3A_1205 = tpu.memref_slice %arg4[%add3A_1193] : memref<1600000xi32, #tpu.memory_space<hbm>> -> memref<2000xi32, #tpu.memory_space<hbm>>
      tpu.wait_dma2 semaphore(%arg25 : memref<!tpu.dma_semaphore, #tpu.memory_space<semaphore_mem>>) src(%dma_wait3A_1205 : memref<2000xi32, #tpu.memory_space<hbm>>) dst(%arg17 : memref<2000xi32, #tpu.memory_space<vmem>>)
      %dma_wait3A_1206 = tpu.memref_slice %arg5[%add3A_1193] : memref<1600000xf32, #tpu.memory_space<hbm>> -> memref<2000xf32, #tpu.memory_space<hbm>>
      %dma_wait3A_1207 = tpu.memref_slice %arg5[%add3A_1193] : memref<1600000xf32, #tpu.memory_space<hbm>> -> memref<2000xf32, #tpu.memory_space<hbm>>
      tpu.wait_dma2 semaphore(%arg25 : memref<!tpu.dma_semaphore, #tpu.memory_space<semaphore_mem>>) src(%dma_wait3A_1207 : memref<2000xf32, #tpu.memory_space<hbm>>) dst(%arg18 : memref<2000xf32, #tpu.memory_space<vmem>>)
      %scan3A_1208 = arith.constant 0 : i32
      %scan3A_1209 = arith.constant 125 : i32
      %scan3A_1210 = arith.addi %scan3A_1208, %scan3A_1209 : i32
      %scan3A_1211 = arith.constant 5 : i32
      scf.for %scan3A_1213 = %scan3A_1208 to %scan3A_1210 step %scan3A_1211  : i32 {
        %mul3A_1214 = arith.constant 16 : i32
        %mul3A_1215 = arith.muli %scan3A_1213, %mul3A_1214 : i32
        %get3A_1216 = arith.index_cast %mul3A_1215 : i32 to index
        %get3A_1217 = tpu.vector_load %arg15[%get3A_1216] {strides = array<i32>} : memref<2000xi32, #tpu.memory_space<vmem>>, vector<16xi32>,
        %mul3A_1218 = arith.constant 16 : i32
        %mul3A_1219 = arith.muli %scan3A_1213, %mul3A_1218 : i32
        %get3A_1220 = arith.index_cast %mul3A_1219 : i32 to index
        %get3A_1221 = tpu.vector_load %arg16[%get3A_1220] {strides = array<i32>} : memref<2000xi32, #tpu.memory_space<vmem>>, vector<16xi32>,
        %mul3A_1222 = arith.constant 16 : i32
        %mul3A_1223 = arith.muli %scan3A_1213, %mul3A_1222 : i32
        %get3A_1224 = arith.index_cast %mul3A_1223 : i32 to index
        %get3A_1225 = tpu.vector_load %arg17[%get3A_1224] {strides = array<i32>} : memref<2000xi32, #tpu.memory_space<vmem>>, vector<16xi32>,
        %mul3A_1226 = arith.constant 16 : i32
        %mul3A_1227 = arith.muli %scan3A_1213, %mul3A_1226 : i32
        %get3A_1228 = arith.index_cast %mul3A_1227 : i32 to index
        %get3A_1229 = tpu.vector_load %arg18[%get3A_1228] {strides = array<i32>} : memref<2000xf32, #tpu.memory_space<vmem>>, vector<16xf32>,
        %shift_right_arithmetic3A = arith.constant 4 : i32
        %shift_right_arithmetic3A_1230 = vector.broadcast %shift_right_arithmetic3A : i32 to vector<16xi32>
        %shift_right_arithmetic3A_1231 = arith.shrsi %get3A_1217, %shift_right_arithmetic3A_1230 : vector<16xi32>
        %and3A_1232 = arith.constant 15 : i32
        %and3A_1233 = vector.broadcast %and3A_1232 : i32 to vector<16xi32>
        %and3A_1234 = arith.andi %get3A_1217, %and3A_1233 : vector<16xi32>
        %gather3A_1235 = tpu.vector_load_idx %arg8[%shift_right_arithmetic3A_1231, %and3A_1234] : memref<3200x16xf32, #tpu.memory_space<vmem>>[vector<16xi32>, vector<16xi32>], vector<16xf32>,
        %gather3A_1236 = tpu.vector_load_idx %arg19[%get3A_1225] : memref<128xf32, #tpu.memory_space<vmem>>[vector<16xi32>], vector<16xf32>,
        %shift_right_arithmetic3A_1237 = arith.constant 4 : i32
        %shift_right_arithmetic3A_1238 = vector.broadcast %shift_right_arithmetic3A_1237 : i32 to vector<16xi32>
        %shift_right_arithmetic3A_1239 = arith.shrsi %get3A_1221, %shift_right_arithmetic3A_1238 : vector<16xi32>
        %and3A_1240 = arith.constant 15 : i32
        %and3A_1241 = vector.broadcast %and3A_1240 : i32 to vector<16xi32>
        %and3A_1242 = arith.andi %get3A_1221, %and3A_1241 : vector<16xi32>
        %mul3A_1243 = arith.mulf %gather3A_1235, %gather3A_1236 : vector<16xf32>
        %mul3A_1244 = arith.mulf %mul3A_1243, %get3A_1229 : vector<16xf32>
        tpu.vector_store_idx %arg9[%shift_right_arithmetic3A_1239, %and3A_1242], %mul3A_1244 {add = true} : memref<3200x16xf32, #tpu.memory_space<vmem>>[vector<16xi32>, vector<16xi32>], vector<16xf32>,
        %scan3A_1245 = arith.constant 1 : i32
        %scan3A_1246 = arith.addi %scan3A_1213, %scan3A_1245 : i32
        %mul3A_1247 = arith.constant 16 : i32
        %mul3A_1248 = arith.muli %scan3A_1246, %mul3A_1247 : i32
        %get3A_1249 = arith.index_cast %mul3A_1248 : i32 to index
        %get3A_1250 = tpu.vector_load %arg15[%get3A_1249] {strides = array<i32>} : memref<2000xi32, #tpu.memory_space<vmem>>, vector<16xi32>,
        %mul3A_1251 = arith.constant 16 : i32
        %mul3A_1252 = arith.muli %scan3A_1246, %mul3A_1251 : i32
        %get3A_1253 = arith.index_cast %mul3A_1252 : i32 to index
        %get3A_1254 = tpu.vector_load %arg16[%get3A_1253] {strides = array<i32>} : memref<2000xi32, #tpu.memory_space<vmem>>, vector<16xi32>,
        %mul3A_1255 = arith.constant 16 : i32
        %mul3A_1256 = arith.muli %scan3A_1246, %mul3A_1255 : i32
        %get3A_1257 = arith.index_cast %mul3A_1256 : i32 to index
        %get3A_1258 = tpu.vector_load %arg17[%get3A_1257] {strides = array<i32>} : memref<2000xi32, #tpu.memory_space<vmem>>, vector<16xi32>,
        %mul3A_1259 = arith.constant 16 : i32
        %mul3A_1260 = arith.muli %scan3A_1246, %mul3A_1259 : i32
        %get3A_1261 = arith.index_cast %mul3A_1260 : i32 to index
        %get3A_1262 = tpu.vector_load %arg18[%get3A_1261] {strides = array<i32>} : memref<2000xf32, #tpu.memory_space<vmem>>, vector<16xf32>,
        %shift_right_arithmetic3A_1263 = arith.constant 4 : i32
        %shift_right_arithmetic3A_1264 = vector.broadcast %shift_right_arithmetic3A_1263 : i32 to vector<16xi32>
        %shift_right_arithmetic3A_1265 = arith.shrsi %get3A_1250, %shift_right_arithmetic3A_1264 : vector<16xi32>
        %and3A_1266 = arith.constant 15 : i32
        %and3A_1267 = vector.broadcast %and3A_1266 : i32 to vector<16xi32>
        %and3A_1268 = arith.andi %get3A_1250, %and3A_1267 : vector<16xi32>
        %gather3A_1269 = tpu.vector_load_idx %arg8[%shift_right_arithmetic3A_1265, %and3A_1268] : memref<3200x16xf32, #tpu.memory_space<vmem>>[vector<16xi32>, vector<16xi32>], vector<16xf32>,
        %gather3A_1270 = tpu.vector_load_idx %arg19[%get3A_1258] : memref<128xf32, #tpu.memory_space<vmem>>[vector<16xi32>], vector<16xf32>,
        %shift_right_arithmetic3A_1271 = arith.constant 4 : i32
        %shift_right_arithmetic3A_1272 = vector.broadcast %shift_right_arithmetic3A_1271 : i32 to vector<16xi32>
        %shift_right_arithmetic3A_1273 = arith.shrsi %get3A_1254, %shift_right_arithmetic3A_1272 : vector<16xi32>
        %and3A_1274 = arith.constant 15 : i32
        %and3A_1275 = vector.broadcast %and3A_1274 : i32 to vector<16xi32>
        %and3A_1276 = arith.andi %get3A_1254, %and3A_1275 : vector<16xi32>
        %mul3A_1277 = arith.mulf %gather3A_1269, %gather3A_1270 : vector<16xf32>
        %mul3A_1278 = arith.mulf %mul3A_1277, %get3A_1262 : vector<16xf32>
        tpu.vector_store_idx %arg9[%shift_right_arithmetic3A_1273, %and3A_1276], %mul3A_1278 {add = true} : memref<3200x16xf32, #tpu.memory_space<vmem>>[vector<16xi32>, vector<16xi32>], vector<16xf32>,
        %scan3A_1279 = arith.constant 2 : i32
        %scan3A_1280 = arith.addi %scan3A_1213, %scan3A_1279 : i32
        %mul3A_1281 = arith.constant 16 : i32
        %mul3A_1282 = arith.muli %scan3A_1280, %mul3A_1281 : i32
        %get3A_1283 = arith.index_cast %mul3A_1282 : i32 to index
        %get3A_1284 = tpu.vector_load %arg15[%get3A_1283] {strides = array<i32>} : memref<2000xi32, #tpu.memory_space<vmem>>, vector<16xi32>,
        %mul3A_1285 = arith.constant 16 : i32
        %mul3A_1286 = arith.muli %scan3A_1280, %mul3A_1285 : i32
        %get3A_1287 = arith.index_cast %mul3A_1286 : i32 to index
        %get3A_1288 = tpu.vector_load %arg16[%get3A_1287] {strides = array<i32>} : memref<2000xi32, #tpu.memory_space<vmem>>, vector<16xi32>,
        %mul3A_1289 = arith.constant 16 : i32
        %mul3A_1290 = arith.muli %scan3A_1280, %mul3A_1289 : i32
        %get3A_1291 = arith.index_cast %mul3A_1290 : i32 to index
        %get3A_1292 = tpu.vector_load %arg17[%get3A_1291] {strides = array<i32>} : memref<2000xi32, #tpu.memory_space<vmem>>, vector<16xi32>,
        %mul3A_1293 = arith.constant 16 : i32
        %mul3A_1294 = arith.muli %scan3A_1280, %mul3A_1293 : i32
        %get3A_1295 = arith.index_cast %mul3A_1294 : i32 to index
        %get3A_1296 = tpu.vector_load %arg18[%get3A_1295] {strides = array<i32>} : memref<2000xf32, #tpu.memory_space<vmem>>, vector<16xf32>,
        %shift_right_arithmetic3A_1297 = arith.constant 4 : i32
        %shift_right_arithmetic3A_1298 = vector.broadcast %shift_right_arithmetic3A_1297 : i32 to vector<16xi32>
        %shift_right_arithmetic3A_1299 = arith.shrsi %get3A_1284, %shift_right_arithmetic3A_1298 : vector<16xi32>
        %and3A_1300 = arith.constant 15 : i32
        %and3A_1301 = vector.broadcast %and3A_1300 : i32 to vector<16xi32>
        %and3A_1302 = arith.andi %get3A_1284, %and3A_1301 : vector<16xi32>
        %gather3A_1303 = tpu.vector_load_idx %arg8[%shift_right_arithmetic3A_1299, %and3A_1302] : memref<3200x16xf32, #tpu.memory_space<vmem>>[vector<16xi32>, vector<16xi32>], vector<16xf32>,
        %gather3A_1304 = tpu.vector_load_idx %arg19[%get3A_1292] : memref<128xf32, #tpu.memory_space<vmem>>[vector<16xi32>], vector<16xf32>,
        %shift_right_arithmetic3A_1305 = arith.constant 4 : i32
        %shift_right_arithmetic3A_1306 = vector.broadcast %shift_right_arithmetic3A_1305 : i32 to vector<16xi32>
        %shift_right_arithmetic3A_1307 = arith.shrsi %get3A_1288, %shift_right_arithmetic3A_1306 : vector<16xi32>
        %and3A_1308 = arith.constant 15 : i32
        %and3A_1309 = vector.broadcast %and3A_1308 : i32 to vector<16xi32>
        %and3A_1310 = arith.andi %get3A_1288, %and3A_1309 : vector<16xi32>
        %mul3A_1311 = arith.mulf %gather3A_1303, %gather3A_1304 : vector<16xf32>
        %mul3A_1312 = arith.mulf %mul3A_1311, %get3A_1296 : vector<16xf32>
        tpu.vector_store_idx %arg9[%shift_right_arithmetic3A_1307, %and3A_1310], %mul3A_1312 {add = true} : memref<3200x16xf32, #tpu.memory_space<vmem>>[vector<16xi32>, vector<16xi32>], vector<16xf32>,
        %scan3A_1313 = arith.constant 3 : i32
        %scan3A_1314 = arith.addi %scan3A_1213, %scan3A_1313 : i32
        %mul3A_1315 = arith.constant 16 : i32
        %mul3A_1316 = arith.muli %scan3A_1314, %mul3A_1315 : i32
        %get3A_1317 = arith.index_cast %mul3A_1316 : i32 to index
        %get3A_1318 = tpu.vector_load %arg15[%get3A_1317] {strides = array<i32>} : memref<2000xi32, #tpu.memory_space<vmem>>, vector<16xi32>,
        %mul3A_1319 = arith.constant 16 : i32
        %mul3A_1320 = arith.muli %scan3A_1314, %mul3A_1319 : i32
        %get3A_1321 = arith.index_cast %mul3A_1320 : i32 to index
        %get3A_1322 = tpu.vector_load %arg16[%get3A_1321] {strides = array<i32>} : memref<2000xi32, #tpu.memory_space<vmem>>, vector<16xi32>,
        %mul3A_1323 = arith.constant 16 : i32
        %mul3A_1324 = arith.muli %scan3A_1314, %mul3A_1323 : i32
        %get3A_1325 = arith.index_cast %mul3A_1324 : i32 to index
        %get3A_1326 = tpu.vector_load %arg17[%get3A_1325] {strides = array<i32>} : memref<2000xi32, #tpu.memory_space<vmem>>, vector<16xi32>,
        %mul3A_1327 = arith.constant 16 : i32
        %mul3A_1328 = arith.muli %scan3A_1314, %mul3A_1327 : i32
        %get3A_1329 = arith.index_cast %mul3A_1328 : i32 to index
        %get3A_1330 = tpu.vector_load %arg18[%get3A_1329] {strides = array<i32>} : memref<2000xf32, #tpu.memory_space<vmem>>, vector<16xf32>,
        %shift_right_arithmetic3A_1331 = arith.constant 4 : i32
        %shift_right_arithmetic3A_1332 = vector.broadcast %shift_right_arithmetic3A_1331 : i32 to vector<16xi32>
        %shift_right_arithmetic3A_1333 = arith.shrsi %get3A_1318, %shift_right_arithmetic3A_1332 : vector<16xi32>
        %and3A_1334 = arith.constant 15 : i32
        %and3A_1335 = vector.broadcast %and3A_1334 : i32 to vector<16xi32>
        %and3A_1336 = arith.andi %get3A_1318, %and3A_1335 : vector<16xi32>
        %gather3A_1337 = tpu.vector_load_idx %arg8[%shift_right_arithmetic3A_1333, %and3A_1336] : memref<3200x16xf32, #tpu.memory_space<vmem>>[vector<16xi32>, vector<16xi32>], vector<16xf32>,
        %gather3A_1338 = tpu.vector_load_idx %arg19[%get3A_1326] : memref<128xf32, #tpu.memory_space<vmem>>[vector<16xi32>], vector<16xf32>,
        %shift_right_arithmetic3A_1339 = arith.constant 4 : i32
        %shift_right_arithmetic3A_1340 = vector.broadcast %shift_right_arithmetic3A_1339 : i32 to vector<16xi32>
        %shift_right_arithmetic3A_1341 = arith.shrsi %get3A_1322, %shift_right_arithmetic3A_1340 : vector<16xi32>
        %and3A_1342 = arith.constant 15 : i32
        %and3A_1343 = vector.broadcast %and3A_1342 : i32 to vector<16xi32>
        %and3A_1344 = arith.andi %get3A_1322, %and3A_1343 : vector<16xi32>
        %mul3A_1345 = arith.mulf %gather3A_1337, %gather3A_1338 : vector<16xf32>
        %mul3A_1346 = arith.mulf %mul3A_1345, %get3A_1330 : vector<16xf32>
        tpu.vector_store_idx %arg9[%shift_right_arithmetic3A_1341, %and3A_1344], %mul3A_1346 {add = true} : memref<3200x16xf32, #tpu.memory_space<vmem>>[vector<16xi32>, vector<16xi32>], vector<16xf32>,
        %scan3A_1347 = arith.constant 4 : i32
        %scan3A_1348 = arith.addi %scan3A_1213, %scan3A_1347 : i32
        %mul3A_1349 = arith.constant 16 : i32
        %mul3A_1350 = arith.muli %scan3A_1348, %mul3A_1349 : i32
        %get3A_1351 = arith.index_cast %mul3A_1350 : i32 to index
        %get3A_1352 = tpu.vector_load %arg15[%get3A_1351] {strides = array<i32>} : memref<2000xi32, #tpu.memory_space<vmem>>, vector<16xi32>,
        %mul3A_1353 = arith.constant 16 : i32
        %mul3A_1354 = arith.muli %scan3A_1348, %mul3A_1353 : i32
        %get3A_1355 = arith.index_cast %mul3A_1354 : i32 to index
        %get3A_1356 = tpu.vector_load %arg16[%get3A_1355] {strides = array<i32>} : memref<2000xi32, #tpu.memory_space<vmem>>, vector<16xi32>,
        %mul3A_1357 = arith.constant 16 : i32
        %mul3A_1358 = arith.muli %scan3A_1348, %mul3A_1357 : i32
        %get3A_1359 = arith.index_cast %mul3A_1358 : i32 to index
        %get3A_1360 = tpu.vector_load %arg17[%get3A_1359] {strides = array<i32>} : memref<2000xi32, #tpu.memory_space<vmem>>, vector<16xi32>,
        %mul3A_1361 = arith.constant 16 : i32
        %mul3A_1362 = arith.muli %scan3A_1348, %mul3A_1361 : i32
        %get3A_1363 = arith.index_cast %mul3A_1362 : i32 to index
        %get3A_1364 = tpu.vector_load %arg18[%get3A_1363] {strides = array<i32>} : memref<2000xf32, #tpu.memory_space<vmem>>, vector<16xf32>,
        %shift_right_arithmetic3A_1365 = arith.constant 4 : i32
        %shift_right_arithmetic3A_1366 = vector.broadcast %shift_right_arithmetic3A_1365 : i32 to vector<16xi32>
        %shift_right_arithmetic3A_1367 = arith.shrsi %get3A_1352, %shift_right_arithmetic3A_1366 : vector<16xi32>
        %and3A_1368 = arith.constant 15 : i32
        %and3A_1369 = vector.broadcast %and3A_1368 : i32 to vector<16xi32>
        %and3A_1370 = arith.andi %get3A_1352, %and3A_1369 : vector<16xi32>
        %gather3A_1371 = tpu.vector_load_idx %arg8[%shift_right_arithmetic3A_1367, %and3A_1370] : memref<3200x16xf32, #tpu.memory_space<vmem>>[vector<16xi32>, vector<16xi32>], vector<16xf32>,
        %gather3A_1372 = tpu.vector_load_idx %arg19[%get3A_1360] : memref<128xf32, #tpu.memory_space<vmem>>[vector<16xi32>], vector<16xf32>,
        %shift_right_arithmetic3A_1373 = arith.constant 4 : i32
        %shift_right_arithmetic3A_1374 = vector.broadcast %shift_right_arithmetic3A_1373 : i32 to vector<16xi32>
        %shift_right_arithmetic3A_1375 = arith.shrsi %get3A_1356, %shift_right_arithmetic3A_1374 : vector<16xi32>
        %and3A_1376 = arith.constant 15 : i32
        %and3A_1377 = vector.broadcast %and3A_1376 : i32 to vector<16xi32>
        %and3A_1378 = arith.andi %get3A_1356, %and3A_1377 : vector<16xi32>
        %mul3A_1379 = arith.mulf %gather3A_1371, %gather3A_1372 : vector<16xf32>
        %mul3A_1380 = arith.mulf %mul3A_1379, %get3A_1364 : vector<16xf32>
        tpu.vector_store_idx %arg9[%shift_right_arithmetic3A_1375, %and3A_1378], %mul3A_1380 {add = true} : memref<3200x16xf32, #tpu.memory_space<vmem>>[vector<16xi32>, vector<16xi32>], vector<16xf32>,
      }
      %scan3A_1212 = arith.constant 125 : i32
    }
    %scan3A_84 = arith.constant 25 : i32
    %dma_start3A_85 = arith.constant 0 : i32
    %dma_start3A_86 = arith.constant 0 : i32
    %dma_start3A_87 = arith.constant 0 : i32
    %dma_start3A_88 = tpu.memref_slice %arg9[%dma_start3A_86, %dma_start3A_87] : memref<3200x16xf32, #tpu.memory_space<vmem>> -> memref<128x16xf32, #tpu.memory_space<vmem>>
    %dma_start3A_89 = arith.constant 0 : i32
    %dma_start3A_90 = tpu.memref_slice %arg23[%dma_start3A_85, %dma_start3A_89] : memref<25x128xi32, #tpu.memory_space<vmem>> -> memref<1x128xi32, #tpu.memory_space<vmem>>
    %dma_start3A_91 = tpu.memref_squeeze %dma_start3A_90 : memref<1x128xi32, #tpu.memory_space<vmem>> -> memref<128xi32, #tpu.memory_space<vmem>>
    %dma_start3A_92 = arith.constant 0 : i32
    %dma_start3A_93 = arith.constant 0 : i32
    %dma_start3A_94 = tpu.memref_slice %arg27[%dma_start3A_92, %dma_start3A_93] : memref<3200x16xf32, #tpu.memory_space<vmem_shared>> -> memref<3200x16xf32, #tpu.memory_space<vmem_shared>>
    tpu.enqueue_indirect_dma source(%dma_start3A_88 : memref<128x16xf32, #tpu.memory_space<vmem>>) target(%dma_start3A_94 : memref<3200x16xf32, #tpu.memory_space<vmem_shared>>) offsets(%dma_start3A_91 : memref<128xi32, #tpu.memory_space<vmem>>) semaphore(%arg26 : memref<!tpu.dma_semaphore, #tpu.memory_space<semaphore_mem>>) {add = true}
    %dma_start3A_95 = arith.constant 1 : i32
    %dma_start3A_96 = arith.constant 128 : i32
    %dma_start3A_97 = arith.constant 0 : i32
    %dma_start3A_98 = tpu.memref_slice %arg9[%dma_start3A_96, %dma_start3A_97] : memref<3200x16xf32, #tpu.memory_space<vmem>> -> memref<128x16xf32, #tpu.memory_space<vmem>>
    %dma_start3A_99 = arith.constant 0 : i32
    %dma_start3A_100 = tpu.memref_slice %arg23[%dma_start3A_95, %dma_start3A_99] : memref<25x128xi32, #tpu.memory_space<vmem>> -> memref<1x128xi32, #tpu.memory_space<vmem>>
    %dma_start3A_101 = tpu.memref_squeeze %dma_start3A_100 : memref<1x128xi32, #tpu.memory_space<vmem>> -> memref<128xi32, #tpu.memory_space<vmem>>
    %dma_start3A_102 = arith.constant 0 : i32
    %dma_start3A_103 = arith.constant 0 : i32
    %dma_start3A_104 = tpu.memref_slice %arg27[%dma_start3A_102, %dma_start3A_103] : memref<3200x16xf32, #tpu.memory_space<vmem_shared>> -> memref<3200x16xf32, #tpu.memory_space<vmem_shared>>
    tpu.enqueue_indirect_dma source(%dma_start3A_98 : memref<128x16xf32, #tpu.memory_space<vmem>>) target(%dma_start3A_104 : memref<3200x16xf32, #tpu.memory_space<vmem_shared>>) offsets(%dma_start3A_101 : memref<128xi32, #tpu.memory_space<vmem>>) semaphore(%arg26 : memref<!tpu.dma_semaphore, #tpu.memory_space<semaphore_mem>>) {add = true}
    %dma_start3A_105 = arith.constant 2 : i32
    %dma_start3A_106 = arith.constant 256 : i32
    %dma_start3A_107 = arith.constant 0 : i32
    %dma_start3A_108 = tpu.memref_slice %arg9[%dma_start3A_106, %dma_start3A_107] : memref<3200x16xf32, #tpu.memory_space<vmem>> -> memref<128x16xf32, #tpu.memory_space<vmem>>
    %dma_start3A_109 = arith.constant 0 : i32
    %dma_start3A_110 = tpu.memref_slice %arg23[%dma_start3A_105, %dma_start3A_109] : memref<25x128xi32, #tpu.memory_space<vmem>> -> memref<1x128xi32, #tpu.memory_space<vmem>>
    %dma_start3A_111 = tpu.memref_squeeze %dma_start3A_110 : memref<1x128xi32, #tpu.memory_space<vmem>> -> memref<128xi32, #tpu.memory_space<vmem>>
    %dma_start3A_112 = arith.constant 0 : i32
    %dma_start3A_113 = arith.constant 0 : i32
    %dma_start3A_114 = tpu.memref_slice %arg27[%dma_start3A_112, %dma_start3A_113] : memref<3200x16xf32, #tpu.memory_space<vmem_shared>> -> memref<3200x16xf32, #tpu.memory_space<vmem_shared>>
    tpu.enqueue_indirect_dma source(%dma_start3A_108 : memref<128x16xf32, #tpu.memory_space<vmem>>) target(%dma_start3A_114 : memref<3200x16xf32, #tpu.memory_space<vmem_shared>>) offsets(%dma_start3A_111 : memref<128xi32, #tpu.memory_space<vmem>>) semaphore(%arg26 : memref<!tpu.dma_semaphore, #tpu.memory_space<semaphore_mem>>) {add = true}
    %dma_start3A_115 = arith.constant 3 : i32
    %dma_start3A_116 = arith.constant 384 : i32
    %dma_start3A_117 = arith.constant 0 : i32
    %dma_start3A_118 = tpu.memref_slice %arg9[%dma_start3A_116, %dma_start3A_117] : memref<3200x16xf32, #tpu.memory_space<vmem>> -> memref<128x16xf32, #tpu.memory_space<vmem>>
    %dma_start3A_119 = arith.constant 0 : i32
    %dma_start3A_120 = tpu.memref_slice %arg23[%dma_start3A_115, %dma_start3A_119] : memref<25x128xi32, #tpu.memory_space<vmem>> -> memref<1x128xi32, #tpu.memory_space<vmem>>
    %dma_start3A_121 = tpu.memref_squeeze %dma_start3A_120 : memref<1x128xi32, #tpu.memory_space<vmem>> -> memref<128xi32, #tpu.memory_space<vmem>>
    %dma_start3A_122 = arith.constant 0 : i32
    %dma_start3A_123 = arith.constant 0 : i32
    %dma_start3A_124 = tpu.memref_slice %arg27[%dma_start3A_122, %dma_start3A_123] : memref<3200x16xf32, #tpu.memory_space<vmem_shared>> -> memref<3200x16xf32, #tpu.memory_space<vmem_shared>>
    tpu.enqueue_indirect_dma source(%dma_start3A_118 : memref<128x16xf32, #tpu.memory_space<vmem>>) target(%dma_start3A_124 : memref<3200x16xf32, #tpu.memory_space<vmem_shared>>) offsets(%dma_start3A_121 : memref<128xi32, #tpu.memory_space<vmem>>) semaphore(%arg26 : memref<!tpu.dma_semaphore, #tpu.memory_space<semaphore_mem>>) {add = true}
    %dma_start3A_125 = arith.constant 4 : i32
    %dma_start3A_126 = arith.constant 512 : i32
    %dma_start3A_127 = arith.constant 0 : i32
    %dma_start3A_128 = tpu.memref_slice %arg9[%dma_start3A_126, %dma_start3A_127] : memref<3200x16xf32, #tpu.memory_space<vmem>> -> memref<128x16xf32, #tpu.memory_space<vmem>>
    %dma_start3A_129 = arith.constant 0 : i32
    %dma_start3A_130 = tpu.memref_slice %arg23[%dma_start3A_125, %dma_start3A_129] : memref<25x128xi32, #tpu.memory_space<vmem>> -> memref<1x128xi32, #tpu.memory_space<vmem>>
    %dma_start3A_131 = tpu.memref_squeeze %dma_start3A_130 : memref<1x128xi32, #tpu.memory_space<vmem>> -> memref<128xi32, #tpu.memory_space<vmem>>
    %dma_start3A_132 = arith.constant 0 : i32
    %dma_start3A_133 = arith.constant 0 : i32
    %dma_start3A_134 = tpu.memref_slice %arg27[%dma_start3A_132, %dma_start3A_133] : memref<3200x16xf32, #tpu.memory_space<vmem_shared>> -> memref<3200x16xf32, #tpu.memory_space<vmem_shared>>
    tpu.enqueue_indirect_dma source(%dma_start3A_128 : memref<128x16xf32, #tpu.memory_space<vmem>>) target(%dma_start3A_134 : memref<3200x16xf32, #tpu.memory_space<vmem_shared>>) offsets(%dma_start3A_131 : memref<128xi32, #tpu.memory_space<vmem>>) semaphore(%arg26 : memref<!tpu.dma_semaphore, #tpu.memory_space<semaphore_mem>>) {add = true}
    %dma_start3A_135 = arith.constant 5 : i32
    %dma_start3A_136 = arith.constant 640 : i32
    %dma_start3A_137 = arith.constant 0 : i32
    %dma_start3A_138 = tpu.memref_slice %arg9[%dma_start3A_136, %dma_start3A_137] : memref<3200x16xf32, #tpu.memory_space<vmem>> -> memref<128x16xf32, #tpu.memory_space<vmem>>
    %dma_start3A_139 = arith.constant 0 : i32
    %dma_start3A_140 = tpu.memref_slice %arg23[%dma_start3A_135, %dma_start3A_139] : memref<25x128xi32, #tpu.memory_space<vmem>> -> memref<1x128xi32, #tpu.memory_space<vmem>>
    %dma_start3A_141 = tpu.memref_squeeze %dma_start3A_140 : memref<1x128xi32, #tpu.memory_space<vmem>> -> memref<128xi32, #tpu.memory_space<vmem>>
    %dma_start3A_142 = arith.constant 0 : i32
    %dma_start3A_143 = arith.constant 0 : i32
    %dma_start3A_144 = tpu.memref_slice %arg27[%dma_start3A_142, %dma_start3A_143] : memref<3200x16xf32, #tpu.memory_space<vmem_shared>> -> memref<3200x16xf32, #tpu.memory_space<vmem_shared>>
    tpu.enqueue_indirect_dma source(%dma_start3A_138 : memref<128x16xf32, #tpu.memory_space<vmem>>) target(%dma_start3A_144 : memref<3200x16xf32, #tpu.memory_space<vmem_shared>>) offsets(%dma_start3A_141 : memref<128xi32, #tpu.memory_space<vmem>>) semaphore(%arg26 : memref<!tpu.dma_semaphore, #tpu.memory_space<semaphore_mem>>) {add = true}
    %dma_start3A_145 = arith.constant 6 : i32
    %dma_start3A_146 = arith.constant 768 : i32
    %dma_start3A_147 = arith.constant 0 : i32
    %dma_start3A_148 = tpu.memref_slice %arg9[%dma_start3A_146, %dma_start3A_147] : memref<3200x16xf32, #tpu.memory_space<vmem>> -> memref<128x16xf32, #tpu.memory_space<vmem>>
    %dma_start3A_149 = arith.constant 0 : i32
    %dma_start3A_150 = tpu.memref_slice %arg23[%dma_start3A_145, %dma_start3A_149] : memref<25x128xi32, #tpu.memory_space<vmem>> -> memref<1x128xi32, #tpu.memory_space<vmem>>
    %dma_start3A_151 = tpu.memref_squeeze %dma_start3A_150 : memref<1x128xi32, #tpu.memory_space<vmem>> -> memref<128xi32, #tpu.memory_space<vmem>>
    %dma_start3A_152 = arith.constant 0 : i32
    %dma_start3A_153 = arith.constant 0 : i32
    %dma_start3A_154 = tpu.memref_slice %arg27[%dma_start3A_152, %dma_start3A_153] : memref<3200x16xf32, #tpu.memory_space<vmem_shared>> -> memref<3200x16xf32, #tpu.memory_space<vmem_shared>>
    tpu.enqueue_indirect_dma source(%dma_start3A_148 : memref<128x16xf32, #tpu.memory_space<vmem>>) target(%dma_start3A_154 : memref<3200x16xf32, #tpu.memory_space<vmem_shared>>) offsets(%dma_start3A_151 : memref<128xi32, #tpu.memory_space<vmem>>) semaphore(%arg26 : memref<!tpu.dma_semaphore, #tpu.memory_space<semaphore_mem>>) {add = true}
    %dma_start3A_155 = arith.constant 7 : i32
    %dma_start3A_156 = arith.constant 896 : i32
    %dma_start3A_157 = arith.constant 0 : i32
    %dma_start3A_158 = tpu.memref_slice %arg9[%dma_start3A_156, %dma_start3A_157] : memref<3200x16xf32, #tpu.memory_space<vmem>> -> memref<128x16xf32, #tpu.memory_space<vmem>>
    %dma_start3A_159 = arith.constant 0 : i32
    %dma_start3A_160 = tpu.memref_slice %arg23[%dma_start3A_155, %dma_start3A_159] : memref<25x128xi32, #tpu.memory_space<vmem>> -> memref<1x128xi32, #tpu.memory_space<vmem>>
    %dma_start3A_161 = tpu.memref_squeeze %dma_start3A_160 : memref<1x128xi32, #tpu.memory_space<vmem>> -> memref<128xi32, #tpu.memory_space<vmem>>
    %dma_start3A_162 = arith.constant 0 : i32
    %dma_start3A_163 = arith.constant 0 : i32
    %dma_start3A_164 = tpu.memref_slice %arg27[%dma_start3A_162, %dma_start3A_163] : memref<3200x16xf32, #tpu.memory_space<vmem_shared>> -> memref<3200x16xf32, #tpu.memory_space<vmem_shared>>
    tpu.enqueue_indirect_dma source(%dma_start3A_158 : memref<128x16xf32, #tpu.memory_space<vmem>>) target(%dma_start3A_164 : memref<3200x16xf32, #tpu.memory_space<vmem_shared>>) offsets(%dma_start3A_161 : memref<128xi32, #tpu.memory_space<vmem>>) semaphore(%arg26 : memref<!tpu.dma_semaphore, #tpu.memory_space<semaphore_mem>>) {add = true}
    %dma_start3A_165 = arith.constant 8 : i32
    %dma_start3A_166 = arith.constant 1024 : i32
    %dma_start3A_167 = arith.constant 0 : i32
    %dma_start3A_168 = tpu.memref_slice %arg9[%dma_start3A_166, %dma_start3A_167] : memref<3200x16xf32, #tpu.memory_space<vmem>> -> memref<128x16xf32, #tpu.memory_space<vmem>>
    %dma_start3A_169 = arith.constant 0 : i32
    %dma_start3A_170 = tpu.memref_slice %arg23[%dma_start3A_165, %dma_start3A_169] : memref<25x128xi32, #tpu.memory_space<vmem>> -> memref<1x128xi32, #tpu.memory_space<vmem>>
    %dma_start3A_171 = tpu.memref_squeeze %dma_start3A_170 : memref<1x128xi32, #tpu.memory_space<vmem>> -> memref<128xi32, #tpu.memory_space<vmem>>
    %dma_start3A_172 = arith.constant 0 : i32
    %dma_start3A_173 = arith.constant 0 : i32
    %dma_start3A_174 = tpu.memref_slice %arg27[%dma_start3A_172, %dma_start3A_173] : memref<3200x16xf32, #tpu.memory_space<vmem_shared>> -> memref<3200x16xf32, #tpu.memory_space<vmem_shared>>
    tpu.enqueue_indirect_dma source(%dma_start3A_168 : memref<128x16xf32, #tpu.memory_space<vmem>>) target(%dma_start3A_174 : memref<3200x16xf32, #tpu.memory_space<vmem_shared>>) offsets(%dma_start3A_171 : memref<128xi32, #tpu.memory_space<vmem>>) semaphore(%arg26 : memref<!tpu.dma_semaphore, #tpu.memory_space<semaphore_mem>>) {add = true}
    %dma_start3A_175 = arith.constant 9 : i32
    %dma_start3A_176 = arith.constant 1152 : i32
    %dma_start3A_177 = arith.constant 0 : i32
    %dma_start3A_178 = tpu.memref_slice %arg9[%dma_start3A_176, %dma_start3A_177] : memref<3200x16xf32, #tpu.memory_space<vmem>> -> memref<128x16xf32, #tpu.memory_space<vmem>>
    %dma_start3A_179 = arith.constant 0 : i32
    %dma_start3A_180 = tpu.memref_slice %arg23[%dma_start3A_175, %dma_start3A_179] : memref<25x128xi32, #tpu.memory_space<vmem>> -> memref<1x128xi32, #tpu.memory_space<vmem>>
    %dma_start3A_181 = tpu.memref_squeeze %dma_start3A_180 : memref<1x128xi32, #tpu.memory_space<vmem>> -> memref<128xi32, #tpu.memory_space<vmem>>
    %dma_start3A_182 = arith.constant 0 : i32
    %dma_start3A_183 = arith.constant 0 : i32
    %dma_start3A_184 = tpu.memref_slice %arg27[%dma_start3A_182, %dma_start3A_183] : memref<3200x16xf32, #tpu.memory_space<vmem_shared>> -> memref<3200x16xf32, #tpu.memory_space<vmem_shared>>
    tpu.enqueue_indirect_dma source(%dma_start3A_178 : memref<128x16xf32, #tpu.memory_space<vmem>>) target(%dma_start3A_184 : memref<3200x16xf32, #tpu.memory_space<vmem_shared>>) offsets(%dma_start3A_181 : memref<128xi32, #tpu.memory_space<vmem>>) semaphore(%arg26 : memref<!tpu.dma_semaphore, #tpu.memory_space<semaphore_mem>>) {add = true}
    %dma_start3A_185 = arith.constant 10 : i32
    %dma_start3A_186 = arith.constant 1280 : i32
    %dma_start3A_187 = arith.constant 0 : i32
    %dma_start3A_188 = tpu.memref_slice %arg9[%dma_start3A_186, %dma_start3A_187] : memref<3200x16xf32, #tpu.memory_space<vmem>> -> memref<128x16xf32, #tpu.memory_space<vmem>>
    %dma_start3A_189 = arith.constant 0 : i32
    %dma_start3A_190 = tpu.memref_slice %arg23[%dma_start3A_185, %dma_start3A_189] : memref<25x128xi32, #tpu.memory_space<vmem>> -> memref<1x128xi32, #tpu.memory_space<vmem>>
    %dma_start3A_191 = tpu.memref_squeeze %dma_start3A_190 : memref<1x128xi32, #tpu.memory_space<vmem>> -> memref<128xi32, #tpu.memory_space<vmem>>
    %dma_start3A_192 = arith.constant 0 : i32
    %dma_start3A_193 = arith.constant 0 : i32
    %dma_start3A_194 = tpu.memref_slice %arg27[%dma_start3A_192, %dma_start3A_193] : memref<3200x16xf32, #tpu.memory_space<vmem_shared>> -> memref<3200x16xf32, #tpu.memory_space<vmem_shared>>
    tpu.enqueue_indirect_dma source(%dma_start3A_188 : memref<128x16xf32, #tpu.memory_space<vmem>>) target(%dma_start3A_194 : memref<3200x16xf32, #tpu.memory_space<vmem_shared>>) offsets(%dma_start3A_191 : memref<128xi32, #tpu.memory_space<vmem>>) semaphore(%arg26 : memref<!tpu.dma_semaphore, #tpu.memory_space<semaphore_mem>>) {add = true}
    %dma_start3A_195 = arith.constant 11 : i32
    %dma_start3A_196 = arith.constant 1408 : i32
    %dma_start3A_197 = arith.constant 0 : i32
    %dma_start3A_198 = tpu.memref_slice %arg9[%dma_start3A_196, %dma_start3A_197] : memref<3200x16xf32, #tpu.memory_space<vmem>> -> memref<128x16xf32, #tpu.memory_space<vmem>>
    %dma_start3A_199 = arith.constant 0 : i32
    %dma_start3A_200 = tpu.memref_slice %arg23[%dma_start3A_195, %dma_start3A_199] : memref<25x128xi32, #tpu.memory_space<vmem>> -> memref<1x128xi32, #tpu.memory_space<vmem>>
    %dma_start3A_201 = tpu.memref_squeeze %dma_start3A_200 : memref<1x128xi32, #tpu.memory_space<vmem>> -> memref<128xi32, #tpu.memory_space<vmem>>
    %dma_start3A_202 = arith.constant 0 : i32
    %dma_start3A_203 = arith.constant 0 : i32
    %dma_start3A_204 = tpu.memref_slice %arg27[%dma_start3A_202, %dma_start3A_203] : memref<3200x16xf32, #tpu.memory_space<vmem_shared>> -> memref<3200x16xf32, #tpu.memory_space<vmem_shared>>
    tpu.enqueue_indirect_dma source(%dma_start3A_198 : memref<128x16xf32, #tpu.memory_space<vmem>>) target(%dma_start3A_204 : memref<3200x16xf32, #tpu.memory_space<vmem_shared>>) offsets(%dma_start3A_201 : memref<128xi32, #tpu.memory_space<vmem>>) semaphore(%arg26 : memref<!tpu.dma_semaphore, #tpu.memory_space<semaphore_mem>>) {add = true}
    %dma_start3A_205 = arith.constant 12 : i32
    %dma_start3A_206 = arith.constant 1536 : i32
    %dma_start3A_207 = arith.constant 0 : i32
    %dma_start3A_208 = tpu.memref_slice %arg9[%dma_start3A_206, %dma_start3A_207] : memref<3200x16xf32, #tpu.memory_space<vmem>> -> memref<128x16xf32, #tpu.memory_space<vmem>>
    %dma_start3A_209 = arith.constant 0 : i32
    %dma_start3A_210 = tpu.memref_slice %arg23[%dma_start3A_205, %dma_start3A_209] : memref<25x128xi32, #tpu.memory_space<vmem>> -> memref<1x128xi32, #tpu.memory_space<vmem>>
    %dma_start3A_211 = tpu.memref_squeeze %dma_start3A_210 : memref<1x128xi32, #tpu.memory_space<vmem>> -> memref<128xi32, #tpu.memory_space<vmem>>
    %dma_start3A_212 = arith.constant 0 : i32
    %dma_start3A_213 = arith.constant 0 : i32
    %dma_start3A_214 = tpu.memref_slice %arg27[%dma_start3A_212, %dma_start3A_213] : memref<3200x16xf32, #tpu.memory_space<vmem_shared>> -> memref<3200x16xf32, #tpu.memory_space<vmem_shared>>
    tpu.enqueue_indirect_dma source(%dma_start3A_208 : memref<128x16xf32, #tpu.memory_space<vmem>>) target(%dma_start3A_214 : memref<3200x16xf32, #tpu.memory_space<vmem_shared>>) offsets(%dma_start3A_211 : memref<128xi32, #tpu.memory_space<vmem>>) semaphore(%arg26 : memref<!tpu.dma_semaphore, #tpu.memory_space<semaphore_mem>>) {add = true}
    %dma_start3A_215 = arith.constant 13 : i32
    %dma_start3A_216 = arith.constant 1664 : i32
    %dma_start3A_217 = arith.constant 0 : i32
    %dma_start3A_218 = tpu.memref_slice %arg9[%dma_start3A_216, %dma_start3A_217] : memref<3200x16xf32, #tpu.memory_space<vmem>> -> memref<128x16xf32, #tpu.memory_space<vmem>>
    %dma_start3A_219 = arith.constant 0 : i32
    %dma_start3A_220 = tpu.memref_slice %arg23[%dma_start3A_215, %dma_start3A_219] : memref<25x128xi32, #tpu.memory_space<vmem>> -> memref<1x128xi32, #tpu.memory_space<vmem>>
    %dma_start3A_221 = tpu.memref_squeeze %dma_start3A_220 : memref<1x128xi32, #tpu.memory_space<vmem>> -> memref<128xi32, #tpu.memory_space<vmem>>
    %dma_start3A_222 = arith.constant 0 : i32
    %dma_start3A_223 = arith.constant 0 : i32
    %dma_start3A_224 = tpu.memref_slice %arg27[%dma_start3A_222, %dma_start3A_223] : memref<3200x16xf32, #tpu.memory_space<vmem_shared>> -> memref<3200x16xf32, #tpu.memory_space<vmem_shared>>
    tpu.enqueue_indirect_dma source(%dma_start3A_218 : memref<128x16xf32, #tpu.memory_space<vmem>>) target(%dma_start3A_224 : memref<3200x16xf32, #tpu.memory_space<vmem_shared>>) offsets(%dma_start3A_221 : memref<128xi32, #tpu.memory_space<vmem>>) semaphore(%arg26 : memref<!tpu.dma_semaphore, #tpu.memory_space<semaphore_mem>>) {add = true}
    %dma_start3A_225 = arith.constant 14 : i32
    %dma_start3A_226 = arith.constant 1792 : i32
    %dma_start3A_227 = arith.constant 0 : i32
    %dma_start3A_228 = tpu.memref_slice %arg9[%dma_start3A_226, %dma_start3A_227] : memref<3200x16xf32, #tpu.memory_space<vmem>> -> memref<128x16xf32, #tpu.memory_space<vmem>>
    %dma_start3A_229 = arith.constant 0 : i32
    %dma_start3A_230 = tpu.memref_slice %arg23[%dma_start3A_225, %dma_start3A_229] : memref<25x128xi32, #tpu.memory_space<vmem>> -> memref<1x128xi32, #tpu.memory_space<vmem>>
    %dma_start3A_231 = tpu.memref_squeeze %dma_start3A_230 : memref<1x128xi32, #tpu.memory_space<vmem>> -> memref<128xi32, #tpu.memory_space<vmem>>
    %dma_start3A_232 = arith.constant 0 : i32
    %dma_start3A_233 = arith.constant 0 : i32
    %dma_start3A_234 = tpu.memref_slice %arg27[%dma_start3A_232, %dma_start3A_233] : memref<3200x16xf32, #tpu.memory_space<vmem_shared>> -> memref<3200x16xf32, #tpu.memory_space<vmem_shared>>
    tpu.enqueue_indirect_dma source(%dma_start3A_228 : memref<128x16xf32, #tpu.memory_space<vmem>>) target(%dma_start3A_234 : memref<3200x16xf32, #tpu.memory_space<vmem_shared>>) offsets(%dma_start3A_231 : memref<128xi32, #tpu.memory_space<vmem>>) semaphore(%arg26 : memref<!tpu.dma_semaphore, #tpu.memory_space<semaphore_mem>>) {add = true}
    %dma_start3A_235 = arith.constant 15 : i32
    %dma_start3A_236 = arith.constant 1920 : i32
    %dma_start3A_237 = arith.constant 0 : i32
    %dma_start3A_238 = tpu.memref_slice %arg9[%dma_start3A_236, %dma_start3A_237] : memref<3200x16xf32, #tpu.memory_space<vmem>> -> memref<128x16xf32, #tpu.memory_space<vmem>>
    %dma_start3A_239 = arith.constant 0 : i32
    %dma_start3A_240 = tpu.memref_slice %arg23[%dma_start3A_235, %dma_start3A_239] : memref<25x128xi32, #tpu.memory_space<vmem>> -> memref<1x128xi32, #tpu.memory_space<vmem>>
    %dma_start3A_241 = tpu.memref_squeeze %dma_start3A_240 : memref<1x128xi32, #tpu.memory_space<vmem>> -> memref<128xi32, #tpu.memory_space<vmem>>
    %dma_start3A_242 = arith.constant 0 : i32
    %dma_start3A_243 = arith.constant 0 : i32
    %dma_start3A_244 = tpu.memref_slice %arg27[%dma_start3A_242, %dma_start3A_243] : memref<3200x16xf32, #tpu.memory_space<vmem_shared>> -> memref<3200x16xf32, #tpu.memory_space<vmem_shared>>
    tpu.enqueue_indirect_dma source(%dma_start3A_238 : memref<128x16xf32, #tpu.memory_space<vmem>>) target(%dma_start3A_244 : memref<3200x16xf32, #tpu.memory_space<vmem_shared>>) offsets(%dma_start3A_241 : memref<128xi32, #tpu.memory_space<vmem>>) semaphore(%arg26 : memref<!tpu.dma_semaphore, #tpu.memory_space<semaphore_mem>>) {add = true}
    %dma_start3A_245 = arith.constant 16 : i32
    %dma_start3A_246 = arith.constant 2048 : i32
    %dma_start3A_247 = arith.constant 0 : i32
    %dma_start3A_248 = tpu.memref_slice %arg9[%dma_start3A_246, %dma_start3A_247] : memref<3200x16xf32, #tpu.memory_space<vmem>> -> memref<128x16xf32, #tpu.memory_space<vmem>>
    %dma_start3A_249 = arith.constant 0 : i32
    %dma_start3A_250 = tpu.memref_slice %arg23[%dma_start3A_245, %dma_start3A_249] : memref<25x128xi32, #tpu.memory_space<vmem>> -> memref<1x128xi32, #tpu.memory_space<vmem>>
    %dma_start3A_251 = tpu.memref_squeeze %dma_start3A_250 : memref<1x128xi32, #tpu.memory_space<vmem>> -> memref<128xi32, #tpu.memory_space<vmem>>
    %dma_start3A_252 = arith.constant 0 : i32
    %dma_start3A_253 = arith.constant 0 : i32
    %dma_start3A_254 = tpu.memref_slice %arg27[%dma_start3A_252, %dma_start3A_253] : memref<3200x16xf32, #tpu.memory_space<vmem_shared>> -> memref<3200x16xf32, #tpu.memory_space<vmem_shared>>
    tpu.enqueue_indirect_dma source(%dma_start3A_248 : memref<128x16xf32, #tpu.memory_space<vmem>>) target(%dma_start3A_254 : memref<3200x16xf32, #tpu.memory_space<vmem_shared>>) offsets(%dma_start3A_251 : memref<128xi32, #tpu.memory_space<vmem>>) semaphore(%arg26 : memref<!tpu.dma_semaphore, #tpu.memory_space<semaphore_mem>>) {add = true}
    %dma_start3A_255 = arith.constant 17 : i32
    %dma_start3A_256 = arith.constant 2176 : i32
    %dma_start3A_257 = arith.constant 0 : i32
    %dma_start3A_258 = tpu.memref_slice %arg9[%dma_start3A_256, %dma_start3A_257] : memref<3200x16xf32, #tpu.memory_space<vmem>> -> memref<128x16xf32, #tpu.memory_space<vmem>>
    %dma_start3A_259 = arith.constant 0 : i32
    %dma_start3A_260 = tpu.memref_slice %arg23[%dma_start3A_255, %dma_start3A_259] : memref<25x128xi32, #tpu.memory_space<vmem>> -> memref<1x128xi32, #tpu.memory_space<vmem>>
    %dma_start3A_261 = tpu.memref_squeeze %dma_start3A_260 : memref<1x128xi32, #tpu.memory_space<vmem>> -> memref<128xi32, #tpu.memory_space<vmem>>
    %dma_start3A_262 = arith.constant 0 : i32
    %dma_start3A_263 = arith.constant 0 : i32
    %dma_start3A_264 = tpu.memref_slice %arg27[%dma_start3A_262, %dma_start3A_263] : memref<3200x16xf32, #tpu.memory_space<vmem_shared>> -> memref<3200x16xf32, #tpu.memory_space<vmem_shared>>
    tpu.enqueue_indirect_dma source(%dma_start3A_258 : memref<128x16xf32, #tpu.memory_space<vmem>>) target(%dma_start3A_264 : memref<3200x16xf32, #tpu.memory_space<vmem_shared>>) offsets(%dma_start3A_261 : memref<128xi32, #tpu.memory_space<vmem>>) semaphore(%arg26 : memref<!tpu.dma_semaphore, #tpu.memory_space<semaphore_mem>>) {add = true}
    %dma_start3A_265 = arith.constant 18 : i32
    %dma_start3A_266 = arith.constant 2304 : i32
    %dma_start3A_267 = arith.constant 0 : i32
    %dma_start3A_268 = tpu.memref_slice %arg9[%dma_start3A_266, %dma_start3A_267] : memref<3200x16xf32, #tpu.memory_space<vmem>> -> memref<128x16xf32, #tpu.memory_space<vmem>>
    %dma_start3A_269 = arith.constant 0 : i32
    %dma_start3A_270 = tpu.memref_slice %arg23[%dma_start3A_265, %dma_start3A_269] : memref<25x128xi32, #tpu.memory_space<vmem>> -> memref<1x128xi32, #tpu.memory_space<vmem>>
    %dma_start3A_271 = tpu.memref_squeeze %dma_start3A_270 : memref<1x128xi32, #tpu.memory_space<vmem>> -> memref<128xi32, #tpu.memory_space<vmem>>
    %dma_start3A_272 = arith.constant 0 : i32
    %dma_start3A_273 = arith.constant 0 : i32
    %dma_start3A_274 = tpu.memref_slice %arg27[%dma_start3A_272, %dma_start3A_273] : memref<3200x16xf32, #tpu.memory_space<vmem_shared>> -> memref<3200x16xf32, #tpu.memory_space<vmem_shared>>
    tpu.enqueue_indirect_dma source(%dma_start3A_268 : memref<128x16xf32, #tpu.memory_space<vmem>>) target(%dma_start3A_274 : memref<3200x16xf32, #tpu.memory_space<vmem_shared>>) offsets(%dma_start3A_271 : memref<128xi32, #tpu.memory_space<vmem>>) semaphore(%arg26 : memref<!tpu.dma_semaphore, #tpu.memory_space<semaphore_mem>>) {add = true}
    %dma_start3A_275 = arith.constant 19 : i32
    %dma_start3A_276 = arith.constant 2432 : i32
    %dma_start3A_277 = arith.constant 0 : i32
    %dma_start3A_278 = tpu.memref_slice %arg9[%dma_start3A_276, %dma_start3A_277] : memref<3200x16xf32, #tpu.memory_space<vmem>> -> memref<128x16xf32, #tpu.memory_space<vmem>>
    %dma_start3A_279 = arith.constant 0 : i32
    %dma_start3A_280 = tpu.memref_slice %arg23[%dma_start3A_275, %dma_start3A_279] : memref<25x128xi32, #tpu.memory_space<vmem>> -> memref<1x128xi32, #tpu.memory_space<vmem>>
    %dma_start3A_281 = tpu.memref_squeeze %dma_start3A_280 : memref<1x128xi32, #tpu.memory_space<vmem>> -> memref<128xi32, #tpu.memory_space<vmem>>
    %dma_start3A_282 = arith.constant 0 : i32
    %dma_start3A_283 = arith.constant 0 : i32
    %dma_start3A_284 = tpu.memref_slice %arg27[%dma_start3A_282, %dma_start3A_283] : memref<3200x16xf32, #tpu.memory_space<vmem_shared>> -> memref<3200x16xf32, #tpu.memory_space<vmem_shared>>
    tpu.enqueue_indirect_dma source(%dma_start3A_278 : memref<128x16xf32, #tpu.memory_space<vmem>>) target(%dma_start3A_284 : memref<3200x16xf32, #tpu.memory_space<vmem_shared>>) offsets(%dma_start3A_281 : memref<128xi32, #tpu.memory_space<vmem>>) semaphore(%arg26 : memref<!tpu.dma_semaphore, #tpu.memory_space<semaphore_mem>>) {add = true}
    %dma_start3A_285 = arith.constant 20 : i32
    %dma_start3A_286 = arith.constant 2560 : i32
    %dma_start3A_287 = arith.constant 0 : i32
    %dma_start3A_288 = tpu.memref_slice %arg9[%dma_start3A_286, %dma_start3A_287] : memref<3200x16xf32, #tpu.memory_space<vmem>> -> memref<128x16xf32, #tpu.memory_space<vmem>>
    %dma_start3A_289 = arith.constant 0 : i32
    %dma_start3A_290 = tpu.memref_slice %arg23[%dma_start3A_285, %dma_start3A_289] : memref<25x128xi32, #tpu.memory_space<vmem>> -> memref<1x128xi32, #tpu.memory_space<vmem>>
    %dma_start3A_291 = tpu.memref_squeeze %dma_start3A_290 : memref<1x128xi32, #tpu.memory_space<vmem>> -> memref<128xi32, #tpu.memory_space<vmem>>
    %dma_start3A_292 = arith.constant 0 : i32
    %dma_start3A_293 = arith.constant 0 : i32
    %dma_start3A_294 = tpu.memref_slice %arg27[%dma_start3A_292, %dma_start3A_293] : memref<3200x16xf32, #tpu.memory_space<vmem_shared>> -> memref<3200x16xf32, #tpu.memory_space<vmem_shared>>
    tpu.enqueue_indirect_dma source(%dma_start3A_288 : memref<128x16xf32, #tpu.memory_space<vmem>>) target(%dma_start3A_294 : memref<3200x16xf32, #tpu.memory_space<vmem_shared>>) offsets(%dma_start3A_291 : memref<128xi32, #tpu.memory_space<vmem>>) semaphore(%arg26 : memref<!tpu.dma_semaphore, #tpu.memory_space<semaphore_mem>>) {add = true}
    %dma_start3A_295 = arith.constant 21 : i32
    %dma_start3A_296 = arith.constant 2688 : i32
    %dma_start3A_297 = arith.constant 0 : i32
    %dma_start3A_298 = tpu.memref_slice %arg9[%dma_start3A_296, %dma_start3A_297] : memref<3200x16xf32, #tpu.memory_space<vmem>> -> memref<128x16xf32, #tpu.memory_space<vmem>>
    %dma_start3A_299 = arith.constant 0 : i32
    %dma_start3A_300 = tpu.memref_slice %arg23[%dma_start3A_295, %dma_start3A_299] : memref<25x128xi32, #tpu.memory_space<vmem>> -> memref<1x128xi32, #tpu.memory_space<vmem>>
    %dma_start3A_301 = tpu.memref_squeeze %dma_start3A_300 : memref<1x128xi32, #tpu.memory_space<vmem>> -> memref<128xi32, #tpu.memory_space<vmem>>
    %dma_start3A_302 = arith.constant 0 : i32
    %dma_start3A_303 = arith.constant 0 : i32
    %dma_start3A_304 = tpu.memref_slice %arg27[%dma_start3A_302, %dma_start3A_303] : memref<3200x16xf32, #tpu.memory_space<vmem_shared>> -> memref<3200x16xf32, #tpu.memory_space<vmem_shared>>
    tpu.enqueue_indirect_dma source(%dma_start3A_298 : memref<128x16xf32, #tpu.memory_space<vmem>>) target(%dma_start3A_304 : memref<3200x16xf32, #tpu.memory_space<vmem_shared>>) offsets(%dma_start3A_301 : memref<128xi32, #tpu.memory_space<vmem>>) semaphore(%arg26 : memref<!tpu.dma_semaphore, #tpu.memory_space<semaphore_mem>>) {add = true}
    %dma_start3A_305 = arith.constant 22 : i32
    %dma_start3A_306 = arith.constant 2816 : i32
    %dma_start3A_307 = arith.constant 0 : i32
    %dma_start3A_308 = tpu.memref_slice %arg9[%dma_start3A_306, %dma_start3A_307] : memref<3200x16xf32, #tpu.memory_space<vmem>> -> memref<128x16xf32, #tpu.memory_space<vmem>>
    %dma_start3A_309 = arith.constant 0 : i32
    %dma_start3A_310 = tpu.memref_slice %arg23[%dma_start3A_305, %dma_start3A_309] : memref<25x128xi32, #tpu.memory_space<vmem>> -> memref<1x128xi32, #tpu.memory_space<vmem>>
    %dma_start3A_311 = tpu.memref_squeeze %dma_start3A_310 : memref<1x128xi32, #tpu.memory_space<vmem>> -> memref<128xi32, #tpu.memory_space<vmem>>
    %dma_start3A_312 = arith.constant 0 : i32
    %dma_start3A_313 = arith.constant 0 : i32
    %dma_start3A_314 = tpu.memref_slice %arg27[%dma_start3A_312, %dma_start3A_313] : memref<3200x16xf32, #tpu.memory_space<vmem_shared>> -> memref<3200x16xf32, #tpu.memory_space<vmem_shared>>
    tpu.enqueue_indirect_dma source(%dma_start3A_308 : memref<128x16xf32, #tpu.memory_space<vmem>>) target(%dma_start3A_314 : memref<3200x16xf32, #tpu.memory_space<vmem_shared>>) offsets(%dma_start3A_311 : memref<128xi32, #tpu.memory_space<vmem>>) semaphore(%arg26 : memref<!tpu.dma_semaphore, #tpu.memory_space<semaphore_mem>>) {add = true}
    %dma_start3A_315 = arith.constant 23 : i32
    %dma_start3A_316 = arith.constant 2944 : i32
    %dma_start3A_317 = arith.constant 0 : i32
    %dma_start3A_318 = tpu.memref_slice %arg9[%dma_start3A_316, %dma_start3A_317] : memref<3200x16xf32, #tpu.memory_space<vmem>> -> memref<128x16xf32, #tpu.memory_space<vmem>>
    %dma_start3A_319 = arith.constant 0 : i32
    %dma_start3A_320 = tpu.memref_slice %arg23[%dma_start3A_315, %dma_start3A_319] : memref<25x128xi32, #tpu.memory_space<vmem>> -> memref<1x128xi32, #tpu.memory_space<vmem>>
    %dma_start3A_321 = tpu.memref_squeeze %dma_start3A_320 : memref<1x128xi32, #tpu.memory_space<vmem>> -> memref<128xi32, #tpu.memory_space<vmem>>
    %dma_start3A_322 = arith.constant 0 : i32
    %dma_start3A_323 = arith.constant 0 : i32
    %dma_start3A_324 = tpu.memref_slice %arg27[%dma_start3A_322, %dma_start3A_323] : memref<3200x16xf32, #tpu.memory_space<vmem_shared>> -> memref<3200x16xf32, #tpu.memory_space<vmem_shared>>
    tpu.enqueue_indirect_dma source(%dma_start3A_318 : memref<128x16xf32, #tpu.memory_space<vmem>>) target(%dma_start3A_324 : memref<3200x16xf32, #tpu.memory_space<vmem_shared>>) offsets(%dma_start3A_321 : memref<128xi32, #tpu.memory_space<vmem>>) semaphore(%arg26 : memref<!tpu.dma_semaphore, #tpu.memory_space<semaphore_mem>>) {add = true}
    %dma_start3A_325 = arith.constant 24 : i32
    %dma_start3A_326 = arith.constant 3072 : i32
    %dma_start3A_327 = arith.constant 0 : i32
    %dma_start3A_328 = tpu.memref_slice %arg9[%dma_start3A_326, %dma_start3A_327] : memref<3200x16xf32, #tpu.memory_space<vmem>> -> memref<128x16xf32, #tpu.memory_space<vmem>>
    %dma_start3A_329 = arith.constant 0 : i32
    %dma_start3A_330 = tpu.memref_slice %arg23[%dma_start3A_325, %dma_start3A_329] : memref<25x128xi32, #tpu.memory_space<vmem>> -> memref<1x128xi32, #tpu.memory_space<vmem>>
    %dma_start3A_331 = tpu.memref_squeeze %dma_start3A_330 : memref<1x128xi32, #tpu.memory_space<vmem>> -> memref<128xi32, #tpu.memory_space<vmem>>
    %dma_start3A_332 = arith.constant 0 : i32
    %dma_start3A_333 = arith.constant 0 : i32
    %dma_start3A_334 = tpu.memref_slice %arg27[%dma_start3A_332, %dma_start3A_333] : memref<3200x16xf32, #tpu.memory_space<vmem_shared>> -> memref<3200x16xf32, #tpu.memory_space<vmem_shared>>
    tpu.enqueue_indirect_dma source(%dma_start3A_328 : memref<128x16xf32, #tpu.memory_space<vmem>>) target(%dma_start3A_334 : memref<3200x16xf32, #tpu.memory_space<vmem_shared>>) offsets(%dma_start3A_331 : memref<128xi32, #tpu.memory_space<vmem>>) semaphore(%arg26 : memref<!tpu.dma_semaphore, #tpu.memory_space<semaphore_mem>>) {add = true}
    %dma_wait3A = arith.constant 0 : i32
    %dma_wait3A_335 = arith.constant 0 : i32
    %dma_wait3A_336 = arith.constant 0 : i32
    %dma_wait3A_337 = tpu.memref_slice %arg9[%dma_wait3A_335, %dma_wait3A_336] : memref<3200x16xf32, #tpu.memory_space<vmem>> -> memref<128x16xf32, #tpu.memory_space<vmem>>
    %dma_wait3A_338 = arith.constant 0 : i32
    %dma_wait3A_339 = tpu.memref_slice %arg23[%dma_wait3A, %dma_wait3A_338] : memref<25x128xi32, #tpu.memory_space<vmem>> -> memref<1x128xi32, #tpu.memory_space<vmem>>
    %dma_wait3A_340 = tpu.memref_squeeze %dma_wait3A_339 : memref<1x128xi32, #tpu.memory_space<vmem>> -> memref<128xi32, #tpu.memory_space<vmem>>
    %dma_wait3A_341 = arith.constant 0 : i32
    %dma_wait3A_342 = arith.constant 0 : i32
    %dma_wait3A_343 = tpu.memref_slice %arg27[%dma_wait3A_341, %dma_wait3A_342] : memref<3200x16xf32, #tpu.memory_space<vmem_shared>> -> memref<3200x16xf32, #tpu.memory_space<vmem_shared>>
    tpu.wait_indirect_dma semaphore(%arg26 : memref<!tpu.dma_semaphore, #tpu.memory_space<semaphore_mem>>) src(%dma_wait3A_337 : memref<128x16xf32, #tpu.memory_space<vmem>>) dst(%dma_wait3A_343 : memref<3200x16xf32, #tpu.memory_space<vmem_shared>>)
    %dma_wait3A_344 = arith.constant 1 : i32
    %dma_wait3A_345 = arith.constant 128 : i32
    %dma_wait3A_346 = arith.constant 0 : i32
    %dma_wait3A_347 = tpu.memref_slice %arg9[%dma_wait3A_345, %dma_wait3A_346] : memref<3200x16xf32, #tpu.memory_space<vmem>> -> memref<128x16xf32, #tpu.memory_space<vmem>>
    %dma_wait3A_348 = arith.constant 0 : i32
    %dma_wait3A_349 = tpu.memref_slice %arg23[%dma_wait3A_344, %dma_wait3A_348] : memref<25x128xi32, #tpu.memory_space<vmem>> -> memref<1x128xi32, #tpu.memory_space<vmem>>
    %dma_wait3A_350 = tpu.memref_squeeze %dma_wait3A_349 : memref<1x128xi32, #tpu.memory_space<vmem>> -> memref<128xi32, #tpu.memory_space<vmem>>
    %dma_wait3A_351 = arith.constant 0 : i32
    %dma_wait3A_352 = arith.constant 0 : i32
    %dma_wait3A_353 = tpu.memref_slice %arg27[%dma_wait3A_351, %dma_wait3A_352] : memref<3200x16xf32, #tpu.memory_space<vmem_shared>> -> memref<3200x16xf32, #tpu.memory_space<vmem_shared>>
    tpu.wait_indirect_dma semaphore(%arg26 : memref<!tpu.dma_semaphore, #tpu.memory_space<semaphore_mem>>) src(%dma_wait3A_347 : memref<128x16xf32, #tpu.memory_space<vmem>>) dst(%dma_wait3A_353 : memref<3200x16xf32, #tpu.memory_space<vmem_shared>>)
    %dma_wait3A_354 = arith.constant 2 : i32
    %dma_wait3A_355 = arith.constant 256 : i32
    %dma_wait3A_356 = arith.constant 0 : i32
    %dma_wait3A_357 = tpu.memref_slice %arg9[%dma_wait3A_355, %dma_wait3A_356] : memref<3200x16xf32, #tpu.memory_space<vmem>> -> memref<128x16xf32, #tpu.memory_space<vmem>>
    %dma_wait3A_358 = arith.constant 0 : i32
    %dma_wait3A_359 = tpu.memref_slice %arg23[%dma_wait3A_354, %dma_wait3A_358] : memref<25x128xi32, #tpu.memory_space<vmem>> -> memref<1x128xi32, #tpu.memory_space<vmem>>
    %dma_wait3A_360 = tpu.memref_squeeze %dma_wait3A_359 : memref<1x128xi32, #tpu.memory_space<vmem>> -> memref<128xi32, #tpu.memory_space<vmem>>
    %dma_wait3A_361 = arith.constant 0 : i32
    %dma_wait3A_362 = arith.constant 0 : i32
    %dma_wait3A_363 = tpu.memref_slice %arg27[%dma_wait3A_361, %dma_wait3A_362] : memref<3200x16xf32, #tpu.memory_space<vmem_shared>> -> memref<3200x16xf32, #tpu.memory_space<vmem_shared>>
    tpu.wait_indirect_dma semaphore(%arg26 : memref<!tpu.dma_semaphore, #tpu.memory_space<semaphore_mem>>) src(%dma_wait3A_357 : memref<128x16xf32, #tpu.memory_space<vmem>>) dst(%dma_wait3A_363 : memref<3200x16xf32, #tpu.memory_space<vmem_shared>>)
    %dma_wait3A_364 = arith.constant 3 : i32
    %dma_wait3A_365 = arith.constant 384 : i32
    %dma_wait3A_366 = arith.constant 0 : i32
    %dma_wait3A_367 = tpu.memref_slice %arg9[%dma_wait3A_365, %dma_wait3A_366] : memref<3200x16xf32, #tpu.memory_space<vmem>> -> memref<128x16xf32, #tpu.memory_space<vmem>>
    %dma_wait3A_368 = arith.constant 0 : i32
    %dma_wait3A_369 = tpu.memref_slice %arg23[%dma_wait3A_364, %dma_wait3A_368] : memref<25x128xi32, #tpu.memory_space<vmem>> -> memref<1x128xi32, #tpu.memory_space<vmem>>
    %dma_wait3A_370 = tpu.memref_squeeze %dma_wait3A_369 : memref<1x128xi32, #tpu.memory_space<vmem>> -> memref<128xi32, #tpu.memory_space<vmem>>
    %dma_wait3A_371 = arith.constant 0 : i32
    %dma_wait3A_372 = arith.constant 0 : i32
    %dma_wait3A_373 = tpu.memref_slice %arg27[%dma_wait3A_371, %dma_wait3A_372] : memref<3200x16xf32, #tpu.memory_space<vmem_shared>> -> memref<3200x16xf32, #tpu.memory_space<vmem_shared>>
    tpu.wait_indirect_dma semaphore(%arg26 : memref<!tpu.dma_semaphore, #tpu.memory_space<semaphore_mem>>) src(%dma_wait3A_367 : memref<128x16xf32, #tpu.memory_space<vmem>>) dst(%dma_wait3A_373 : memref<3200x16xf32, #tpu.memory_space<vmem_shared>>)
    %dma_wait3A_374 = arith.constant 4 : i32
    %dma_wait3A_375 = arith.constant 512 : i32
    %dma_wait3A_376 = arith.constant 0 : i32
    %dma_wait3A_377 = tpu.memref_slice %arg9[%dma_wait3A_375, %dma_wait3A_376] : memref<3200x16xf32, #tpu.memory_space<vmem>> -> memref<128x16xf32, #tpu.memory_space<vmem>>
    %dma_wait3A_378 = arith.constant 0 : i32
    %dma_wait3A_379 = tpu.memref_slice %arg23[%dma_wait3A_374, %dma_wait3A_378] : memref<25x128xi32, #tpu.memory_space<vmem>> -> memref<1x128xi32, #tpu.memory_space<vmem>>
    %dma_wait3A_380 = tpu.memref_squeeze %dma_wait3A_379 : memref<1x128xi32, #tpu.memory_space<vmem>> -> memref<128xi32, #tpu.memory_space<vmem>>
    %dma_wait3A_381 = arith.constant 0 : i32
    %dma_wait3A_382 = arith.constant 0 : i32
    %dma_wait3A_383 = tpu.memref_slice %arg27[%dma_wait3A_381, %dma_wait3A_382] : memref<3200x16xf32, #tpu.memory_space<vmem_shared>> -> memref<3200x16xf32, #tpu.memory_space<vmem_shared>>
    tpu.wait_indirect_dma semaphore(%arg26 : memref<!tpu.dma_semaphore, #tpu.memory_space<semaphore_mem>>) src(%dma_wait3A_377 : memref<128x16xf32, #tpu.memory_space<vmem>>) dst(%dma_wait3A_383 : memref<3200x16xf32, #tpu.memory_space<vmem_shared>>)
    %dma_wait3A_384 = arith.constant 5 : i32
    %dma_wait3A_385 = arith.constant 640 : i32
    %dma_wait3A_386 = arith.constant 0 : i32
    %dma_wait3A_387 = tpu.memref_slice %arg9[%dma_wait3A_385, %dma_wait3A_386] : memref<3200x16xf32, #tpu.memory_space<vmem>> -> memref<128x16xf32, #tpu.memory_space<vmem>>
    %dma_wait3A_388 = arith.constant 0 : i32
    %dma_wait3A_389 = tpu.memref_slice %arg23[%dma_wait3A_384, %dma_wait3A_388] : memref<25x128xi32, #tpu.memory_space<vmem>> -> memref<1x128xi32, #tpu.memory_space<vmem>>
    %dma_wait3A_390 = tpu.memref_squeeze %dma_wait3A_389 : memref<1x128xi32, #tpu.memory_space<vmem>> -> memref<128xi32, #tpu.memory_space<vmem>>
    %dma_wait3A_391 = arith.constant 0 : i32
    %dma_wait3A_392 = arith.constant 0 : i32
    %dma_wait3A_393 = tpu.memref_slice %arg27[%dma_wait3A_391, %dma_wait3A_392] : memref<3200x16xf32, #tpu.memory_space<vmem_shared>> -> memref<3200x16xf32, #tpu.memory_space<vmem_shared>>
    tpu.wait_indirect_dma semaphore(%arg26 : memref<!tpu.dma_semaphore, #tpu.memory_space<semaphore_mem>>) src(%dma_wait3A_387 : memref<128x16xf32, #tpu.memory_space<vmem>>) dst(%dma_wait3A_393 : memref<3200x16xf32, #tpu.memory_space<vmem_shared>>)
    %dma_wait3A_394 = arith.constant 6 : i32
    %dma_wait3A_395 = arith.constant 768 : i32
    %dma_wait3A_396 = arith.constant 0 : i32
    %dma_wait3A_397 = tpu.memref_slice %arg9[%dma_wait3A_395, %dma_wait3A_396] : memref<3200x16xf32, #tpu.memory_space<vmem>> -> memref<128x16xf32, #tpu.memory_space<vmem>>
    %dma_wait3A_398 = arith.constant 0 : i32
    %dma_wait3A_399 = tpu.memref_slice %arg23[%dma_wait3A_394, %dma_wait3A_398] : memref<25x128xi32, #tpu.memory_space<vmem>> -> memref<1x128xi32, #tpu.memory_space<vmem>>
    %dma_wait3A_400 = tpu.memref_squeeze %dma_wait3A_399 : memref<1x128xi32, #tpu.memory_space<vmem>> -> memref<128xi32, #tpu.memory_space<vmem>>
    %dma_wait3A_401 = arith.constant 0 : i32
    %dma_wait3A_402 = arith.constant 0 : i32
    %dma_wait3A_403 = tpu.memref_slice %arg27[%dma_wait3A_401, %dma_wait3A_402] : memref<3200x16xf32, #tpu.memory_space<vmem_shared>> -> memref<3200x16xf32, #tpu.memory_space<vmem_shared>>
    tpu.wait_indirect_dma semaphore(%arg26 : memref<!tpu.dma_semaphore, #tpu.memory_space<semaphore_mem>>) src(%dma_wait3A_397 : memref<128x16xf32, #tpu.memory_space<vmem>>) dst(%dma_wait3A_403 : memref<3200x16xf32, #tpu.memory_space<vmem_shared>>)
    %dma_wait3A_404 = arith.constant 7 : i32
    %dma_wait3A_405 = arith.constant 896 : i32
    %dma_wait3A_406 = arith.constant 0 : i32
    %dma_wait3A_407 = tpu.memref_slice %arg9[%dma_wait3A_405, %dma_wait3A_406] : memref<3200x16xf32, #tpu.memory_space<vmem>> -> memref<128x16xf32, #tpu.memory_space<vmem>>
    %dma_wait3A_408 = arith.constant 0 : i32
    %dma_wait3A_409 = tpu.memref_slice %arg23[%dma_wait3A_404, %dma_wait3A_408] : memref<25x128xi32, #tpu.memory_space<vmem>> -> memref<1x128xi32, #tpu.memory_space<vmem>>
    %dma_wait3A_410 = tpu.memref_squeeze %dma_wait3A_409 : memref<1x128xi32, #tpu.memory_space<vmem>> -> memref<128xi32, #tpu.memory_space<vmem>>
    %dma_wait3A_411 = arith.constant 0 : i32
    %dma_wait3A_412 = arith.constant 0 : i32
    %dma_wait3A_413 = tpu.memref_slice %arg27[%dma_wait3A_411, %dma_wait3A_412] : memref<3200x16xf32, #tpu.memory_space<vmem_shared>> -> memref<3200x16xf32, #tpu.memory_space<vmem_shared>>
    tpu.wait_indirect_dma semaphore(%arg26 : memref<!tpu.dma_semaphore, #tpu.memory_space<semaphore_mem>>) src(%dma_wait3A_407 : memref<128x16xf32, #tpu.memory_space<vmem>>) dst(%dma_wait3A_413 : memref<3200x16xf32, #tpu.memory_space<vmem_shared>>)
    %dma_wait3A_414 = arith.constant 8 : i32
    %dma_wait3A_415 = arith.constant 1024 : i32
    %dma_wait3A_416 = arith.constant 0 : i32
    %dma_wait3A_417 = tpu.memref_slice %arg9[%dma_wait3A_415, %dma_wait3A_416] : memref<3200x16xf32, #tpu.memory_space<vmem>> -> memref<128x16xf32, #tpu.memory_space<vmem>>
    %dma_wait3A_418 = arith.constant 0 : i32
    %dma_wait3A_419 = tpu.memref_slice %arg23[%dma_wait3A_414, %dma_wait3A_418] : memref<25x128xi32, #tpu.memory_space<vmem>> -> memref<1x128xi32, #tpu.memory_space<vmem>>
    %dma_wait3A_420 = tpu.memref_squeeze %dma_wait3A_419 : memref<1x128xi32, #tpu.memory_space<vmem>> -> memref<128xi32, #tpu.memory_space<vmem>>
    %dma_wait3A_421 = arith.constant 0 : i32
    %dma_wait3A_422 = arith.constant 0 : i32
    %dma_wait3A_423 = tpu.memref_slice %arg27[%dma_wait3A_421, %dma_wait3A_422] : memref<3200x16xf32, #tpu.memory_space<vmem_shared>> -> memref<3200x16xf32, #tpu.memory_space<vmem_shared>>
    tpu.wait_indirect_dma semaphore(%arg26 : memref<!tpu.dma_semaphore, #tpu.memory_space<semaphore_mem>>) src(%dma_wait3A_417 : memref<128x16xf32, #tpu.memory_space<vmem>>) dst(%dma_wait3A_423 : memref<3200x16xf32, #tpu.memory_space<vmem_shared>>)
    %dma_wait3A_424 = arith.constant 9 : i32
    %dma_wait3A_425 = arith.constant 1152 : i32
    %dma_wait3A_426 = arith.constant 0 : i32
    %dma_wait3A_427 = tpu.memref_slice %arg9[%dma_wait3A_425, %dma_wait3A_426] : memref<3200x16xf32, #tpu.memory_space<vmem>> -> memref<128x16xf32, #tpu.memory_space<vmem>>
    %dma_wait3A_428 = arith.constant 0 : i32
    %dma_wait3A_429 = tpu.memref_slice %arg23[%dma_wait3A_424, %dma_wait3A_428] : memref<25x128xi32, #tpu.memory_space<vmem>> -> memref<1x128xi32, #tpu.memory_space<vmem>>
    %dma_wait3A_430 = tpu.memref_squeeze %dma_wait3A_429 : memref<1x128xi32, #tpu.memory_space<vmem>> -> memref<128xi32, #tpu.memory_space<vmem>>
    %dma_wait3A_431 = arith.constant 0 : i32
    %dma_wait3A_432 = arith.constant 0 : i32
    %dma_wait3A_433 = tpu.memref_slice %arg27[%dma_wait3A_431, %dma_wait3A_432] : memref<3200x16xf32, #tpu.memory_space<vmem_shared>> -> memref<3200x16xf32, #tpu.memory_space<vmem_shared>>
    tpu.wait_indirect_dma semaphore(%arg26 : memref<!tpu.dma_semaphore, #tpu.memory_space<semaphore_mem>>) src(%dma_wait3A_427 : memref<128x16xf32, #tpu.memory_space<vmem>>) dst(%dma_wait3A_433 : memref<3200x16xf32, #tpu.memory_space<vmem_shared>>)
    %dma_wait3A_434 = arith.constant 10 : i32
    %dma_wait3A_435 = arith.constant 1280 : i32
    %dma_wait3A_436 = arith.constant 0 : i32
    %dma_wait3A_437 = tpu.memref_slice %arg9[%dma_wait3A_435, %dma_wait3A_436] : memref<3200x16xf32, #tpu.memory_space<vmem>> -> memref<128x16xf32, #tpu.memory_space<vmem>>
    %dma_wait3A_438 = arith.constant 0 : i32
    %dma_wait3A_439 = tpu.memref_slice %arg23[%dma_wait3A_434, %dma_wait3A_438] : memref<25x128xi32, #tpu.memory_space<vmem>> -> memref<1x128xi32, #tpu.memory_space<vmem>>
    %dma_wait3A_440 = tpu.memref_squeeze %dma_wait3A_439 : memref<1x128xi32, #tpu.memory_space<vmem>> -> memref<128xi32, #tpu.memory_space<vmem>>
    %dma_wait3A_441 = arith.constant 0 : i32
    %dma_wait3A_442 = arith.constant 0 : i32
    %dma_wait3A_443 = tpu.memref_slice %arg27[%dma_wait3A_441, %dma_wait3A_442] : memref<3200x16xf32, #tpu.memory_space<vmem_shared>> -> memref<3200x16xf32, #tpu.memory_space<vmem_shared>>
    tpu.wait_indirect_dma semaphore(%arg26 : memref<!tpu.dma_semaphore, #tpu.memory_space<semaphore_mem>>) src(%dma_wait3A_437 : memref<128x16xf32, #tpu.memory_space<vmem>>) dst(%dma_wait3A_443 : memref<3200x16xf32, #tpu.memory_space<vmem_shared>>)
    %dma_wait3A_444 = arith.constant 11 : i32
    %dma_wait3A_445 = arith.constant 1408 : i32
    %dma_wait3A_446 = arith.constant 0 : i32
    %dma_wait3A_447 = tpu.memref_slice %arg9[%dma_wait3A_445, %dma_wait3A_446] : memref<3200x16xf32, #tpu.memory_space<vmem>> -> memref<128x16xf32, #tpu.memory_space<vmem>>
    %dma_wait3A_448 = arith.constant 0 : i32
    %dma_wait3A_449 = tpu.memref_slice %arg23[%dma_wait3A_444, %dma_wait3A_448] : memref<25x128xi32, #tpu.memory_space<vmem>> -> memref<1x128xi32, #tpu.memory_space<vmem>>
    %dma_wait3A_450 = tpu.memref_squeeze %dma_wait3A_449 : memref<1x128xi32, #tpu.memory_space<vmem>> -> memref<128xi32, #tpu.memory_space<vmem>>
    %dma_wait3A_451 = arith.constant 0 : i32
    %dma_wait3A_452 = arith.constant 0 : i32
    %dma_wait3A_453 = tpu.memref_slice %arg27[%dma_wait3A_451, %dma_wait3A_452] : memref<3200x16xf32, #tpu.memory_space<vmem_shared>> -> memref<3200x16xf32, #tpu.memory_space<vmem_shared>>
    tpu.wait_indirect_dma semaphore(%arg26 : memref<!tpu.dma_semaphore, #tpu.memory_space<semaphore_mem>>) src(%dma_wait3A_447 : memref<128x16xf32, #tpu.memory_space<vmem>>) dst(%dma_wait3A_453 : memref<3200x16xf32, #tpu.memory_space<vmem_shared>>)
    %dma_wait3A_454 = arith.constant 12 : i32
    %dma_wait3A_455 = arith.constant 1536 : i32
    %dma_wait3A_456 = arith.constant 0 : i32
    %dma_wait3A_457 = tpu.memref_slice %arg9[%dma_wait3A_455, %dma_wait3A_456] : memref<3200x16xf32, #tpu.memory_space<vmem>> -> memref<128x16xf32, #tpu.memory_space<vmem>>
    %dma_wait3A_458 = arith.constant 0 : i32
    %dma_wait3A_459 = tpu.memref_slice %arg23[%dma_wait3A_454, %dma_wait3A_458] : memref<25x128xi32, #tpu.memory_space<vmem>> -> memref<1x128xi32, #tpu.memory_space<vmem>>
    %dma_wait3A_460 = tpu.memref_squeeze %dma_wait3A_459 : memref<1x128xi32, #tpu.memory_space<vmem>> -> memref<128xi32, #tpu.memory_space<vmem>>
    %dma_wait3A_461 = arith.constant 0 : i32
    %dma_wait3A_462 = arith.constant 0 : i32
    %dma_wait3A_463 = tpu.memref_slice %arg27[%dma_wait3A_461, %dma_wait3A_462] : memref<3200x16xf32, #tpu.memory_space<vmem_shared>> -> memref<3200x16xf32, #tpu.memory_space<vmem_shared>>
    tpu.wait_indirect_dma semaphore(%arg26 : memref<!tpu.dma_semaphore, #tpu.memory_space<semaphore_mem>>) src(%dma_wait3A_457 : memref<128x16xf32, #tpu.memory_space<vmem>>) dst(%dma_wait3A_463 : memref<3200x16xf32, #tpu.memory_space<vmem_shared>>)
    %dma_wait3A_464 = arith.constant 13 : i32
    %dma_wait3A_465 = arith.constant 1664 : i32
    %dma_wait3A_466 = arith.constant 0 : i32
    %dma_wait3A_467 = tpu.memref_slice %arg9[%dma_wait3A_465, %dma_wait3A_466] : memref<3200x16xf32, #tpu.memory_space<vmem>> -> memref<128x16xf32, #tpu.memory_space<vmem>>
    %dma_wait3A_468 = arith.constant 0 : i32
    %dma_wait3A_469 = tpu.memref_slice %arg23[%dma_wait3A_464, %dma_wait3A_468] : memref<25x128xi32, #tpu.memory_space<vmem>> -> memref<1x128xi32, #tpu.memory_space<vmem>>
    %dma_wait3A_470 = tpu.memref_squeeze %dma_wait3A_469 : memref<1x128xi32, #tpu.memory_space<vmem>> -> memref<128xi32, #tpu.memory_space<vmem>>
    %dma_wait3A_471 = arith.constant 0 : i32
    %dma_wait3A_472 = arith.constant 0 : i32
    %dma_wait3A_473 = tpu.memref_slice %arg27[%dma_wait3A_471, %dma_wait3A_472] : memref<3200x16xf32, #tpu.memory_space<vmem_shared>> -> memref<3200x16xf32, #tpu.memory_space<vmem_shared>>
    tpu.wait_indirect_dma semaphore(%arg26 : memref<!tpu.dma_semaphore, #tpu.memory_space<semaphore_mem>>) src(%dma_wait3A_467 : memref<128x16xf32, #tpu.memory_space<vmem>>) dst(%dma_wait3A_473 : memref<3200x16xf32, #tpu.memory_space<vmem_shared>>)
    %dma_wait3A_474 = arith.constant 14 : i32
    %dma_wait3A_475 = arith.constant 1792 : i32
    %dma_wait3A_476 = arith.constant 0 : i32
    %dma_wait3A_477 = tpu.memref_slice %arg9[%dma_wait3A_475, %dma_wait3A_476] : memref<3200x16xf32, #tpu.memory_space<vmem>> -> memref<128x16xf32, #tpu.memory_space<vmem>>
    %dma_wait3A_478 = arith.constant 0 : i32
    %dma_wait3A_479 = tpu.memref_slice %arg23[%dma_wait3A_474, %dma_wait3A_478] : memref<25x128xi32, #tpu.memory_space<vmem>> -> memref<1x128xi32, #tpu.memory_space<vmem>>
    %dma_wait3A_480 = tpu.memref_squeeze %dma_wait3A_479 : memref<1x128xi32, #tpu.memory_space<vmem>> -> memref<128xi32, #tpu.memory_space<vmem>>
    %dma_wait3A_481 = arith.constant 0 : i32
    %dma_wait3A_482 = arith.constant 0 : i32
    %dma_wait3A_483 = tpu.memref_slice %arg27[%dma_wait3A_481, %dma_wait3A_482] : memref<3200x16xf32, #tpu.memory_space<vmem_shared>> -> memref<3200x16xf32, #tpu.memory_space<vmem_shared>>
    tpu.wait_indirect_dma semaphore(%arg26 : memref<!tpu.dma_semaphore, #tpu.memory_space<semaphore_mem>>) src(%dma_wait3A_477 : memref<128x16xf32, #tpu.memory_space<vmem>>) dst(%dma_wait3A_483 : memref<3200x16xf32, #tpu.memory_space<vmem_shared>>)
    %dma_wait3A_484 = arith.constant 15 : i32
    %dma_wait3A_485 = arith.constant 1920 : i32
    %dma_wait3A_486 = arith.constant 0 : i32
    %dma_wait3A_487 = tpu.memref_slice %arg9[%dma_wait3A_485, %dma_wait3A_486] : memref<3200x16xf32, #tpu.memory_space<vmem>> -> memref<128x16xf32, #tpu.memory_space<vmem>>
    %dma_wait3A_488 = arith.constant 0 : i32
    %dma_wait3A_489 = tpu.memref_slice %arg23[%dma_wait3A_484, %dma_wait3A_488] : memref<25x128xi32, #tpu.memory_space<vmem>> -> memref<1x128xi32, #tpu.memory_space<vmem>>
    %dma_wait3A_490 = tpu.memref_squeeze %dma_wait3A_489 : memref<1x128xi32, #tpu.memory_space<vmem>> -> memref<128xi32, #tpu.memory_space<vmem>>
    %dma_wait3A_491 = arith.constant 0 : i32
    %dma_wait3A_492 = arith.constant 0 : i32
    %dma_wait3A_493 = tpu.memref_slice %arg27[%dma_wait3A_491, %dma_wait3A_492] : memref<3200x16xf32, #tpu.memory_space<vmem_shared>> -> memref<3200x16xf32, #tpu.memory_space<vmem_shared>>
    tpu.wait_indirect_dma semaphore(%arg26 : memref<!tpu.dma_semaphore, #tpu.memory_space<semaphore_mem>>) src(%dma_wait3A_487 : memref<128x16xf32, #tpu.memory_space<vmem>>) dst(%dma_wait3A_493 : memref<3200x16xf32, #tpu.memory_space<vmem_shared>>)
    %dma_wait3A_494 = arith.constant 16 : i32
    %dma_wait3A_495 = arith.constant 2048 : i32
    %dma_wait3A_496 = arith.constant 0 : i32
    %dma_wait3A_497 = tpu.memref_slice %arg9[%dma_wait3A_495, %dma_wait3A_496] : memref<3200x16xf32, #tpu.memory_space<vmem>> -> memref<128x16xf32, #tpu.memory_space<vmem>>
    %dma_wait3A_498 = arith.constant 0 : i32
    %dma_wait3A_499 = tpu.memref_slice %arg23[%dma_wait3A_494, %dma_wait3A_498] : memref<25x128xi32, #tpu.memory_space<vmem>> -> memref<1x128xi32, #tpu.memory_space<vmem>>
    %dma_wait3A_500 = tpu.memref_squeeze %dma_wait3A_499 : memref<1x128xi32, #tpu.memory_space<vmem>> -> memref<128xi32, #tpu.memory_space<vmem>>
    %dma_wait3A_501 = arith.constant 0 : i32
    %dma_wait3A_502 = arith.constant 0 : i32
    %dma_wait3A_503 = tpu.memref_slice %arg27[%dma_wait3A_501, %dma_wait3A_502] : memref<3200x16xf32, #tpu.memory_space<vmem_shared>> -> memref<3200x16xf32, #tpu.memory_space<vmem_shared>>
    tpu.wait_indirect_dma semaphore(%arg26 : memref<!tpu.dma_semaphore, #tpu.memory_space<semaphore_mem>>) src(%dma_wait3A_497 : memref<128x16xf32, #tpu.memory_space<vmem>>) dst(%dma_wait3A_503 : memref<3200x16xf32, #tpu.memory_space<vmem_shared>>)
    %dma_wait3A_504 = arith.constant 17 : i32
    %dma_wait3A_505 = arith.constant 2176 : i32
    %dma_wait3A_506 = arith.constant 0 : i32
    %dma_wait3A_507 = tpu.memref_slice %arg9[%dma_wait3A_505, %dma_wait3A_506] : memref<3200x16xf32, #tpu.memory_space<vmem>> -> memref<128x16xf32, #tpu.memory_space<vmem>>
    %dma_wait3A_508 = arith.constant 0 : i32
    %dma_wait3A_509 = tpu.memref_slice %arg23[%dma_wait3A_504, %dma_wait3A_508] : memref<25x128xi32, #tpu.memory_space<vmem>> -> memref<1x128xi32, #tpu.memory_space<vmem>>
    %dma_wait3A_510 = tpu.memref_squeeze %dma_wait3A_509 : memref<1x128xi32, #tpu.memory_space<vmem>> -> memref<128xi32, #tpu.memory_space<vmem>>
    %dma_wait3A_511 = arith.constant 0 : i32
    %dma_wait3A_512 = arith.constant 0 : i32
    %dma_wait3A_513 = tpu.memref_slice %arg27[%dma_wait3A_511, %dma_wait3A_512] : memref<3200x16xf32, #tpu.memory_space<vmem_shared>> -> memref<3200x16xf32, #tpu.memory_space<vmem_shared>>
    tpu.wait_indirect_dma semaphore(%arg26 : memref<!tpu.dma_semaphore, #tpu.memory_space<semaphore_mem>>) src(%dma_wait3A_507 : memref<128x16xf32, #tpu.memory_space<vmem>>) dst(%dma_wait3A_513 : memref<3200x16xf32, #tpu.memory_space<vmem_shared>>)
    %dma_wait3A_514 = arith.constant 18 : i32
    %dma_wait3A_515 = arith.constant 2304 : i32
    %dma_wait3A_516 = arith.constant 0 : i32
    %dma_wait3A_517 = tpu.memref_slice %arg9[%dma_wait3A_515, %dma_wait3A_516] : memref<3200x16xf32, #tpu.memory_space<vmem>> -> memref<128x16xf32, #tpu.memory_space<vmem>>
    %dma_wait3A_518 = arith.constant 0 : i32
    %dma_wait3A_519 = tpu.memref_slice %arg23[%dma_wait3A_514, %dma_wait3A_518] : memref<25x128xi32, #tpu.memory_space<vmem>> -> memref<1x128xi32, #tpu.memory_space<vmem>>
    %dma_wait3A_520 = tpu.memref_squeeze %dma_wait3A_519 : memref<1x128xi32, #tpu.memory_space<vmem>> -> memref<128xi32, #tpu.memory_space<vmem>>
    %dma_wait3A_521 = arith.constant 0 : i32
    %dma_wait3A_522 = arith.constant 0 : i32
    %dma_wait3A_523 = tpu.memref_slice %arg27[%dma_wait3A_521, %dma_wait3A_522] : memref<3200x16xf32, #tpu.memory_space<vmem_shared>> -> memref<3200x16xf32, #tpu.memory_space<vmem_shared>>
    tpu.wait_indirect_dma semaphore(%arg26 : memref<!tpu.dma_semaphore, #tpu.memory_space<semaphore_mem>>) src(%dma_wait3A_517 : memref<128x16xf32, #tpu.memory_space<vmem>>) dst(%dma_wait3A_523 : memref<3200x16xf32, #tpu.memory_space<vmem_shared>>)
    %dma_wait3A_524 = arith.constant 19 : i32
    %dma_wait3A_525 = arith.constant 2432 : i32
    %dma_wait3A_526 = arith.constant 0 : i32
    %dma_wait3A_527 = tpu.memref_slice %arg9[%dma_wait3A_525, %dma_wait3A_526] : memref<3200x16xf32, #tpu.memory_space<vmem>> -> memref<128x16xf32, #tpu.memory_space<vmem>>
    %dma_wait3A_528 = arith.constant 0 : i32
    %dma_wait3A_529 = tpu.memref_slice %arg23[%dma_wait3A_524, %dma_wait3A_528] : memref<25x128xi32, #tpu.memory_space<vmem>> -> memref<1x128xi32, #tpu.memory_space<vmem>>
    %dma_wait3A_530 = tpu.memref_squeeze %dma_wait3A_529 : memref<1x128xi32, #tpu.memory_space<vmem>> -> memref<128xi32, #tpu.memory_space<vmem>>
    %dma_wait3A_531 = arith.constant 0 : i32
    %dma_wait3A_532 = arith.constant 0 : i32
    %dma_wait3A_533 = tpu.memref_slice %arg27[%dma_wait3A_531, %dma_wait3A_532] : memref<3200x16xf32, #tpu.memory_space<vmem_shared>> -> memref<3200x16xf32, #tpu.memory_space<vmem_shared>>
    tpu.wait_indirect_dma semaphore(%arg26 : memref<!tpu.dma_semaphore, #tpu.memory_space<semaphore_mem>>) src(%dma_wait3A_527 : memref<128x16xf32, #tpu.memory_space<vmem>>) dst(%dma_wait3A_533 : memref<3200x16xf32, #tpu.memory_space<vmem_shared>>)
    %dma_wait3A_534 = arith.constant 20 : i32
    %dma_wait3A_535 = arith.constant 2560 : i32
    %dma_wait3A_536 = arith.constant 0 : i32
    %dma_wait3A_537 = tpu.memref_slice %arg9[%dma_wait3A_535, %dma_wait3A_536] : memref<3200x16xf32, #tpu.memory_space<vmem>> -> memref<128x16xf32, #tpu.memory_space<vmem>>
    %dma_wait3A_538 = arith.constant 0 : i32
    %dma_wait3A_539 = tpu.memref_slice %arg23[%dma_wait3A_534, %dma_wait3A_538] : memref<25x128xi32, #tpu.memory_space<vmem>> -> memref<1x128xi32, #tpu.memory_space<vmem>>
    %dma_wait3A_540 = tpu.memref_squeeze %dma_wait3A_539 : memref<1x128xi32, #tpu.memory_space<vmem>> -> memref<128xi32, #tpu.memory_space<vmem>>
    %dma_wait3A_541 = arith.constant 0 : i32
    %dma_wait3A_542 = arith.constant 0 : i32
    %dma_wait3A_543 = tpu.memref_slice %arg27[%dma_wait3A_541, %dma_wait3A_542] : memref<3200x16xf32, #tpu.memory_space<vmem_shared>> -> memref<3200x16xf32, #tpu.memory_space<vmem_shared>>
    tpu.wait_indirect_dma semaphore(%arg26 : memref<!tpu.dma_semaphore, #tpu.memory_space<semaphore_mem>>) src(%dma_wait3A_537 : memref<128x16xf32, #tpu.memory_space<vmem>>) dst(%dma_wait3A_543 : memref<3200x16xf32, #tpu.memory_space<vmem_shared>>)
    %dma_wait3A_544 = arith.constant 21 : i32
    %dma_wait3A_545 = arith.constant 2688 : i32
    %dma_wait3A_546 = arith.constant 0 : i32
    %dma_wait3A_547 = tpu.memref_slice %arg9[%dma_wait3A_545, %dma_wait3A_546] : memref<3200x16xf32, #tpu.memory_space<vmem>> -> memref<128x16xf32, #tpu.memory_space<vmem>>
    %dma_wait3A_548 = arith.constant 0 : i32
    %dma_wait3A_549 = tpu.memref_slice %arg23[%dma_wait3A_544, %dma_wait3A_548] : memref<25x128xi32, #tpu.memory_space<vmem>> -> memref<1x128xi32, #tpu.memory_space<vmem>>
    %dma_wait3A_550 = tpu.memref_squeeze %dma_wait3A_549 : memref<1x128xi32, #tpu.memory_space<vmem>> -> memref<128xi32, #tpu.memory_space<vmem>>
    %dma_wait3A_551 = arith.constant 0 : i32
    %dma_wait3A_552 = arith.constant 0 : i32
    %dma_wait3A_553 = tpu.memref_slice %arg27[%dma_wait3A_551, %dma_wait3A_552] : memref<3200x16xf32, #tpu.memory_space<vmem_shared>> -> memref<3200x16xf32, #tpu.memory_space<vmem_shared>>
    tpu.wait_indirect_dma semaphore(%arg26 : memref<!tpu.dma_semaphore, #tpu.memory_space<semaphore_mem>>) src(%dma_wait3A_547 : memref<128x16xf32, #tpu.memory_space<vmem>>) dst(%dma_wait3A_553 : memref<3200x16xf32, #tpu.memory_space<vmem_shared>>)
    %dma_wait3A_554 = arith.constant 22 : i32
    %dma_wait3A_555 = arith.constant 2816 : i32
    %dma_wait3A_556 = arith.constant 0 : i32
    %dma_wait3A_557 = tpu.memref_slice %arg9[%dma_wait3A_555, %dma_wait3A_556] : memref<3200x16xf32, #tpu.memory_space<vmem>> -> memref<128x16xf32, #tpu.memory_space<vmem>>
    %dma_wait3A_558 = arith.constant 0 : i32
    %dma_wait3A_559 = tpu.memref_slice %arg23[%dma_wait3A_554, %dma_wait3A_558] : memref<25x128xi32, #tpu.memory_space<vmem>> -> memref<1x128xi32, #tpu.memory_space<vmem>>
    %dma_wait3A_560 = tpu.memref_squeeze %dma_wait3A_559 : memref<1x128xi32, #tpu.memory_space<vmem>> -> memref<128xi32, #tpu.memory_space<vmem>>
    %dma_wait3A_561 = arith.constant 0 : i32
    %dma_wait3A_562 = arith.constant 0 : i32
    %dma_wait3A_563 = tpu.memref_slice %arg27[%dma_wait3A_561, %dma_wait3A_562] : memref<3200x16xf32, #tpu.memory_space<vmem_shared>> -> memref<3200x16xf32, #tpu.memory_space<vmem_shared>>
    tpu.wait_indirect_dma semaphore(%arg26 : memref<!tpu.dma_semaphore, #tpu.memory_space<semaphore_mem>>) src(%dma_wait3A_557 : memref<128x16xf32, #tpu.memory_space<vmem>>) dst(%dma_wait3A_563 : memref<3200x16xf32, #tpu.memory_space<vmem_shared>>)
    %dma_wait3A_564 = arith.constant 23 : i32
    %dma_wait3A_565 = arith.constant 2944 : i32
    %dma_wait3A_566 = arith.constant 0 : i32
    %dma_wait3A_567 = tpu.memref_slice %arg9[%dma_wait3A_565, %dma_wait3A_566] : memref<3200x16xf32, #tpu.memory_space<vmem>> -> memref<128x16xf32, #tpu.memory_space<vmem>>
    %dma_wait3A_568 = arith.constant 0 : i32
    %dma_wait3A_569 = tpu.memref_slice %arg23[%dma_wait3A_564, %dma_wait3A_568] : memref<25x128xi32, #tpu.memory_space<vmem>> -> memref<1x128xi32, #tpu.memory_space<vmem>>
    %dma_wait3A_570 = tpu.memref_squeeze %dma_wait3A_569 : memref<1x128xi32, #tpu.memory_space<vmem>> -> memref<128xi32, #tpu.memory_space<vmem>>
    %dma_wait3A_571 = arith.constant 0 : i32
    %dma_wait3A_572 = arith.constant 0 : i32
    %dma_wait3A_573 = tpu.memref_slice %arg27[%dma_wait3A_571, %dma_wait3A_572] : memref<3200x16xf32, #tpu.memory_space<vmem_shared>> -> memref<3200x16xf32, #tpu.memory_space<vmem_shared>>
    tpu.wait_indirect_dma semaphore(%arg26 : memref<!tpu.dma_semaphore, #tpu.memory_space<semaphore_mem>>) src(%dma_wait3A_567 : memref<128x16xf32, #tpu.memory_space<vmem>>) dst(%dma_wait3A_573 : memref<3200x16xf32, #tpu.memory_space<vmem_shared>>)
    %dma_wait3A_574 = arith.constant 24 : i32
    %dma_wait3A_575 = arith.constant 3072 : i32
    %dma_wait3A_576 = arith.constant 0 : i32
    %dma_wait3A_577 = tpu.memref_slice %arg9[%dma_wait3A_575, %dma_wait3A_576] : memref<3200x16xf32, #tpu.memory_space<vmem>> -> memref<128x16xf32, #tpu.memory_space<vmem>>
    %dma_wait3A_578 = arith.constant 0 : i32
    %dma_wait3A_579 = tpu.memref_slice %arg23[%dma_wait3A_574, %dma_wait3A_578] : memref<25x128xi32, #tpu.memory_space<vmem>> -> memref<1x128xi32, #tpu.memory_space<vmem>>
    %dma_wait3A_580 = tpu.memref_squeeze %dma_wait3A_579 : memref<1x128xi32, #tpu.memory_space<vmem>> -> memref<128xi32, #tpu.memory_space<vmem>>
    %dma_wait3A_581 = arith.constant 0 : i32
    %dma_wait3A_582 = arith.constant 0 : i32
    %dma_wait3A_583 = tpu.memref_slice %arg27[%dma_wait3A_581, %dma_wait3A_582] : memref<3200x16xf32, #tpu.memory_space<vmem_shared>> -> memref<3200x16xf32, #tpu.memory_space<vmem_shared>>
    tpu.wait_indirect_dma semaphore(%arg26 : memref<!tpu.dma_semaphore, #tpu.memory_space<semaphore_mem>>) src(%dma_wait3A_577 : memref<128x16xf32, #tpu.memory_space<vmem>>) dst(%dma_wait3A_583 : memref<3200x16xf32, #tpu.memory_space<vmem_shared>>)
    %barrier3A_584 = arith.constant 0 : index
    tpu.barrier barrier_id(%barrier3A_584)
    %mul3A_585 = arith.constant 200 : i32
    %mul3A_586 = arith.muli %arg1, %mul3A_585 : i32
    "tpu.region"() ({
      %run_scoped3A = tpu.sem_alloc : memref<!tpu.dma_semaphore, #tpu.memory_space<semaphore_mem>>
      %dma_start3A_1141 = arith.constant 0 : i32
      %dma_start3A_1142 = tpu.memref_slice %arg27[%mul3A_586, %dma_start3A_1141] : memref<3200x16xf32, #tpu.memory_space<vmem_shared>> -> memref<200x16xf32, #tpu.memory_space<vmem_shared>>
      %dma_start3A_1143 = arith.constant 0 : i32
      %dma_start3A_1144 = tpu.memref_slice %arg27[%mul3A_586, %dma_start3A_1143] : memref<3200x16xf32, #tpu.memory_space<vmem_shared>> -> memref<200x16xf32, #tpu.memory_space<vmem_shared>>
      tpu.enqueue_dma source(%dma_start3A_1144 : memref<200x16xf32, #tpu.memory_space<vmem_shared>>) target(%arg10 : memref<200x16xf32, #tpu.memory_space<vmem>>) target_semaphore(%run_scoped3A : memref<!tpu.dma_semaphore, #tpu.memory_space<semaphore_mem>>)
      %dma_wait3A_1145 = arith.constant 0 : i32
      %dma_wait3A_1146 = tpu.memref_slice %arg27[%mul3A_586, %dma_wait3A_1145] : memref<3200x16xf32, #tpu.memory_space<vmem_shared>> -> memref<200x16xf32, #tpu.memory_space<vmem_shared>>
      %dma_wait3A_1147 = arith.constant 0 : i32
      %dma_wait3A_1148 = tpu.memref_slice %arg27[%mul3A_586, %dma_wait3A_1147] : memref<3200x16xf32, #tpu.memory_space<vmem_shared>> -> memref<200x16xf32, #tpu.memory_space<vmem_shared>>
      tpu.wait_dma2 semaphore(%run_scoped3A : memref<!tpu.dma_semaphore, #tpu.memory_space<semaphore_mem>>) src(%dma_wait3A_1148 : memref<200x16xf32, #tpu.memory_space<vmem_shared>>) dst(%arg10 : memref<200x16xf32, #tpu.memory_space<vmem>>)
      tpu.yield
    }) : () -> ()
    %mul3A_587 = arith.constant 200 : i32
    %mul3A_588 = arith.muli %arg1, %mul3A_587 : i32
    "tpu.region"() ({
      %run_scoped3A = tpu.sem_alloc : memref<!tpu.dma_semaphore, #tpu.memory_space<semaphore_mem>>
      %dma_start3A_1141 = arith.constant 0 : i32
      %dma_start3A_1142 = arith.constant 0 : i32
      %dma_start3A_1143 = tpu.memref_slice %arg9[%dma_start3A_1141, %dma_start3A_1142] : memref<3200x16xf32, #tpu.memory_space<vmem>> -> memref<200x16xf32, #tpu.memory_space<vmem>>
      %dma_start3A_1144 = arith.constant 0 : i32
      %dma_start3A_1145 = tpu.memref_slice %arg2[%arg0, %mul3A_588, %dma_start3A_1144] : memref<2x3200x16xf32, #tpu.memory_space<hbm>> -> memref<1x200x16xf32, #tpu.memory_space<hbm>>
      %dma_start3A_1146 = tpu.memref_squeeze %dma_start3A_1145 : memref<1x200x16xf32, #tpu.memory_space<hbm>> -> memref<200x16xf32, #tpu.memory_space<hbm>>
      %dma_start3A_1147 = arith.constant 0 : i32
      %dma_start3A_1148 = arith.constant 0 : i32
      %dma_start3A_1149 = tpu.memref_slice %arg9[%dma_start3A_1147, %dma_start3A_1148] : memref<3200x16xf32, #tpu.memory_space<vmem>> -> memref<200x16xf32, #tpu.memory_space<vmem>>
      %dma_start3A_1150 = arith.constant 0 : i32
      %dma_start3A_1151 = tpu.memref_slice %arg2[%arg0, %mul3A_588, %dma_start3A_1150] : memref<2x3200x16xf32, #tpu.memory_space<hbm>> -> memref<1x200x16xf32, #tpu.memory_space<hbm>>
      %dma_start3A_1152 = tpu.memref_squeeze %dma_start3A_1151 : memref<1x200x16xf32, #tpu.memory_space<hbm>> -> memref<200x16xf32, #tpu.memory_space<hbm>>
      tpu.enqueue_dma source(%dma_start3A_1152 : memref<200x16xf32, #tpu.memory_space<hbm>>) target(%dma_start3A_1149 : memref<200x16xf32, #tpu.memory_space<vmem>>) target_semaphore(%run_scoped3A : memref<!tpu.dma_semaphore, #tpu.memory_space<semaphore_mem>>)
      %dma_wait3A_1153 = arith.constant 0 : i32
      %dma_wait3A_1154 = arith.constant 0 : i32
      %dma_wait3A_1155 = tpu.memref_slice %arg9[%dma_wait3A_1153, %dma_wait3A_1154] : memref<3200x16xf32, #tpu.memory_space<vmem>> -> memref<200x16xf32, #tpu.memory_space<vmem>>
      %dma_wait3A_1156 = arith.constant 0 : i32
      %dma_wait3A_1157 = tpu.memref_slice %arg2[%arg0, %mul3A_588, %dma_wait3A_1156] : memref<2x3200x16xf32, #tpu.memory_space<hbm>> -> memref<1x200x16xf32, #tpu.memory_space<hbm>>
      %dma_wait3A_1158 = tpu.memref_squeeze %dma_wait3A_1157 : memref<1x200x16xf32, #tpu.memory_space<hbm>> -> memref<200x16xf32, #tpu.memory_space<hbm>>
      %dma_wait3A_1159 = arith.constant 0 : i32
      %dma_wait3A_1160 = arith.constant 0 : i32
      %dma_wait3A_1161 = tpu.memref_slice %arg9[%dma_wait3A_1159, %dma_wait3A_1160] : memref<3200x16xf32, #tpu.memory_space<vmem>> -> memref<200x16xf32, #tpu.memory_space<vmem>>
      %dma_wait3A_1162 = arith.constant 0 : i32
      %dma_wait3A_1163 = tpu.memref_slice %arg2[%arg0, %mul3A_588, %dma_wait3A_1162] : memref<2x3200x16xf32, #tpu.memory_space<hbm>> -> memref<1x200x16xf32, #tpu.memory_space<hbm>>
      %dma_wait3A_1164 = tpu.memref_squeeze %dma_wait3A_1163 : memref<1x200x16xf32, #tpu.memory_space<hbm>> -> memref<200x16xf32, #tpu.memory_space<hbm>>
      tpu.wait_dma2 semaphore(%run_scoped3A : memref<!tpu.dma_semaphore, #tpu.memory_space<semaphore_mem>>) src(%dma_wait3A_1164 : memref<200x16xf32, #tpu.memory_space<hbm>>) dst(%dma_wait3A_1161 : memref<200x16xf32, #tpu.memory_space<vmem>>)
      tpu.yield
    }) : () -> ()
    %scan3A_589 = arith.constant 0 : i32
    %scan3A_590 = arith.constant 200 : i32
    %scan3A_591 = arith.addi %scan3A_589, %scan3A_590 : i32
    %scan3A_592 = arith.constant 1 : i32
    scf.for %scan3A_1141 = %scan3A_589 to %scan3A_591 step %scan3A_592  : i32 {
      %get3A_1142 = arith.index_cast %scan3A_1141 : i32 to index
      %get3A_1143 = arith.constant 0 : index
      %get3A_1144 = tpu.vector_load %arg10[%get3A_1142, %get3A_1143] {strides = array<i32>} : memref<200x16xf32, #tpu.memory_space<vmem>>, vector<16xf32>,
      %add3A_1145 = arith.addf %get3A_1144, %get3A_48 : vector<16xf32>
      %max3A = arith.constant 0.000000e+00 : f32
      %max3A_1146 = vector.broadcast %max3A : f32 to vector<16xf32>
      %max3A_1147 = arith.maximumf %add3A_1145, %max3A_1146 : vector<16xf32>
      %get3A_1148 = arith.index_cast %scan3A_1141 : i32 to index
      %get3A_1149 = arith.constant 0 : index
      %get3A_1150 = tpu.vector_load %arg9[%get3A_1148, %get3A_1149] {strides = array<i32>} : memref<3200x16xf32, #tpu.memory_space<vmem>>, vector<16xf32>,
      %add3A_1151 = arith.addf %max3A_1147, %get3A_1150 : vector<16xf32>
      %swap3A_1152 = arith.index_cast %scan3A_1141 : i32 to index
      %swap3A_1153 = arith.constant 0 : index
      %swap3A_1154 = tpu.vector_load %arg10[%swap3A_1152, %swap3A_1153] {strides = array<i32>} : memref<200x16xf32, #tpu.memory_space<vmem>>, vector<16xf32>,
      tpu.vector_store %arg10[%swap3A_1152, %swap3A_1153], %add3A_1151 {strides = array<i32>} : memref<200x16xf32, #tpu.memory_space<vmem>>, vector<16xf32>,
    }
    %scan3A_593 = arith.constant 200 : i32
    %mul3A_594 = arith.constant 200 : i32
    %mul3A_595 = arith.muli %arg1, %mul3A_594 : i32
    "tpu.region"() ({
      %run_scoped3A = tpu.sem_alloc : memref<!tpu.dma_semaphore, #tpu.memory_space<semaphore_mem>>
      %dma_start3A_1141 = arith.constant 0 : i32
      %dma_start3A_1142 = tpu.memref_slice %arg27[%mul3A_595, %dma_start3A_1141] : memref<3200x16xf32, #tpu.memory_space<vmem_shared>> -> memref<200x16xf32, #tpu.memory_space<vmem_shared>>
      %dma_start3A_1143 = arith.constant 0 : i32
      %dma_start3A_1144 = tpu.memref_slice %arg27[%mul3A_595, %dma_start3A_1143] : memref<3200x16xf32, #tpu.memory_space<vmem_shared>> -> memref<200x16xf32, #tpu.memory_space<vmem_shared>>
      tpu.enqueue_dma source(%arg10 : memref<200x16xf32, #tpu.memory_space<vmem>>) target(%dma_start3A_1144 : memref<200x16xf32, #tpu.memory_space<vmem_shared>>) target_semaphore(%run_scoped3A : memref<!tpu.dma_semaphore, #tpu.memory_space<semaphore_mem>>)
      %dma_wait3A_1145 = arith.constant 0 : i32
      %dma_wait3A_1146 = tpu.memref_slice %arg27[%mul3A_595, %dma_wait3A_1145] : memref<3200x16xf32, #tpu.memory_space<vmem_shared>> -> memref<200x16xf32, #tpu.memory_space<vmem_shared>>
      %dma_wait3A_1147 = arith.constant 0 : i32
      %dma_wait3A_1148 = tpu.memref_slice %arg27[%mul3A_595, %dma_wait3A_1147] : memref<3200x16xf32, #tpu.memory_space<vmem_shared>> -> memref<200x16xf32, #tpu.memory_space<vmem_shared>>
      tpu.wait_dma2 semaphore(%run_scoped3A : memref<!tpu.dma_semaphore, #tpu.memory_space<semaphore_mem>>) src(%arg10 : memref<200x16xf32, #tpu.memory_space<vmem>>) dst(%dma_wait3A_1148 : memref<200x16xf32, #tpu.memory_space<vmem_shared>>)
      tpu.yield
    }) : () -> ()
    %barrier3A_596 = arith.constant 0 : index
    tpu.barrier barrier_id(%barrier3A_596)
    "tpu.region"() ({
      %run_scoped3A = tpu.sem_alloc : memref<!tpu.dma_semaphore, #tpu.memory_space<semaphore_mem>>
      tpu.enqueue_dma source(%arg27 : memref<3200x16xf32, #tpu.memory_space<vmem_shared>>) target(%arg8 : memref<3200x16xf32, #tpu.memory_space<vmem>>) target_semaphore(%run_scoped3A : memref<!tpu.dma_semaphore, #tpu.memory_space<semaphore_mem>>)
      tpu.wait_dma2 semaphore(%run_scoped3A : memref<!tpu.dma_semaphore, #tpu.memory_space<semaphore_mem>>) src(%arg27 : memref<3200x16xf32, #tpu.memory_space<vmem_shared>>) dst(%arg8 : memref<3200x16xf32, #tpu.memory_space<vmem>>)
      tpu.yield
    }) : () -> ()
    %barrier3A_597 = arith.constant 0 : index
    tpu.barrier barrier_id(%barrier3A_597)
    %scan3A_598 = arith.constant 0 : i32
    %scan3A_599 = arith.constant 3200 : i32
    %scan3A_600 = arith.addi %scan3A_598, %scan3A_599 : i32
    %scan3A_601 = arith.constant 1 : i32
    scf.for %scan3A_1141 = %scan3A_598 to %scan3A_600 step %scan3A_601  : i32 {
      %swap3A_1142 = arith.index_cast %scan3A_1141 : i32 to index
      %swap3A_1143 = arith.constant 0 : index
      %swap3A_1144 = tpu.vector_load %arg9[%swap3A_1142, %swap3A_1143] {strides = array<i32>} : memref<3200x16xf32, #tpu.memory_space<vmem>>, vector<16xf32>,
      tpu.vector_store %arg9[%swap3A_1142, %swap3A_1143], %broadcast_in_dim3A_53 {strides = array<i32>} : memref<3200x16xf32, #tpu.memory_space<vmem>>, vector<16xf32>,
    }
    %scan3A_602 = arith.constant 3200 : i32
    %mul3A_603 = arith.constant 200 : i32
    %mul3A_604 = arith.muli %arg1, %mul3A_603 : i32
    %mul3A_605 = arith.constant 200 : i32
    %mul3A_606 = arith.muli %arg1, %mul3A_605 : i32
    "tpu.region"() ({
      %run_scoped3A = tpu.sem_alloc : memref<!tpu.dma_semaphore, #tpu.memory_space<semaphore_mem>>
      %dma_start3A_1141 = arith.constant 0 : i32
      %dma_start3A_1142 = tpu.memref_slice %arg9[%mul3A_604, %dma_start3A_1141] : memref<3200x16xf32, #tpu.memory_space<vmem>> -> memref<200x16xf32, #tpu.memory_space<vmem>>
      %dma_start3A_1143 = arith.constant 0 : i32
      %dma_start3A_1144 = tpu.memref_slice %arg27[%mul3A_606, %dma_start3A_1143] : memref<3200x16xf32, #tpu.memory_space<vmem_shared>> -> memref<200x16xf32, #tpu.memory_space<vmem_shared>>
      %dma_start3A_1145 = arith.constant 0 : i32
      %dma_start3A_1146 = tpu.memref_slice %arg27[%mul3A_606, %dma_start3A_1145] : memref<3200x16xf32, #tpu.memory_space<vmem_shared>> -> memref<200x16xf32, #tpu.memory_space<vmem_shared>>
      %dma_start3A_1147 = arith.constant 0 : i32
      %dma_start3A_1148 = tpu.memref_slice %arg9[%mul3A_604, %dma_start3A_1147] : memref<3200x16xf32, #tpu.memory_space<vmem>> -> memref<200x16xf32, #tpu.memory_space<vmem>>
      tpu.enqueue_dma source(%dma_start3A_1148 : memref<200x16xf32, #tpu.memory_space<vmem>>) target(%dma_start3A_1146 : memref<200x16xf32, #tpu.memory_space<vmem_shared>>) target_semaphore(%run_scoped3A : memref<!tpu.dma_semaphore, #tpu.memory_space<semaphore_mem>>)
      %dma_wait3A_1149 = arith.constant 0 : i32
      %dma_wait3A_1150 = tpu.memref_slice %arg9[%mul3A_604, %dma_wait3A_1149] : memref<3200x16xf32, #tpu.memory_space<vmem>> -> memref<200x16xf32, #tpu.memory_space<vmem>>
      %dma_wait3A_1151 = arith.constant 0 : i32
      %dma_wait3A_1152 = tpu.memref_slice %arg27[%mul3A_606, %dma_wait3A_1151] : memref<3200x16xf32, #tpu.memory_space<vmem_shared>> -> memref<200x16xf32, #tpu.memory_space<vmem_shared>>
      %dma_wait3A_1153 = arith.constant 0 : i32
      %dma_wait3A_1154 = tpu.memref_slice %arg27[%mul3A_606, %dma_wait3A_1153] : memref<3200x16xf32, #tpu.memory_space<vmem_shared>> -> memref<200x16xf32, #tpu.memory_space<vmem_shared>>
      %dma_wait3A_1155 = arith.constant 0 : i32
      %dma_wait3A_1156 = tpu.memref_slice %arg9[%mul3A_604, %dma_wait3A_1155] : memref<3200x16xf32, #tpu.memory_space<vmem>> -> memref<200x16xf32, #tpu.memory_space<vmem>>
      tpu.wait_dma2 semaphore(%run_scoped3A : memref<!tpu.dma_semaphore, #tpu.memory_space<semaphore_mem>>) src(%dma_wait3A_1156 : memref<200x16xf32, #tpu.memory_space<vmem>>) dst(%dma_wait3A_1154 : memref<200x16xf32, #tpu.memory_space<vmem_shared>>)
      tpu.yield
    }) : () -> ()
    %barrier3A_607 = arith.constant 0 : index
    tpu.barrier barrier_id(%barrier3A_607)
    %add3A_608 = arith.constant 0 : i32
    %add3A_609 = arith.addi %mul3A_64, %add3A_608 : i32
    %dma_start3A_610 = arith.constant 0 : i32
    %dma_start3A_611 = tpu.memref_slice %arg3[%dma_start3A_610, %add3A_609] : memref<2x1600000xi32, #tpu.memory_space<hbm>> -> memref<1x2000xi32, #tpu.memory_space<hbm>>
    %dma_start3A_612 = tpu.memref_squeeze %dma_start3A_611 : memref<1x2000xi32, #tpu.memory_space<hbm>> -> memref<2000xi32, #tpu.memory_space<hbm>>
    %dma_start3A_613 = tpu.memref_slice %arg3[%dma_start3A_610, %add3A_609] : memref<2x1600000xi32, #tpu.memory_space<hbm>> -> memref<1x2000xi32, #tpu.memory_space<hbm>>
    %dma_start3A_614 = tpu.memref_squeeze %dma_start3A_613 : memref<1x2000xi32, #tpu.memory_space<hbm>> -> memref<2000xi32, #tpu.memory_space<hbm>>
    tpu.enqueue_dma source(%dma_start3A_614 : memref<2000xi32, #tpu.memory_space<hbm>>) target(%arg11 : memref<2000xi32, #tpu.memory_space<vmem>>) target_semaphore(%arg24 : memref<!tpu.dma_semaphore, #tpu.memory_space<semaphore_mem>>)
    %dma_start3A_615 = arith.constant 1 : i32
    %dma_start3A_616 = tpu.memref_slice %arg3[%dma_start3A_615, %add3A_609] : memref<2x1600000xi32, #tpu.memory_space<hbm>> -> memref<1x2000xi32, #tpu.memory_space<hbm>>
    %dma_start3A_617 = tpu.memref_squeeze %dma_start3A_616 : memref<1x2000xi32, #tpu.memory_space<hbm>> -> memref<2000xi32, #tpu.memory_space<hbm>>
    %dma_start3A_618 = tpu.memref_slice %arg3[%dma_start3A_615, %add3A_609] : memref<2x1600000xi32, #tpu.memory_space<hbm>> -> memref<1x2000xi32, #tpu.memory_space<hbm>>
    %dma_start3A_619 = tpu.memref_squeeze %dma_start3A_618 : memref<1x2000xi32, #tpu.memory_space<hbm>> -> memref<2000xi32, #tpu.memory_space<hbm>>
    tpu.enqueue_dma source(%dma_start3A_619 : memref<2000xi32, #tpu.memory_space<hbm>>) target(%arg12 : memref<2000xi32, #tpu.memory_space<vmem>>) target_semaphore(%arg24 : memref<!tpu.dma_semaphore, #tpu.memory_space<semaphore_mem>>)
    %dma_start3A_620 = tpu.memref_slice %arg4[%add3A_609] : memref<1600000xi32, #tpu.memory_space<hbm>> -> memref<2000xi32, #tpu.memory_space<hbm>>
    %dma_start3A_621 = tpu.memref_slice %arg4[%add3A_609] : memref<1600000xi32, #tpu.memory_space<hbm>> -> memref<2000xi32, #tpu.memory_space<hbm>>
    tpu.enqueue_dma source(%dma_start3A_621 : memref<2000xi32, #tpu.memory_space<hbm>>) target(%arg13 : memref<2000xi32, #tpu.memory_space<vmem>>) target_semaphore(%arg24 : memref<!tpu.dma_semaphore, #tpu.memory_space<semaphore_mem>>)
    %dma_start3A_622 = tpu.memref_slice %arg5[%add3A_609] : memref<1600000xf32, #tpu.memory_space<hbm>> -> memref<2000xf32, #tpu.memory_space<hbm>>
    %dma_start3A_623 = tpu.memref_slice %arg5[%add3A_609] : memref<1600000xf32, #tpu.memory_space<hbm>> -> memref<2000xf32, #tpu.memory_space<hbm>>
    tpu.enqueue_dma source(%dma_start3A_623 : memref<2000xf32, #tpu.memory_space<hbm>>) target(%arg14 : memref<2000xf32, #tpu.memory_space<vmem>>) target_semaphore(%arg24 : memref<!tpu.dma_semaphore, #tpu.memory_space<semaphore_mem>>)
    %scan3A_624 = arith.constant 0 : i32
    %scan3A_625 = arith.constant 25 : i32
    %scan3A_626 = arith.addi %scan3A_624, %scan3A_625 : i32
    %scan3A_627 = arith.constant 1 : i32
    scf.for %scan3A_1141 = %scan3A_624 to %scan3A_626 step %scan3A_627  : i32 {
      %mul3A_1142 = arith.constant 2 : i32
      %mul3A_1143 = arith.muli %mul3A_1142, %scan3A_1141 : i32
      %add3A_1144 = arith.constant 1 : i32
      %add3A_1145 = arith.addi %mul3A_1143, %add3A_1144 : i32
      %mul3A_1146 = arith.constant 2000 : i32
      %mul3A_1147 = arith.muli %add3A_1145, %mul3A_1146 : i32
      %add3A_1148 = arith.addi %mul3A_64, %mul3A_1147 : i32
      %dma_start3A_1149 = arith.constant 0 : i32
      %dma_start3A_1150 = tpu.memref_slice %arg3[%dma_start3A_1149, %add3A_1148] : memref<2x1600000xi32, #tpu.memory_space<hbm>> -> memref<1x2000xi32, #tpu.memory_space<hbm>>
      %dma_start3A_1151 = tpu.memref_squeeze %dma_start3A_1150 : memref<1x2000xi32, #tpu.memory_space<hbm>> -> memref<2000xi32, #tpu.memory_space<hbm>>
      %dma_start3A_1152 = tpu.memref_slice %arg3[%dma_start3A_1149, %add3A_1148] : memref<2x1600000xi32, #tpu.memory_space<hbm>> -> memref<1x2000xi32, #tpu.memory_space<hbm>>
      %dma_start3A_1153 = tpu.memref_squeeze %dma_start3A_1152 : memref<1x2000xi32, #tpu.memory_space<hbm>> -> memref<2000xi32, #tpu.memory_space<hbm>>
      tpu.enqueue_dma source(%dma_start3A_1153 : memref<2000xi32, #tpu.memory_space<hbm>>) target(%arg15 : memref<2000xi32, #tpu.memory_space<vmem>>) target_semaphore(%arg25 : memref<!tpu.dma_semaphore, #tpu.memory_space<semaphore_mem>>)
      %dma_start3A_1154 = arith.constant 1 : i32
      %dma_start3A_1155 = tpu.memref_slice %arg3[%dma_start3A_1154, %add3A_1148] : memref<2x1600000xi32, #tpu.memory_space<hbm>> -> memref<1x2000xi32, #tpu.memory_space<hbm>>
      %dma_start3A_1156 = tpu.memref_squeeze %dma_start3A_1155 : memref<1x2000xi32, #tpu.memory_space<hbm>> -> memref<2000xi32, #tpu.memory_space<hbm>>
      %dma_start3A_1157 = tpu.memref_slice %arg3[%dma_start3A_1154, %add3A_1148] : memref<2x1600000xi32, #tpu.memory_space<hbm>> -> memref<1x2000xi32, #tpu.memory_space<hbm>>
      %dma_start3A_1158 = tpu.memref_squeeze %dma_start3A_1157 : memref<1x2000xi32, #tpu.memory_space<hbm>> -> memref<2000xi32, #tpu.memory_space<hbm>>
      tpu.enqueue_dma source(%dma_start3A_1158 : memref<2000xi32, #tpu.memory_space<hbm>>) target(%arg16 : memref<2000xi32, #tpu.memory_space<vmem>>) target_semaphore(%arg25 : memref<!tpu.dma_semaphore, #tpu.memory_space<semaphore_mem>>)
      %dma_start3A_1159 = tpu.memref_slice %arg4[%add3A_1148] : memref<1600000xi32, #tpu.memory_space<hbm>> -> memref<2000xi32, #tpu.memory_space<hbm>>
      %dma_start3A_1160 = tpu.memref_slice %arg4[%add3A_1148] : memref<1600000xi32, #tpu.memory_space<hbm>> -> memref<2000xi32, #tpu.memory_space<hbm>>
      tpu.enqueue_dma source(%dma_start3A_1160 : memref<2000xi32, #tpu.memory_space<hbm>>) target(%arg17 : memref<2000xi32, #tpu.memory_space<vmem>>) target_semaphore(%arg25 : memref<!tpu.dma_semaphore, #tpu.memory_space<semaphore_mem>>)
      %dma_start3A_1161 = tpu.memref_slice %arg5[%add3A_1148] : memref<1600000xf32, #tpu.memory_space<hbm>> -> memref<2000xf32, #tpu.memory_space<hbm>>
      %dma_start3A_1162 = tpu.memref_slice %arg5[%add3A_1148] : memref<1600000xf32, #tpu.memory_space<hbm>> -> memref<2000xf32, #tpu.memory_space<hbm>>
      tpu.enqueue_dma source(%dma_start3A_1162 : memref<2000xf32, #tpu.memory_space<hbm>>) target(%arg18 : memref<2000xf32, #tpu.memory_space<vmem>>) target_semaphore(%arg25 : memref<!tpu.dma_semaphore, #tpu.memory_space<semaphore_mem>>)
      %mul3A_1163 = arith.constant 2000 : i32
      %mul3A_1164 = arith.muli %mul3A_1143, %mul3A_1163 : i32
      %add3A_1165 = arith.addi %mul3A_64, %mul3A_1164 : i32
      %dma_wait3A_1166 = arith.constant 0 : i32
      %dma_wait3A_1167 = tpu.memref_slice %arg3[%dma_wait3A_1166, %add3A_1165] : memref<2x1600000xi32, #tpu.memory_space<hbm>> -> memref<1x2000xi32, #tpu.memory_space<hbm>>
      %dma_wait3A_1168 = tpu.memref_squeeze %dma_wait3A_1167 : memref<1x2000xi32, #tpu.memory_space<hbm>> -> memref<2000xi32, #tpu.memory_space<hbm>>
      %dma_wait3A_1169 = tpu.memref_slice %arg3[%dma_wait3A_1166, %add3A_1165] : memref<2x1600000xi32, #tpu.memory_space<hbm>> -> memref<1x2000xi32, #tpu.memory_space<hbm>>
      %dma_wait3A_1170 = tpu.memref_squeeze %dma_wait3A_1169 : memref<1x2000xi32, #tpu.memory_space<hbm>> -> memref<2000xi32, #tpu.memory_space<hbm>>
      tpu.wait_dma2 semaphore(%arg24 : memref<!tpu.dma_semaphore, #tpu.memory_space<semaphore_mem>>) src(%dma_wait3A_1170 : memref<2000xi32, #tpu.memory_space<hbm>>) dst(%arg11 : memref<2000xi32, #tpu.memory_space<vmem>>)
      %dma_wait3A_1171 = arith.constant 1 : i32
      %dma_wait3A_1172 = tpu.memref_slice %arg3[%dma_wait3A_1171, %add3A_1165] : memref<2x1600000xi32, #tpu.memory_space<hbm>> -> memref<1x2000xi32, #tpu.memory_space<hbm>>
      %dma_wait3A_1173 = tpu.memref_squeeze %dma_wait3A_1172 : memref<1x2000xi32, #tpu.memory_space<hbm>> -> memref<2000xi32, #tpu.memory_space<hbm>>
      %dma_wait3A_1174 = tpu.memref_slice %arg3[%dma_wait3A_1171, %add3A_1165] : memref<2x1600000xi32, #tpu.memory_space<hbm>> -> memref<1x2000xi32, #tpu.memory_space<hbm>>
      %dma_wait3A_1175 = tpu.memref_squeeze %dma_wait3A_1174 : memref<1x2000xi32, #tpu.memory_space<hbm>> -> memref<2000xi32, #tpu.memory_space<hbm>>
      tpu.wait_dma2 semaphore(%arg24 : memref<!tpu.dma_semaphore, #tpu.memory_space<semaphore_mem>>) src(%dma_wait3A_1175 : memref<2000xi32, #tpu.memory_space<hbm>>) dst(%arg12 : memref<2000xi32, #tpu.memory_space<vmem>>)
      %dma_wait3A_1176 = tpu.memref_slice %arg4[%add3A_1165] : memref<1600000xi32, #tpu.memory_space<hbm>> -> memref<2000xi32, #tpu.memory_space<hbm>>
      %dma_wait3A_1177 = tpu.memref_slice %arg4[%add3A_1165] : memref<1600000xi32, #tpu.memory_space<hbm>> -> memref<2000xi32, #tpu.memory_space<hbm>>
      tpu.wait_dma2 semaphore(%arg24 : memref<!tpu.dma_semaphore, #tpu.memory_space<semaphore_mem>>) src(%dma_wait3A_1177 : memref<2000xi32, #tpu.memory_space<hbm>>) dst(%arg13 : memref<2000xi32, #tpu.memory_space<vmem>>)
      %dma_wait3A_1178 = tpu.memref_slice %arg5[%add3A_1165] : memref<1600000xf32, #tpu.memory_space<hbm>> -> memref<2000xf32, #tpu.memory_space<hbm>>
      %dma_wait3A_1179 = tpu.memref_slice %arg5[%add3A_1165] : memref<1600000xf32, #tpu.memory_space<hbm>> -> memref<2000xf32, #tpu.memory_space<hbm>>
      tpu.wait_dma2 semaphore(%arg24 : memref<!tpu.dma_semaphore, #tpu.memory_space<semaphore_mem>>) src(%dma_wait3A_1179 : memref<2000xf32, #tpu.memory_space<hbm>>) dst(%arg14 : memref<2000xf32, #tpu.memory_space<vmem>>)
      %scan3A_1180 = arith.constant 0 : i32
      %scan3A_1181 = arith.constant 125 : i32
      %scan3A_1182 = arith.addi %scan3A_1180, %scan3A_1181 : i32
      %scan3A_1183 = arith.constant 5 : i32
      scf.for %scan3A_1213 = %scan3A_1180 to %scan3A_1182 step %scan3A_1183  : i32 {
        %mul3A_1214 = arith.constant 16 : i32
        %mul3A_1215 = arith.muli %scan3A_1213, %mul3A_1214 : i32
        %get3A_1216 = arith.index_cast %mul3A_1215 : i32 to index
        %get3A_1217 = tpu.vector_load %arg11[%get3A_1216] {strides = array<i32>} : memref<2000xi32, #tpu.memory_space<vmem>>, vector<16xi32>,
        %mul3A_1218 = arith.constant 16 : i32
        %mul3A_1219 = arith.muli %scan3A_1213, %mul3A_1218 : i32
        %get3A_1220 = arith.index_cast %mul3A_1219 : i32 to index
        %get3A_1221 = tpu.vector_load %arg12[%get3A_1220] {strides = array<i32>} : memref<2000xi32, #tpu.memory_space<vmem>>, vector<16xi32>,
        %mul3A_1222 = arith.constant 16 : i32
        %mul3A_1223 = arith.muli %scan3A_1213, %mul3A_1222 : i32
        %get3A_1224 = arith.index_cast %mul3A_1223 : i32 to index
        %get3A_1225 = tpu.vector_load %arg13[%get3A_1224] {strides = array<i32>} : memref<2000xi32, #tpu.memory_space<vmem>>, vector<16xi32>,
        %mul3A_1226 = arith.constant 16 : i32
        %mul3A_1227 = arith.muli %scan3A_1213, %mul3A_1226 : i32
        %get3A_1228 = arith.index_cast %mul3A_1227 : i32 to index
        %get3A_1229 = tpu.vector_load %arg14[%get3A_1228] {strides = array<i32>} : memref<2000xf32, #tpu.memory_space<vmem>>, vector<16xf32>,
        %shift_right_arithmetic3A = arith.constant 4 : i32
        %shift_right_arithmetic3A_1230 = vector.broadcast %shift_right_arithmetic3A : i32 to vector<16xi32>
        %shift_right_arithmetic3A_1231 = arith.shrsi %get3A_1217, %shift_right_arithmetic3A_1230 : vector<16xi32>
        %and3A_1232 = arith.constant 15 : i32
        %and3A_1233 = vector.broadcast %and3A_1232 : i32 to vector<16xi32>
        %and3A_1234 = arith.andi %get3A_1217, %and3A_1233 : vector<16xi32>
        %gather3A_1235 = tpu.vector_load_idx %arg8[%shift_right_arithmetic3A_1231, %and3A_1234] : memref<3200x16xf32, #tpu.memory_space<vmem>>[vector<16xi32>, vector<16xi32>], vector<16xf32>,
        %gather3A_1236 = tpu.vector_load_idx %arg20[%get3A_1225] : memref<128xf32, #tpu.memory_space<vmem>>[vector<16xi32>], vector<16xf32>,
        %shift_right_arithmetic3A_1237 = arith.constant 4 : i32
        %shift_right_arithmetic3A_1238 = vector.broadcast %shift_right_arithmetic3A_1237 : i32 to vector<16xi32>
        %shift_right_arithmetic3A_1239 = arith.shrsi %get3A_1221, %shift_right_arithmetic3A_1238 : vector<16xi32>
        %and3A_1240 = arith.constant 15 : i32
        %and3A_1241 = vector.broadcast %and3A_1240 : i32 to vector<16xi32>
        %and3A_1242 = arith.andi %get3A_1221, %and3A_1241 : vector<16xi32>
        %mul3A_1243 = arith.mulf %gather3A_1235, %gather3A_1236 : vector<16xf32>
        %mul3A_1244 = arith.mulf %mul3A_1243, %get3A_1229 : vector<16xf32>
        tpu.vector_store_idx %arg9[%shift_right_arithmetic3A_1239, %and3A_1242], %mul3A_1244 {add = true} : memref<3200x16xf32, #tpu.memory_space<vmem>>[vector<16xi32>, vector<16xi32>], vector<16xf32>,
        %scan3A_1245 = arith.constant 1 : i32
        %scan3A_1246 = arith.addi %scan3A_1213, %scan3A_1245 : i32
        %mul3A_1247 = arith.constant 16 : i32
        %mul3A_1248 = arith.muli %scan3A_1246, %mul3A_1247 : i32
        %get3A_1249 = arith.index_cast %mul3A_1248 : i32 to index
        %get3A_1250 = tpu.vector_load %arg11[%get3A_1249] {strides = array<i32>} : memref<2000xi32, #tpu.memory_space<vmem>>, vector<16xi32>,
        %mul3A_1251 = arith.constant 16 : i32
        %mul3A_1252 = arith.muli %scan3A_1246, %mul3A_1251 : i32
        %get3A_1253 = arith.index_cast %mul3A_1252 : i32 to index
        %get3A_1254 = tpu.vector_load %arg12[%get3A_1253] {strides = array<i32>} : memref<2000xi32, #tpu.memory_space<vmem>>, vector<16xi32>,
        %mul3A_1255 = arith.constant 16 : i32
        %mul3A_1256 = arith.muli %scan3A_1246, %mul3A_1255 : i32
        %get3A_1257 = arith.index_cast %mul3A_1256 : i32 to index
        %get3A_1258 = tpu.vector_load %arg13[%get3A_1257] {strides = array<i32>} : memref<2000xi32, #tpu.memory_space<vmem>>, vector<16xi32>,
        %mul3A_1259 = arith.constant 16 : i32
        %mul3A_1260 = arith.muli %scan3A_1246, %mul3A_1259 : i32
        %get3A_1261 = arith.index_cast %mul3A_1260 : i32 to index
        %get3A_1262 = tpu.vector_load %arg14[%get3A_1261] {strides = array<i32>} : memref<2000xf32, #tpu.memory_space<vmem>>, vector<16xf32>,
        %shift_right_arithmetic3A_1263 = arith.constant 4 : i32
        %shift_right_arithmetic3A_1264 = vector.broadcast %shift_right_arithmetic3A_1263 : i32 to vector<16xi32>
        %shift_right_arithmetic3A_1265 = arith.shrsi %get3A_1250, %shift_right_arithmetic3A_1264 : vector<16xi32>
        %and3A_1266 = arith.constant 15 : i32
        %and3A_1267 = vector.broadcast %and3A_1266 : i32 to vector<16xi32>
        %and3A_1268 = arith.andi %get3A_1250, %and3A_1267 : vector<16xi32>
        %gather3A_1269 = tpu.vector_load_idx %arg8[%shift_right_arithmetic3A_1265, %and3A_1268] : memref<3200x16xf32, #tpu.memory_space<vmem>>[vector<16xi32>, vector<16xi32>], vector<16xf32>,
        %gather3A_1270 = tpu.vector_load_idx %arg20[%get3A_1258] : memref<128xf32, #tpu.memory_space<vmem>>[vector<16xi32>], vector<16xf32>,
        %shift_right_arithmetic3A_1271 = arith.constant 4 : i32
        %shift_right_arithmetic3A_1272 = vector.broadcast %shift_right_arithmetic3A_1271 : i32 to vector<16xi32>
        %shift_right_arithmetic3A_1273 = arith.shrsi %get3A_1254, %shift_right_arithmetic3A_1272 : vector<16xi32>
        %and3A_1274 = arith.constant 15 : i32
        %and3A_1275 = vector.broadcast %and3A_1274 : i32 to vector<16xi32>
        %and3A_1276 = arith.andi %get3A_1254, %and3A_1275 : vector<16xi32>
        %mul3A_1277 = arith.mulf %gather3A_1269, %gather3A_1270 : vector<16xf32>
        %mul3A_1278 = arith.mulf %mul3A_1277, %get3A_1262 : vector<16xf32>
        tpu.vector_store_idx %arg9[%shift_right_arithmetic3A_1273, %and3A_1276], %mul3A_1278 {add = true} : memref<3200x16xf32, #tpu.memory_space<vmem>>[vector<16xi32>, vector<16xi32>], vector<16xf32>,
        %scan3A_1279 = arith.constant 2 : i32
        %scan3A_1280 = arith.addi %scan3A_1213, %scan3A_1279 : i32
        %mul3A_1281 = arith.constant 16 : i32
        %mul3A_1282 = arith.muli %scan3A_1280, %mul3A_1281 : i32
        %get3A_1283 = arith.index_cast %mul3A_1282 : i32 to index
        %get3A_1284 = tpu.vector_load %arg11[%get3A_1283] {strides = array<i32>} : memref<2000xi32, #tpu.memory_space<vmem>>, vector<16xi32>,
        %mul3A_1285 = arith.constant 16 : i32
        %mul3A_1286 = arith.muli %scan3A_1280, %mul3A_1285 : i32
        %get3A_1287 = arith.index_cast %mul3A_1286 : i32 to index
        %get3A_1288 = tpu.vector_load %arg12[%get3A_1287] {strides = array<i32>} : memref<2000xi32, #tpu.memory_space<vmem>>, vector<16xi32>,
        %mul3A_1289 = arith.constant 16 : i32
        %mul3A_1290 = arith.muli %scan3A_1280, %mul3A_1289 : i32
        %get3A_1291 = arith.index_cast %mul3A_1290 : i32 to index
        %get3A_1292 = tpu.vector_load %arg13[%get3A_1291] {strides = array<i32>} : memref<2000xi32, #tpu.memory_space<vmem>>, vector<16xi32>,
        %mul3A_1293 = arith.constant 16 : i32
        %mul3A_1294 = arith.muli %scan3A_1280, %mul3A_1293 : i32
        %get3A_1295 = arith.index_cast %mul3A_1294 : i32 to index
        %get3A_1296 = tpu.vector_load %arg14[%get3A_1295] {strides = array<i32>} : memref<2000xf32, #tpu.memory_space<vmem>>, vector<16xf32>,
        %shift_right_arithmetic3A_1297 = arith.constant 4 : i32
        %shift_right_arithmetic3A_1298 = vector.broadcast %shift_right_arithmetic3A_1297 : i32 to vector<16xi32>
        %shift_right_arithmetic3A_1299 = arith.shrsi %get3A_1284, %shift_right_arithmetic3A_1298 : vector<16xi32>
        %and3A_1300 = arith.constant 15 : i32
        %and3A_1301 = vector.broadcast %and3A_1300 : i32 to vector<16xi32>
        %and3A_1302 = arith.andi %get3A_1284, %and3A_1301 : vector<16xi32>
        %gather3A_1303 = tpu.vector_load_idx %arg8[%shift_right_arithmetic3A_1299, %and3A_1302] : memref<3200x16xf32, #tpu.memory_space<vmem>>[vector<16xi32>, vector<16xi32>], vector<16xf32>,
        %gather3A_1304 = tpu.vector_load_idx %arg20[%get3A_1292] : memref<128xf32, #tpu.memory_space<vmem>>[vector<16xi32>], vector<16xf32>,
        %shift_right_arithmetic3A_1305 = arith.constant 4 : i32
        %shift_right_arithmetic3A_1306 = vector.broadcast %shift_right_arithmetic3A_1305 : i32 to vector<16xi32>
        %shift_right_arithmetic3A_1307 = arith.shrsi %get3A_1288, %shift_right_arithmetic3A_1306 : vector<16xi32>
        %and3A_1308 = arith.constant 15 : i32
        %and3A_1309 = vector.broadcast %and3A_1308 : i32 to vector<16xi32>
        %and3A_1310 = arith.andi %get3A_1288, %and3A_1309 : vector<16xi32>
        %mul3A_1311 = arith.mulf %gather3A_1303, %gather3A_1304 : vector<16xf32>
        %mul3A_1312 = arith.mulf %mul3A_1311, %get3A_1296 : vector<16xf32>
        tpu.vector_store_idx %arg9[%shift_right_arithmetic3A_1307, %and3A_1310], %mul3A_1312 {add = true} : memref<3200x16xf32, #tpu.memory_space<vmem>>[vector<16xi32>, vector<16xi32>], vector<16xf32>,
        %scan3A_1313 = arith.constant 3 : i32
        %scan3A_1314 = arith.addi %scan3A_1213, %scan3A_1313 : i32
        %mul3A_1315 = arith.constant 16 : i32
        %mul3A_1316 = arith.muli %scan3A_1314, %mul3A_1315 : i32
        %get3A_1317 = arith.index_cast %mul3A_1316 : i32 to index
        %get3A_1318 = tpu.vector_load %arg11[%get3A_1317] {strides = array<i32>} : memref<2000xi32, #tpu.memory_space<vmem>>, vector<16xi32>,
        %mul3A_1319 = arith.constant 16 : i32
        %mul3A_1320 = arith.muli %scan3A_1314, %mul3A_1319 : i32
        %get3A_1321 = arith.index_cast %mul3A_1320 : i32 to index
        %get3A_1322 = tpu.vector_load %arg12[%get3A_1321] {strides = array<i32>} : memref<2000xi32, #tpu.memory_space<vmem>>, vector<16xi32>,
        %mul3A_1323 = arith.constant 16 : i32
        %mul3A_1324 = arith.muli %scan3A_1314, %mul3A_1323 : i32
        %get3A_1325 = arith.index_cast %mul3A_1324 : i32 to index
        %get3A_1326 = tpu.vector_load %arg13[%get3A_1325] {strides = array<i32>} : memref<2000xi32, #tpu.memory_space<vmem>>, vector<16xi32>,
        %mul3A_1327 = arith.constant 16 : i32
        %mul3A_1328 = arith.muli %scan3A_1314, %mul3A_1327 : i32
        %get3A_1329 = arith.index_cast %mul3A_1328 : i32 to index
        %get3A_1330 = tpu.vector_load %arg14[%get3A_1329] {strides = array<i32>} : memref<2000xf32, #tpu.memory_space<vmem>>, vector<16xf32>,
        %shift_right_arithmetic3A_1331 = arith.constant 4 : i32
        %shift_right_arithmetic3A_1332 = vector.broadcast %shift_right_arithmetic3A_1331 : i32 to vector<16xi32>
        %shift_right_arithmetic3A_1333 = arith.shrsi %get3A_1318, %shift_right_arithmetic3A_1332 : vector<16xi32>
        %and3A_1334 = arith.constant 15 : i32
        %and3A_1335 = vector.broadcast %and3A_1334 : i32 to vector<16xi32>
        %and3A_1336 = arith.andi %get3A_1318, %and3A_1335 : vector<16xi32>
        %gather3A_1337 = tpu.vector_load_idx %arg8[%shift_right_arithmetic3A_1333, %and3A_1336] : memref<3200x16xf32, #tpu.memory_space<vmem>>[vector<16xi32>, vector<16xi32>], vector<16xf32>,
        %gather3A_1338 = tpu.vector_load_idx %arg20[%get3A_1326] : memref<128xf32, #tpu.memory_space<vmem>>[vector<16xi32>], vector<16xf32>,
        %shift_right_arithmetic3A_1339 = arith.constant 4 : i32
        %shift_right_arithmetic3A_1340 = vector.broadcast %shift_right_arithmetic3A_1339 : i32 to vector<16xi32>
        %shift_right_arithmetic3A_1341 = arith.shrsi %get3A_1322, %shift_right_arithmetic3A_1340 : vector<16xi32>
        %and3A_1342 = arith.constant 15 : i32
        %and3A_1343 = vector.broadcast %and3A_1342 : i32 to vector<16xi32>
        %and3A_1344 = arith.andi %get3A_1322, %and3A_1343 : vector<16xi32>
        %mul3A_1345 = arith.mulf %gather3A_1337, %gather3A_1338 : vector<16xf32>
        %mul3A_1346 = arith.mulf %mul3A_1345, %get3A_1330 : vector<16xf32>
        tpu.vector_store_idx %arg9[%shift_right_arithmetic3A_1341, %and3A_1344], %mul3A_1346 {add = true} : memref<3200x16xf32, #tpu.memory_space<vmem>>[vector<16xi32>, vector<16xi32>], vector<16xf32>,
        %scan3A_1347 = arith.constant 4 : i32
        %scan3A_1348 = arith.addi %scan3A_1213, %scan3A_1347 : i32
        %mul3A_1349 = arith.constant 16 : i32
        %mul3A_1350 = arith.muli %scan3A_1348, %mul3A_1349 : i32
        %get3A_1351 = arith.index_cast %mul3A_1350 : i32 to index
        %get3A_1352 = tpu.vector_load %arg11[%get3A_1351] {strides = array<i32>} : memref<2000xi32, #tpu.memory_space<vmem>>, vector<16xi32>,
        %mul3A_1353 = arith.constant 16 : i32
        %mul3A_1354 = arith.muli %scan3A_1348, %mul3A_1353 : i32
        %get3A_1355 = arith.index_cast %mul3A_1354 : i32 to index
        %get3A_1356 = tpu.vector_load %arg12[%get3A_1355] {strides = array<i32>} : memref<2000xi32, #tpu.memory_space<vmem>>, vector<16xi32>,
        %mul3A_1357 = arith.constant 16 : i32
        %mul3A_1358 = arith.muli %scan3A_1348, %mul3A_1357 : i32
        %get3A_1359 = arith.index_cast %mul3A_1358 : i32 to index
        %get3A_1360 = tpu.vector_load %arg13[%get3A_1359] {strides = array<i32>} : memref<2000xi32, #tpu.memory_space<vmem>>, vector<16xi32>,
        %mul3A_1361 = arith.constant 16 : i32
        %mul3A_1362 = arith.muli %scan3A_1348, %mul3A_1361 : i32
        %get3A_1363 = arith.index_cast %mul3A_1362 : i32 to index
        %get3A_1364 = tpu.vector_load %arg14[%get3A_1363] {strides = array<i32>} : memref<2000xf32, #tpu.memory_space<vmem>>, vector<16xf32>,
        %shift_right_arithmetic3A_1365 = arith.constant 4 : i32
        %shift_right_arithmetic3A_1366 = vector.broadcast %shift_right_arithmetic3A_1365 : i32 to vector<16xi32>
        %shift_right_arithmetic3A_1367 = arith.shrsi %get3A_1352, %shift_right_arithmetic3A_1366 : vector<16xi32>
        %and3A_1368 = arith.constant 15 : i32
        %and3A_1369 = vector.broadcast %and3A_1368 : i32 to vector<16xi32>
        %and3A_1370 = arith.andi %get3A_1352, %and3A_1369 : vector<16xi32>
        %gather3A_1371 = tpu.vector_load_idx %arg8[%shift_right_arithmetic3A_1367, %and3A_1370] : memref<3200x16xf32, #tpu.memory_space<vmem>>[vector<16xi32>, vector<16xi32>], vector<16xf32>,
        %gather3A_1372 = tpu.vector_load_idx %arg20[%get3A_1360] : memref<128xf32, #tpu.memory_space<vmem>>[vector<16xi32>], vector<16xf32>,
        %shift_right_arithmetic3A_1373 = arith.constant 4 : i32
        %shift_right_arithmetic3A_1374 = vector.broadcast %shift_right_arithmetic3A_1373 : i32 to vector<16xi32>
        %shift_right_arithmetic3A_1375 = arith.shrsi %get3A_1356, %shift_right_arithmetic3A_1374 : vector<16xi32>
        %and3A_1376 = arith.constant 15 : i32
        %and3A_1377 = vector.broadcast %and3A_1376 : i32 to vector<16xi32>
        %and3A_1378 = arith.andi %get3A_1356, %and3A_1377 : vector<16xi32>
        %mul3A_1379 = arith.mulf %gather3A_1371, %gather3A_1372 : vector<16xf32>
        %mul3A_1380 = arith.mulf %mul3A_1379, %get3A_1364 : vector<16xf32>
        tpu.vector_store_idx %arg9[%shift_right_arithmetic3A_1375, %and3A_1378], %mul3A_1380 {add = true} : memref<3200x16xf32, #tpu.memory_space<vmem>>[vector<16xi32>, vector<16xi32>], vector<16xf32>,
      }
      %scan3A_1184 = arith.constant 125 : i32
      %add3A_1185 = arith.constant 1 : i32
      %add3A_1186 = arith.addi %scan3A_1141, %add3A_1185 : i32
      %lt3A = arith.constant 25 : i32
      %lt3A_1187 = arith.cmpi slt, %add3A_1186, %lt3A : i32
      %convert_element_type3A = arith.extui %lt3A_1187 : i1 to i32
      %cond3A = arith.constant 0 : i32
      %cond3A_1188 = arith.cmpi ne, %convert_element_type3A, %cond3A : i32
      scf.if %cond3A_1188 {
        %add3A_1213 = arith.constant 2 : i32
        %add3A_1214 = arith.addi %mul3A_1143, %add3A_1213 : i32
        %mul3A_1215 = arith.constant 2000 : i32
        %mul3A_1216 = arith.muli %add3A_1214, %mul3A_1215 : i32
        %add3A_1217 = arith.addi %mul3A_64, %mul3A_1216 : i32
        %dma_start3A_1218 = arith.constant 0 : i32
        %dma_start3A_1219 = tpu.memref_slice %arg3[%dma_start3A_1218, %add3A_1217] : memref<2x1600000xi32, #tpu.memory_space<hbm>> -> memref<1x2000xi32, #tpu.memory_space<hbm>>
        %dma_start3A_1220 = tpu.memref_squeeze %dma_start3A_1219 : memref<1x2000xi32, #tpu.memory_space<hbm>> -> memref<2000xi32, #tpu.memory_space<hbm>>
        %dma_start3A_1221 = tpu.memref_slice %arg3[%dma_start3A_1218, %add3A_1217] : memref<2x1600000xi32, #tpu.memory_space<hbm>> -> memref<1x2000xi32, #tpu.memory_space<hbm>>
        %dma_start3A_1222 = tpu.memref_squeeze %dma_start3A_1221 : memref<1x2000xi32, #tpu.memory_space<hbm>> -> memref<2000xi32, #tpu.memory_space<hbm>>
        tpu.enqueue_dma source(%dma_start3A_1222 : memref<2000xi32, #tpu.memory_space<hbm>>) target(%arg11 : memref<2000xi32, #tpu.memory_space<vmem>>) target_semaphore(%arg24 : memref<!tpu.dma_semaphore, #tpu.memory_space<semaphore_mem>>)
        %dma_start3A_1223 = arith.constant 1 : i32
        %dma_start3A_1224 = tpu.memref_slice %arg3[%dma_start3A_1223, %add3A_1217] : memref<2x1600000xi32, #tpu.memory_space<hbm>> -> memref<1x2000xi32, #tpu.memory_space<hbm>>
        %dma_start3A_1225 = tpu.memref_squeeze %dma_start3A_1224 : memref<1x2000xi32, #tpu.memory_space<hbm>> -> memref<2000xi32, #tpu.memory_space<hbm>>
        %dma_start3A_1226 = tpu.memref_slice %arg3[%dma_start3A_1223, %add3A_1217] : memref<2x1600000xi32, #tpu.memory_space<hbm>> -> memref<1x2000xi32, #tpu.memory_space<hbm>>
        %dma_start3A_1227 = tpu.memref_squeeze %dma_start3A_1226 : memref<1x2000xi32, #tpu.memory_space<hbm>> -> memref<2000xi32, #tpu.memory_space<hbm>>
        tpu.enqueue_dma source(%dma_start3A_1227 : memref<2000xi32, #tpu.memory_space<hbm>>) target(%arg12 : memref<2000xi32, #tpu.memory_space<vmem>>) target_semaphore(%arg24 : memref<!tpu.dma_semaphore, #tpu.memory_space<semaphore_mem>>)
        %dma_start3A_1228 = tpu.memref_slice %arg4[%add3A_1217] : memref<1600000xi32, #tpu.memory_space<hbm>> -> memref<2000xi32, #tpu.memory_space<hbm>>
        %dma_start3A_1229 = tpu.memref_slice %arg4[%add3A_1217] : memref<1600000xi32, #tpu.memory_space<hbm>> -> memref<2000xi32, #tpu.memory_space<hbm>>
        tpu.enqueue_dma source(%dma_start3A_1229 : memref<2000xi32, #tpu.memory_space<hbm>>) target(%arg13 : memref<2000xi32, #tpu.memory_space<vmem>>) target_semaphore(%arg24 : memref<!tpu.dma_semaphore, #tpu.memory_space<semaphore_mem>>)
        %dma_start3A_1230 = tpu.memref_slice %arg5[%add3A_1217] : memref<1600000xf32, #tpu.memory_space<hbm>> -> memref<2000xf32, #tpu.memory_space<hbm>>
        %dma_start3A_1231 = tpu.memref_slice %arg5[%add3A_1217] : memref<1600000xf32, #tpu.memory_space<hbm>> -> memref<2000xf32, #tpu.memory_space<hbm>>
        tpu.enqueue_dma source(%dma_start3A_1231 : memref<2000xf32, #tpu.memory_space<hbm>>) target(%arg14 : memref<2000xf32, #tpu.memory_space<vmem>>) target_semaphore(%arg24 : memref<!tpu.dma_semaphore, #tpu.memory_space<semaphore_mem>>)
      } else {
      }
      %add3A_1189 = arith.constant 1 : i32
      %add3A_1190 = arith.addi %mul3A_1143, %add3A_1189 : i32
      %mul3A_1191 = arith.constant 2000 : i32
      %mul3A_1192 = arith.muli %add3A_1190, %mul3A_1191 : i32
      %add3A_1193 = arith.addi %mul3A_64, %mul3A_1192 : i32
      %dma_wait3A_1194 = arith.constant 0 : i32
      %dma_wait3A_1195 = tpu.memref_slice %arg3[%dma_wait3A_1194, %add3A_1193] : memref<2x1600000xi32, #tpu.memory_space<hbm>> -> memref<1x2000xi32, #tpu.memory_space<hbm>>
      %dma_wait3A_1196 = tpu.memref_squeeze %dma_wait3A_1195 : memref<1x2000xi32, #tpu.memory_space<hbm>> -> memref<2000xi32, #tpu.memory_space<hbm>>
      %dma_wait3A_1197 = tpu.memref_slice %arg3[%dma_wait3A_1194, %add3A_1193] : memref<2x1600000xi32, #tpu.memory_space<hbm>> -> memref<1x2000xi32, #tpu.memory_space<hbm>>
      %dma_wait3A_1198 = tpu.memref_squeeze %dma_wait3A_1197 : memref<1x2000xi32, #tpu.memory_space<hbm>> -> memref<2000xi32, #tpu.memory_space<hbm>>
      tpu.wait_dma2 semaphore(%arg25 : memref<!tpu.dma_semaphore, #tpu.memory_space<semaphore_mem>>) src(%dma_wait3A_1198 : memref<2000xi32, #tpu.memory_space<hbm>>) dst(%arg15 : memref<2000xi32, #tpu.memory_space<vmem>>)
      %dma_wait3A_1199 = arith.constant 1 : i32
      %dma_wait3A_1200 = tpu.memref_slice %arg3[%dma_wait3A_1199, %add3A_1193] : memref<2x1600000xi32, #tpu.memory_space<hbm>> -> memref<1x2000xi32, #tpu.memory_space<hbm>>
      %dma_wait3A_1201 = tpu.memref_squeeze %dma_wait3A_1200 : memref<1x2000xi32, #tpu.memory_space<hbm>> -> memref<2000xi32, #tpu.memory_space<hbm>>
      %dma_wait3A_1202 = tpu.memref_slice %arg3[%dma_wait3A_1199, %add3A_1193] : memref<2x1600000xi32, #tpu.memory_space<hbm>> -> memref<1x2000xi32, #tpu.memory_space<hbm>>
      %dma_wait3A_1203 = tpu.memref_squeeze %dma_wait3A_1202 : memref<1x2000xi32, #tpu.memory_space<hbm>> -> memref<2000xi32, #tpu.memory_space<hbm>>
      tpu.wait_dma2 semaphore(%arg25 : memref<!tpu.dma_semaphore, #tpu.memory_space<semaphore_mem>>) src(%dma_wait3A_1203 : memref<2000xi32, #tpu.memory_space<hbm>>) dst(%arg16 : memref<2000xi32, #tpu.memory_space<vmem>>)
      %dma_wait3A_1204 = tpu.memref_slice %arg4[%add3A_1193] : memref<1600000xi32, #tpu.memory_space<hbm>> -> memref<2000xi32, #tpu.memory_space<hbm>>
      %dma_wait3A_1205 = tpu.memref_slice %arg4[%add3A_1193] : memref<1600000xi32, #tpu.memory_space<hbm>> -> memref<2000xi32, #tpu.memory_space<hbm>>
      tpu.wait_dma2 semaphore(%arg25 : memref<!tpu.dma_semaphore, #tpu.memory_space<semaphore_mem>>) src(%dma_wait3A_1205 : memref<2000xi32, #tpu.memory_space<hbm>>) dst(%arg17 : memref<2000xi32, #tpu.memory_space<vmem>>)
      %dma_wait3A_1206 = tpu.memref_slice %arg5[%add3A_1193] : memref<1600000xf32, #tpu.memory_space<hbm>> -> memref<2000xf32, #tpu.memory_space<hbm>>
      %dma_wait3A_1207 = tpu.memref_slice %arg5[%add3A_1193] : memref<1600000xf32, #tpu.memory_space<hbm>> -> memref<2000xf32, #tpu.memory_space<hbm>>
      tpu.wait_dma2 semaphore(%arg25 : memref<!tpu.dma_semaphore, #tpu.memory_space<semaphore_mem>>) src(%dma_wait3A_1207 : memref<2000xf32, #tpu.memory_space<hbm>>) dst(%arg18 : memref<2000xf32, #tpu.memory_space<vmem>>)
      %scan3A_1208 = arith.constant 0 : i32
      %scan3A_1209 = arith.constant 125 : i32
      %scan3A_1210 = arith.addi %scan3A_1208, %scan3A_1209 : i32
      %scan3A_1211 = arith.constant 5 : i32
      scf.for %scan3A_1213 = %scan3A_1208 to %scan3A_1210 step %scan3A_1211  : i32 {
        %mul3A_1214 = arith.constant 16 : i32
        %mul3A_1215 = arith.muli %scan3A_1213, %mul3A_1214 : i32
        %get3A_1216 = arith.index_cast %mul3A_1215 : i32 to index
        %get3A_1217 = tpu.vector_load %arg15[%get3A_1216] {strides = array<i32>} : memref<2000xi32, #tpu.memory_space<vmem>>, vector<16xi32>,
        %mul3A_1218 = arith.constant 16 : i32
        %mul3A_1219 = arith.muli %scan3A_1213, %mul3A_1218 : i32
        %get3A_1220 = arith.index_cast %mul3A_1219 : i32 to index
        %get3A_1221 = tpu.vector_load %arg16[%get3A_1220] {strides = array<i32>} : memref<2000xi32, #tpu.memory_space<vmem>>, vector<16xi32>,
        %mul3A_1222 = arith.constant 16 : i32
        %mul3A_1223 = arith.muli %scan3A_1213, %mul3A_1222 : i32
        %get3A_1224 = arith.index_cast %mul3A_1223 : i32 to index
        %get3A_1225 = tpu.vector_load %arg17[%get3A_1224] {strides = array<i32>} : memref<2000xi32, #tpu.memory_space<vmem>>, vector<16xi32>,
        %mul3A_1226 = arith.constant 16 : i32
        %mul3A_1227 = arith.muli %scan3A_1213, %mul3A_1226 : i32
        %get3A_1228 = arith.index_cast %mul3A_1227 : i32 to index
        %get3A_1229 = tpu.vector_load %arg18[%get3A_1228] {strides = array<i32>} : memref<2000xf32, #tpu.memory_space<vmem>>, vector<16xf32>,
        %shift_right_arithmetic3A = arith.constant 4 : i32
        %shift_right_arithmetic3A_1230 = vector.broadcast %shift_right_arithmetic3A : i32 to vector<16xi32>
        %shift_right_arithmetic3A_1231 = arith.shrsi %get3A_1217, %shift_right_arithmetic3A_1230 : vector<16xi32>
        %and3A_1232 = arith.constant 15 : i32
        %and3A_1233 = vector.broadcast %and3A_1232 : i32 to vector<16xi32>
        %and3A_1234 = arith.andi %get3A_1217, %and3A_1233 : vector<16xi32>
        %gather3A_1235 = tpu.vector_load_idx %arg8[%shift_right_arithmetic3A_1231, %and3A_1234] : memref<3200x16xf32, #tpu.memory_space<vmem>>[vector<16xi32>, vector<16xi32>], vector<16xf32>,
        %gather3A_1236 = tpu.vector_load_idx %arg20[%get3A_1225] : memref<128xf32, #tpu.memory_space<vmem>>[vector<16xi32>], vector<16xf32>,
        %shift_right_arithmetic3A_1237 = arith.constant 4 : i32
        %shift_right_arithmetic3A_1238 = vector.broadcast %shift_right_arithmetic3A_1237 : i32 to vector<16xi32>
        %shift_right_arithmetic3A_1239 = arith.shrsi %get3A_1221, %shift_right_arithmetic3A_1238 : vector<16xi32>
        %and3A_1240 = arith.constant 15 : i32
        %and3A_1241 = vector.broadcast %and3A_1240 : i32 to vector<16xi32>
        %and3A_1242 = arith.andi %get3A_1221, %and3A_1241 : vector<16xi32>
        %mul3A_1243 = arith.mulf %gather3A_1235, %gather3A_1236 : vector<16xf32>
        %mul3A_1244 = arith.mulf %mul3A_1243, %get3A_1229 : vector<16xf32>
        tpu.vector_store_idx %arg9[%shift_right_arithmetic3A_1239, %and3A_1242], %mul3A_1244 {add = true} : memref<3200x16xf32, #tpu.memory_space<vmem>>[vector<16xi32>, vector<16xi32>], vector<16xf32>,
        %scan3A_1245 = arith.constant 1 : i32
        %scan3A_1246 = arith.addi %scan3A_1213, %scan3A_1245 : i32
        %mul3A_1247 = arith.constant 16 : i32
        %mul3A_1248 = arith.muli %scan3A_1246, %mul3A_1247 : i32
        %get3A_1249 = arith.index_cast %mul3A_1248 : i32 to index
        %get3A_1250 = tpu.vector_load %arg15[%get3A_1249] {strides = array<i32>} : memref<2000xi32, #tpu.memory_space<vmem>>, vector<16xi32>,
        %mul3A_1251 = arith.constant 16 : i32
        %mul3A_1252 = arith.muli %scan3A_1246, %mul3A_1251 : i32
        %get3A_1253 = arith.index_cast %mul3A_1252 : i32 to index
        %get3A_1254 = tpu.vector_load %arg16[%get3A_1253] {strides = array<i32>} : memref<2000xi32, #tpu.memory_space<vmem>>, vector<16xi32>,
        %mul3A_1255 = arith.constant 16 : i32
        %mul3A_1256 = arith.muli %scan3A_1246, %mul3A_1255 : i32
        %get3A_1257 = arith.index_cast %mul3A_1256 : i32 to index
        %get3A_1258 = tpu.vector_load %arg17[%get3A_1257] {strides = array<i32>} : memref<2000xi32, #tpu.memory_space<vmem>>, vector<16xi32>,
        %mul3A_1259 = arith.constant 16 : i32
        %mul3A_1260 = arith.muli %scan3A_1246, %mul3A_1259 : i32
        %get3A_1261 = arith.index_cast %mul3A_1260 : i32 to index
        %get3A_1262 = tpu.vector_load %arg18[%get3A_1261] {strides = array<i32>} : memref<2000xf32, #tpu.memory_space<vmem>>, vector<16xf32>,
        %shift_right_arithmetic3A_1263 = arith.constant 4 : i32
        %shift_right_arithmetic3A_1264 = vector.broadcast %shift_right_arithmetic3A_1263 : i32 to vector<16xi32>
        %shift_right_arithmetic3A_1265 = arith.shrsi %get3A_1250, %shift_right_arithmetic3A_1264 : vector<16xi32>
        %and3A_1266 = arith.constant 15 : i32
        %and3A_1267 = vector.broadcast %and3A_1266 : i32 to vector<16xi32>
        %and3A_1268 = arith.andi %get3A_1250, %and3A_1267 : vector<16xi32>
        %gather3A_1269 = tpu.vector_load_idx %arg8[%shift_right_arithmetic3A_1265, %and3A_1268] : memref<3200x16xf32, #tpu.memory_space<vmem>>[vector<16xi32>, vector<16xi32>], vector<16xf32>,
        %gather3A_1270 = tpu.vector_load_idx %arg20[%get3A_1258] : memref<128xf32, #tpu.memory_space<vmem>>[vector<16xi32>], vector<16xf32>,
        %shift_right_arithmetic3A_1271 = arith.constant 4 : i32
        %shift_right_arithmetic3A_1272 = vector.broadcast %shift_right_arithmetic3A_1271 : i32 to vector<16xi32>
        %shift_right_arithmetic3A_1273 = arith.shrsi %get3A_1254, %shift_right_arithmetic3A_1272 : vector<16xi32>
        %and3A_1274 = arith.constant 15 : i32
        %and3A_1275 = vector.broadcast %and3A_1274 : i32 to vector<16xi32>
        %and3A_1276 = arith.andi %get3A_1254, %and3A_1275 : vector<16xi32>
        %mul3A_1277 = arith.mulf %gather3A_1269, %gather3A_1270 : vector<16xf32>
        %mul3A_1278 = arith.mulf %mul3A_1277, %get3A_1262 : vector<16xf32>
        tpu.vector_store_idx %arg9[%shift_right_arithmetic3A_1273, %and3A_1276], %mul3A_1278 {add = true} : memref<3200x16xf32, #tpu.memory_space<vmem>>[vector<16xi32>, vector<16xi32>], vector<16xf32>,
        %scan3A_1279 = arith.constant 2 : i32
        %scan3A_1280 = arith.addi %scan3A_1213, %scan3A_1279 : i32
        %mul3A_1281 = arith.constant 16 : i32
        %mul3A_1282 = arith.muli %scan3A_1280, %mul3A_1281 : i32
        %get3A_1283 = arith.index_cast %mul3A_1282 : i32 to index
        %get3A_1284 = tpu.vector_load %arg15[%get3A_1283] {strides = array<i32>} : memref<2000xi32, #tpu.memory_space<vmem>>, vector<16xi32>,
        %mul3A_1285 = arith.constant 16 : i32
        %mul3A_1286 = arith.muli %scan3A_1280, %mul3A_1285 : i32
        %get3A_1287 = arith.index_cast %mul3A_1286 : i32 to index
        %get3A_1288 = tpu.vector_load %arg16[%get3A_1287] {strides = array<i32>} : memref<2000xi32, #tpu.memory_space<vmem>>, vector<16xi32>,
        %mul3A_1289 = arith.constant 16 : i32
        %mul3A_1290 = arith.muli %scan3A_1280, %mul3A_1289 : i32
        %get3A_1291 = arith.index_cast %mul3A_1290 : i32 to index
        %get3A_1292 = tpu.vector_load %arg17[%get3A_1291] {strides = array<i32>} : memref<2000xi32, #tpu.memory_space<vmem>>, vector<16xi32>,
        %mul3A_1293 = arith.constant 16 : i32
        %mul3A_1294 = arith.muli %scan3A_1280, %mul3A_1293 : i32
        %get3A_1295 = arith.index_cast %mul3A_1294 : i32 to index
        %get3A_1296 = tpu.vector_load %arg18[%get3A_1295] {strides = array<i32>} : memref<2000xf32, #tpu.memory_space<vmem>>, vector<16xf32>,
        %shift_right_arithmetic3A_1297 = arith.constant 4 : i32
        %shift_right_arithmetic3A_1298 = vector.broadcast %shift_right_arithmetic3A_1297 : i32 to vector<16xi32>
        %shift_right_arithmetic3A_1299 = arith.shrsi %get3A_1284, %shift_right_arithmetic3A_1298 : vector<16xi32>
        %and3A_1300 = arith.constant 15 : i32
        %and3A_1301 = vector.broadcast %and3A_1300 : i32 to vector<16xi32>
        %and3A_1302 = arith.andi %get3A_1284, %and3A_1301 : vector<16xi32>
        %gather3A_1303 = tpu.vector_load_idx %arg8[%shift_right_arithmetic3A_1299, %and3A_1302] : memref<3200x16xf32, #tpu.memory_space<vmem>>[vector<16xi32>, vector<16xi32>], vector<16xf32>,
        %gather3A_1304 = tpu.vector_load_idx %arg20[%get3A_1292] : memref<128xf32, #tpu.memory_space<vmem>>[vector<16xi32>], vector<16xf32>,
        %shift_right_arithmetic3A_1305 = arith.constant 4 : i32
        %shift_right_arithmetic3A_1306 = vector.broadcast %shift_right_arithmetic3A_1305 : i32 to vector<16xi32>
        %shift_right_arithmetic3A_1307 = arith.shrsi %get3A_1288, %shift_right_arithmetic3A_1306 : vector<16xi32>
        %and3A_1308 = arith.constant 15 : i32
        %and3A_1309 = vector.broadcast %and3A_1308 : i32 to vector<16xi32>
        %and3A_1310 = arith.andi %get3A_1288, %and3A_1309 : vector<16xi32>
        %mul3A_1311 = arith.mulf %gather3A_1303, %gather3A_1304 : vector<16xf32>
        %mul3A_1312 = arith.mulf %mul3A_1311, %get3A_1296 : vector<16xf32>
        tpu.vector_store_idx %arg9[%shift_right_arithmetic3A_1307, %and3A_1310], %mul3A_1312 {add = true} : memref<3200x16xf32, #tpu.memory_space<vmem>>[vector<16xi32>, vector<16xi32>], vector<16xf32>,
        %scan3A_1313 = arith.constant 3 : i32
        %scan3A_1314 = arith.addi %scan3A_1213, %scan3A_1313 : i32
        %mul3A_1315 = arith.constant 16 : i32
        %mul3A_1316 = arith.muli %scan3A_1314, %mul3A_1315 : i32
        %get3A_1317 = arith.index_cast %mul3A_1316 : i32 to index
        %get3A_1318 = tpu.vector_load %arg15[%get3A_1317] {strides = array<i32>} : memref<2000xi32, #tpu.memory_space<vmem>>, vector<16xi32>,
        %mul3A_1319 = arith.constant 16 : i32
        %mul3A_1320 = arith.muli %scan3A_1314, %mul3A_1319 : i32
        %get3A_1321 = arith.index_cast %mul3A_1320 : i32 to index
        %get3A_1322 = tpu.vector_load %arg16[%get3A_1321] {strides = array<i32>} : memref<2000xi32, #tpu.memory_space<vmem>>, vector<16xi32>,
        %mul3A_1323 = arith.constant 16 : i32
        %mul3A_1324 = arith.muli %scan3A_1314, %mul3A_1323 : i32
        %get3A_1325 = arith.index_cast %mul3A_1324 : i32 to index
        %get3A_1326 = tpu.vector_load %arg17[%get3A_1325] {strides = array<i32>} : memref<2000xi32, #tpu.memory_space<vmem>>, vector<16xi32>,
        %mul3A_1327 = arith.constant 16 : i32
        %mul3A_1328 = arith.muli %scan3A_1314, %mul3A_1327 : i32
        %get3A_1329 = arith.index_cast %mul3A_1328 : i32 to index
        %get3A_1330 = tpu.vector_load %arg18[%get3A_1329] {strides = array<i32>} : memref<2000xf32, #tpu.memory_space<vmem>>, vector<16xf32>,
        %shift_right_arithmetic3A_1331 = arith.constant 4 : i32
        %shift_right_arithmetic3A_1332 = vector.broadcast %shift_right_arithmetic3A_1331 : i32 to vector<16xi32>
        %shift_right_arithmetic3A_1333 = arith.shrsi %get3A_1318, %shift_right_arithmetic3A_1332 : vector<16xi32>
        %and3A_1334 = arith.constant 15 : i32
        %and3A_1335 = vector.broadcast %and3A_1334 : i32 to vector<16xi32>
        %and3A_1336 = arith.andi %get3A_1318, %and3A_1335 : vector<16xi32>
        %gather3A_1337 = tpu.vector_load_idx %arg8[%shift_right_arithmetic3A_1333, %and3A_1336] : memref<3200x16xf32, #tpu.memory_space<vmem>>[vector<16xi32>, vector<16xi32>], vector<16xf32>,
        %gather3A_1338 = tpu.vector_load_idx %arg20[%get3A_1326] : memref<128xf32, #tpu.memory_space<vmem>>[vector<16xi32>], vector<16xf32>,
        %shift_right_arithmetic3A_1339 = arith.constant 4 : i32
        %shift_right_arithmetic3A_1340 = vector.broadcast %shift_right_arithmetic3A_1339 : i32 to vector<16xi32>
        %shift_right_arithmetic3A_1341 = arith.shrsi %get3A_1322, %shift_right_arithmetic3A_1340 : vector<16xi32>
        %and3A_1342 = arith.constant 15 : i32
        %and3A_1343 = vector.broadcast %and3A_1342 : i32 to vector<16xi32>
        %and3A_1344 = arith.andi %get3A_1322, %and3A_1343 : vector<16xi32>
        %mul3A_1345 = arith.mulf %gather3A_1337, %gather3A_1338 : vector<16xf32>
        %mul3A_1346 = arith.mulf %mul3A_1345, %get3A_1330 : vector<16xf32>
        tpu.vector_store_idx %arg9[%shift_right_arithmetic3A_1341, %and3A_1344], %mul3A_1346 {add = true} : memref<3200x16xf32, #tpu.memory_space<vmem>>[vector<16xi32>, vector<16xi32>], vector<16xf32>,
        %scan3A_1347 = arith.constant 4 : i32
        %scan3A_1348 = arith.addi %scan3A_1213, %scan3A_1347 : i32
        %mul3A_1349 = arith.constant 16 : i32
        %mul3A_1350 = arith.muli %scan3A_1348, %mul3A_1349 : i32
        %get3A_1351 = arith.index_cast %mul3A_1350 : i32 to index
        %get3A_1352 = tpu.vector_load %arg15[%get3A_1351] {strides = array<i32>} : memref<2000xi32, #tpu.memory_space<vmem>>, vector<16xi32>,
        %mul3A_1353 = arith.constant 16 : i32
        %mul3A_1354 = arith.muli %scan3A_1348, %mul3A_1353 : i32
        %get3A_1355 = arith.index_cast %mul3A_1354 : i32 to index
        %get3A_1356 = tpu.vector_load %arg16[%get3A_1355] {strides = array<i32>} : memref<2000xi32, #tpu.memory_space<vmem>>, vector<16xi32>,
        %mul3A_1357 = arith.constant 16 : i32
        %mul3A_1358 = arith.muli %scan3A_1348, %mul3A_1357 : i32
        %get3A_1359 = arith.index_cast %mul3A_1358 : i32 to index
        %get3A_1360 = tpu.vector_load %arg17[%get3A_1359] {strides = array<i32>} : memref<2000xi32, #tpu.memory_space<vmem>>, vector<16xi32>,
        %mul3A_1361 = arith.constant 16 : i32
        %mul3A_1362 = arith.muli %scan3A_1348, %mul3A_1361 : i32
        %get3A_1363 = arith.index_cast %mul3A_1362 : i32 to index
        %get3A_1364 = tpu.vector_load %arg18[%get3A_1363] {strides = array<i32>} : memref<2000xf32, #tpu.memory_space<vmem>>, vector<16xf32>,
        %shift_right_arithmetic3A_1365 = arith.constant 4 : i32
        %shift_right_arithmetic3A_1366 = vector.broadcast %shift_right_arithmetic3A_1365 : i32 to vector<16xi32>
        %shift_right_arithmetic3A_1367 = arith.shrsi %get3A_1352, %shift_right_arithmetic3A_1366 : vector<16xi32>
        %and3A_1368 = arith.constant 15 : i32
        %and3A_1369 = vector.broadcast %and3A_1368 : i32 to vector<16xi32>
        %and3A_1370 = arith.andi %get3A_1352, %and3A_1369 : vector<16xi32>
        %gather3A_1371 = tpu.vector_load_idx %arg8[%shift_right_arithmetic3A_1367, %and3A_1370] : memref<3200x16xf32, #tpu.memory_space<vmem>>[vector<16xi32>, vector<16xi32>], vector<16xf32>,
        %gather3A_1372 = tpu.vector_load_idx %arg20[%get3A_1360] : memref<128xf32, #tpu.memory_space<vmem>>[vector<16xi32>], vector<16xf32>,
        %shift_right_arithmetic3A_1373 = arith.constant 4 : i32
        %shift_right_arithmetic3A_1374 = vector.broadcast %shift_right_arithmetic3A_1373 : i32 to vector<16xi32>
        %shift_right_arithmetic3A_1375 = arith.shrsi %get3A_1356, %shift_right_arithmetic3A_1374 : vector<16xi32>
        %and3A_1376 = arith.constant 15 : i32
        %and3A_1377 = vector.broadcast %and3A_1376 : i32 to vector<16xi32>
        %and3A_1378 = arith.andi %get3A_1356, %and3A_1377 : vector<16xi32>
        %mul3A_1379 = arith.mulf %gather3A_1371, %gather3A_1372 : vector<16xf32>
        %mul3A_1380 = arith.mulf %mul3A_1379, %get3A_1364 : vector<16xf32>
        tpu.vector_store_idx %arg9[%shift_right_arithmetic3A_1375, %and3A_1378], %mul3A_1380 {add = true} : memref<3200x16xf32, #tpu.memory_space<vmem>>[vector<16xi32>, vector<16xi32>], vector<16xf32>,
      }
      %scan3A_1212 = arith.constant 125 : i32
    }
    %scan3A_628 = arith.constant 25 : i32
    %dma_start3A_629 = arith.constant 0 : i32
    %dma_start3A_630 = arith.constant 0 : i32
    %dma_start3A_631 = arith.constant 0 : i32
    %dma_start3A_632 = tpu.memref_slice %arg9[%dma_start3A_630, %dma_start3A_631] : memref<3200x16xf32, #tpu.memory_space<vmem>> -> memref<128x16xf32, #tpu.memory_space<vmem>>
    %dma_start3A_633 = arith.constant 0 : i32
    %dma_start3A_634 = tpu.memref_slice %arg23[%dma_start3A_629, %dma_start3A_633] : memref<25x128xi32, #tpu.memory_space<vmem>> -> memref<1x128xi32, #tpu.memory_space<vmem>>
    %dma_start3A_635 = tpu.memref_squeeze %dma_start3A_634 : memref<1x128xi32, #tpu.memory_space<vmem>> -> memref<128xi32, #tpu.memory_space<vmem>>
    %dma_start3A_636 = arith.constant 0 : i32
    %dma_start3A_637 = arith.constant 0 : i32
    %dma_start3A_638 = tpu.memref_slice %arg27[%dma_start3A_636, %dma_start3A_637] : memref<3200x16xf32, #tpu.memory_space<vmem_shared>> -> memref<3200x16xf32, #tpu.memory_space<vmem_shared>>
    tpu.enqueue_indirect_dma source(%dma_start3A_632 : memref<128x16xf32, #tpu.memory_space<vmem>>) target(%dma_start3A_638 : memref<3200x16xf32, #tpu.memory_space<vmem_shared>>) offsets(%dma_start3A_635 : memref<128xi32, #tpu.memory_space<vmem>>) semaphore(%arg26 : memref<!tpu.dma_semaphore, #tpu.memory_space<semaphore_mem>>) {add = true}
    %dma_start3A_639 = arith.constant 1 : i32
    %dma_start3A_640 = arith.constant 128 : i32
    %dma_start3A_641 = arith.constant 0 : i32
    %dma_start3A_642 = tpu.memref_slice %arg9[%dma_start3A_640, %dma_start3A_641] : memref<3200x16xf32, #tpu.memory_space<vmem>> -> memref<128x16xf32, #tpu.memory_space<vmem>>
    %dma_start3A_643 = arith.constant 0 : i32
    %dma_start3A_644 = tpu.memref_slice %arg23[%dma_start3A_639, %dma_start3A_643] : memref<25x128xi32, #tpu.memory_space<vmem>> -> memref<1x128xi32, #tpu.memory_space<vmem>>
    %dma_start3A_645 = tpu.memref_squeeze %dma_start3A_644 : memref<1x128xi32, #tpu.memory_space<vmem>> -> memref<128xi32, #tpu.memory_space<vmem>>
    %dma_start3A_646 = arith.constant 0 : i32
    %dma_start3A_647 = arith.constant 0 : i32
    %dma_start3A_648 = tpu.memref_slice %arg27[%dma_start3A_646, %dma_start3A_647] : memref<3200x16xf32, #tpu.memory_space<vmem_shared>> -> memref<3200x16xf32, #tpu.memory_space<vmem_shared>>
    tpu.enqueue_indirect_dma source(%dma_start3A_642 : memref<128x16xf32, #tpu.memory_space<vmem>>) target(%dma_start3A_648 : memref<3200x16xf32, #tpu.memory_space<vmem_shared>>) offsets(%dma_start3A_645 : memref<128xi32, #tpu.memory_space<vmem>>) semaphore(%arg26 : memref<!tpu.dma_semaphore, #tpu.memory_space<semaphore_mem>>) {add = true}
    %dma_start3A_649 = arith.constant 2 : i32
    %dma_start3A_650 = arith.constant 256 : i32
    %dma_start3A_651 = arith.constant 0 : i32
    %dma_start3A_652 = tpu.memref_slice %arg9[%dma_start3A_650, %dma_start3A_651] : memref<3200x16xf32, #tpu.memory_space<vmem>> -> memref<128x16xf32, #tpu.memory_space<vmem>>
    %dma_start3A_653 = arith.constant 0 : i32
    %dma_start3A_654 = tpu.memref_slice %arg23[%dma_start3A_649, %dma_start3A_653] : memref<25x128xi32, #tpu.memory_space<vmem>> -> memref<1x128xi32, #tpu.memory_space<vmem>>
    %dma_start3A_655 = tpu.memref_squeeze %dma_start3A_654 : memref<1x128xi32, #tpu.memory_space<vmem>> -> memref<128xi32, #tpu.memory_space<vmem>>
    %dma_start3A_656 = arith.constant 0 : i32
    %dma_start3A_657 = arith.constant 0 : i32
    %dma_start3A_658 = tpu.memref_slice %arg27[%dma_start3A_656, %dma_start3A_657] : memref<3200x16xf32, #tpu.memory_space<vmem_shared>> -> memref<3200x16xf32, #tpu.memory_space<vmem_shared>>
    tpu.enqueue_indirect_dma source(%dma_start3A_652 : memref<128x16xf32, #tpu.memory_space<vmem>>) target(%dma_start3A_658 : memref<3200x16xf32, #tpu.memory_space<vmem_shared>>) offsets(%dma_start3A_655 : memref<128xi32, #tpu.memory_space<vmem>>) semaphore(%arg26 : memref<!tpu.dma_semaphore, #tpu.memory_space<semaphore_mem>>) {add = true}
    %dma_start3A_659 = arith.constant 3 : i32
    %dma_start3A_660 = arith.constant 384 : i32
    %dma_start3A_661 = arith.constant 0 : i32
    %dma_start3A_662 = tpu.memref_slice %arg9[%dma_start3A_660, %dma_start3A_661] : memref<3200x16xf32, #tpu.memory_space<vmem>> -> memref<128x16xf32, #tpu.memory_space<vmem>>
    %dma_start3A_663 = arith.constant 0 : i32
    %dma_start3A_664 = tpu.memref_slice %arg23[%dma_start3A_659, %dma_start3A_663] : memref<25x128xi32, #tpu.memory_space<vmem>> -> memref<1x128xi32, #tpu.memory_space<vmem>>
    %dma_start3A_665 = tpu.memref_squeeze %dma_start3A_664 : memref<1x128xi32, #tpu.memory_space<vmem>> -> memref<128xi32, #tpu.memory_space<vmem>>
    %dma_start3A_666 = arith.constant 0 : i32
    %dma_start3A_667 = arith.constant 0 : i32
    %dma_start3A_668 = tpu.memref_slice %arg27[%dma_start3A_666, %dma_start3A_667] : memref<3200x16xf32, #tpu.memory_space<vmem_shared>> -> memref<3200x16xf32, #tpu.memory_space<vmem_shared>>
    tpu.enqueue_indirect_dma source(%dma_start3A_662 : memref<128x16xf32, #tpu.memory_space<vmem>>) target(%dma_start3A_668 : memref<3200x16xf32, #tpu.memory_space<vmem_shared>>) offsets(%dma_start3A_665 : memref<128xi32, #tpu.memory_space<vmem>>) semaphore(%arg26 : memref<!tpu.dma_semaphore, #tpu.memory_space<semaphore_mem>>) {add = true}
    %dma_start3A_669 = arith.constant 4 : i32
    %dma_start3A_670 = arith.constant 512 : i32
    %dma_start3A_671 = arith.constant 0 : i32
    %dma_start3A_672 = tpu.memref_slice %arg9[%dma_start3A_670, %dma_start3A_671] : memref<3200x16xf32, #tpu.memory_space<vmem>> -> memref<128x16xf32, #tpu.memory_space<vmem>>
    %dma_start3A_673 = arith.constant 0 : i32
    %dma_start3A_674 = tpu.memref_slice %arg23[%dma_start3A_669, %dma_start3A_673] : memref<25x128xi32, #tpu.memory_space<vmem>> -> memref<1x128xi32, #tpu.memory_space<vmem>>
    %dma_start3A_675 = tpu.memref_squeeze %dma_start3A_674 : memref<1x128xi32, #tpu.memory_space<vmem>> -> memref<128xi32, #tpu.memory_space<vmem>>
    %dma_start3A_676 = arith.constant 0 : i32
    %dma_start3A_677 = arith.constant 0 : i32
    %dma_start3A_678 = tpu.memref_slice %arg27[%dma_start3A_676, %dma_start3A_677] : memref<3200x16xf32, #tpu.memory_space<vmem_shared>> -> memref<3200x16xf32, #tpu.memory_space<vmem_shared>>
    tpu.enqueue_indirect_dma source(%dma_start3A_672 : memref<128x16xf32, #tpu.memory_space<vmem>>) target(%dma_start3A_678 : memref<3200x16xf32, #tpu.memory_space<vmem_shared>>) offsets(%dma_start3A_675 : memref<128xi32, #tpu.memory_space<vmem>>) semaphore(%arg26 : memref<!tpu.dma_semaphore, #tpu.memory_space<semaphore_mem>>) {add = true}
    %dma_start3A_679 = arith.constant 5 : i32
    %dma_start3A_680 = arith.constant 640 : i32
    %dma_start3A_681 = arith.constant 0 : i32
    %dma_start3A_682 = tpu.memref_slice %arg9[%dma_start3A_680, %dma_start3A_681] : memref<3200x16xf32, #tpu.memory_space<vmem>> -> memref<128x16xf32, #tpu.memory_space<vmem>>
    %dma_start3A_683 = arith.constant 0 : i32
    %dma_start3A_684 = tpu.memref_slice %arg23[%dma_start3A_679, %dma_start3A_683] : memref<25x128xi32, #tpu.memory_space<vmem>> -> memref<1x128xi32, #tpu.memory_space<vmem>>
    %dma_start3A_685 = tpu.memref_squeeze %dma_start3A_684 : memref<1x128xi32, #tpu.memory_space<vmem>> -> memref<128xi32, #tpu.memory_space<vmem>>
    %dma_start3A_686 = arith.constant 0 : i32
    %dma_start3A_687 = arith.constant 0 : i32
    %dma_start3A_688 = tpu.memref_slice %arg27[%dma_start3A_686, %dma_start3A_687] : memref<3200x16xf32, #tpu.memory_space<vmem_shared>> -> memref<3200x16xf32, #tpu.memory_space<vmem_shared>>
    tpu.enqueue_indirect_dma source(%dma_start3A_682 : memref<128x16xf32, #tpu.memory_space<vmem>>) target(%dma_start3A_688 : memref<3200x16xf32, #tpu.memory_space<vmem_shared>>) offsets(%dma_start3A_685 : memref<128xi32, #tpu.memory_space<vmem>>) semaphore(%arg26 : memref<!tpu.dma_semaphore, #tpu.memory_space<semaphore_mem>>) {add = true}
    %dma_start3A_689 = arith.constant 6 : i32
    %dma_start3A_690 = arith.constant 768 : i32
    %dma_start3A_691 = arith.constant 0 : i32
    %dma_start3A_692 = tpu.memref_slice %arg9[%dma_start3A_690, %dma_start3A_691] : memref<3200x16xf32, #tpu.memory_space<vmem>> -> memref<128x16xf32, #tpu.memory_space<vmem>>
    %dma_start3A_693 = arith.constant 0 : i32
    %dma_start3A_694 = tpu.memref_slice %arg23[%dma_start3A_689, %dma_start3A_693] : memref<25x128xi32, #tpu.memory_space<vmem>> -> memref<1x128xi32, #tpu.memory_space<vmem>>
    %dma_start3A_695 = tpu.memref_squeeze %dma_start3A_694 : memref<1x128xi32, #tpu.memory_space<vmem>> -> memref<128xi32, #tpu.memory_space<vmem>>
    %dma_start3A_696 = arith.constant 0 : i32
    %dma_start3A_697 = arith.constant 0 : i32
    %dma_start3A_698 = tpu.memref_slice %arg27[%dma_start3A_696, %dma_start3A_697] : memref<3200x16xf32, #tpu.memory_space<vmem_shared>> -> memref<3200x16xf32, #tpu.memory_space<vmem_shared>>
    tpu.enqueue_indirect_dma source(%dma_start3A_692 : memref<128x16xf32, #tpu.memory_space<vmem>>) target(%dma_start3A_698 : memref<3200x16xf32, #tpu.memory_space<vmem_shared>>) offsets(%dma_start3A_695 : memref<128xi32, #tpu.memory_space<vmem>>) semaphore(%arg26 : memref<!tpu.dma_semaphore, #tpu.memory_space<semaphore_mem>>) {add = true}
    %dma_start3A_699 = arith.constant 7 : i32
    %dma_start3A_700 = arith.constant 896 : i32
    %dma_start3A_701 = arith.constant 0 : i32
    %dma_start3A_702 = tpu.memref_slice %arg9[%dma_start3A_700, %dma_start3A_701] : memref<3200x16xf32, #tpu.memory_space<vmem>> -> memref<128x16xf32, #tpu.memory_space<vmem>>
    %dma_start3A_703 = arith.constant 0 : i32
    %dma_start3A_704 = tpu.memref_slice %arg23[%dma_start3A_699, %dma_start3A_703] : memref<25x128xi32, #tpu.memory_space<vmem>> -> memref<1x128xi32, #tpu.memory_space<vmem>>
    %dma_start3A_705 = tpu.memref_squeeze %dma_start3A_704 : memref<1x128xi32, #tpu.memory_space<vmem>> -> memref<128xi32, #tpu.memory_space<vmem>>
    %dma_start3A_706 = arith.constant 0 : i32
    %dma_start3A_707 = arith.constant 0 : i32
    %dma_start3A_708 = tpu.memref_slice %arg27[%dma_start3A_706, %dma_start3A_707] : memref<3200x16xf32, #tpu.memory_space<vmem_shared>> -> memref<3200x16xf32, #tpu.memory_space<vmem_shared>>
    tpu.enqueue_indirect_dma source(%dma_start3A_702 : memref<128x16xf32, #tpu.memory_space<vmem>>) target(%dma_start3A_708 : memref<3200x16xf32, #tpu.memory_space<vmem_shared>>) offsets(%dma_start3A_705 : memref<128xi32, #tpu.memory_space<vmem>>) semaphore(%arg26 : memref<!tpu.dma_semaphore, #tpu.memory_space<semaphore_mem>>) {add = true}
    %dma_start3A_709 = arith.constant 8 : i32
    %dma_start3A_710 = arith.constant 1024 : i32
    %dma_start3A_711 = arith.constant 0 : i32
    %dma_start3A_712 = tpu.memref_slice %arg9[%dma_start3A_710, %dma_start3A_711] : memref<3200x16xf32, #tpu.memory_space<vmem>> -> memref<128x16xf32, #tpu.memory_space<vmem>>
    %dma_start3A_713 = arith.constant 0 : i32
    %dma_start3A_714 = tpu.memref_slice %arg23[%dma_start3A_709, %dma_start3A_713] : memref<25x128xi32, #tpu.memory_space<vmem>> -> memref<1x128xi32, #tpu.memory_space<vmem>>
    %dma_start3A_715 = tpu.memref_squeeze %dma_start3A_714 : memref<1x128xi32, #tpu.memory_space<vmem>> -> memref<128xi32, #tpu.memory_space<vmem>>
    %dma_start3A_716 = arith.constant 0 : i32
    %dma_start3A_717 = arith.constant 0 : i32
    %dma_start3A_718 = tpu.memref_slice %arg27[%dma_start3A_716, %dma_start3A_717] : memref<3200x16xf32, #tpu.memory_space<vmem_shared>> -> memref<3200x16xf32, #tpu.memory_space<vmem_shared>>
    tpu.enqueue_indirect_dma source(%dma_start3A_712 : memref<128x16xf32, #tpu.memory_space<vmem>>) target(%dma_start3A_718 : memref<3200x16xf32, #tpu.memory_space<vmem_shared>>) offsets(%dma_start3A_715 : memref<128xi32, #tpu.memory_space<vmem>>) semaphore(%arg26 : memref<!tpu.dma_semaphore, #tpu.memory_space<semaphore_mem>>) {add = true}
    %dma_start3A_719 = arith.constant 9 : i32
    %dma_start3A_720 = arith.constant 1152 : i32
    %dma_start3A_721 = arith.constant 0 : i32
    %dma_start3A_722 = tpu.memref_slice %arg9[%dma_start3A_720, %dma_start3A_721] : memref<3200x16xf32, #tpu.memory_space<vmem>> -> memref<128x16xf32, #tpu.memory_space<vmem>>
    %dma_start3A_723 = arith.constant 0 : i32
    %dma_start3A_724 = tpu.memref_slice %arg23[%dma_start3A_719, %dma_start3A_723] : memref<25x128xi32, #tpu.memory_space<vmem>> -> memref<1x128xi32, #tpu.memory_space<vmem>>
    %dma_start3A_725 = tpu.memref_squeeze %dma_start3A_724 : memref<1x128xi32, #tpu.memory_space<vmem>> -> memref<128xi32, #tpu.memory_space<vmem>>
    %dma_start3A_726 = arith.constant 0 : i32
    %dma_start3A_727 = arith.constant 0 : i32
    %dma_start3A_728 = tpu.memref_slice %arg27[%dma_start3A_726, %dma_start3A_727] : memref<3200x16xf32, #tpu.memory_space<vmem_shared>> -> memref<3200x16xf32, #tpu.memory_space<vmem_shared>>
    tpu.enqueue_indirect_dma source(%dma_start3A_722 : memref<128x16xf32, #tpu.memory_space<vmem>>) target(%dma_start3A_728 : memref<3200x16xf32, #tpu.memory_space<vmem_shared>>) offsets(%dma_start3A_725 : memref<128xi32, #tpu.memory_space<vmem>>) semaphore(%arg26 : memref<!tpu.dma_semaphore, #tpu.memory_space<semaphore_mem>>) {add = true}
    %dma_start3A_729 = arith.constant 10 : i32
    %dma_start3A_730 = arith.constant 1280 : i32
    %dma_start3A_731 = arith.constant 0 : i32
    %dma_start3A_732 = tpu.memref_slice %arg9[%dma_start3A_730, %dma_start3A_731] : memref<3200x16xf32, #tpu.memory_space<vmem>> -> memref<128x16xf32, #tpu.memory_space<vmem>>
    %dma_start3A_733 = arith.constant 0 : i32
    %dma_start3A_734 = tpu.memref_slice %arg23[%dma_start3A_729, %dma_start3A_733] : memref<25x128xi32, #tpu.memory_space<vmem>> -> memref<1x128xi32, #tpu.memory_space<vmem>>
    %dma_start3A_735 = tpu.memref_squeeze %dma_start3A_734 : memref<1x128xi32, #tpu.memory_space<vmem>> -> memref<128xi32, #tpu.memory_space<vmem>>
    %dma_start3A_736 = arith.constant 0 : i32
    %dma_start3A_737 = arith.constant 0 : i32
    %dma_start3A_738 = tpu.memref_slice %arg27[%dma_start3A_736, %dma_start3A_737] : memref<3200x16xf32, #tpu.memory_space<vmem_shared>> -> memref<3200x16xf32, #tpu.memory_space<vmem_shared>>
    tpu.enqueue_indirect_dma source(%dma_start3A_732 : memref<128x16xf32, #tpu.memory_space<vmem>>) target(%dma_start3A_738 : memref<3200x16xf32, #tpu.memory_space<vmem_shared>>) offsets(%dma_start3A_735 : memref<128xi32, #tpu.memory_space<vmem>>) semaphore(%arg26 : memref<!tpu.dma_semaphore, #tpu.memory_space<semaphore_mem>>) {add = true}
    %dma_start3A_739 = arith.constant 11 : i32
    %dma_start3A_740 = arith.constant 1408 : i32
    %dma_start3A_741 = arith.constant 0 : i32
    %dma_start3A_742 = tpu.memref_slice %arg9[%dma_start3A_740, %dma_start3A_741] : memref<3200x16xf32, #tpu.memory_space<vmem>> -> memref<128x16xf32, #tpu.memory_space<vmem>>
    %dma_start3A_743 = arith.constant 0 : i32
    %dma_start3A_744 = tpu.memref_slice %arg23[%dma_start3A_739, %dma_start3A_743] : memref<25x128xi32, #tpu.memory_space<vmem>> -> memref<1x128xi32, #tpu.memory_space<vmem>>
    %dma_start3A_745 = tpu.memref_squeeze %dma_start3A_744 : memref<1x128xi32, #tpu.memory_space<vmem>> -> memref<128xi32, #tpu.memory_space<vmem>>
    %dma_start3A_746 = arith.constant 0 : i32
    %dma_start3A_747 = arith.constant 0 : i32
    %dma_start3A_748 = tpu.memref_slice %arg27[%dma_start3A_746, %dma_start3A_747] : memref<3200x16xf32, #tpu.memory_space<vmem_shared>> -> memref<3200x16xf32, #tpu.memory_space<vmem_shared>>
    tpu.enqueue_indirect_dma source(%dma_start3A_742 : memref<128x16xf32, #tpu.memory_space<vmem>>) target(%dma_start3A_748 : memref<3200x16xf32, #tpu.memory_space<vmem_shared>>) offsets(%dma_start3A_745 : memref<128xi32, #tpu.memory_space<vmem>>) semaphore(%arg26 : memref<!tpu.dma_semaphore, #tpu.memory_space<semaphore_mem>>) {add = true}
    %dma_start3A_749 = arith.constant 12 : i32
    %dma_start3A_750 = arith.constant 1536 : i32
    %dma_start3A_751 = arith.constant 0 : i32
    %dma_start3A_752 = tpu.memref_slice %arg9[%dma_start3A_750, %dma_start3A_751] : memref<3200x16xf32, #tpu.memory_space<vmem>> -> memref<128x16xf32, #tpu.memory_space<vmem>>
    %dma_start3A_753 = arith.constant 0 : i32
    %dma_start3A_754 = tpu.memref_slice %arg23[%dma_start3A_749, %dma_start3A_753] : memref<25x128xi32, #tpu.memory_space<vmem>> -> memref<1x128xi32, #tpu.memory_space<vmem>>
    %dma_start3A_755 = tpu.memref_squeeze %dma_start3A_754 : memref<1x128xi32, #tpu.memory_space<vmem>> -> memref<128xi32, #tpu.memory_space<vmem>>
    %dma_start3A_756 = arith.constant 0 : i32
    %dma_start3A_757 = arith.constant 0 : i32
    %dma_start3A_758 = tpu.memref_slice %arg27[%dma_start3A_756, %dma_start3A_757] : memref<3200x16xf32, #tpu.memory_space<vmem_shared>> -> memref<3200x16xf32, #tpu.memory_space<vmem_shared>>
    tpu.enqueue_indirect_dma source(%dma_start3A_752 : memref<128x16xf32, #tpu.memory_space<vmem>>) target(%dma_start3A_758 : memref<3200x16xf32, #tpu.memory_space<vmem_shared>>) offsets(%dma_start3A_755 : memref<128xi32, #tpu.memory_space<vmem>>) semaphore(%arg26 : memref<!tpu.dma_semaphore, #tpu.memory_space<semaphore_mem>>) {add = true}
    %dma_start3A_759 = arith.constant 13 : i32
    %dma_start3A_760 = arith.constant 1664 : i32
    %dma_start3A_761 = arith.constant 0 : i32
    %dma_start3A_762 = tpu.memref_slice %arg9[%dma_start3A_760, %dma_start3A_761] : memref<3200x16xf32, #tpu.memory_space<vmem>> -> memref<128x16xf32, #tpu.memory_space<vmem>>
    %dma_start3A_763 = arith.constant 0 : i32
    %dma_start3A_764 = tpu.memref_slice %arg23[%dma_start3A_759, %dma_start3A_763] : memref<25x128xi32, #tpu.memory_space<vmem>> -> memref<1x128xi32, #tpu.memory_space<vmem>>
    %dma_start3A_765 = tpu.memref_squeeze %dma_start3A_764 : memref<1x128xi32, #tpu.memory_space<vmem>> -> memref<128xi32, #tpu.memory_space<vmem>>
    %dma_start3A_766 = arith.constant 0 : i32
    %dma_start3A_767 = arith.constant 0 : i32
    %dma_start3A_768 = tpu.memref_slice %arg27[%dma_start3A_766, %dma_start3A_767] : memref<3200x16xf32, #tpu.memory_space<vmem_shared>> -> memref<3200x16xf32, #tpu.memory_space<vmem_shared>>
    tpu.enqueue_indirect_dma source(%dma_start3A_762 : memref<128x16xf32, #tpu.memory_space<vmem>>) target(%dma_start3A_768 : memref<3200x16xf32, #tpu.memory_space<vmem_shared>>) offsets(%dma_start3A_765 : memref<128xi32, #tpu.memory_space<vmem>>) semaphore(%arg26 : memref<!tpu.dma_semaphore, #tpu.memory_space<semaphore_mem>>) {add = true}
    %dma_start3A_769 = arith.constant 14 : i32
    %dma_start3A_770 = arith.constant 1792 : i32
    %dma_start3A_771 = arith.constant 0 : i32
    %dma_start3A_772 = tpu.memref_slice %arg9[%dma_start3A_770, %dma_start3A_771] : memref<3200x16xf32, #tpu.memory_space<vmem>> -> memref<128x16xf32, #tpu.memory_space<vmem>>
    %dma_start3A_773 = arith.constant 0 : i32
    %dma_start3A_774 = tpu.memref_slice %arg23[%dma_start3A_769, %dma_start3A_773] : memref<25x128xi32, #tpu.memory_space<vmem>> -> memref<1x128xi32, #tpu.memory_space<vmem>>
    %dma_start3A_775 = tpu.memref_squeeze %dma_start3A_774 : memref<1x128xi32, #tpu.memory_space<vmem>> -> memref<128xi32, #tpu.memory_space<vmem>>
    %dma_start3A_776 = arith.constant 0 : i32
    %dma_start3A_777 = arith.constant 0 : i32
    %dma_start3A_778 = tpu.memref_slice %arg27[%dma_start3A_776, %dma_start3A_777] : memref<3200x16xf32, #tpu.memory_space<vmem_shared>> -> memref<3200x16xf32, #tpu.memory_space<vmem_shared>>
    tpu.enqueue_indirect_dma source(%dma_start3A_772 : memref<128x16xf32, #tpu.memory_space<vmem>>) target(%dma_start3A_778 : memref<3200x16xf32, #tpu.memory_space<vmem_shared>>) offsets(%dma_start3A_775 : memref<128xi32, #tpu.memory_space<vmem>>) semaphore(%arg26 : memref<!tpu.dma_semaphore, #tpu.memory_space<semaphore_mem>>) {add = true}
    %dma_start3A_779 = arith.constant 15 : i32
    %dma_start3A_780 = arith.constant 1920 : i32
    %dma_start3A_781 = arith.constant 0 : i32
    %dma_start3A_782 = tpu.memref_slice %arg9[%dma_start3A_780, %dma_start3A_781] : memref<3200x16xf32, #tpu.memory_space<vmem>> -> memref<128x16xf32, #tpu.memory_space<vmem>>
    %dma_start3A_783 = arith.constant 0 : i32
    %dma_start3A_784 = tpu.memref_slice %arg23[%dma_start3A_779, %dma_start3A_783] : memref<25x128xi32, #tpu.memory_space<vmem>> -> memref<1x128xi32, #tpu.memory_space<vmem>>
    %dma_start3A_785 = tpu.memref_squeeze %dma_start3A_784 : memref<1x128xi32, #tpu.memory_space<vmem>> -> memref<128xi32, #tpu.memory_space<vmem>>
    %dma_start3A_786 = arith.constant 0 : i32
    %dma_start3A_787 = arith.constant 0 : i32
    %dma_start3A_788 = tpu.memref_slice %arg27[%dma_start3A_786, %dma_start3A_787] : memref<3200x16xf32, #tpu.memory_space<vmem_shared>> -> memref<3200x16xf32, #tpu.memory_space<vmem_shared>>
    tpu.enqueue_indirect_dma source(%dma_start3A_782 : memref<128x16xf32, #tpu.memory_space<vmem>>) target(%dma_start3A_788 : memref<3200x16xf32, #tpu.memory_space<vmem_shared>>) offsets(%dma_start3A_785 : memref<128xi32, #tpu.memory_space<vmem>>) semaphore(%arg26 : memref<!tpu.dma_semaphore, #tpu.memory_space<semaphore_mem>>) {add = true}
    %dma_start3A_789 = arith.constant 16 : i32
    %dma_start3A_790 = arith.constant 2048 : i32
    %dma_start3A_791 = arith.constant 0 : i32
    %dma_start3A_792 = tpu.memref_slice %arg9[%dma_start3A_790, %dma_start3A_791] : memref<3200x16xf32, #tpu.memory_space<vmem>> -> memref<128x16xf32, #tpu.memory_space<vmem>>
    %dma_start3A_793 = arith.constant 0 : i32
    %dma_start3A_794 = tpu.memref_slice %arg23[%dma_start3A_789, %dma_start3A_793] : memref<25x128xi32, #tpu.memory_space<vmem>> -> memref<1x128xi32, #tpu.memory_space<vmem>>
    %dma_start3A_795 = tpu.memref_squeeze %dma_start3A_794 : memref<1x128xi32, #tpu.memory_space<vmem>> -> memref<128xi32, #tpu.memory_space<vmem>>
    %dma_start3A_796 = arith.constant 0 : i32
    %dma_start3A_797 = arith.constant 0 : i32
    %dma_start3A_798 = tpu.memref_slice %arg27[%dma_start3A_796, %dma_start3A_797] : memref<3200x16xf32, #tpu.memory_space<vmem_shared>> -> memref<3200x16xf32, #tpu.memory_space<vmem_shared>>
    tpu.enqueue_indirect_dma source(%dma_start3A_792 : memref<128x16xf32, #tpu.memory_space<vmem>>) target(%dma_start3A_798 : memref<3200x16xf32, #tpu.memory_space<vmem_shared>>) offsets(%dma_start3A_795 : memref<128xi32, #tpu.memory_space<vmem>>) semaphore(%arg26 : memref<!tpu.dma_semaphore, #tpu.memory_space<semaphore_mem>>) {add = true}
    %dma_start3A_799 = arith.constant 17 : i32
    %dma_start3A_800 = arith.constant 2176 : i32
    %dma_start3A_801 = arith.constant 0 : i32
    %dma_start3A_802 = tpu.memref_slice %arg9[%dma_start3A_800, %dma_start3A_801] : memref<3200x16xf32, #tpu.memory_space<vmem>> -> memref<128x16xf32, #tpu.memory_space<vmem>>
    %dma_start3A_803 = arith.constant 0 : i32
    %dma_start3A_804 = tpu.memref_slice %arg23[%dma_start3A_799, %dma_start3A_803] : memref<25x128xi32, #tpu.memory_space<vmem>> -> memref<1x128xi32, #tpu.memory_space<vmem>>
    %dma_start3A_805 = tpu.memref_squeeze %dma_start3A_804 : memref<1x128xi32, #tpu.memory_space<vmem>> -> memref<128xi32, #tpu.memory_space<vmem>>
    %dma_start3A_806 = arith.constant 0 : i32
    %dma_start3A_807 = arith.constant 0 : i32
    %dma_start3A_808 = tpu.memref_slice %arg27[%dma_start3A_806, %dma_start3A_807] : memref<3200x16xf32, #tpu.memory_space<vmem_shared>> -> memref<3200x16xf32, #tpu.memory_space<vmem_shared>>
    tpu.enqueue_indirect_dma source(%dma_start3A_802 : memref<128x16xf32, #tpu.memory_space<vmem>>) target(%dma_start3A_808 : memref<3200x16xf32, #tpu.memory_space<vmem_shared>>) offsets(%dma_start3A_805 : memref<128xi32, #tpu.memory_space<vmem>>) semaphore(%arg26 : memref<!tpu.dma_semaphore, #tpu.memory_space<semaphore_mem>>) {add = true}
    %dma_start3A_809 = arith.constant 18 : i32
    %dma_start3A_810 = arith.constant 2304 : i32
    %dma_start3A_811 = arith.constant 0 : i32
    %dma_start3A_812 = tpu.memref_slice %arg9[%dma_start3A_810, %dma_start3A_811] : memref<3200x16xf32, #tpu.memory_space<vmem>> -> memref<128x16xf32, #tpu.memory_space<vmem>>
    %dma_start3A_813 = arith.constant 0 : i32
    %dma_start3A_814 = tpu.memref_slice %arg23[%dma_start3A_809, %dma_start3A_813] : memref<25x128xi32, #tpu.memory_space<vmem>> -> memref<1x128xi32, #tpu.memory_space<vmem>>
    %dma_start3A_815 = tpu.memref_squeeze %dma_start3A_814 : memref<1x128xi32, #tpu.memory_space<vmem>> -> memref<128xi32, #tpu.memory_space<vmem>>
    %dma_start3A_816 = arith.constant 0 : i32
    %dma_start3A_817 = arith.constant 0 : i32
    %dma_start3A_818 = tpu.memref_slice %arg27[%dma_start3A_816, %dma_start3A_817] : memref<3200x16xf32, #tpu.memory_space<vmem_shared>> -> memref<3200x16xf32, #tpu.memory_space<vmem_shared>>
    tpu.enqueue_indirect_dma source(%dma_start3A_812 : memref<128x16xf32, #tpu.memory_space<vmem>>) target(%dma_start3A_818 : memref<3200x16xf32, #tpu.memory_space<vmem_shared>>) offsets(%dma_start3A_815 : memref<128xi32, #tpu.memory_space<vmem>>) semaphore(%arg26 : memref<!tpu.dma_semaphore, #tpu.memory_space<semaphore_mem>>) {add = true}
    %dma_start3A_819 = arith.constant 19 : i32
    %dma_start3A_820 = arith.constant 2432 : i32
    %dma_start3A_821 = arith.constant 0 : i32
    %dma_start3A_822 = tpu.memref_slice %arg9[%dma_start3A_820, %dma_start3A_821] : memref<3200x16xf32, #tpu.memory_space<vmem>> -> memref<128x16xf32, #tpu.memory_space<vmem>>
    %dma_start3A_823 = arith.constant 0 : i32
    %dma_start3A_824 = tpu.memref_slice %arg23[%dma_start3A_819, %dma_start3A_823] : memref<25x128xi32, #tpu.memory_space<vmem>> -> memref<1x128xi32, #tpu.memory_space<vmem>>
    %dma_start3A_825 = tpu.memref_squeeze %dma_start3A_824 : memref<1x128xi32, #tpu.memory_space<vmem>> -> memref<128xi32, #tpu.memory_space<vmem>>
    %dma_start3A_826 = arith.constant 0 : i32
    %dma_start3A_827 = arith.constant 0 : i32
    %dma_start3A_828 = tpu.memref_slice %arg27[%dma_start3A_826, %dma_start3A_827] : memref<3200x16xf32, #tpu.memory_space<vmem_shared>> -> memref<3200x16xf32, #tpu.memory_space<vmem_shared>>
    tpu.enqueue_indirect_dma source(%dma_start3A_822 : memref<128x16xf32, #tpu.memory_space<vmem>>) target(%dma_start3A_828 : memref<3200x16xf32, #tpu.memory_space<vmem_shared>>) offsets(%dma_start3A_825 : memref<128xi32, #tpu.memory_space<vmem>>) semaphore(%arg26 : memref<!tpu.dma_semaphore, #tpu.memory_space<semaphore_mem>>) {add = true}
    %dma_start3A_829 = arith.constant 20 : i32
    %dma_start3A_830 = arith.constant 2560 : i32
    %dma_start3A_831 = arith.constant 0 : i32
    %dma_start3A_832 = tpu.memref_slice %arg9[%dma_start3A_830, %dma_start3A_831] : memref<3200x16xf32, #tpu.memory_space<vmem>> -> memref<128x16xf32, #tpu.memory_space<vmem>>
    %dma_start3A_833 = arith.constant 0 : i32
    %dma_start3A_834 = tpu.memref_slice %arg23[%dma_start3A_829, %dma_start3A_833] : memref<25x128xi32, #tpu.memory_space<vmem>> -> memref<1x128xi32, #tpu.memory_space<vmem>>
    %dma_start3A_835 = tpu.memref_squeeze %dma_start3A_834 : memref<1x128xi32, #tpu.memory_space<vmem>> -> memref<128xi32, #tpu.memory_space<vmem>>
    %dma_start3A_836 = arith.constant 0 : i32
    %dma_start3A_837 = arith.constant 0 : i32
    %dma_start3A_838 = tpu.memref_slice %arg27[%dma_start3A_836, %dma_start3A_837] : memref<3200x16xf32, #tpu.memory_space<vmem_shared>> -> memref<3200x16xf32, #tpu.memory_space<vmem_shared>>
    tpu.enqueue_indirect_dma source(%dma_start3A_832 : memref<128x16xf32, #tpu.memory_space<vmem>>) target(%dma_start3A_838 : memref<3200x16xf32, #tpu.memory_space<vmem_shared>>) offsets(%dma_start3A_835 : memref<128xi32, #tpu.memory_space<vmem>>) semaphore(%arg26 : memref<!tpu.dma_semaphore, #tpu.memory_space<semaphore_mem>>) {add = true}
    %dma_start3A_839 = arith.constant 21 : i32
    %dma_start3A_840 = arith.constant 2688 : i32
    %dma_start3A_841 = arith.constant 0 : i32
    %dma_start3A_842 = tpu.memref_slice %arg9[%dma_start3A_840, %dma_start3A_841] : memref<3200x16xf32, #tpu.memory_space<vmem>> -> memref<128x16xf32, #tpu.memory_space<vmem>>
    %dma_start3A_843 = arith.constant 0 : i32
    %dma_start3A_844 = tpu.memref_slice %arg23[%dma_start3A_839, %dma_start3A_843] : memref<25x128xi32, #tpu.memory_space<vmem>> -> memref<1x128xi32, #tpu.memory_space<vmem>>
    %dma_start3A_845 = tpu.memref_squeeze %dma_start3A_844 : memref<1x128xi32, #tpu.memory_space<vmem>> -> memref<128xi32, #tpu.memory_space<vmem>>
    %dma_start3A_846 = arith.constant 0 : i32
    %dma_start3A_847 = arith.constant 0 : i32
    %dma_start3A_848 = tpu.memref_slice %arg27[%dma_start3A_846, %dma_start3A_847] : memref<3200x16xf32, #tpu.memory_space<vmem_shared>> -> memref<3200x16xf32, #tpu.memory_space<vmem_shared>>
    tpu.enqueue_indirect_dma source(%dma_start3A_842 : memref<128x16xf32, #tpu.memory_space<vmem>>) target(%dma_start3A_848 : memref<3200x16xf32, #tpu.memory_space<vmem_shared>>) offsets(%dma_start3A_845 : memref<128xi32, #tpu.memory_space<vmem>>) semaphore(%arg26 : memref<!tpu.dma_semaphore, #tpu.memory_space<semaphore_mem>>) {add = true}
    %dma_start3A_849 = arith.constant 22 : i32
    %dma_start3A_850 = arith.constant 2816 : i32
    %dma_start3A_851 = arith.constant 0 : i32
    %dma_start3A_852 = tpu.memref_slice %arg9[%dma_start3A_850, %dma_start3A_851] : memref<3200x16xf32, #tpu.memory_space<vmem>> -> memref<128x16xf32, #tpu.memory_space<vmem>>
    %dma_start3A_853 = arith.constant 0 : i32
    %dma_start3A_854 = tpu.memref_slice %arg23[%dma_start3A_849, %dma_start3A_853] : memref<25x128xi32, #tpu.memory_space<vmem>> -> memref<1x128xi32, #tpu.memory_space<vmem>>
    %dma_start3A_855 = tpu.memref_squeeze %dma_start3A_854 : memref<1x128xi32, #tpu.memory_space<vmem>> -> memref<128xi32, #tpu.memory_space<vmem>>
    %dma_start3A_856 = arith.constant 0 : i32
    %dma_start3A_857 = arith.constant 0 : i32
    %dma_start3A_858 = tpu.memref_slice %arg27[%dma_start3A_856, %dma_start3A_857] : memref<3200x16xf32, #tpu.memory_space<vmem_shared>> -> memref<3200x16xf32, #tpu.memory_space<vmem_shared>>
    tpu.enqueue_indirect_dma source(%dma_start3A_852 : memref<128x16xf32, #tpu.memory_space<vmem>>) target(%dma_start3A_858 : memref<3200x16xf32, #tpu.memory_space<vmem_shared>>) offsets(%dma_start3A_855 : memref<128xi32, #tpu.memory_space<vmem>>) semaphore(%arg26 : memref<!tpu.dma_semaphore, #tpu.memory_space<semaphore_mem>>) {add = true}
    %dma_start3A_859 = arith.constant 23 : i32
    %dma_start3A_860 = arith.constant 2944 : i32
    %dma_start3A_861 = arith.constant 0 : i32
    %dma_start3A_862 = tpu.memref_slice %arg9[%dma_start3A_860, %dma_start3A_861] : memref<3200x16xf32, #tpu.memory_space<vmem>> -> memref<128x16xf32, #tpu.memory_space<vmem>>
    %dma_start3A_863 = arith.constant 0 : i32
    %dma_start3A_864 = tpu.memref_slice %arg23[%dma_start3A_859, %dma_start3A_863] : memref<25x128xi32, #tpu.memory_space<vmem>> -> memref<1x128xi32, #tpu.memory_space<vmem>>
    %dma_start3A_865 = tpu.memref_squeeze %dma_start3A_864 : memref<1x128xi32, #tpu.memory_space<vmem>> -> memref<128xi32, #tpu.memory_space<vmem>>
    %dma_start3A_866 = arith.constant 0 : i32
    %dma_start3A_867 = arith.constant 0 : i32
    %dma_start3A_868 = tpu.memref_slice %arg27[%dma_start3A_866, %dma_start3A_867] : memref<3200x16xf32, #tpu.memory_space<vmem_shared>> -> memref<3200x16xf32, #tpu.memory_space<vmem_shared>>
    tpu.enqueue_indirect_dma source(%dma_start3A_862 : memref<128x16xf32, #tpu.memory_space<vmem>>) target(%dma_start3A_868 : memref<3200x16xf32, #tpu.memory_space<vmem_shared>>) offsets(%dma_start3A_865 : memref<128xi32, #tpu.memory_space<vmem>>) semaphore(%arg26 : memref<!tpu.dma_semaphore, #tpu.memory_space<semaphore_mem>>) {add = true}
    %dma_start3A_869 = arith.constant 24 : i32
    %dma_start3A_870 = arith.constant 3072 : i32
    %dma_start3A_871 = arith.constant 0 : i32
    %dma_start3A_872 = tpu.memref_slice %arg9[%dma_start3A_870, %dma_start3A_871] : memref<3200x16xf32, #tpu.memory_space<vmem>> -> memref<128x16xf32, #tpu.memory_space<vmem>>
    %dma_start3A_873 = arith.constant 0 : i32
    %dma_start3A_874 = tpu.memref_slice %arg23[%dma_start3A_869, %dma_start3A_873] : memref<25x128xi32, #tpu.memory_space<vmem>> -> memref<1x128xi32, #tpu.memory_space<vmem>>
    %dma_start3A_875 = tpu.memref_squeeze %dma_start3A_874 : memref<1x128xi32, #tpu.memory_space<vmem>> -> memref<128xi32, #tpu.memory_space<vmem>>
    %dma_start3A_876 = arith.constant 0 : i32
    %dma_start3A_877 = arith.constant 0 : i32
    %dma_start3A_878 = tpu.memref_slice %arg27[%dma_start3A_876, %dma_start3A_877] : memref<3200x16xf32, #tpu.memory_space<vmem_shared>> -> memref<3200x16xf32, #tpu.memory_space<vmem_shared>>
    tpu.enqueue_indirect_dma source(%dma_start3A_872 : memref<128x16xf32, #tpu.memory_space<vmem>>) target(%dma_start3A_878 : memref<3200x16xf32, #tpu.memory_space<vmem_shared>>) offsets(%dma_start3A_875 : memref<128xi32, #tpu.memory_space<vmem>>) semaphore(%arg26 : memref<!tpu.dma_semaphore, #tpu.memory_space<semaphore_mem>>) {add = true}
    %dma_wait3A_879 = arith.constant 0 : i32
    %dma_wait3A_880 = arith.constant 0 : i32
    %dma_wait3A_881 = arith.constant 0 : i32
    %dma_wait3A_882 = tpu.memref_slice %arg9[%dma_wait3A_880, %dma_wait3A_881] : memref<3200x16xf32, #tpu.memory_space<vmem>> -> memref<128x16xf32, #tpu.memory_space<vmem>>
    %dma_wait3A_883 = arith.constant 0 : i32
    %dma_wait3A_884 = tpu.memref_slice %arg23[%dma_wait3A_879, %dma_wait3A_883] : memref<25x128xi32, #tpu.memory_space<vmem>> -> memref<1x128xi32, #tpu.memory_space<vmem>>
    %dma_wait3A_885 = tpu.memref_squeeze %dma_wait3A_884 : memref<1x128xi32, #tpu.memory_space<vmem>> -> memref<128xi32, #tpu.memory_space<vmem>>
    %dma_wait3A_886 = arith.constant 0 : i32
    %dma_wait3A_887 = arith.constant 0 : i32
    %dma_wait3A_888 = tpu.memref_slice %arg27[%dma_wait3A_886, %dma_wait3A_887] : memref<3200x16xf32, #tpu.memory_space<vmem_shared>> -> memref<3200x16xf32, #tpu.memory_space<vmem_shared>>
    tpu.wait_indirect_dma semaphore(%arg26 : memref<!tpu.dma_semaphore, #tpu.memory_space<semaphore_mem>>) src(%dma_wait3A_882 : memref<128x16xf32, #tpu.memory_space<vmem>>) dst(%dma_wait3A_888 : memref<3200x16xf32, #tpu.memory_space<vmem_shared>>)
    %dma_wait3A_889 = arith.constant 1 : i32
    %dma_wait3A_890 = arith.constant 128 : i32
    %dma_wait3A_891 = arith.constant 0 : i32
    %dma_wait3A_892 = tpu.memref_slice %arg9[%dma_wait3A_890, %dma_wait3A_891] : memref<3200x16xf32, #tpu.memory_space<vmem>> -> memref<128x16xf32, #tpu.memory_space<vmem>>
    %dma_wait3A_893 = arith.constant 0 : i32
    %dma_wait3A_894 = tpu.memref_slice %arg23[%dma_wait3A_889, %dma_wait3A_893] : memref<25x128xi32, #tpu.memory_space<vmem>> -> memref<1x128xi32, #tpu.memory_space<vmem>>
    %dma_wait3A_895 = tpu.memref_squeeze %dma_wait3A_894 : memref<1x128xi32, #tpu.memory_space<vmem>> -> memref<128xi32, #tpu.memory_space<vmem>>
    %dma_wait3A_896 = arith.constant 0 : i32
    %dma_wait3A_897 = arith.constant 0 : i32
    %dma_wait3A_898 = tpu.memref_slice %arg27[%dma_wait3A_896, %dma_wait3A_897] : memref<3200x16xf32, #tpu.memory_space<vmem_shared>> -> memref<3200x16xf32, #tpu.memory_space<vmem_shared>>
    tpu.wait_indirect_dma semaphore(%arg26 : memref<!tpu.dma_semaphore, #tpu.memory_space<semaphore_mem>>) src(%dma_wait3A_892 : memref<128x16xf32, #tpu.memory_space<vmem>>) dst(%dma_wait3A_898 : memref<3200x16xf32, #tpu.memory_space<vmem_shared>>)
    %dma_wait3A_899 = arith.constant 2 : i32
    %dma_wait3A_900 = arith.constant 256 : i32
    %dma_wait3A_901 = arith.constant 0 : i32
    %dma_wait3A_902 = tpu.memref_slice %arg9[%dma_wait3A_900, %dma_wait3A_901] : memref<3200x16xf32, #tpu.memory_space<vmem>> -> memref<128x16xf32, #tpu.memory_space<vmem>>
    %dma_wait3A_903 = arith.constant 0 : i32
    %dma_wait3A_904 = tpu.memref_slice %arg23[%dma_wait3A_899, %dma_wait3A_903] : memref<25x128xi32, #tpu.memory_space<vmem>> -> memref<1x128xi32, #tpu.memory_space<vmem>>
    %dma_wait3A_905 = tpu.memref_squeeze %dma_wait3A_904 : memref<1x128xi32, #tpu.memory_space<vmem>> -> memref<128xi32, #tpu.memory_space<vmem>>
    %dma_wait3A_906 = arith.constant 0 : i32
    %dma_wait3A_907 = arith.constant 0 : i32
    %dma_wait3A_908 = tpu.memref_slice %arg27[%dma_wait3A_906, %dma_wait3A_907] : memref<3200x16xf32, #tpu.memory_space<vmem_shared>> -> memref<3200x16xf32, #tpu.memory_space<vmem_shared>>
    tpu.wait_indirect_dma semaphore(%arg26 : memref<!tpu.dma_semaphore, #tpu.memory_space<semaphore_mem>>) src(%dma_wait3A_902 : memref<128x16xf32, #tpu.memory_space<vmem>>) dst(%dma_wait3A_908 : memref<3200x16xf32, #tpu.memory_space<vmem_shared>>)
    %dma_wait3A_909 = arith.constant 3 : i32
    %dma_wait3A_910 = arith.constant 384 : i32
    %dma_wait3A_911 = arith.constant 0 : i32
    %dma_wait3A_912 = tpu.memref_slice %arg9[%dma_wait3A_910, %dma_wait3A_911] : memref<3200x16xf32, #tpu.memory_space<vmem>> -> memref<128x16xf32, #tpu.memory_space<vmem>>
    %dma_wait3A_913 = arith.constant 0 : i32
    %dma_wait3A_914 = tpu.memref_slice %arg23[%dma_wait3A_909, %dma_wait3A_913] : memref<25x128xi32, #tpu.memory_space<vmem>> -> memref<1x128xi32, #tpu.memory_space<vmem>>
    %dma_wait3A_915 = tpu.memref_squeeze %dma_wait3A_914 : memref<1x128xi32, #tpu.memory_space<vmem>> -> memref<128xi32, #tpu.memory_space<vmem>>
    %dma_wait3A_916 = arith.constant 0 : i32
    %dma_wait3A_917 = arith.constant 0 : i32
    %dma_wait3A_918 = tpu.memref_slice %arg27[%dma_wait3A_916, %dma_wait3A_917] : memref<3200x16xf32, #tpu.memory_space<vmem_shared>> -> memref<3200x16xf32, #tpu.memory_space<vmem_shared>>
    tpu.wait_indirect_dma semaphore(%arg26 : memref<!tpu.dma_semaphore, #tpu.memory_space<semaphore_mem>>) src(%dma_wait3A_912 : memref<128x16xf32, #tpu.memory_space<vmem>>) dst(%dma_wait3A_918 : memref<3200x16xf32, #tpu.memory_space<vmem_shared>>)
    %dma_wait3A_919 = arith.constant 4 : i32
    %dma_wait3A_920 = arith.constant 512 : i32
    %dma_wait3A_921 = arith.constant 0 : i32
    %dma_wait3A_922 = tpu.memref_slice %arg9[%dma_wait3A_920, %dma_wait3A_921] : memref<3200x16xf32, #tpu.memory_space<vmem>> -> memref<128x16xf32, #tpu.memory_space<vmem>>
    %dma_wait3A_923 = arith.constant 0 : i32
    %dma_wait3A_924 = tpu.memref_slice %arg23[%dma_wait3A_919, %dma_wait3A_923] : memref<25x128xi32, #tpu.memory_space<vmem>> -> memref<1x128xi32, #tpu.memory_space<vmem>>
    %dma_wait3A_925 = tpu.memref_squeeze %dma_wait3A_924 : memref<1x128xi32, #tpu.memory_space<vmem>> -> memref<128xi32, #tpu.memory_space<vmem>>
    %dma_wait3A_926 = arith.constant 0 : i32
    %dma_wait3A_927 = arith.constant 0 : i32
    %dma_wait3A_928 = tpu.memref_slice %arg27[%dma_wait3A_926, %dma_wait3A_927] : memref<3200x16xf32, #tpu.memory_space<vmem_shared>> -> memref<3200x16xf32, #tpu.memory_space<vmem_shared>>
    tpu.wait_indirect_dma semaphore(%arg26 : memref<!tpu.dma_semaphore, #tpu.memory_space<semaphore_mem>>) src(%dma_wait3A_922 : memref<128x16xf32, #tpu.memory_space<vmem>>) dst(%dma_wait3A_928 : memref<3200x16xf32, #tpu.memory_space<vmem_shared>>)
    %dma_wait3A_929 = arith.constant 5 : i32
    %dma_wait3A_930 = arith.constant 640 : i32
    %dma_wait3A_931 = arith.constant 0 : i32
    %dma_wait3A_932 = tpu.memref_slice %arg9[%dma_wait3A_930, %dma_wait3A_931] : memref<3200x16xf32, #tpu.memory_space<vmem>> -> memref<128x16xf32, #tpu.memory_space<vmem>>
    %dma_wait3A_933 = arith.constant 0 : i32
    %dma_wait3A_934 = tpu.memref_slice %arg23[%dma_wait3A_929, %dma_wait3A_933] : memref<25x128xi32, #tpu.memory_space<vmem>> -> memref<1x128xi32, #tpu.memory_space<vmem>>
    %dma_wait3A_935 = tpu.memref_squeeze %dma_wait3A_934 : memref<1x128xi32, #tpu.memory_space<vmem>> -> memref<128xi32, #tpu.memory_space<vmem>>
    %dma_wait3A_936 = arith.constant 0 : i32
    %dma_wait3A_937 = arith.constant 0 : i32
    %dma_wait3A_938 = tpu.memref_slice %arg27[%dma_wait3A_936, %dma_wait3A_937] : memref<3200x16xf32, #tpu.memory_space<vmem_shared>> -> memref<3200x16xf32, #tpu.memory_space<vmem_shared>>
    tpu.wait_indirect_dma semaphore(%arg26 : memref<!tpu.dma_semaphore, #tpu.memory_space<semaphore_mem>>) src(%dma_wait3A_932 : memref<128x16xf32, #tpu.memory_space<vmem>>) dst(%dma_wait3A_938 : memref<3200x16xf32, #tpu.memory_space<vmem_shared>>)
    %dma_wait3A_939 = arith.constant 6 : i32
    %dma_wait3A_940 = arith.constant 768 : i32
    %dma_wait3A_941 = arith.constant 0 : i32
    %dma_wait3A_942 = tpu.memref_slice %arg9[%dma_wait3A_940, %dma_wait3A_941] : memref<3200x16xf32, #tpu.memory_space<vmem>> -> memref<128x16xf32, #tpu.memory_space<vmem>>
    %dma_wait3A_943 = arith.constant 0 : i32
    %dma_wait3A_944 = tpu.memref_slice %arg23[%dma_wait3A_939, %dma_wait3A_943] : memref<25x128xi32, #tpu.memory_space<vmem>> -> memref<1x128xi32, #tpu.memory_space<vmem>>
    %dma_wait3A_945 = tpu.memref_squeeze %dma_wait3A_944 : memref<1x128xi32, #tpu.memory_space<vmem>> -> memref<128xi32, #tpu.memory_space<vmem>>
    %dma_wait3A_946 = arith.constant 0 : i32
    %dma_wait3A_947 = arith.constant 0 : i32
    %dma_wait3A_948 = tpu.memref_slice %arg27[%dma_wait3A_946, %dma_wait3A_947] : memref<3200x16xf32, #tpu.memory_space<vmem_shared>> -> memref<3200x16xf32, #tpu.memory_space<vmem_shared>>
    tpu.wait_indirect_dma semaphore(%arg26 : memref<!tpu.dma_semaphore, #tpu.memory_space<semaphore_mem>>) src(%dma_wait3A_942 : memref<128x16xf32, #tpu.memory_space<vmem>>) dst(%dma_wait3A_948 : memref<3200x16xf32, #tpu.memory_space<vmem_shared>>)
    %dma_wait3A_949 = arith.constant 7 : i32
    %dma_wait3A_950 = arith.constant 896 : i32
    %dma_wait3A_951 = arith.constant 0 : i32
    %dma_wait3A_952 = tpu.memref_slice %arg9[%dma_wait3A_950, %dma_wait3A_951] : memref<3200x16xf32, #tpu.memory_space<vmem>> -> memref<128x16xf32, #tpu.memory_space<vmem>>
    %dma_wait3A_953 = arith.constant 0 : i32
    %dma_wait3A_954 = tpu.memref_slice %arg23[%dma_wait3A_949, %dma_wait3A_953] : memref<25x128xi32, #tpu.memory_space<vmem>> -> memref<1x128xi32, #tpu.memory_space<vmem>>
    %dma_wait3A_955 = tpu.memref_squeeze %dma_wait3A_954 : memref<1x128xi32, #tpu.memory_space<vmem>> -> memref<128xi32, #tpu.memory_space<vmem>>
    %dma_wait3A_956 = arith.constant 0 : i32
    %dma_wait3A_957 = arith.constant 0 : i32
    %dma_wait3A_958 = tpu.memref_slice %arg27[%dma_wait3A_956, %dma_wait3A_957] : memref<3200x16xf32, #tpu.memory_space<vmem_shared>> -> memref<3200x16xf32, #tpu.memory_space<vmem_shared>>
    tpu.wait_indirect_dma semaphore(%arg26 : memref<!tpu.dma_semaphore, #tpu.memory_space<semaphore_mem>>) src(%dma_wait3A_952 : memref<128x16xf32, #tpu.memory_space<vmem>>) dst(%dma_wait3A_958 : memref<3200x16xf32, #tpu.memory_space<vmem_shared>>)
    %dma_wait3A_959 = arith.constant 8 : i32
    %dma_wait3A_960 = arith.constant 1024 : i32
    %dma_wait3A_961 = arith.constant 0 : i32
    %dma_wait3A_962 = tpu.memref_slice %arg9[%dma_wait3A_960, %dma_wait3A_961] : memref<3200x16xf32, #tpu.memory_space<vmem>> -> memref<128x16xf32, #tpu.memory_space<vmem>>
    %dma_wait3A_963 = arith.constant 0 : i32
    %dma_wait3A_964 = tpu.memref_slice %arg23[%dma_wait3A_959, %dma_wait3A_963] : memref<25x128xi32, #tpu.memory_space<vmem>> -> memref<1x128xi32, #tpu.memory_space<vmem>>
    %dma_wait3A_965 = tpu.memref_squeeze %dma_wait3A_964 : memref<1x128xi32, #tpu.memory_space<vmem>> -> memref<128xi32, #tpu.memory_space<vmem>>
    %dma_wait3A_966 = arith.constant 0 : i32
    %dma_wait3A_967 = arith.constant 0 : i32
    %dma_wait3A_968 = tpu.memref_slice %arg27[%dma_wait3A_966, %dma_wait3A_967] : memref<3200x16xf32, #tpu.memory_space<vmem_shared>> -> memref<3200x16xf32, #tpu.memory_space<vmem_shared>>
    tpu.wait_indirect_dma semaphore(%arg26 : memref<!tpu.dma_semaphore, #tpu.memory_space<semaphore_mem>>) src(%dma_wait3A_962 : memref<128x16xf32, #tpu.memory_space<vmem>>) dst(%dma_wait3A_968 : memref<3200x16xf32, #tpu.memory_space<vmem_shared>>)
    %dma_wait3A_969 = arith.constant 9 : i32
    %dma_wait3A_970 = arith.constant 1152 : i32
    %dma_wait3A_971 = arith.constant 0 : i32
    %dma_wait3A_972 = tpu.memref_slice %arg9[%dma_wait3A_970, %dma_wait3A_971] : memref<3200x16xf32, #tpu.memory_space<vmem>> -> memref<128x16xf32, #tpu.memory_space<vmem>>
    %dma_wait3A_973 = arith.constant 0 : i32
    %dma_wait3A_974 = tpu.memref_slice %arg23[%dma_wait3A_969, %dma_wait3A_973] : memref<25x128xi32, #tpu.memory_space<vmem>> -> memref<1x128xi32, #tpu.memory_space<vmem>>
    %dma_wait3A_975 = tpu.memref_squeeze %dma_wait3A_974 : memref<1x128xi32, #tpu.memory_space<vmem>> -> memref<128xi32, #tpu.memory_space<vmem>>
    %dma_wait3A_976 = arith.constant 0 : i32
    %dma_wait3A_977 = arith.constant 0 : i32
    %dma_wait3A_978 = tpu.memref_slice %arg27[%dma_wait3A_976, %dma_wait3A_977] : memref<3200x16xf32, #tpu.memory_space<vmem_shared>> -> memref<3200x16xf32, #tpu.memory_space<vmem_shared>>
    tpu.wait_indirect_dma semaphore(%arg26 : memref<!tpu.dma_semaphore, #tpu.memory_space<semaphore_mem>>) src(%dma_wait3A_972 : memref<128x16xf32, #tpu.memory_space<vmem>>) dst(%dma_wait3A_978 : memref<3200x16xf32, #tpu.memory_space<vmem_shared>>)
    %dma_wait3A_979 = arith.constant 10 : i32
    %dma_wait3A_980 = arith.constant 1280 : i32
    %dma_wait3A_981 = arith.constant 0 : i32
    %dma_wait3A_982 = tpu.memref_slice %arg9[%dma_wait3A_980, %dma_wait3A_981] : memref<3200x16xf32, #tpu.memory_space<vmem>> -> memref<128x16xf32, #tpu.memory_space<vmem>>
    %dma_wait3A_983 = arith.constant 0 : i32
    %dma_wait3A_984 = tpu.memref_slice %arg23[%dma_wait3A_979, %dma_wait3A_983] : memref<25x128xi32, #tpu.memory_space<vmem>> -> memref<1x128xi32, #tpu.memory_space<vmem>>
    %dma_wait3A_985 = tpu.memref_squeeze %dma_wait3A_984 : memref<1x128xi32, #tpu.memory_space<vmem>> -> memref<128xi32, #tpu.memory_space<vmem>>
    %dma_wait3A_986 = arith.constant 0 : i32
    %dma_wait3A_987 = arith.constant 0 : i32
    %dma_wait3A_988 = tpu.memref_slice %arg27[%dma_wait3A_986, %dma_wait3A_987] : memref<3200x16xf32, #tpu.memory_space<vmem_shared>> -> memref<3200x16xf32, #tpu.memory_space<vmem_shared>>
    tpu.wait_indirect_dma semaphore(%arg26 : memref<!tpu.dma_semaphore, #tpu.memory_space<semaphore_mem>>) src(%dma_wait3A_982 : memref<128x16xf32, #tpu.memory_space<vmem>>) dst(%dma_wait3A_988 : memref<3200x16xf32, #tpu.memory_space<vmem_shared>>)
    %dma_wait3A_989 = arith.constant 11 : i32
    %dma_wait3A_990 = arith.constant 1408 : i32
    %dma_wait3A_991 = arith.constant 0 : i32
    %dma_wait3A_992 = tpu.memref_slice %arg9[%dma_wait3A_990, %dma_wait3A_991] : memref<3200x16xf32, #tpu.memory_space<vmem>> -> memref<128x16xf32, #tpu.memory_space<vmem>>
    %dma_wait3A_993 = arith.constant 0 : i32
    %dma_wait3A_994 = tpu.memref_slice %arg23[%dma_wait3A_989, %dma_wait3A_993] : memref<25x128xi32, #tpu.memory_space<vmem>> -> memref<1x128xi32, #tpu.memory_space<vmem>>
    %dma_wait3A_995 = tpu.memref_squeeze %dma_wait3A_994 : memref<1x128xi32, #tpu.memory_space<vmem>> -> memref<128xi32, #tpu.memory_space<vmem>>
    %dma_wait3A_996 = arith.constant 0 : i32
    %dma_wait3A_997 = arith.constant 0 : i32
    %dma_wait3A_998 = tpu.memref_slice %arg27[%dma_wait3A_996, %dma_wait3A_997] : memref<3200x16xf32, #tpu.memory_space<vmem_shared>> -> memref<3200x16xf32, #tpu.memory_space<vmem_shared>>
    tpu.wait_indirect_dma semaphore(%arg26 : memref<!tpu.dma_semaphore, #tpu.memory_space<semaphore_mem>>) src(%dma_wait3A_992 : memref<128x16xf32, #tpu.memory_space<vmem>>) dst(%dma_wait3A_998 : memref<3200x16xf32, #tpu.memory_space<vmem_shared>>)
    %dma_wait3A_999 = arith.constant 12 : i32
    %dma_wait3A_1000 = arith.constant 1536 : i32
    %dma_wait3A_1001 = arith.constant 0 : i32
    %dma_wait3A_1002 = tpu.memref_slice %arg9[%dma_wait3A_1000, %dma_wait3A_1001] : memref<3200x16xf32, #tpu.memory_space<vmem>> -> memref<128x16xf32, #tpu.memory_space<vmem>>
    %dma_wait3A_1003 = arith.constant 0 : i32
    %dma_wait3A_1004 = tpu.memref_slice %arg23[%dma_wait3A_999, %dma_wait3A_1003] : memref<25x128xi32, #tpu.memory_space<vmem>> -> memref<1x128xi32, #tpu.memory_space<vmem>>
    %dma_wait3A_1005 = tpu.memref_squeeze %dma_wait3A_1004 : memref<1x128xi32, #tpu.memory_space<vmem>> -> memref<128xi32, #tpu.memory_space<vmem>>
    %dma_wait3A_1006 = arith.constant 0 : i32
    %dma_wait3A_1007 = arith.constant 0 : i32
    %dma_wait3A_1008 = tpu.memref_slice %arg27[%dma_wait3A_1006, %dma_wait3A_1007] : memref<3200x16xf32, #tpu.memory_space<vmem_shared>> -> memref<3200x16xf32, #tpu.memory_space<vmem_shared>>
    tpu.wait_indirect_dma semaphore(%arg26 : memref<!tpu.dma_semaphore, #tpu.memory_space<semaphore_mem>>) src(%dma_wait3A_1002 : memref<128x16xf32, #tpu.memory_space<vmem>>) dst(%dma_wait3A_1008 : memref<3200x16xf32, #tpu.memory_space<vmem_shared>>)
    %dma_wait3A_1009 = arith.constant 13 : i32
    %dma_wait3A_1010 = arith.constant 1664 : i32
    %dma_wait3A_1011 = arith.constant 0 : i32
    %dma_wait3A_1012 = tpu.memref_slice %arg9[%dma_wait3A_1010, %dma_wait3A_1011] : memref<3200x16xf32, #tpu.memory_space<vmem>> -> memref<128x16xf32, #tpu.memory_space<vmem>>
    %dma_wait3A_1013 = arith.constant 0 : i32
    %dma_wait3A_1014 = tpu.memref_slice %arg23[%dma_wait3A_1009, %dma_wait3A_1013] : memref<25x128xi32, #tpu.memory_space<vmem>> -> memref<1x128xi32, #tpu.memory_space<vmem>>
    %dma_wait3A_1015 = tpu.memref_squeeze %dma_wait3A_1014 : memref<1x128xi32, #tpu.memory_space<vmem>> -> memref<128xi32, #tpu.memory_space<vmem>>
    %dma_wait3A_1016 = arith.constant 0 : i32
    %dma_wait3A_1017 = arith.constant 0 : i32
    %dma_wait3A_1018 = tpu.memref_slice %arg27[%dma_wait3A_1016, %dma_wait3A_1017] : memref<3200x16xf32, #tpu.memory_space<vmem_shared>> -> memref<3200x16xf32, #tpu.memory_space<vmem_shared>>
    tpu.wait_indirect_dma semaphore(%arg26 : memref<!tpu.dma_semaphore, #tpu.memory_space<semaphore_mem>>) src(%dma_wait3A_1012 : memref<128x16xf32, #tpu.memory_space<vmem>>) dst(%dma_wait3A_1018 : memref<3200x16xf32, #tpu.memory_space<vmem_shared>>)
    %dma_wait3A_1019 = arith.constant 14 : i32
    %dma_wait3A_1020 = arith.constant 1792 : i32
    %dma_wait3A_1021 = arith.constant 0 : i32
    %dma_wait3A_1022 = tpu.memref_slice %arg9[%dma_wait3A_1020, %dma_wait3A_1021] : memref<3200x16xf32, #tpu.memory_space<vmem>> -> memref<128x16xf32, #tpu.memory_space<vmem>>
    %dma_wait3A_1023 = arith.constant 0 : i32
    %dma_wait3A_1024 = tpu.memref_slice %arg23[%dma_wait3A_1019, %dma_wait3A_1023] : memref<25x128xi32, #tpu.memory_space<vmem>> -> memref<1x128xi32, #tpu.memory_space<vmem>>
    %dma_wait3A_1025 = tpu.memref_squeeze %dma_wait3A_1024 : memref<1x128xi32, #tpu.memory_space<vmem>> -> memref<128xi32, #tpu.memory_space<vmem>>
    %dma_wait3A_1026 = arith.constant 0 : i32
    %dma_wait3A_1027 = arith.constant 0 : i32
    %dma_wait3A_1028 = tpu.memref_slice %arg27[%dma_wait3A_1026, %dma_wait3A_1027] : memref<3200x16xf32, #tpu.memory_space<vmem_shared>> -> memref<3200x16xf32, #tpu.memory_space<vmem_shared>>
    tpu.wait_indirect_dma semaphore(%arg26 : memref<!tpu.dma_semaphore, #tpu.memory_space<semaphore_mem>>) src(%dma_wait3A_1022 : memref<128x16xf32, #tpu.memory_space<vmem>>) dst(%dma_wait3A_1028 : memref<3200x16xf32, #tpu.memory_space<vmem_shared>>)
    %dma_wait3A_1029 = arith.constant 15 : i32
    %dma_wait3A_1030 = arith.constant 1920 : i32
    %dma_wait3A_1031 = arith.constant 0 : i32
    %dma_wait3A_1032 = tpu.memref_slice %arg9[%dma_wait3A_1030, %dma_wait3A_1031] : memref<3200x16xf32, #tpu.memory_space<vmem>> -> memref<128x16xf32, #tpu.memory_space<vmem>>
    %dma_wait3A_1033 = arith.constant 0 : i32
    %dma_wait3A_1034 = tpu.memref_slice %arg23[%dma_wait3A_1029, %dma_wait3A_1033] : memref<25x128xi32, #tpu.memory_space<vmem>> -> memref<1x128xi32, #tpu.memory_space<vmem>>
    %dma_wait3A_1035 = tpu.memref_squeeze %dma_wait3A_1034 : memref<1x128xi32, #tpu.memory_space<vmem>> -> memref<128xi32, #tpu.memory_space<vmem>>
    %dma_wait3A_1036 = arith.constant 0 : i32
    %dma_wait3A_1037 = arith.constant 0 : i32
    %dma_wait3A_1038 = tpu.memref_slice %arg27[%dma_wait3A_1036, %dma_wait3A_1037] : memref<3200x16xf32, #tpu.memory_space<vmem_shared>> -> memref<3200x16xf32, #tpu.memory_space<vmem_shared>>
    tpu.wait_indirect_dma semaphore(%arg26 : memref<!tpu.dma_semaphore, #tpu.memory_space<semaphore_mem>>) src(%dma_wait3A_1032 : memref<128x16xf32, #tpu.memory_space<vmem>>) dst(%dma_wait3A_1038 : memref<3200x16xf32, #tpu.memory_space<vmem_shared>>)
    %dma_wait3A_1039 = arith.constant 16 : i32
    %dma_wait3A_1040 = arith.constant 2048 : i32
    %dma_wait3A_1041 = arith.constant 0 : i32
    %dma_wait3A_1042 = tpu.memref_slice %arg9[%dma_wait3A_1040, %dma_wait3A_1041] : memref<3200x16xf32, #tpu.memory_space<vmem>> -> memref<128x16xf32, #tpu.memory_space<vmem>>
    %dma_wait3A_1043 = arith.constant 0 : i32
    %dma_wait3A_1044 = tpu.memref_slice %arg23[%dma_wait3A_1039, %dma_wait3A_1043] : memref<25x128xi32, #tpu.memory_space<vmem>> -> memref<1x128xi32, #tpu.memory_space<vmem>>
    %dma_wait3A_1045 = tpu.memref_squeeze %dma_wait3A_1044 : memref<1x128xi32, #tpu.memory_space<vmem>> -> memref<128xi32, #tpu.memory_space<vmem>>
    %dma_wait3A_1046 = arith.constant 0 : i32
    %dma_wait3A_1047 = arith.constant 0 : i32
    %dma_wait3A_1048 = tpu.memref_slice %arg27[%dma_wait3A_1046, %dma_wait3A_1047] : memref<3200x16xf32, #tpu.memory_space<vmem_shared>> -> memref<3200x16xf32, #tpu.memory_space<vmem_shared>>
    tpu.wait_indirect_dma semaphore(%arg26 : memref<!tpu.dma_semaphore, #tpu.memory_space<semaphore_mem>>) src(%dma_wait3A_1042 : memref<128x16xf32, #tpu.memory_space<vmem>>) dst(%dma_wait3A_1048 : memref<3200x16xf32, #tpu.memory_space<vmem_shared>>)
    %dma_wait3A_1049 = arith.constant 17 : i32
    %dma_wait3A_1050 = arith.constant 2176 : i32
    %dma_wait3A_1051 = arith.constant 0 : i32
    %dma_wait3A_1052 = tpu.memref_slice %arg9[%dma_wait3A_1050, %dma_wait3A_1051] : memref<3200x16xf32, #tpu.memory_space<vmem>> -> memref<128x16xf32, #tpu.memory_space<vmem>>
    %dma_wait3A_1053 = arith.constant 0 : i32
    %dma_wait3A_1054 = tpu.memref_slice %arg23[%dma_wait3A_1049, %dma_wait3A_1053] : memref<25x128xi32, #tpu.memory_space<vmem>> -> memref<1x128xi32, #tpu.memory_space<vmem>>
    %dma_wait3A_1055 = tpu.memref_squeeze %dma_wait3A_1054 : memref<1x128xi32, #tpu.memory_space<vmem>> -> memref<128xi32, #tpu.memory_space<vmem>>
    %dma_wait3A_1056 = arith.constant 0 : i32
    %dma_wait3A_1057 = arith.constant 0 : i32
    %dma_wait3A_1058 = tpu.memref_slice %arg27[%dma_wait3A_1056, %dma_wait3A_1057] : memref<3200x16xf32, #tpu.memory_space<vmem_shared>> -> memref<3200x16xf32, #tpu.memory_space<vmem_shared>>
    tpu.wait_indirect_dma semaphore(%arg26 : memref<!tpu.dma_semaphore, #tpu.memory_space<semaphore_mem>>) src(%dma_wait3A_1052 : memref<128x16xf32, #tpu.memory_space<vmem>>) dst(%dma_wait3A_1058 : memref<3200x16xf32, #tpu.memory_space<vmem_shared>>)
    %dma_wait3A_1059 = arith.constant 18 : i32
    %dma_wait3A_1060 = arith.constant 2304 : i32
    %dma_wait3A_1061 = arith.constant 0 : i32
    %dma_wait3A_1062 = tpu.memref_slice %arg9[%dma_wait3A_1060, %dma_wait3A_1061] : memref<3200x16xf32, #tpu.memory_space<vmem>> -> memref<128x16xf32, #tpu.memory_space<vmem>>
    %dma_wait3A_1063 = arith.constant 0 : i32
    %dma_wait3A_1064 = tpu.memref_slice %arg23[%dma_wait3A_1059, %dma_wait3A_1063] : memref<25x128xi32, #tpu.memory_space<vmem>> -> memref<1x128xi32, #tpu.memory_space<vmem>>
    %dma_wait3A_1065 = tpu.memref_squeeze %dma_wait3A_1064 : memref<1x128xi32, #tpu.memory_space<vmem>> -> memref<128xi32, #tpu.memory_space<vmem>>
    %dma_wait3A_1066 = arith.constant 0 : i32
    %dma_wait3A_1067 = arith.constant 0 : i32
    %dma_wait3A_1068 = tpu.memref_slice %arg27[%dma_wait3A_1066, %dma_wait3A_1067] : memref<3200x16xf32, #tpu.memory_space<vmem_shared>> -> memref<3200x16xf32, #tpu.memory_space<vmem_shared>>
    tpu.wait_indirect_dma semaphore(%arg26 : memref<!tpu.dma_semaphore, #tpu.memory_space<semaphore_mem>>) src(%dma_wait3A_1062 : memref<128x16xf32, #tpu.memory_space<vmem>>) dst(%dma_wait3A_1068 : memref<3200x16xf32, #tpu.memory_space<vmem_shared>>)
    %dma_wait3A_1069 = arith.constant 19 : i32
    %dma_wait3A_1070 = arith.constant 2432 : i32
    %dma_wait3A_1071 = arith.constant 0 : i32
    %dma_wait3A_1072 = tpu.memref_slice %arg9[%dma_wait3A_1070, %dma_wait3A_1071] : memref<3200x16xf32, #tpu.memory_space<vmem>> -> memref<128x16xf32, #tpu.memory_space<vmem>>
    %dma_wait3A_1073 = arith.constant 0 : i32
    %dma_wait3A_1074 = tpu.memref_slice %arg23[%dma_wait3A_1069, %dma_wait3A_1073] : memref<25x128xi32, #tpu.memory_space<vmem>> -> memref<1x128xi32, #tpu.memory_space<vmem>>
    %dma_wait3A_1075 = tpu.memref_squeeze %dma_wait3A_1074 : memref<1x128xi32, #tpu.memory_space<vmem>> -> memref<128xi32, #tpu.memory_space<vmem>>
    %dma_wait3A_1076 = arith.constant 0 : i32
    %dma_wait3A_1077 = arith.constant 0 : i32
    %dma_wait3A_1078 = tpu.memref_slice %arg27[%dma_wait3A_1076, %dma_wait3A_1077] : memref<3200x16xf32, #tpu.memory_space<vmem_shared>> -> memref<3200x16xf32, #tpu.memory_space<vmem_shared>>
    tpu.wait_indirect_dma semaphore(%arg26 : memref<!tpu.dma_semaphore, #tpu.memory_space<semaphore_mem>>) src(%dma_wait3A_1072 : memref<128x16xf32, #tpu.memory_space<vmem>>) dst(%dma_wait3A_1078 : memref<3200x16xf32, #tpu.memory_space<vmem_shared>>)
    %dma_wait3A_1079 = arith.constant 20 : i32
    %dma_wait3A_1080 = arith.constant 2560 : i32
    %dma_wait3A_1081 = arith.constant 0 : i32
    %dma_wait3A_1082 = tpu.memref_slice %arg9[%dma_wait3A_1080, %dma_wait3A_1081] : memref<3200x16xf32, #tpu.memory_space<vmem>> -> memref<128x16xf32, #tpu.memory_space<vmem>>
    %dma_wait3A_1083 = arith.constant 0 : i32
    %dma_wait3A_1084 = tpu.memref_slice %arg23[%dma_wait3A_1079, %dma_wait3A_1083] : memref<25x128xi32, #tpu.memory_space<vmem>> -> memref<1x128xi32, #tpu.memory_space<vmem>>
    %dma_wait3A_1085 = tpu.memref_squeeze %dma_wait3A_1084 : memref<1x128xi32, #tpu.memory_space<vmem>> -> memref<128xi32, #tpu.memory_space<vmem>>
    %dma_wait3A_1086 = arith.constant 0 : i32
    %dma_wait3A_1087 = arith.constant 0 : i32
    %dma_wait3A_1088 = tpu.memref_slice %arg27[%dma_wait3A_1086, %dma_wait3A_1087] : memref<3200x16xf32, #tpu.memory_space<vmem_shared>> -> memref<3200x16xf32, #tpu.memory_space<vmem_shared>>
    tpu.wait_indirect_dma semaphore(%arg26 : memref<!tpu.dma_semaphore, #tpu.memory_space<semaphore_mem>>) src(%dma_wait3A_1082 : memref<128x16xf32, #tpu.memory_space<vmem>>) dst(%dma_wait3A_1088 : memref<3200x16xf32, #tpu.memory_space<vmem_shared>>)
    %dma_wait3A_1089 = arith.constant 21 : i32
    %dma_wait3A_1090 = arith.constant 2688 : i32
    %dma_wait3A_1091 = arith.constant 0 : i32
    %dma_wait3A_1092 = tpu.memref_slice %arg9[%dma_wait3A_1090, %dma_wait3A_1091] : memref<3200x16xf32, #tpu.memory_space<vmem>> -> memref<128x16xf32, #tpu.memory_space<vmem>>
    %dma_wait3A_1093 = arith.constant 0 : i32
    %dma_wait3A_1094 = tpu.memref_slice %arg23[%dma_wait3A_1089, %dma_wait3A_1093] : memref<25x128xi32, #tpu.memory_space<vmem>> -> memref<1x128xi32, #tpu.memory_space<vmem>>
    %dma_wait3A_1095 = tpu.memref_squeeze %dma_wait3A_1094 : memref<1x128xi32, #tpu.memory_space<vmem>> -> memref<128xi32, #tpu.memory_space<vmem>>
    %dma_wait3A_1096 = arith.constant 0 : i32
    %dma_wait3A_1097 = arith.constant 0 : i32
    %dma_wait3A_1098 = tpu.memref_slice %arg27[%dma_wait3A_1096, %dma_wait3A_1097] : memref<3200x16xf32, #tpu.memory_space<vmem_shared>> -> memref<3200x16xf32, #tpu.memory_space<vmem_shared>>
    tpu.wait_indirect_dma semaphore(%arg26 : memref<!tpu.dma_semaphore, #tpu.memory_space<semaphore_mem>>) src(%dma_wait3A_1092 : memref<128x16xf32, #tpu.memory_space<vmem>>) dst(%dma_wait3A_1098 : memref<3200x16xf32, #tpu.memory_space<vmem_shared>>)
    %dma_wait3A_1099 = arith.constant 22 : i32
    %dma_wait3A_1100 = arith.constant 2816 : i32
    %dma_wait3A_1101 = arith.constant 0 : i32
    %dma_wait3A_1102 = tpu.memref_slice %arg9[%dma_wait3A_1100, %dma_wait3A_1101] : memref<3200x16xf32, #tpu.memory_space<vmem>> -> memref<128x16xf32, #tpu.memory_space<vmem>>
    %dma_wait3A_1103 = arith.constant 0 : i32
    %dma_wait3A_1104 = tpu.memref_slice %arg23[%dma_wait3A_1099, %dma_wait3A_1103] : memref<25x128xi32, #tpu.memory_space<vmem>> -> memref<1x128xi32, #tpu.memory_space<vmem>>
    %dma_wait3A_1105 = tpu.memref_squeeze %dma_wait3A_1104 : memref<1x128xi32, #tpu.memory_space<vmem>> -> memref<128xi32, #tpu.memory_space<vmem>>
    %dma_wait3A_1106 = arith.constant 0 : i32
    %dma_wait3A_1107 = arith.constant 0 : i32
    %dma_wait3A_1108 = tpu.memref_slice %arg27[%dma_wait3A_1106, %dma_wait3A_1107] : memref<3200x16xf32, #tpu.memory_space<vmem_shared>> -> memref<3200x16xf32, #tpu.memory_space<vmem_shared>>
    tpu.wait_indirect_dma semaphore(%arg26 : memref<!tpu.dma_semaphore, #tpu.memory_space<semaphore_mem>>) src(%dma_wait3A_1102 : memref<128x16xf32, #tpu.memory_space<vmem>>) dst(%dma_wait3A_1108 : memref<3200x16xf32, #tpu.memory_space<vmem_shared>>)
    %dma_wait3A_1109 = arith.constant 23 : i32
    %dma_wait3A_1110 = arith.constant 2944 : i32
    %dma_wait3A_1111 = arith.constant 0 : i32
    %dma_wait3A_1112 = tpu.memref_slice %arg9[%dma_wait3A_1110, %dma_wait3A_1111] : memref<3200x16xf32, #tpu.memory_space<vmem>> -> memref<128x16xf32, #tpu.memory_space<vmem>>
    %dma_wait3A_1113 = arith.constant 0 : i32
    %dma_wait3A_1114 = tpu.memref_slice %arg23[%dma_wait3A_1109, %dma_wait3A_1113] : memref<25x128xi32, #tpu.memory_space<vmem>> -> memref<1x128xi32, #tpu.memory_space<vmem>>
    %dma_wait3A_1115 = tpu.memref_squeeze %dma_wait3A_1114 : memref<1x128xi32, #tpu.memory_space<vmem>> -> memref<128xi32, #tpu.memory_space<vmem>>
    %dma_wait3A_1116 = arith.constant 0 : i32
    %dma_wait3A_1117 = arith.constant 0 : i32
    %dma_wait3A_1118 = tpu.memref_slice %arg27[%dma_wait3A_1116, %dma_wait3A_1117] : memref<3200x16xf32, #tpu.memory_space<vmem_shared>> -> memref<3200x16xf32, #tpu.memory_space<vmem_shared>>
    tpu.wait_indirect_dma semaphore(%arg26 : memref<!tpu.dma_semaphore, #tpu.memory_space<semaphore_mem>>) src(%dma_wait3A_1112 : memref<128x16xf32, #tpu.memory_space<vmem>>) dst(%dma_wait3A_1118 : memref<3200x16xf32, #tpu.memory_space<vmem_shared>>)
    %dma_wait3A_1119 = arith.constant 24 : i32
    %dma_wait3A_1120 = arith.constant 3072 : i32
    %dma_wait3A_1121 = arith.constant 0 : i32
    %dma_wait3A_1122 = tpu.memref_slice %arg9[%dma_wait3A_1120, %dma_wait3A_1121] : memref<3200x16xf32, #tpu.memory_space<vmem>> -> memref<128x16xf32, #tpu.memory_space<vmem>>
    %dma_wait3A_1123 = arith.constant 0 : i32
    %dma_wait3A_1124 = tpu.memref_slice %arg23[%dma_wait3A_1119, %dma_wait3A_1123] : memref<25x128xi32, #tpu.memory_space<vmem>> -> memref<1x128xi32, #tpu.memory_space<vmem>>
    %dma_wait3A_1125 = tpu.memref_squeeze %dma_wait3A_1124 : memref<1x128xi32, #tpu.memory_space<vmem>> -> memref<128xi32, #tpu.memory_space<vmem>>
    %dma_wait3A_1126 = arith.constant 0 : i32
    %dma_wait3A_1127 = arith.constant 0 : i32
    %dma_wait3A_1128 = tpu.memref_slice %arg27[%dma_wait3A_1126, %dma_wait3A_1127] : memref<3200x16xf32, #tpu.memory_space<vmem_shared>> -> memref<3200x16xf32, #tpu.memory_space<vmem_shared>>
    tpu.wait_indirect_dma semaphore(%arg26 : memref<!tpu.dma_semaphore, #tpu.memory_space<semaphore_mem>>) src(%dma_wait3A_1122 : memref<128x16xf32, #tpu.memory_space<vmem>>) dst(%dma_wait3A_1128 : memref<3200x16xf32, #tpu.memory_space<vmem_shared>>)
    %barrier3A_1129 = arith.constant 0 : index
    tpu.barrier barrier_id(%barrier3A_1129)
    %mul3A_1130 = arith.constant 200 : i32
    %mul3A_1131 = arith.muli %arg1, %mul3A_1130 : i32
    "tpu.region"() ({
      %run_scoped3A = tpu.sem_alloc : memref<!tpu.dma_semaphore, #tpu.memory_space<semaphore_mem>>
      %dma_start3A_1141 = arith.constant 0 : i32
      %dma_start3A_1142 = tpu.memref_slice %arg27[%mul3A_1131, %dma_start3A_1141] : memref<3200x16xf32, #tpu.memory_space<vmem_shared>> -> memref<200x16xf32, #tpu.memory_space<vmem_shared>>
      %dma_start3A_1143 = arith.constant 0 : i32
      %dma_start3A_1144 = tpu.memref_slice %arg27[%mul3A_1131, %dma_start3A_1143] : memref<3200x16xf32, #tpu.memory_space<vmem_shared>> -> memref<200x16xf32, #tpu.memory_space<vmem_shared>>
      tpu.enqueue_dma source(%dma_start3A_1144 : memref<200x16xf32, #tpu.memory_space<vmem_shared>>) target(%arg10 : memref<200x16xf32, #tpu.memory_space<vmem>>) target_semaphore(%run_scoped3A : memref<!tpu.dma_semaphore, #tpu.memory_space<semaphore_mem>>)
      %dma_wait3A_1145 = arith.constant 0 : i32
      %dma_wait3A_1146 = tpu.memref_slice %arg27[%mul3A_1131, %dma_wait3A_1145] : memref<3200x16xf32, #tpu.memory_space<vmem_shared>> -> memref<200x16xf32, #tpu.memory_space<vmem_shared>>
      %dma_wait3A_1147 = arith.constant 0 : i32
      %dma_wait3A_1148 = tpu.memref_slice %arg27[%mul3A_1131, %dma_wait3A_1147] : memref<3200x16xf32, #tpu.memory_space<vmem_shared>> -> memref<200x16xf32, #tpu.memory_space<vmem_shared>>
      tpu.wait_dma2 semaphore(%run_scoped3A : memref<!tpu.dma_semaphore, #tpu.memory_space<semaphore_mem>>) src(%dma_wait3A_1148 : memref<200x16xf32, #tpu.memory_space<vmem_shared>>) dst(%arg10 : memref<200x16xf32, #tpu.memory_space<vmem>>)
      tpu.yield
    }) : () -> ()
    %mul3A_1132 = arith.constant 200 : i32
    %mul3A_1133 = arith.muli %arg1, %mul3A_1132 : i32
    "tpu.region"() ({
      %run_scoped3A = tpu.sem_alloc : memref<!tpu.dma_semaphore, #tpu.memory_space<semaphore_mem>>
      %dma_start3A_1141 = arith.constant 0 : i32
      %dma_start3A_1142 = arith.constant 0 : i32
      %dma_start3A_1143 = tpu.memref_slice %arg9[%dma_start3A_1141, %dma_start3A_1142] : memref<3200x16xf32, #tpu.memory_space<vmem>> -> memref<200x16xf32, #tpu.memory_space<vmem>>
      %dma_start3A_1144 = arith.constant 0 : i32
      %dma_start3A_1145 = tpu.memref_slice %arg2[%arg0, %mul3A_1133, %dma_start3A_1144] : memref<2x3200x16xf32, #tpu.memory_space<hbm>> -> memref<1x200x16xf32, #tpu.memory_space<hbm>>
      %dma_start3A_1146 = tpu.memref_squeeze %dma_start3A_1145 : memref<1x200x16xf32, #tpu.memory_space<hbm>> -> memref<200x16xf32, #tpu.memory_space<hbm>>
      %dma_start3A_1147 = arith.constant 0 : i32
      %dma_start3A_1148 = arith.constant 0 : i32
      %dma_start3A_1149 = tpu.memref_slice %arg9[%dma_start3A_1147, %dma_start3A_1148] : memref<3200x16xf32, #tpu.memory_space<vmem>> -> memref<200x16xf32, #tpu.memory_space<vmem>>
      %dma_start3A_1150 = arith.constant 0 : i32
      %dma_start3A_1151 = tpu.memref_slice %arg2[%arg0, %mul3A_1133, %dma_start3A_1150] : memref<2x3200x16xf32, #tpu.memory_space<hbm>> -> memref<1x200x16xf32, #tpu.memory_space<hbm>>
      %dma_start3A_1152 = tpu.memref_squeeze %dma_start3A_1151 : memref<1x200x16xf32, #tpu.memory_space<hbm>> -> memref<200x16xf32, #tpu.memory_space<hbm>>
      tpu.enqueue_dma source(%dma_start3A_1152 : memref<200x16xf32, #tpu.memory_space<hbm>>) target(%dma_start3A_1149 : memref<200x16xf32, #tpu.memory_space<vmem>>) target_semaphore(%run_scoped3A : memref<!tpu.dma_semaphore, #tpu.memory_space<semaphore_mem>>)
      %dma_wait3A_1153 = arith.constant 0 : i32
      %dma_wait3A_1154 = arith.constant 0 : i32
      %dma_wait3A_1155 = tpu.memref_slice %arg9[%dma_wait3A_1153, %dma_wait3A_1154] : memref<3200x16xf32, #tpu.memory_space<vmem>> -> memref<200x16xf32, #tpu.memory_space<vmem>>
      %dma_wait3A_1156 = arith.constant 0 : i32
      %dma_wait3A_1157 = tpu.memref_slice %arg2[%arg0, %mul3A_1133, %dma_wait3A_1156] : memref<2x3200x16xf32, #tpu.memory_space<hbm>> -> memref<1x200x16xf32, #tpu.memory_space<hbm>>
      %dma_wait3A_1158 = tpu.memref_squeeze %dma_wait3A_1157 : memref<1x200x16xf32, #tpu.memory_space<hbm>> -> memref<200x16xf32, #tpu.memory_space<hbm>>
      %dma_wait3A_1159 = arith.constant 0 : i32
      %dma_wait3A_1160 = arith.constant 0 : i32
      %dma_wait3A_1161 = tpu.memref_slice %arg9[%dma_wait3A_1159, %dma_wait3A_1160] : memref<3200x16xf32, #tpu.memory_space<vmem>> -> memref<200x16xf32, #tpu.memory_space<vmem>>
      %dma_wait3A_1162 = arith.constant 0 : i32
      %dma_wait3A_1163 = tpu.memref_slice %arg2[%arg0, %mul3A_1133, %dma_wait3A_1162] : memref<2x3200x16xf32, #tpu.memory_space<hbm>> -> memref<1x200x16xf32, #tpu.memory_space<hbm>>
      %dma_wait3A_1164 = tpu.memref_squeeze %dma_wait3A_1163 : memref<1x200x16xf32, #tpu.memory_space<hbm>> -> memref<200x16xf32, #tpu.memory_space<hbm>>
      tpu.wait_dma2 semaphore(%run_scoped3A : memref<!tpu.dma_semaphore, #tpu.memory_space<semaphore_mem>>) src(%dma_wait3A_1164 : memref<200x16xf32, #tpu.memory_space<hbm>>) dst(%dma_wait3A_1161 : memref<200x16xf32, #tpu.memory_space<vmem>>)
      tpu.yield
    }) : () -> ()
    %scan3A_1134 = arith.constant 0 : i32
    %scan3A_1135 = arith.constant 200 : i32
    %scan3A_1136 = arith.addi %scan3A_1134, %scan3A_1135 : i32
    %scan3A_1137 = arith.constant 1 : i32
    scf.for %scan3A_1141 = %scan3A_1134 to %scan3A_1136 step %scan3A_1137  : i32 {
      %get3A_1142 = arith.index_cast %scan3A_1141 : i32 to index
      %get3A_1143 = arith.constant 0 : index
      %get3A_1144 = tpu.vector_load %arg10[%get3A_1142, %get3A_1143] {strides = array<i32>} : memref<200x16xf32, #tpu.memory_space<vmem>>, vector<16xf32>,
      %add3A_1145 = arith.addf %get3A_1144, %get3A_52 : vector<16xf32>
      %get3A_1146 = arith.index_cast %scan3A_1141 : i32 to index
      %get3A_1147 = arith.constant 0 : index
      %get3A_1148 = tpu.vector_load %arg9[%get3A_1146, %get3A_1147] {strides = array<i32>} : memref<3200x16xf32, #tpu.memory_space<vmem>>, vector<16xf32>,
      %add3A_1149 = arith.addf %add3A_1145, %get3A_1148 : vector<16xf32>
      %swap3A_1150 = arith.index_cast %scan3A_1141 : i32 to index
      %swap3A_1151 = arith.constant 0 : index
      %swap3A_1152 = tpu.vector_load %arg10[%swap3A_1150, %swap3A_1151] {strides = array<i32>} : memref<200x16xf32, #tpu.memory_space<vmem>>, vector<16xf32>,
      tpu.vector_store %arg10[%swap3A_1150, %swap3A_1151], %add3A_1149 {strides = array<i32>} : memref<200x16xf32, #tpu.memory_space<vmem>>, vector<16xf32>,
    }
    %scan3A_1138 = arith.constant 200 : i32
    %mul3A_1139 = arith.constant 200 : i32
    %mul3A_1140 = arith.muli %arg1, %mul3A_1139 : i32
    "tpu.region"() ({
      %run_scoped3A = tpu.sem_alloc : memref<!tpu.dma_semaphore, #tpu.memory_space<semaphore_mem>>
      %dma_start3A_1141 = arith.constant 0 : i32
      %dma_start3A_1142 = tpu.memref_slice %arg7[%arg0, %mul3A_1140, %dma_start3A_1141] : memref<2x3200x16xf32, #tpu.memory_space<hbm>> -> memref<1x200x16xf32, #tpu.memory_space<hbm>>
      %dma_start3A_1143 = tpu.memref_squeeze %dma_start3A_1142 : memref<1x200x16xf32, #tpu.memory_space<hbm>> -> memref<200x16xf32, #tpu.memory_space<hbm>>
      %dma_start3A_1144 = arith.constant 0 : i32
      %dma_start3A_1145 = tpu.memref_slice %arg7[%arg0, %mul3A_1140, %dma_start3A_1144] : memref<2x3200x16xf32, #tpu.memory_space<hbm>> -> memref<1x200x16xf32, #tpu.memory_space<hbm>>
      %dma_start3A_1146 = tpu.memref_squeeze %dma_start3A_1145 : memref<1x200x16xf32, #tpu.memory_space<hbm>> -> memref<200x16xf32, #tpu.memory_space<hbm>>
      tpu.enqueue_dma source(%arg10 : memref<200x16xf32, #tpu.memory_space<vmem>>) target(%dma_start3A_1146 : memref<200x16xf32, #tpu.memory_space<hbm>>) target_semaphore(%run_scoped3A : memref<!tpu.dma_semaphore, #tpu.memory_space<semaphore_mem>>)
      %dma_wait3A_1147 = arith.constant 0 : i32
      %dma_wait3A_1148 = tpu.memref_slice %arg7[%arg0, %mul3A_1140, %dma_wait3A_1147] : memref<2x3200x16xf32, #tpu.memory_space<hbm>> -> memref<1x200x16xf32, #tpu.memory_space<hbm>>
      %dma_wait3A_1149 = tpu.memref_squeeze %dma_wait3A_1148 : memref<1x200x16xf32, #tpu.memory_space<hbm>> -> memref<200x16xf32, #tpu.memory_space<hbm>>
      %dma_wait3A_1150 = arith.constant 0 : i32
      %dma_wait3A_1151 = tpu.memref_slice %arg7[%arg0, %mul3A_1140, %dma_wait3A_1150] : memref<2x3200x16xf32, #tpu.memory_space<hbm>> -> memref<1x200x16xf32, #tpu.memory_space<hbm>>
      %dma_wait3A_1152 = tpu.memref_squeeze %dma_wait3A_1151 : memref<1x200x16xf32, #tpu.memory_space<hbm>> -> memref<200x16xf32, #tpu.memory_space<hbm>>
      tpu.wait_dma2 semaphore(%run_scoped3A : memref<!tpu.dma_semaphore, #tpu.memory_space<semaphore_mem>>) src(%arg10 : memref<200x16xf32, #tpu.memory_space<vmem>>) dst(%dma_wait3A_1152 : memref<200x16xf32, #tpu.memory_space<hbm>>)
      tpu.yield
    }) : () -> ()
    return
  }
}

module attributes {stable_mosaic.version = 14 : i64} {
  func.func @_tc_head_body(%arg0: i32, %arg1: memref<2x50000xf32, #tpu.memory_space<vmem>>, %arg2: memref<128x50000xf32, #tpu.memory_space<vmem>>, %arg3: memref<1x1024xf32, #tpu.memory_space<vmem>>, %arg4: memref<1x1xf32, #tpu.memory_space<vmem>>, %arg5: memref<2x1024xf32, #tpu.memory_space<vmem>>) attributes {dimension_semantics = [#tpu.dimension_semantics<arbitrary>], iteration_bounds = array<i64: 8>, scalar_prefetch = 0 : i64, scratch_operands = 1 : i64, tpu.core_type = #tpu.core_type<tc>, window_params = [{pipeline_mode = #tpu.pipeline_mode<synchronous>, transform_indices = @transform_0, window_bounds = array<i64: 2, 50000>}, {transform_indices = @transform_1, window_bounds = array<i64: 128, 50000>}, {pipeline_mode = #tpu.pipeline_mode<synchronous>, transform_indices = @transform_2, window_bounds = array<i64: 1, 1024>}, {pipeline_mode = #tpu.pipeline_mode<synchronous>, transform_indices = @transform_3, window_bounds = array<i64: 1, 1>}]} {
    %get3A = arith.constant 0 : index
    %get3A_0 = arith.constant 0 : index
    %get3A_1 = vector.load %arg1[%get3A, %get3A_0] : memref<2x50000xf32, #tpu.memory_space<vmem>>, vector<2x50000xf32>
    %get3A_2 = arith.constant 0 : index
    %get3A_3 = arith.constant 0 : index
    %get3A_4 = vector.load %arg2[%get3A_2, %get3A_3] : memref<128x50000xf32, #tpu.memory_space<vmem>>, vector<128x50000xf32>
    %dot_general3A = arith.constant dense<0.000000e+00> : vector<2x128xf32>
    %dot_general3A_5 = tpu.matmul %get3A_1, %get3A_4, %dot_general3A {dimension_numbers = #tpu.dot_dimension_numbers<[1], [1], [0], [0], [0, 0, 1, 0], [], []>, transpose_lhs_hint = false} : vector<2x50000xf32>, vector<128x50000xf32>, vector<2x128xf32> -> vector<2x128xf32>
    %mul3A = arith.constant 128 : i32
    %mul3A_6 = arith.muli %arg0, %mul3A : i32
    %swap3A = arith.constant 0 : index
    %swap3A_7 = arith.index_cast %mul3A_6 : i32 to index
    %swap3A_8 = vector.load %arg5[%swap3A, %swap3A_7] : memref<2x1024xf32, #tpu.memory_space<vmem>>, vector<2x128xf32>
    tpu.vector_store %arg5[%swap3A, %swap3A_7], %dot_general3A_5 {strides = array<i32>} : memref<2x1024xf32, #tpu.memory_space<vmem>>, vector<2x128xf32>,
    %eq3A = arith.constant 7 : i32
    %eq3A_9 = arith.cmpi eq, %arg0, %eq3A : i32
    %convert_element_type3A = arith.extui %eq3A_9 : i1 to i32
    %cond3A = arith.constant 0 : i32
    %cond3A_10 = arith.cmpi ne, %convert_element_type3A, %cond3A : i32
    scf.if %cond3A_10 {
      %get3A_11 = arith.constant 0 : index
      %get3A_12 = arith.constant 0 : index
      %get3A_13 = vector.load %arg5[%get3A_11, %get3A_12] : memref<2x1024xf32, #tpu.memory_space<vmem>>, vector<2x1024xf32>
      %get3A_14 = arith.constant 0 : index
      %get3A_15 = arith.constant 0 : index
      %get3A_16 = vector.load %arg3[%get3A_14, %get3A_15] : memref<1x1024xf32, #tpu.memory_space<vmem>>, vector<1x1024xf32>
      %add3A = vector.broadcast %get3A_16 : vector<1x1024xf32> to vector<2x1024xf32>
      %add3A_17 = arith.addf %get3A_13, %add3A : vector<2x1024xf32>
      %slice3A = vector.extract_strided_slice %add3A_17 {offsets = [0, 0], sizes = [1, 1024], strides = [1, 1]} : vector<2x1024xf32> to vector<1x1024xf32>
      %slice3A_18 = vector.extract_strided_slice %add3A_17 {offsets = [1, 0], sizes = [1, 1024], strides = [1, 1]} : vector<2x1024xf32> to vector<1x1024xf32>
      %mul3A_19 = arith.mulf %slice3A, %slice3A_18 : vector<1x1024xf32>
      %reduce_sum3A = arith.constant dense<0.000000e+00> : vector<1xf32>
      %reduce_sum3A_20 = vector.multi_reduction <add>, %mul3A_19, %reduce_sum3A [1] : vector<1x1024xf32> to vector<1xf32>
      %broadcast_in_dim3A = vector.shape_cast %reduce_sum3A_20 : vector<1xf32> to vector<1x1xf32>
      %logistic3A = arith.negf %broadcast_in_dim3A : vector<1x1xf32>
      %logistic3A_21 = math.exp %logistic3A : vector<1x1xf32>
      %logistic3A_22 = arith.constant 1.000000e+00 : f32
      %logistic3A_23 = vector.broadcast %logistic3A_22 : f32 to vector<1x1xf32>
      %logistic3A_24 = arith.addf %logistic3A_23, %logistic3A_21 : vector<1x1xf32>
      %logistic3A_25 = arith.divf %logistic3A_23, %logistic3A_24 : vector<1x1xf32>
      %swap3A_26 = arith.constant 0 : index
      %swap3A_27 = arith.constant 0 : index
      %swap3A_28 = vector.load %arg4[%swap3A_26, %swap3A_27] : memref<1x1xf32, #tpu.memory_space<vmem>>, vector<1x1xf32>
      tpu.vector_store %arg4[%swap3A_26, %swap3A_27], %logistic3A_25 {strides = array<i32>} : memref<1x1xf32, #tpu.memory_space<vmem>>, vector<1x1xf32>,
    } else {
    }
    return
  }
  func.func @transform_0(%arg0: i32) -> (i32, i32) {
    %c0_i32 = arith.constant 0 : i32
    %c0_i32_0 = arith.constant 0 : i32
    %c0_i32_1 = arith.constant 0 : i32
    return %c0_i32, %c0_i32_0 : i32, i32
  }
  func.func @transform_1(%arg0: i32) -> (i32, i32) {
    %c0_i32 = arith.constant 0 : i32
    %c0_i32_0 = arith.constant 0 : i32
    return %arg0, %c0_i32 : i32, i32
  }
  func.func @transform_2(%arg0: i32) -> (i32, i32) {
    %c0_i32 = arith.constant 0 : i32
    %c0_i32_0 = arith.constant 0 : i32
    %c0_i32_1 = arith.constant 0 : i32
    return %c0_i32, %c0_i32_0 : i32, i32
  }
  func.func @transform_3(%arg0: i32) -> (i32, i32) {
    %c0_i32 = arith.constant 0 : i32
    %c0_i32_0 = arith.constant 0 : i32
    %c0_i32_1 = arith.constant 0 : i32
    return %c0_i32, %c0_i32_0 : i32, i32
  }
}

</mosaic_0001>

<sc_bundles>
// kernel: kernel.4.cloned.1.call-start
scs
__scs_entry_jumppad:
0x0: {  	(pc) =	sbr.rel $0x88, $3  }
0x1: {  	(tag) =	ssettag $0x0;
	lr =	simm.s32 $0x1  }
0x2: {  	[smem:$0x3F94] =	sst lr;
	_ =	strace $0xD0000000  }
0x3: {  	_ = 	snop  }
0x4: {  	_ = 	snop  }
0x5: {  	_ = 	snop  }
0x6: {  	_ = 	snop  }
0x7: {  	_ = 	snop  }
__scs_overlays_trampoline_lowered:
0x8: {  	[smem:$0x3FA3] =	sst s0  }
0x9: {  	[smem:$0x3FA4] =	sst s1  }
0xa: {  	[smem:$0x3FA5] =	sst s2  }
0xb: {  	[smem:$0x3FA6] =	sst s3  }
0xc: {  	[smem:$0x3FA7] =	sst s4  }
0xd: {  	[smem:$0x3FA8] =	sst s5  }
0xe: {  	[smem:$0x3FA9] =	sst s6  }
0xf: {  	[smem:$0x3FAA] =	sst s7  }
0x10: {  	[smem:$0x3FAB] =	sst s8  }
0x11: {  	[smem:$0x3FAC] =	sst s9;
	s0 =	simm.s32 @!p0 $0x0  }
0x12: {  	s1 =	sld [smem:$0x3F92];
	s0 =	simm.s32 @p0 $0x1  }
0x13: {  	[smem:$0x3FAD] =	sst s0;
	s0 =	simm.s32 @!p1 $0x0  }
0x14: {  	s2 =	sld [smem:$0x3F91];
	s0 =	simm.s32 @p1 $0x1  }
0x15: {  	[smem:$0x3FAE] =	sst s0;
	s0 =	simm.s32 @!p2 $0x0  }
0x16: {  	s3 =	sld [smem:$0x3FDB];
	s0 =	simm.s32 @p2 $0x1  }
0x17: {  	s4 =	simm.s32 $0x1BF5;
	[smem:$0x3FB0] =	sst s0  }
0x18: {  	s0 =	sld [smem:$0x3F93];
	_ =	swait.ge [sflag:s4], $0x0  }
0x19: {  	s7 =	sld [smem:$0x3F94]  }
0x1a: {  	s8 =	sadd.s32 $0xFFFFE003, lr  }
0x1b: {  	s9 =	sadd.s32 $0xFFFFFEF7, lr;
	s5 =	simm.s32 $0xFFFFFFFF;
	p2 =	slt.u32 s8, $0xFFFFF086  }
0x1c: {  	p1 =	slt.u32 s9, $0xF7A;
	s5 =	simm.s32 @!p2 $0x0  }
0x1d: {  	s5 =	simm.s32 @p1 $0x1;
	p0 =	seq.s32 s7, s2  }
0x1e: {  	s7 =	smul.u32 @!p0 $0xF7A, s2;
	p2 =	seq.s32 @!p0 s5, $0x0  }
0x1f: {  	s9 =	smul.u32 $0xF7A, s1;
	s8 =	simm.s32 @!p0 $0x1BF5;
	p2 =	por !p2, p0  }
0x20: {  	[sflag:s8] =	ssyncset.s32 @!p0 $0xFFFFF086;
	s6 =	sadd.s32 @!p0 s3, s7;
	s7 =	simm.s32 @!p0 $0x108  }
0x21: {  	s3 =	sadd.s32 s3, s9;
	s6 =	sadd.s32 @!p0 $0x88, s6;
	s7 =	simm.s32 @p2 $0x1082  }
0x22: {  	[simem:s7], [sflag:s8] =	dma.local @!p0 [hbm:s6], $0xF7A  }
0x23: {  	s9 =	sor.u32 $0xD0000000, s2;
	s6 =	simm.s32 $0x108;
	_ =	swait.ge @!p0 [sflag:s8], $0x0  }
0x24: {  	s3 =	sadd.s32 $0x88, s3;
	s6 =	simm.s32 @!p1 $0x1082;
	[sflag:s4] =	ssyncset.s32 $0xFFFFF086  }
0x25: {  	[simem:s6], [sflag:s4] =	dma.local [hbm:s3], $0xF7A  }
0x26: {  	[smem:$0x3F94] =	sst s1;
	(tag) =	ssettag s2;
	_ =	strace s9  }
0x27: {  	s1 =	sld [smem:$0x3FA4]  }
0x28: {  	s2 =	sld [smem:$0x3FA5]  }
0x29: {  	s4 =	sld [smem:$0x3FA7]  }
0x2a: {  	p0 =	seq.s32 s5, $0x0;
	s5 =	sld [smem:$0x3FA8]  }
0x2b: {  	s6 =	sld [smem:$0x3FA9]  }
0x2c: {  	s7 =	sld [smem:$0x3FAA]  }
0x2d: {  	s3 =	simm.s32 $0x108;
	s8 =	sld [smem:$0x3FAB]  }
0x2e: {  	s3 =	simm.s32 @!p0 $0x1082;
	s9 =	sld [smem:$0x3FAC]  }
0x2f: {  	lr =	sadd.s32 s0, s3;
	s0 =	sld [smem:$0x3FA3]  }
0x30: {  	s3 =	sld [smem:$0x3FA6]  }
0x31: {  	[smem:$0x3FAF] =	sst s10  }
0x32: {  	s10 =	sld [smem:$0x3FAD];
	_ =	sdelay $0x3  }
0x33: {  	p0 =	seq.s32 s10, $0x1;
	s10 =	sld [smem:$0x3FAF];
	_ =	sdelay $0x3  }
0x34: {  	[smem:$0x3FAF] =	sst s10  }
0x35: {  	s10 =	sld [smem:$0x3FAE];
	_ =	sdelay $0x3  }
0x36: {  	p1 =	seq.s32 s10, $0x1;
	s10 =	sld [smem:$0x3FAF];
	_ =	sdelay $0x3  }
0x37: {  	[smem:$0x3FAF] =	sst s10  }
0x38: {  	s10 =	sld [smem:$0x3FB0]  }
0x39: {  	_ = 	snop;
	(pc) =	sbr.ind lr, $3  }
0x3a: {  	_ = 	snop  }
0x3b: {  	_ = 	snop  }
0x3c: {  	p2 =	seq.s32 s10, $0x1;
	s10 =	sld [smem:$0x3FAF]  }
0x3d: {  	_ =	shalt  }
0x3e: {  	_ =	shalt  }
0x3f: {  	_ =	shalt  }
0x40: {  	_ =	shalt  }
0x41: {  	_ =	shalt  }
0x42: {  	_ =	shalt  }
0x43: {  	_ =	shalt  }
0x44: {  	_ =	shalt  }
0x45: {  	_ =	shalt  }
0x46: {  	_ =	shalt  }
0x47: {  	_ =	shalt  }
0x48: {  	_ =	shalt  }
0x49: {  	_ =	shalt  }
0x4a: {  	_ =	shalt  }
0x4b: {  	_ =	shalt  }
0x4c: {  	_ =	shalt  }
0x4d: {  	_ =	shalt  }
0x4e: {  	_ =	shalt  }
0x4f: {  	_ =	shalt  }
0x50: {  	_ =	shalt  }
0x51: {  	_ =	shalt  }
0x52: {  	_ =	shalt  }
0x53: {  	_ =	shalt  }
0x54: {  	_ =	shalt  }
0x55: {  	_ =	shalt  }
0x56: {  	_ =	shalt  }
0x57: {  	_ =	shalt  }
0x58: {  	_ =	shalt  }
0x59: {  	_ =	shalt  }
0x5a: {  	_ =	shalt  }
0x5b: {  	_ =	shalt  }
0x5c: {  	_ =	shalt  }
0x5d: {  	_ =	shalt  }
0x5e: {  	_ =	shalt  }
0x5f: {  	_ =	shalt  }
0x60: {  	_ =	shalt  }
0x61: {  	_ =	shalt  }
0x62: {  	_ =	shalt  }
0x63: {  	_ =	shalt  }
0x64: {  	_ =	shalt  }
0x65: {  	_ =	shalt  }
0x66: {  	_ =	shalt  }
0x67: {  	_ =	shalt  }
0x68: {  	_ =	shalt  }
0x69: {  	_ =	shalt  }
0x6a: {  	_ =	shalt  }
0x6b: {  	_ =	shalt  }
0x6c: {  	_ =	shalt  }
0x6d: {  	_ =	shalt  }
0x6e: {  	_ =	shalt  }
0x6f: {  	_ =	shalt  }
0x70: {  	_ =	shalt  }
0x71: {  	_ =	shalt  }
0x72: {  	_ =	shalt  }
0x73: {  	_ =	shalt  }
0x74: {  	_ =	shalt  }
0x75: {  	_ =	shalt  }
0x76: {  	_ =	shalt  }
0x77: {  	_ =	shalt  }
0x78: {  	_ =	shalt  }
0x79: {  	_ =	shalt  }
0x7a: {  	_ =	shalt  }
0x7b: {  	_ =	shalt  }
0x7c: {  	_ =	shalt  }
0x7d: {  	_ =	shalt  }
0x7e: {  	_ =	shalt  }
0x7f: {  	_ =	shalt  }
0x80: {  	_ =	shalt  }
0x81: {  	_ =	shalt  }
0x82: {  	_ =	shalt  }
0x83: {  	_ =	shalt  }
0x84: {  	_ =	shalt  }
0x85: {  	_ =	shalt  }
0x86: {  	_ =	shalt  }
0x87: {  	_ =	shalt  }
.Lfunc_end0:
.L_simem_size_0:
called_computation_lowered:
.L_overlay_start_0:
0x88: {  	s2 =	sld [smem:$0x3FD9]  }
0x89: {  	s3 =	sld [smem:$0x3FFE];
	_ =	sdelay $0x1  }
0x8a: {  	s1 =	srdreg.scid  }
0x8b: {  	s0 =	sand.u32 $0x1, s1  }
0x8c: {  	s17 =	sshll.u32 s0, $0xA;
	s2 =	sadd.s32 s3, s2  }
0x8d: {  	s2 =	sadd.s32 s2, s17  }
0x8e: {  	[smem:$0x3FBB] =	sst s2  }
0x8f: {  	_ = 	snop  }
0x90: {  	s2 =	sld [smem:$0x3FC6]  }
0x91: {  	s18 =	sld [smem:$0x3FD0];
	(tm) =	ssettm $0x1  }
0x92: {  	s4 =	sld [smem:$0x3FFB];
	_ =	sdelay $0x3  }
0x93: {  	_ =	strace s4  }
0x94: {  	s4 =	sld [smem:$0x3FFC];
	_ =	sdelay $0x3  }
0x95: {  	_ =	strace s4  }
0x96: {  	s4 =	sld [smem:$0x3FFD];
	_ =	sdelay $0x3  }
0x97: {  	_ =	strace s4  }
0x98: {  	_ =	strace $0x8FFFFFFF  }
0x99: {  	s19 =	sld [smem:$0x3FDB];
	_ =	sdelay $0x1  }
0x9a: {  	s5 =	simm.s32 $_scs_section_size  }
0x9b: {  	s6 =	simm.s32 $_size__tile_overlayer_lowered;
	s7 =	simm.s32 $_tile_overlayer_lowered  }
0x9c: {  	s22 =	simm.s32 $0x1BFF;
	s21 =	sshll.u32 s7, $0x1;
	s4 =	sadd.s32 s5, s19  }
0x9d: {  	s8 =	simm.s32 $0x0;
	s20 =	sshll.u32 s6, $0x1;
	s6 =	sadd.s32 s21, s4  }
0x9e: {  	[timem:s8], [sflag:s22] =	dma.local [hbm:s6], s20  }
0x9f: {  	_ =	swait.ge [sflag:s22], s20  }
0xa0: {  	s5 =	ssub.s32 $0x0, s20;
	[sflag:s22] =	ssyncset.done $0x0  }
0xa1: {  	[sflag:s22] =	ssyncadd.s32 s5;
	_ =	sdelay $0x1  }
0xa2: {  	s23 =	simm.s32 $0x1B8B  }
0xa3: {  	_ =	swait.ge [sflag:s23], $0x1  }
0xa4: {  	[sflag:s23] =	ssyncset.done $0x0  }
0xa5: {  	s25 =	simm.s32 $0x1B8E;
	s24 =	sld [smem:$0x3FFE];
	[sflag:s23] =	ssyncadd.s32 $0xFFFFFFFF  }
0xa6: {  	s26 =	simm.s32 $execute0_lowered;
	[smem:$0x3FD2] =	sst s25  }
0xa7: {  	s6 =	sshll.u32 s26, $0x1;
	_ =	strace $0x80000046;
	[dreg:$0x1] =	wrdreg $0xFFFFFFFF  }
0xa8: {  	s28 =	simm.s32 $_size_execute0_lowered;
	s4 =	sadd.s32 s4, s6;
	[dreg:$0x0] =	wrdreg $0x0  }
0xa9: {  	s6 =	sshll.u32 s28, $0x1;
	[dreg:$0x2] =	wrdreg s4  }
0xaa: {  	[dreg:$0x3] =	wrdreg s6  }
0xab: {  	[dreg:$0x4] =	wrdreg $0xC0  }
0xac: {  	_ =	task [dreg:s8], $0x5FFFF  }
0xad: {  	[dreg:$0x1] =	wrdreg $0xFFFFFFFF  }
0xae: {  	[dreg:$0x0] =	wrdreg $0x60  }
0xaf: {  	[dreg:$0x2] =	wrdreg s24  }
0xb0: {  	[dreg:$0x3] =	wrdreg s2  }
0xb1: {  	[dreg:$0x4] =	wrdreg s18  }
0xb2: {  	[dreg:$0x5] =	wrdreg $0x1E9600  }
0xb3: {  	[dreg:$0x6] =	wrdreg $0x9  }
0xb4: {  	_ =	task.clear_ibuf [dreg:s8], $0x7FFFF;
	_ =	strace $0x90000046  }
0xb5: {  	s29 =	simm.s32 $0x9;
	_ =	strace $0x80000048  }
0xb6: {  	_ =	swait.ge [sflag:s29], $0x1  }
0xb7: {  	[sflag:s29] =	ssyncadd.s32 $0xFFFFFFFF  }
0xb8: {  	_ =	strace $0x90000048  }
0xb9: {  	_ =	sfence  }
0xba: {  	s30 =	sld [smem:$0x0];
	_ =	sdelay $0x2  }
0xbb: {  	s31 =	sshll.u32 s1, $0xD;
	s1 =	sshrl.u32 s1, $0x2  }
0xbc: {  	s3 =	sand.u32 $0x4000, s31;
	s1 =	sadd.s32 s1, s30  }
0xbd: {  	s0 =	sor.u32 s3, s0;
	s1 =	sshll.u32 s1, $0x11  }
0xbe: {  	s0 =	sor.u32 s1, s0  }
0xbf: {  	s0 =	sadd.s32 $0x8F2B, s0  }
0xc0: {  	[sflag:s0] =	ssyncadd.remote.s32 $0x1  }
0xc1: {  	_ =	sfence.sel $0xFFFF  }
0xc2: {  	[dreg:$0x0] =	wrdreg $0xFFFFFFFF;
	(pc) =	sbr.abs _section_cstart, $3  }
0xc3: {  	[dreg:$0x1] =	wrdreg $0xFFFFFFFF  }
0xc4: {  	_ =	task.clear_ibuf [dreg:s8], $0x2FFFF;
	_ =	strace $0x9FFFFFFF  }
0xc5: {  	(tm) =	ssettm $0x7FFFFFFF  }
tec
execute0_lowered:
.L_overlay_start_1:
0x0: {  	(tag) =	ssettag $0x1  }
0x1: {  	s0 =	rddreg [dreg:$0x0]  }
0x2: {  	s1 =	rddreg [dreg:$0x1]  }
0x3: {  	s3 =	rddreg [dreg:$0x3];
	s2 =	srdreg.scid;
	s5 =	simm.s32 $0x0  }
0x4: {  	s9 =	stileid.u32;
	s20 =	simm.s32 $0x4;
	s28 =	simm.s32 $0x1BBC0  }
0x5: {  	s29 =	simm.s32 $0x1C390;
	s30 =	simm.s32 $0x1CB60;
	s31 =	simm.s32 $0x1D330  }
0x6: {  	s18 =	simm.s32 $0x0;
	s2 =	sand.u32 $0x1, s2;
	s8 =	smul.u32 $0xC80, s9  }
0x7: {  	[smem:$0x7FF] =	sst s5;
	s11 =	sadd.s32 $0x800, s0;
	s13 =	smul.u32 $0x186A0, s9  }
0x8: {  	s6 =	sadd.s32 $0x3A00, s0;
	s4 =	smul.u32 $0xC800, s2;
	s2 =	ssub.s32 $0x2, s2  }
0x9: {  	_ =	strace $0x80000047;
	s21 =	sshrl.u32 s2, $0x1;
	s14 =	sshrl.u32 s13, $0x3  }
0xa: {  	s9 =	sadd.s32 s8, s3;
	s22 =	sadd.s32 $0xC800, s8;
	s15 =	sadd.s32 $0x7D0, s13  }
0xb: {  	s16 =	sadd.s32 $0xFA0, s13;
	s7 =	sadd.s32 s8, s4;
	s2 =	ssub.s32 s2, s21  }
0xc: {  	s4 =	sshrl.u32 s4, $0x3;
	s10 =	sadd.s32 s6, s14;
	[dreg:$0x6] =	wrdreg s22  }
0xd: {  	s24 =	sadd.s32 s1, s14;
	s21 =	simm.s32 $0x2;
	s8 =	simm.s32 $0x80  }
0xe: {  	s12 =	sshrl.u32 s7, $0x3;
	s7 =	sadd.s32 $0x65600, s0;
	s4 =	sadd.s32 s11, s4  }
0xf: {  	s23 =	sadd.s32 $0x30D40, s10;
	[dreg:$0x8] =	wrdreg s24;
	s26 =	smax.u32 s2, $0x1  }
0x10: {  	v0 =	vlaneseq.u32;
	s2 =	simm.s32 $0xC800;
	s24 =	simm.s32 $0x3;
	[dreg:$0x5] =	wrdreg s4  }
0x11: {  	v1 =	vand.u32 $0x7, v0;
	s0 =	sadd.s32 s12, s0;
	[dreg:$0x7] =	wrdreg s23;
	s25 =	sadd.s32 s7, s14  }
0x12: {  	v1 =	vmul.u32 $0x2, v1;
	s17 =	sadd.s32 s11, s12;
	[dreg:$0xb] =	wrdreg s26;
	s4 =	simm.s32 $0x1DB00  }
0x13: {  	s26 =	simm.s32 $0x1DB80;
	[dreg:$0x9] =	wrdreg s25;
	s0 =	sadd.s32 $0x96400, s0  }
0x14: {  	v3 =	vimm.f32 $0.0e+00;
	v2 =	vor.u32 $0x1, v1;
	s25 =	simm.s32 $0x19000;
	[dreg:$0xa] =	wrdreg s0;
	s0 =	simm.s32 $0x1  }
.LBB2_1:
0x15: {  	s11 =	rddreg [dreg:$0x5]  }
0x16: {  	[tilespmem:s5], [sflag:$0x4] =	stream.linear.gather [hbm4b:s11+s5], $0xC800, $0x38;
	[tilespmem:$0x1F5E0] =	vst v63  }
0x17: {  	_ =	swait.ge [sflag:s20], $0xC800  }
0x18: {  	[sflag:s20] =	ssyncset.done $0x0  }
0x19: {  	[sflag:s20] =	ssyncadd.s32 $0xFFFF3800  }
0x1a: {  	s12 =	simm.s32 $0x1DC80;
	s23 =	rddreg [dreg:$0x2]  }
0x1b: {  	[tilespmem:s12], [sflag:$0x4] =	stream.linear.gather [hbm4b:s23+s5], $0x60, $0x38;
	[tilespmem:$0x1F5E0] =	vst v63  }
0x1c: {  	_ =	swait.ge [sflag:s20], $0x60  }
0x1d: {  	[sflag:s20] =	ssyncset.done $0x0  }
0x1e: {  	v4 =	vor.u32 s5, v0;
	s11 =	simm.s32 $0x10;
	s12 =	sand.u32 $0xFF0, s5;
	[sflag:s20] =	ssyncadd.s32 $0xFFFFFFA0  }
.LBB2_2:
0x1f: {  	p0 =	sne.s32 s11, $0xC70;
	[tilespmem:s12+$0x1DCE0] =	vst v4;
	s12 =	smov.u32 s11;
	s11 =	sadd.s32 $0x10, s11  }
.Ltmp0:
0x20: {  	(pc) =	sbr.rel @p0 .LBB2_2-.Ltmp0, $2  }
0x21: {  	_ =	sdelay $0x2  }
0x22: {  	v4 =	vor.u32 s12, v0;
	s12 =	sand.u32 $0xFF0, s12  }
0x23: {  	[tilespmem:s12+$0x1DCE0] =	vst v4  }
0x24: {  	v4 =	vld [tilespmem:$0x1DC80]  }
0x25: {  	v5 =	vld [tilespmem:$0x1DC90];
	_ =	sdelay $0x4  }
0x26: {  	v4 =	vmul.f32 v5, v4;
	_ =	sdelay $0x1  }
0x27: {  	s11 =	simm.s32 $0x1DC00;
	v6 =	vld [tilespmem:$0x1DCA0];
	[tilespmem:$0x1DC00] =	vst v4  }
0x28: {  	v4 =	vld.idx.msk [tilespmem:v1+s11+$0x0], $0xffff  }
0x29: {  	v5 =	vld.idx.msk [tilespmem:v2+s11+$0x0], $0xffff  }
0x2a: {  	v7 =	vld [tilespmem:$0x1DCB0];
	_ =	sdelay $0x3  }
0x2b: {  	v4 =	vadd.f32 v5, v4  }
0x2c: {  	v5 =	vmul.f32 v7, v6  }
0x2d: {  	[tilespmem:$0x1DB00] =	vst v4  }
0x2e: {  	[tilespmem:$0x1DC00] =	vst v5  }
0x2f: {  	v4 =	vld.idx.msk [tilespmem:v1+s11+$0x0], $0xffff  }
0x30: {  	v5 =	vld.idx.msk [tilespmem:v2+s11+$0x0], $0xffff;
	_ =	sdelay $0x4  }
0x31: {  	v4 =	vadd.f32 v5, v4  }
0x32: {  	v5 =	vld [tilespmem:$0x1DCC0]  }
0x33: {  	s12 =	simm.s32 $0x0;
	s11 =	simm.s32 $0x40;
	[tilespmem:$0x1DB80] =	vst v4;
	v4 =	vld [tilespmem:$0x1DCD0]  }
.LBB2_4:
0x34: {  	p0 =	sne.s32 s11, $0x31FC0;
	[tilespmem:s12+$0xC800] =	vst v3;
	s12 =	smov.u32 s11;
	s11 =	sadd.s32 $0x40, s11  }
.Ltmp1:
0x35: {  	(pc) =	sbr.rel @p0 .LBB2_4-.Ltmp1, $2  }
0x36: {  	_ =	sdelay $0x2  }
0x37: {  	s12 =	sshra.s32 s12, $0x2  }
0x38: {  	[tilespmem:s12+$0xC800] =	vst v3;
	s11 =	rddreg [dreg:$0x6]  }
0x39: {  	[spmem:s9] =	stream.linear.scatter [tilespmem:s11], [sflag:$0x4], $0xC80, $0x38;
	[tilespmem:$0x1F5E0] =	vst v63  }
0x3a: {  	_ =	swait.ge [sflag:s20], $0xC80  }
0x3b: {  	[sflag:s20] =	ssyncset.done $0x0  }
0x3c: {  	[sflag:s20] =	ssyncadd.s32 $0xFFFFF380  }
0x3d: {  	s19 =	simm.s32 $0x0;
	s14 =	simm.s32 $0x19C80;
	[bflag:$0x0] =	sbarrier.arrive $0xFFFF  }
0x3e: {  	[tilespmem:s14], [sflag:$0x1] =	stream.linear.gather [hbm4b:s10+s19], $0x7D0, $0x38;
	[tilespmem:$0x1F5E0] =	vst v63  }
0x3f: {  	s23 =	simm.s32 $0x1A450;
	s22 =	rddreg [dreg:$0x7]  }
0x40: {  	[tilespmem:s23], [sflag:$0x1] =	stream.linear.gather [hbm4b:s22+s19], $0x7D0, $0x38;
	[tilespmem:$0x1F5E0] =	vst v63  }
0x41: {  	s13 =	rddreg [dreg:$0x8];
	s14 =	simm.s32 $0x1AC20  }
0x42: {  	[tilespmem:s14], [sflag:$0x1] =	stream.linear.gather [hbm4b:s13+s19], $0x7D0, $0x38;
	[tilespmem:$0x1F5E0] =	vst v63  }
0x43: {  	s22 =	rddreg [dreg:$0x9];
	s23 =	simm.s32 $0x1B3F0  }
0x44: {  	[tilespmem:s23], [sflag:$0x1] =	stream.linear.gather [hbm4b:s22+s19], $0x7D0, $0x38;
	[tilespmem:$0x1F5E0] =	vst v63  }
.LBB2_7:
0x45: {  	s23 =	smul.u32 $0xFA0, s19;
	_ =	sdelay $0x1  }
0x46: {  	s11 =	sadd.s32 s23, s15  }
0x47: {  	s11 =	sshrl.u32 s11, $0x3  }
0x48: {  	s12 =	sadd.s32 s6, s11  }
0x49: {  	[tilespmem:s28], [sflag:$0x2] =	stream.linear.gather [hbm4b:s12+s5], $0x7D0, $0x38;
	[tilespmem:$0x1F5E0] =	vst v63  }
0x4a: {  	s12 =	sadd.s32 $0x30D40, s12  }
0x4b: {  	[tilespmem:s29], [sflag:$0x2] =	stream.linear.gather [hbm4b:s12+s5], $0x7D0, $0x38;
	[tilespmem:$0x1F5E0] =	vst v63  }
0x4c: {  	s22 =	sadd.s32 s1, s11  }
0x4d: {  	[tilespmem:s30], [sflag:$0x2] =	stream.linear.gather [hbm4b:s22+s5], $0x7D0, $0x38;
	[tilespmem:$0x1F5E0] =	vst v63  }
0x4e: {  	s11 =	sadd.s32 s7, s11  }
0x4f: {  	[tilespmem:s31], [sflag:$0x2] =	stream.linear.gather [hbm4b:s11+s5], $0x7D0, $0x38;
	[tilespmem:$0x1F5E0] =	vst v63  }
0x50: {  	_ =	swait.ge [sflag:s0], $0x7D0  }
0x51: {  	[sflag:s0] =	ssyncset.done $0x0  }
0x52: {  	[sflag:s0] =	ssyncadd.s32 $0xFFFFF830  }
0x53: {  	_ =	swait.ge [sflag:s0], $0x7D0  }
0x54: {  	[sflag:s0] =	ssyncset.done $0x0  }
0x55: {  	[sflag:s0] =	ssyncadd.s32 $0xFFFFF830  }
0x56: {  	_ =	swait.ge [sflag:s0], $0x7D0  }
0x57: {  	[sflag:s0] =	ssyncset.done $0x0  }
0x58: {  	[sflag:s0] =	ssyncadd.s32 $0xFFFFF830  }
0x59: {  	s13 =	simm.s32 $0x1A470;
	_ =	swait.ge [sflag:s0], $0x7D0  }
0x5a: {  	s14 =	simm.s32 $0x1AC40;
	s12 =	simm.s32 $0x19CA0;
	[sflag:s0] =	ssyncset.done $0x0  }
0x5b: {  	s22 =	simm.s32 $0x1B410;
	s11 =	simm.s32 $0xFFFFFFFB;
	[sflag:s0] =	ssyncadd.s32 $0xFFFFF830  }
.LBB2_8:
0x5c: {  	v6 =	vld [tilespmem:s12+$0xFFFFFFE0]  }
0x5d: {  	v7 =	vld [tilespmem:s14+$0xFFFFFFE0];
	_ =	sdelay $0x6  }
0x5e: {  	v6 =	vld.idx.msk [tilespmem:v6+s5+$0x0], $0xffff  }
0x5f: {  	v7 =	vld.idx.msk [tilespmem:v7+s4+$0x0], $0xffff  }
0x60: {  	v8 =	vld [tilespmem:s13+$0xFFFFFFE0]  }
0x61: {  	v9 =	vld [tilespmem:s22+$0xFFFFFFE0];
	_ =	sdelay $0x2  }
0x62: {  	v6 =	vmul.f32 v7, v6;
	_ =	sdelay $0x1  }
0x63: {  	v6 =	vmul.f32 v6, v9;
	_ =	sdelay $0x1  }
0x64: {  	[tilespmem:v8+s2+$0x0] =	vst.idx.add.f32.msk $0xffff, v6  }
0x65: {  	v6 =	vld [tilespmem:s12+$0xFFFFFFF0]  }
0x66: {  	v7 =	vld [tilespmem:s14+$0xFFFFFFF0];
	_ =	sdelay $0x6  }
0x67: {  	v6 =	vld.idx.msk [tilespmem:v6+s5+$0x0], $0xffff  }
0x68: {  	v7 =	vld.idx.msk [tilespmem:v7+s4+$0x0], $0xffff  }
0x69: {  	v8 =	vld [tilespmem:s13+$0xFFFFFFF0]  }
0x6a: {  	v60 =	vld [tilespmem:s22+$0xFFFFFFF0];
	_ =	sdelay $0x2  }
0x6b: {  	v6 =	vmul.f32 v7, v6;
	_ =	sdelay $0x1  }
0x6c: {  	v6 =	vmul.f32 v6, v60;
	_ =	sdelay $0x1  }
0x6d: {  	[tilespmem:v8+s2+$0x0] =	vst.idx.add.f32.msk $0xffff, v6  }
0x6e: {  	v6 =	vld [tilespmem:s12+$0x0]  }
0x6f: {  	v7 =	vld [tilespmem:s14+$0x0];
	_ =	sdelay $0x6  }
0x70: {  	v6 =	vld.idx.msk [tilespmem:v6+s5+$0x0], $0xffff  }
0x71: {  	v7 =	vld.idx.msk [tilespmem:v7+s4+$0x0], $0xffff  }
0x72: {  	v8 =	vld [tilespmem:s13+$0x0]  }
0x73: {  	v61 =	vld [tilespmem:s22+$0x0];
	_ =	sdelay $0x2  }
0x74: {  	v6 =	vmul.f32 v7, v6;
	_ =	sdelay $0x1  }
0x75: {  	v6 =	vmul.f32 v6, v61;
	_ =	sdelay $0x1  }
0x76: {  	[tilespmem:v8+s2+$0x0] =	vst.idx.add.f32.msk $0xffff, v6  }
0x77: {  	v6 =	vld [tilespmem:s12+$0x10]  }
0x78: {  	v7 =	vld [tilespmem:s14+$0x10];
	_ =	sdelay $0x6  }
0x79: {  	v6 =	vld.idx.msk [tilespmem:v6+s5+$0x0], $0xffff  }
0x7a: {  	v7 =	vld.idx.msk [tilespmem:v7+s4+$0x0], $0xffff  }
0x7b: {  	v8 =	vld [tilespmem:s13+$0x10]  }
0x7c: {  	v62 =	vld [tilespmem:s22+$0x10];
	_ =	sdelay $0x2  }
0x7d: {  	v6 =	vmul.f32 v7, v6;
	_ =	sdelay $0x1  }
0x7e: {  	v6 =	vmul.f32 v6, v62;
	_ =	sdelay $0x1  }
0x7f: {  	[tilespmem:v8+s2+$0x0] =	vst.idx.add.f32.msk $0xffff, v6  }
0x80: {  	v6 =	vld [tilespmem:s12+$0x20]  }
0x81: {  	v7 =	vld [tilespmem:s14+$0x20];
	_ =	sdelay $0x6  }
0x82: {  	v6 =	vld.idx.msk [tilespmem:v6+s5+$0x0], $0xffff  }
0x83: {  	v7 =	vld.idx.msk [tilespmem:v7+s4+$0x0], $0xffff  }
0x84: {  	v8 =	vld [tilespmem:s13+$0x20]  }
0x85: {  	v63 =	vld [tilespmem:s22+$0x20]  }
0x86: {  	s11 =	sadd.s32 $0x5, s11  }
0x87: {  	p0 =	slt.u32 s11, $0x78  }
.Ltmp2:
0x88: {  	v6 =	vmul.f32 v7, v6;
	(pc) =	sbr.rel @p0 .LBB2_8-.Ltmp2, $4  }
0x89: {  	_ = 	snop  }
0x8a: {  	v6 =	vmul.f32 v6, v63  }
0x8b: {  	s12 =	sadd.s32 $0x50, s12  }
0x8c: {  	s13 =	sadd.s32 $0x50, s13;
	s14 =	sadd.s32 $0x50, s14;
	s22 =	sadd.s32 $0x50, s22;
	[tilespmem:v8+s2+$0x0] =	vst.idx.add.f32.msk $0xffff, v6  }
0x8d: {  	p0 =	seq.s32 s19, $0x18  }
0x8e: {  	s11 =	sadd.s32 @!p0 s23, s16  }
0x8f: {  	s11 =	sshrl.u32 @!p0 s11, $0x3  }
0x90: {  	s13 =	simm.s32 @!p0 $0x0;
	s14 =	simm.s32 @!p0 $0x19C80;
	s12 =	sadd.s32 @!p0 s6, s11  }
0x91: {  	[tilespmem:s14], [sflag:$0x1] =	stream.linear.gather @!p0 [hbm4b:s12+s13], $0x7D0, $0x38;
	[tilespmem:$0x1F5E0] =	vst v63  }
0x92: {  	s12 =	sadd.s32 @!p0 $0x30D40, s12;
	s14 =	simm.s32 @!p0 $0x1A450  }
0x93: {  	[tilespmem:s14], [sflag:$0x1] =	stream.linear.gather @!p0 [hbm4b:s12+s13], $0x7D0, $0x38;
	[tilespmem:$0x1F5E0] =	vst v63  }
0x94: {  	s12 =	sadd.s32 @!p0 s1, s11;
	s14 =	simm.s32 @!p0 $0x1AC20  }
0x95: {  	[tilespmem:s14], [sflag:$0x1] =	stream.linear.gather @!p0 [hbm4b:s12+s13], $0x7D0, $0x38;
	[tilespmem:$0x1F5E0] =	vst v63  }
0x96: {  	s11 =	sadd.s32 @!p0 s7, s11;
	s12 =	simm.s32 @!p0 $0x1B3F0  }
0x97: {  	[tilespmem:s12], [sflag:$0x1] =	stream.linear.gather @!p0 [hbm4b:s11+s13], $0x7D0, $0x38;
	[tilespmem:$0x1F5E0] =	vst v63  }
0x98: {  	_ =	swait.ge [sflag:s21], $0x7D0  }
0x99: {  	[sflag:s21] =	ssyncset.done $0x0  }
0x9a: {  	[sflag:s21] =	ssyncadd.s32 $0xFFFFF830  }
0x9b: {  	_ =	swait.ge [sflag:s21], $0x7D0  }
0x9c: {  	[sflag:s21] =	ssyncset.done $0x0  }
0x9d: {  	[sflag:s21] =	ssyncadd.s32 $0xFFFFF830  }
0x9e: {  	_ =	swait.ge [sflag:s21], $0x7D0  }
0x9f: {  	[sflag:s21] =	ssyncset.done $0x0  }
0xa0: {  	[sflag:s21] =	ssyncadd.s32 $0xFFFFF830  }
0xa1: {  	s19 =	sadd.s32 $0x1, s19;
	s22 =	simm.s32 $0x1D350;
	_ =	swait.ge [sflag:s21], $0x7D0  }
0xa2: {  	s14 =	simm.s32 $0x1CB80;
	s11 =	simm.s32 $0xFFFFFFFB;
	[sflag:s21] =	ssyncset.done $0x0  }
0xa3: {  	s12 =	simm.s32 $0x1BBE0;
	s13 =	simm.s32 $0x1C3B0;
	[sflag:s21] =	ssyncadd.s32 $0xFFFFF830  }
.LBB2_10:
0xa4: {  	v6 =	vld [tilespmem:s12+$0xFFFFFFE0]  }
0xa5: {  	v7 =	vld [tilespmem:s14+$0xFFFFFFE0];
	_ =	sdelay $0x6  }
0xa6: {  	v6 =	vld.idx.msk [tilespmem:v6+s5+$0x0], $0xffff  }
0xa7: {  	v7 =	vld.idx.msk [tilespmem:v7+s4+$0x0], $0xffff  }
0xa8: {  	v8 =	vld [tilespmem:s13+$0xFFFFFFE0]  }
0xa9: {  	v9 =	vld [tilespmem:s22+$0xFFFFFFE0];
	_ =	sdelay $0x2  }
0xaa: {  	v6 =	vmul.f32 v7, v6;
	_ =	sdelay $0x1  }
0xab: {  	v6 =	vmul.f32 v6, v9;
	_ =	sdelay $0x1  }
0xac: {  	[tilespmem:v8+s2+$0x0] =	vst.idx.add.f32.msk $0xffff, v6  }
0xad: {  	v6 =	vld [tilespmem:s12+$0xFFFFFFF0]  }
0xae: {  	v7 =	vld [tilespmem:s14+$0xFFFFFFF0];
	_ =	sdelay $0x6  }
0xaf: {  	v6 =	vld.idx.msk [tilespmem:v6+s5+$0x0], $0xffff  }
0xb0: {  	v7 =	vld.idx.msk [tilespmem:v7+s4+$0x0], $0xffff  }
0xb1: {  	v8 =	vld [tilespmem:s13+$0xFFFFFFF0]  }
0xb2: {  	v60 =	vld [tilespmem:s22+$0xFFFFFFF0];
	_ =	sdelay $0x2  }
0xb3: {  	v6 =	vmul.f32 v7, v6;
	_ =	sdelay $0x1  }
0xb4: {  	v6 =	vmul.f32 v6, v60;
	_ =	sdelay $0x1  }
0xb5: {  	[tilespmem:v8+s2+$0x0] =	vst.idx.add.f32.msk $0xffff, v6  }
0xb6: {  	v6 =	vld [tilespmem:s12+$0x0]  }
0xb7: {  	v7 =	vld [tilespmem:s14+$0x0];
	_ =	sdelay $0x6  }
0xb8: {  	v6 =	vld.idx.msk [tilespmem:v6+s5+$0x0], $0xffff  }
0xb9: {  	v7 =	vld.idx.msk [tilespmem:v7+s4+$0x0], $0xffff  }
0xba: {  	v8 =	vld [tilespmem:s13+$0x0]  }
0xbb: {  	v61 =	vld [tilespmem:s22+$0x0];
	_ =	sdelay $0x2  }
0xbc: {  	v6 =	vmul.f32 v7, v6;
	_ =	sdelay $0x1  }
0xbd: {  	v6 =	vmul.f32 v6, v61;
	_ =	sdelay $0x1  }
0xbe: {  	[tilespmem:v8+s2+$0x0] =	vst.idx.add.f32.msk $0xffff, v6  }
0xbf: {  	v6 =	vld [tilespmem:s12+$0x10]  }
0xc0: {  	v7 =	vld [tilespmem:s14+$0x10];
	_ =	sdelay $0x6  }
0xc1: {  	v6 =	vld.idx.msk [tilespmem:v6+s5+$0x0], $0xffff  }
0xc2: {  	v7 =	vld.idx.msk [tilespmem:v7+s4+$0x0], $0xffff  }
0xc3: {  	v8 =	vld [tilespmem:s13+$0x10]  }
0xc4: {  	v62 =	vld [tilespmem:s22+$0x10];
	_ =	sdelay $0x2  }
0xc5: {  	v6 =	vmul.f32 v7, v6;
	_ =	sdelay $0x1  }
0xc6: {  	v6 =	vmul.f32 v6, v62;
	_ =	sdelay $0x1  }
0xc7: {  	[tilespmem:v8+s2+$0x0] =	vst.idx.add.f32.msk $0xffff, v6  }
0xc8: {  	v6 =	vld [tilespmem:s12+$0x20]  }
0xc9: {  	v7 =	vld [tilespmem:s14+$0x20];
	_ =	sdelay $0x6  }
0xca: {  	v6 =	vld.idx.msk [tilespmem:v6+s5+$0x0], $0xffff  }
0xcb: {  	v7 =	vld.idx.msk [tilespmem:v7+s4+$0x0], $0xffff  }
0xcc: {  	v8 =	vld [tilespmem:s13+$0x20]  }
0xcd: {  	v63 =	vld [tilespmem:s22+$0x20]  }
0xce: {  	s11 =	sadd.s32 $0x5, s11  }
0xcf: {  	p0 =	slt.u32 s11, $0x78  }
.Ltmp3:
0xd0: {  	v6 =	vmul.f32 v7, v6;
	(pc) =	sbr.rel @p0 .LBB2_10-.Ltmp3, $4  }
0xd1: {  	_ = 	snop  }
0xd2: {  	v6 =	vmul.f32 v6, v63  }
0xd3: {  	s12 =	sadd.s32 $0x50, s12  }
0xd4: {  	s13 =	sadd.s32 $0x50, s13;
	s14 =	sadd.s32 $0x50, s14;
	s22 =	sadd.s32 $0x50, s22;
	[tilespmem:v8+s2+$0x0] =	vst.idx.add.f32.msk $0xffff, v6  }
0xd5: {  	p0 =	seq.s32 s19, $0x19  }
.Ltmp4:
0xd6: {  	_ = 	snop;
	(pc) =	sbr.rel @!p0 .LBB2_7-.Ltmp4, $1  }
0xd7: {  	_ =	sdelay $0x3  }
0xd8: {  	s11 =	simm.s32 $0x1DCE0  }
0xd9: {  	[spmem:s3] =	stream.indirect.scatter.add.f32 [tilespmem:s2], [sflag:$0x3], $0x10, s11, s8, $0xb8;
	[tilespmem:$0x1F5E0] =	vst v63  }
0xda: {  	s23 =	simm.s32 $0x1DD60;
	s12 =	simm.s32 $0xD000  }
0xdb: {  	[spmem:s3] =	stream.indirect.scatter.add.f32 [tilespmem:s12], [sflag:$0x3], $0x10, s23, s8, $0xb8;
	[tilespmem:$0x1F5E0] =	vst v63  }
0xdc: {  	s13 =	simm.s32 $0xD800;
	s12 =	simm.s32 $0x1DDE0  }
0xdd: {  	[spmem:s3] =	stream.indirect.scatter.add.f32 [tilespmem:s13], [sflag:$0x3], $0x10, s12, s8, $0xb8;
	[tilespmem:$0x1F5E0] =	vst v63  }
0xde: {  	s14 =	simm.s32 $0x1DE60;
	s19 =	simm.s32 $0xE000  }
0xdf: {  	[spmem:s3] =	stream.indirect.scatter.add.f32 [tilespmem:s19], [sflag:$0x3], $0x10, s14, s8, $0xb8;
	[tilespmem:$0x1F5E0] =	vst v63  }
0xe0: {  	s22 =	simm.s32 $0x1DEE0;
	s23 =	simm.s32 $0xE800  }
0xe1: {  	[spmem:s3] =	stream.indirect.scatter.add.f32 [tilespmem:s23], [sflag:$0x3], $0x10, s22, s8, $0xb8;
	[tilespmem:$0x1F5E0] =	vst v63  }
0xe2: {  	s12 =	simm.s32 $0x1DF60;
	s13 =	simm.s32 $0xF000  }
0xe3: {  	[spmem:s3] =	stream.indirect.scatter.add.f32 [tilespmem:s13], [sflag:$0x3], $0x10, s12, s8, $0xb8;
	[tilespmem:$0x1F5E0] =	vst v63  }
0xe4: {  	s14 =	simm.s32 $0x1DFE0;
	s19 =	simm.s32 $0xF800  }
0xe5: {  	[spmem:s3] =	stream.indirect.scatter.add.f32 [tilespmem:s19], [sflag:$0x3], $0x10, s14, s8, $0xb8;
	[tilespmem:$0x1F5E0] =	vst v63  }
0xe6: {  	s22 =	simm.s32 $0x1E060;
	s23 =	simm.s32 $0x10000  }
0xe7: {  	[spmem:s3] =	stream.indirect.scatter.add.f32 [tilespmem:s23], [sflag:$0x3], $0x10, s22, s8, $0xb8;
	[tilespmem:$0x1F5E0] =	vst v63  }
0xe8: {  	s12 =	simm.s32 $0x1E0E0;
	s13 =	simm.s32 $0x10800  }
0xe9: {  	[spmem:s3] =	stream.indirect.scatter.add.f32 [tilespmem:s13], [sflag:$0x3], $0x10, s12, s8, $0xb8;
	[tilespmem:$0x1F5E0] =	vst v63  }
0xea: {  	s14 =	simm.s32 $0x1E160;
	s19 =	simm.s32 $0x11000  }
0xeb: {  	[spmem:s3] =	stream.indirect.scatter.add.f32 [tilespmem:s19], [sflag:$0x3], $0x10, s14, s8, $0xb8;
	[tilespmem:$0x1F5E0] =	vst v63  }
0xec: {  	s22 =	simm.s32 $0x1E1E0;
	s23 =	simm.s32 $0x11800  }
0xed: {  	[spmem:s3] =	stream.indirect.scatter.add.f32 [tilespmem:s23], [sflag:$0x3], $0x10, s22, s8, $0xb8;
	[tilespmem:$0x1F5E0] =	vst v63  }
0xee: {  	s12 =	simm.s32 $0x1E260;
	s13 =	simm.s32 $0x12000  }
0xef: {  	[spmem:s3] =	stream.indirect.scatter.add.f32 [tilespmem:s13], [sflag:$0x3], $0x10, s12, s8, $0xb8;
	[tilespmem:$0x1F5E0] =	vst v63  }
0xf0: {  	s14 =	simm.s32 $0x1E2E0;
	s19 =	simm.s32 $0x12800  }
0xf1: {  	[spmem:s3] =	stream.indirect.scatter.add.f32 [tilespmem:s19], [sflag:$0x3], $0x10, s14, s8, $0xb8;
	[tilespmem:$0x1F5E0] =	vst v63  }
0xf2: {  	s22 =	simm.s32 $0x1E360;
	s23 =	simm.s32 $0x13000  }
0xf3: {  	[spmem:s3] =	stream.indirect.scatter.add.f32 [tilespmem:s23], [sflag:$0x3], $0x10, s22, s8, $0xb8;
	[tilespmem:$0x1F5E0] =	vst v63  }
0xf4: {  	s12 =	simm.s32 $0x1E3E0;
	s13 =	simm.s32 $0x13800  }
0xf5: {  	[spmem:s3] =	stream.indirect.scatter.add.f32 [tilespmem:s13], [sflag:$0x3], $0x10, s12, s8, $0xb8;
	[tilespmem:$0x1F5E0] =	vst v63  }
0xf6: {  	s14 =	simm.s32 $0x1E460;
	s19 =	simm.s32 $0x14000  }
0xf7: {  	[spmem:s3] =	stream.indirect.scatter.add.f32 [tilespmem:s19], [sflag:$0x3], $0x10, s14, s8, $0xb8;
	[tilespmem:$0x1F5E0] =	vst v63  }
0xf8: {  	s22 =	simm.s32 $0x1E4E0;
	s23 =	simm.s32 $0x14800  }
0xf9: {  	[spmem:s3] =	stream.indirect.scatter.add.f32 [tilespmem:s23], [sflag:$0x3], $0x10, s22, s8, $0xb8;
	[tilespmem:$0x1F5E0] =	vst v63  }
0xfa: {  	s12 =	simm.s32 $0x1E560;
	s13 =	simm.s32 $0x15000  }
0xfb: {  	[spmem:s3] =	stream.indirect.scatter.add.f32 [tilespmem:s13], [sflag:$0x3], $0x10, s12, s8, $0xb8;
	[tilespmem:$0x1F5E0] =	vst v63  }
0xfc: {  	s14 =	simm.s32 $0x1E5E0;
	s19 =	simm.s32 $0x15800  }
0xfd: {  	[spmem:s3] =	stream.indirect.scatter.add.f32 [tilespmem:s19], [sflag:$0x3], $0x10, s14, s8, $0xb8;
	[tilespmem:$0x1F5E0] =	vst v63  }
0xfe: {  	s22 =	simm.s32 $0x1E660;
	s23 =	simm.s32 $0x16000  }
0xff: {  	[spmem:s3] =	stream.indirect.scatter.add.f32 [tilespmem:s23], [sflag:$0x3], $0x10, s22, s8, $0xb8;
	[tilespmem:$0x1F5E0] =	vst v63  }
0x100: {  	s12 =	simm.s32 $0x1E6E0;
	s13 =	simm.s32 $0x16800  }
0x101: {  	[spmem:s3] =	stream.indirect.scatter.add.f32 [tilespmem:s13], [sflag:$0x3], $0x10, s12, s8, $0xb8;
	[tilespmem:$0x1F5E0] =	vst v63  }
0x102: {  	s14 =	simm.s32 $0x1E760;
	s19 =	simm.s32 $0x17000  }
0x103: {  	[spmem:s3] =	stream.indirect.scatter.add.f32 [tilespmem:s19], [sflag:$0x3], $0x10, s14, s8, $0xb8;
	[tilespmem:$0x1F5E0] =	vst v63  }
0x104: {  	s22 =	simm.s32 $0x1E7E0;
	s23 =	simm.s32 $0x17800  }
0x105: {  	[spmem:s3] =	stream.indirect.scatter.add.f32 [tilespmem:s23], [sflag:$0x3], $0x10, s22, s8, $0xb8;
	[tilespmem:$0x1F5E0] =	vst v63  }
0x106: {  	s13 =	simm.s32 $0x1E860;
	s14 =	simm.s32 $0x18000  }
0x107: {  	[spmem:s3] =	stream.indirect.scatter.add.f32 [tilespmem:s14], [sflag:$0x3], $0x10, s13, s8, $0xb8;
	[tilespmem:$0x1F5E0] =	vst v63  }
0x108: {  	s19 =	simm.s32 $0x1E8E0;
	s22 =	simm.s32 $0x18800  }
0x109: {  	[spmem:s3] =	stream.indirect.scatter.add.f32 [tilespmem:s22], [sflag:$0x3], $0x10, s19, s8, $0xb8;
	[tilespmem:$0x1F5E0] =	vst v63  }
0x10a: {  	_ =	swait.ge [sflag:s24], $0x800  }
0x10b: {  	[sflag:s24] =	ssyncset.done $0x0  }
0x10c: {  	[sflag:s24] =	ssyncadd.s32 $0xFFFFF800  }
0x10d: {  	_ =	swait.ge [sflag:s24], $0x800  }
0x10e: {  	[sflag:s24] =	ssyncset.done $0x0  }
0x10f: {  	[sflag:s24] =	ssyncadd.s32 $0xFFFFF800  }
0x110: {  	_ =	swait.ge [sflag:s24], $0x800  }
0x111: {  	[sflag:s24] =	ssyncset.done $0x0  }
0x112: {  	[sflag:s24] =	ssyncadd.s32 $0xFFFFF800  }
0x113: {  	_ =	swait.ge [sflag:s24], $0x800  }
0x114: {  	[sflag:s24] =	ssyncset.done $0x0  }
0x115: {  	[sflag:s24] =	ssyncadd.s32 $0xFFFFF800  }
0x116: {  	_ =	swait.ge [sflag:s24], $0x800  }
0x117: {  	[sflag:s24] =	ssyncset.done $0x0  }
0x118: {  	[sflag:s24] =	ssyncadd.s32 $0xFFFFF800  }
0x119: {  	_ =	swait.ge [sflag:s24], $0x800  }
0x11a: {  	[sflag:s24] =	ssyncset.done $0x0  }
0x11b: {  	[sflag:s24] =	ssyncadd.s32 $0xFFFFF800  }
0x11c: {  	_ =	swait.ge [sflag:s24], $0x800  }
0x11d: {  	[sflag:s24] =	ssyncset.done $0x0  }
0x11e: {  	[sflag:s24] =	ssyncadd.s32 $0xFFFFF800  }
0x11f: {  	_ =	swait.ge [sflag:s24], $0x800  }
0x120: {  	[sflag:s24] =	ssyncset.done $0x0  }
0x121: {  	[sflag:s24] =	ssyncadd.s32 $0xFFFFF800  }
0x122: {  	_ =	swait.ge [sflag:s24], $0x800  }
0x123: {  	[sflag:s24] =	ssyncset.done $0x0  }
0x124: {  	[sflag:s24] =	ssyncadd.s32 $0xFFFFF800  }
0x125: {  	_ =	swait.ge [sflag:s24], $0x800  }
0x126: {  	[sflag:s24] =	ssyncset.done $0x0  }
0x127: {  	[sflag:s24] =	ssyncadd.s32 $0xFFFFF800  }
0x128: {  	_ =	swait.ge [sflag:s24], $0x800  }
0x129: {  	[sflag:s24] =	ssyncset.done $0x0  }
0x12a: {  	[sflag:s24] =	ssyncadd.s32 $0xFFFFF800  }
0x12b: {  	_ =	swait.ge [sflag:s24], $0x800  }
0x12c: {  	[sflag:s24] =	ssyncset.done $0x0  }
0x12d: {  	[sflag:s24] =	ssyncadd.s32 $0xFFFFF800  }
0x12e: {  	_ =	swait.ge [sflag:s24], $0x800  }
0x12f: {  	[sflag:s24] =	ssyncset.done $0x0  }
0x130: {  	[sflag:s24] =	ssyncadd.s32 $0xFFFFF800  }
0x131: {  	_ =	swait.ge [sflag:s24], $0x800  }
0x132: {  	[sflag:s24] =	ssyncset.done $0x0  }
0x133: {  	[sflag:s24] =	ssyncadd.s32 $0xFFFFF800  }
0x134: {  	_ =	swait.ge [sflag:s24], $0x800  }
0x135: {  	[sflag:s24] =	ssyncset.done $0x0  }
0x136: {  	[sflag:s24] =	ssyncadd.s32 $0xFFFFF800  }
0x137: {  	_ =	swait.ge [sflag:s24], $0x800  }
0x138: {  	[sflag:s24] =	ssyncset.done $0x0  }
0x139: {  	[sflag:s24] =	ssyncadd.s32 $0xFFFFF800  }
0x13a: {  	_ =	swait.ge [sflag:s24], $0x800  }
0x13b: {  	[sflag:s24] =	ssyncset.done $0x0  }
0x13c: {  	[sflag:s24] =	ssyncadd.s32 $0xFFFFF800  }
0x13d: {  	_ =	swait.ge [sflag:s24], $0x800  }
0x13e: {  	[sflag:s24] =	ssyncset.done $0x0  }
0x13f: {  	[sflag:s24] =	ssyncadd.s32 $0xFFFFF800  }
0x140: {  	_ =	swait.ge [sflag:s24], $0x800  }
0x141: {  	[sflag:s24] =	ssyncset.done $0x0  }
0x142: {  	[sflag:s24] =	ssyncadd.s32 $0xFFFFF800  }
0x143: {  	_ =	swait.ge [sflag:s24], $0x800  }
0x144: {  	[sflag:s24] =	ssyncset.done $0x0  }
0x145: {  	[sflag:s24] =	ssyncadd.s32 $0xFFFFF800  }
0x146: {  	_ =	swait.ge [sflag:s24], $0x800  }
0x147: {  	[sflag:s24] =	ssyncset.done $0x0  }
0x148: {  	[sflag:s24] =	ssyncadd.s32 $0xFFFFF800  }
0x149: {  	_ =	swait.ge [sflag:s24], $0x800  }
0x14a: {  	[sflag:s24] =	ssyncset.done $0x0  }
0x14b: {  	[sflag:s24] =	ssyncadd.s32 $0xFFFFF800  }
0x14c: {  	_ =	swait.ge [sflag:s24], $0x800  }
0x14d: {  	[sflag:s24] =	ssyncset.done $0x0  }
0x14e: {  	[sflag:s24] =	ssyncadd.s32 $0xFFFFF800  }
0x14f: {  	_ =	swait.ge [sflag:s24], $0x800  }
0x150: {  	[sflag:s24] =	ssyncset.done $0x0  }
0x151: {  	[sflag:s24] =	ssyncadd.s32 $0xFFFFF800  }
0x152: {  	_ =	swait.ge [sflag:s24], $0x800  }
0x153: {  	[sflag:s24] =	ssyncset.done $0x0  }
0x154: {  	[sflag:s24] =	ssyncadd.s32 $0xFFFFF800  }
0x155: {  	[bflag:$0x0] =	sbarrier.arrive $0xFFFF  }
0x156: {  	[tilespmem:s25], [sflag:$0x4] =	stream.linear.gather [spmem:s9], $0xC80, $0x38;
	[tilespmem:$0x1F5E0] =	vst v63  }
0x157: {  	_ =	swait.ge [sflag:s20], $0xC80  }
0x158: {  	[sflag:s20] =	ssyncset.done $0x0  }
0x159: {  	s23 =	simm.s32 $0x0;
	[sflag:s20] =	ssyncadd.s32 $0xFFFFF380  }
0x15a: {  	[tilespmem:s2], [sflag:$0x4] =	stream.linear.gather [hbm4b:s17+s23], $0xC80, $0x38;
	[tilespmem:$0x1F5E0] =	vst v63  }
0x15b: {  	_ =	swait.ge [sflag:s20], $0xC80  }
0x15c: {  	[sflag:s20] =	ssyncset.done $0x0  }
0x15d: {  	s11 =	simm.s32 $0x0;
	s12 =	simm.s32 $0x40;
	[sflag:s20] =	ssyncadd.s32 $0xFFFFF380  }
.LBB2_12:
0x15e: {  	p0 =	sne.s32 s12, $0x31C0;
	v6 =	vld [tilespmem:s11+$0x19000];
	_ =	sdelay $0x2  }
0x15f: {  	v7 =	vld [tilespmem:s11+$0xC800];
	_ =	sdelay $0x1  }
0x160: {  	v6 =	vadd.f32 v6, v5  }
.Ltmp5:
0x161: {  	(pc) =	sbr.rel @p0 .LBB2_12-.Ltmp5, $3  }
0x162: {  	v6 =	vmax.f32 v6, $0.0e+00  }
0x163: {  	v6 =	vadd.f32 v6, v7;
	_ =	sdelay $0x1  }
0x164: {  	[tilespmem:s11+$0x19000] =	vst v6;
	s11 =	sshra.s32 s12, $0x2;
	s12 =	sadd.s32 $0x40, s12  }
0x165: {  	v6 =	vld [tilespmem:s11+$0x19000];
	_ =	sdelay $0x2  }
0x166: {  	v7 =	vld [tilespmem:s11+$0xC800];
	_ =	sdelay $0x1  }
0x167: {  	v5 =	vadd.f32 v6, v5;
	_ =	sdelay $0x1  }
0x168: {  	v5 =	vmax.f32 v5, $0.0e+00  }
0x169: {  	v5 =	vadd.f32 v5, v7;
	_ =	sdelay $0x1  }
0x16a: {  	[tilespmem:s11+$0x19000] =	vst v5  }
0x16b: {  	[spmem:s9] =	stream.linear.scatter [tilespmem:s25], [sflag:$0x4], $0xC80, $0x38;
	[tilespmem:$0x1F5E0] =	vst v63  }
0x16c: {  	_ =	swait.ge [sflag:s20], $0xC80  }
0x16d: {  	[sflag:s20] =	ssyncset.done $0x0  }
0x16e: {  	[sflag:s20] =	ssyncadd.s32 $0xFFFFF380  }
0x16f: {  	s23 =	simm.s32 $0x0;
	[bflag:$0x0] =	sbarrier.arrive $0xFFFF  }
0x170: {  	[tilespmem:s23], [sflag:$0x4] =	stream.linear.gather [spmem:s3], $0xC800, $0x38;
	[tilespmem:$0x1F5E0] =	vst v63  }
0x171: {  	_ =	swait.ge [sflag:s20], $0xC800  }
0x172: {  	[sflag:s20] =	ssyncset.done $0x0  }
0x173: {  	[sflag:s20] =	ssyncadd.s32 $0xFFFF3800  }
0x174: {  	s12 =	simm.s32 $0x0;
	s11 =	simm.s32 $0x40;
	[bflag:$0x0] =	sbarrier.arrive $0xFFFF  }
.LBB2_14:
0x175: {  	p0 =	sne.s32 s11, $0x31FC0;
	[tilespmem:s12+$0xC800] =	vst v3;
	s12 =	smov.u32 s11;
	s11 =	sadd.s32 $0x40, s11  }
.Ltmp6:
0x176: {  	(pc) =	sbr.rel @p0 .LBB2_14-.Ltmp6, $2  }
0x177: {  	_ =	sdelay $0x2  }
0x178: {  	s12 =	sshra.s32 s12, $0x2  }
0x179: {  	[tilespmem:s12+$0xC800] =	vst v3;
	s11 =	rddreg [dreg:$0x6]  }
0x17a: {  	[spmem:s9] =	stream.linear.scatter [tilespmem:s11], [sflag:$0x4], $0xC80, $0x38;
	[tilespmem:$0x1F5E0] =	vst v63  }
0x17b: {  	_ =	swait.ge [sflag:s20], $0xC80  }
0x17c: {  	[sflag:s20] =	ssyncset.done $0x0  }
0x17d: {  	[sflag:s20] =	ssyncadd.s32 $0xFFFFF380  }
0x17e: {  	s19 =	simm.s32 $0x0;
	s14 =	simm.s32 $0x19C80;
	[bflag:$0x0] =	sbarrier.arrive $0xFFFF  }
0x17f: {  	[tilespmem:s14], [sflag:$0x1] =	stream.linear.gather [hbm4b:s10+s19], $0x7D0, $0x38;
	[tilespmem:$0x1F5E0] =	vst v63  }
0x180: {  	s23 =	simm.s32 $0x1A450;
	s22 =	rddreg [dreg:$0x7]  }
0x181: {  	[tilespmem:s23], [sflag:$0x1] =	stream.linear.gather [hbm4b:s22+s19], $0x7D0, $0x38;
	[tilespmem:$0x1F5E0] =	vst v63  }
0x182: {  	s13 =	rddreg [dreg:$0x8];
	s14 =	simm.s32 $0x1AC20  }
0x183: {  	[tilespmem:s14], [sflag:$0x1] =	stream.linear.gather [hbm4b:s13+s19], $0x7D0, $0x38;
	[tilespmem:$0x1F5E0] =	vst v63  }
0x184: {  	s22 =	rddreg [dreg:$0x9];
	s23 =	simm.s32 $0x1B3F0  }
0x185: {  	[tilespmem:s23], [sflag:$0x1] =	stream.linear.gather [hbm4b:s22+s19], $0x7D0, $0x38;
	[tilespmem:$0x1F5E0] =	vst v63  }
.LBB2_17:
0x186: {  	s23 =	smul.u32 $0xFA0, s19;
	_ =	sdelay $0x1  }
0x187: {  	s11 =	sadd.s32 s23, s15  }
0x188: {  	s11 =	sshrl.u32 s11, $0x3  }
0x189: {  	s12 =	sadd.s32 s6, s11  }
0x18a: {  	[tilespmem:s28], [sflag:$0x2] =	stream.linear.gather [hbm4b:s12+s5], $0x7D0, $0x38;
	[tilespmem:$0x1F5E0] =	vst v63  }
0x18b: {  	s12 =	sadd.s32 $0x30D40, s12  }
0x18c: {  	[tilespmem:s29], [sflag:$0x2] =	stream.linear.gather [hbm4b:s12+s5], $0x7D0, $0x38;
	[tilespmem:$0x1F5E0] =	vst v63  }
0x18d: {  	s22 =	sadd.s32 s1, s11  }
0x18e: {  	[tilespmem:s30], [sflag:$0x2] =	stream.linear.gather [hbm4b:s22+s5], $0x7D0, $0x38;
	[tilespmem:$0x1F5E0] =	vst v63  }
0x18f: {  	s11 =	sadd.s32 s7, s11  }
0x190: {  	[tilespmem:s31], [sflag:$0x2] =	stream.linear.gather [hbm4b:s11+s5], $0x7D0, $0x38;
	[tilespmem:$0x1F5E0] =	vst v63  }
0x191: {  	_ =	swait.ge [sflag:s0], $0x7D0  }
0x192: {  	[sflag:s0] =	ssyncset.done $0x0  }
0x193: {  	[sflag:s0] =	ssyncadd.s32 $0xFFFFF830  }
0x194: {  	_ =	swait.ge [sflag:s0], $0x7D0  }
0x195: {  	[sflag:s0] =	ssyncset.done $0x0  }
0x196: {  	[sflag:s0] =	ssyncadd.s32 $0xFFFFF830  }
0x197: {  	_ =	swait.ge [sflag:s0], $0x7D0  }
0x198: {  	[sflag:s0] =	ssyncset.done $0x0  }
0x199: {  	[sflag:s0] =	ssyncadd.s32 $0xFFFFF830  }
0x19a: {  	s13 =	simm.s32 $0x1A470;
	_ =	swait.ge [sflag:s0], $0x7D0  }
0x19b: {  	s14 =	simm.s32 $0x1AC40;
	s12 =	simm.s32 $0x19CA0;
	[sflag:s0] =	ssyncset.done $0x0  }
0x19c: {  	s22 =	simm.s32 $0x1B410;
	s11 =	simm.s32 $0xFFFFFFFB;
	[sflag:s0] =	ssyncadd.s32 $0xFFFFF830  }
.LBB2_18:
0x19d: {  	v5 =	vld [tilespmem:s12+$0xFFFFFFE0]  }
0x19e: {  	v6 =	vld [tilespmem:s14+$0xFFFFFFE0];
	_ =	sdelay $0x6  }
0x19f: {  	v5 =	vld.idx.msk [tilespmem:v5+s5+$0x0], $0xffff  }
0x1a0: {  	v6 =	vld.idx.msk [tilespmem:v6+s26+$0x0], $0xffff  }
0x1a1: {  	v7 =	vld [tilespmem:s13+$0xFFFFFFE0]  }
0x1a2: {  	v8 =	vld [tilespmem:s22+$0xFFFFFFE0];
	_ =	sdelay $0x2  }
0x1a3: {  	v5 =	vmul.f32 v6, v5;
	_ =	sdelay $0x1  }
0x1a4: {  	v5 =	vmul.f32 v5, v8;
	_ =	sdelay $0x1  }
0x1a5: {  	[tilespmem:v7+s2+$0x0] =	vst.idx.add.f32.msk $0xffff, v5  }
0x1a6: {  	v5 =	vld [tilespmem:s12+$0xFFFFFFF0]  }
0x1a7: {  	v6 =	vld [tilespmem:s14+$0xFFFFFFF0];
	_ =	sdelay $0x6  }
0x1a8: {  	v5 =	vld.idx.msk [tilespmem:v5+s5+$0x0], $0xffff  }
0x1a9: {  	v6 =	vld.idx.msk [tilespmem:v6+s26+$0x0], $0xffff  }
0x1aa: {  	v7 =	vld [tilespmem:s13+$0xFFFFFFF0]  }
0x1ab: {  	v60 =	vld [tilespmem:s22+$0xFFFFFFF0];
	_ =	sdelay $0x2  }
0x1ac: {  	v5 =	vmul.f32 v6, v5;
	_ =	sdelay $0x1  }
0x1ad: {  	v5 =	vmul.f32 v5, v60;
	_ =	sdelay $0x1  }
0x1ae: {  	[tilespmem:v7+s2+$0x0] =	vst.idx.add.f32.msk $0xffff, v5  }
0x1af: {  	v5 =	vld [tilespmem:s12+$0x0]  }
0x1b0: {  	v6 =	vld [tilespmem:s14+$0x0];
	_ =	sdelay $0x6  }
0x1b1: {  	v5 =	vld.idx.msk [tilespmem:v5+s5+$0x0], $0xffff  }
0x1b2: {  	v6 =	vld.idx.msk [tilespmem:v6+s26+$0x0], $0xffff  }
0x1b3: {  	v7 =	vld [tilespmem:s13+$0x0]  }
0x1b4: {  	v61 =	vld [tilespmem:s22+$0x0];
	_ =	sdelay $0x2  }
0x1b5: {  	v5 =	vmul.f32 v6, v5;
	_ =	sdelay $0x1  }
0x1b6: {  	v5 =	vmul.f32 v5, v61;
	_ =	sdelay $0x1  }
0x1b7: {  	[tilespmem:v7+s2+$0x0] =	vst.idx.add.f32.msk $0xffff, v5  }
0x1b8: {  	v5 =	vld [tilespmem:s12+$0x10]  }
0x1b9: {  	v6 =	vld [tilespmem:s14+$0x10];
	_ =	sdelay $0x6  }
0x1ba: {  	v5 =	vld.idx.msk [tilespmem:v5+s5+$0x0], $0xffff  }
0x1bb: {  	v6 =	vld.idx.msk [tilespmem:v6+s26+$0x0], $0xffff  }
0x1bc: {  	v7 =	vld [tilespmem:s13+$0x10]  }
0x1bd: {  	v62 =	vld [tilespmem:s22+$0x10];
	_ =	sdelay $0x2  }
0x1be: {  	v5 =	vmul.f32 v6, v5;
	_ =	sdelay $0x1  }
0x1bf: {  	v5 =	vmul.f32 v5, v62;
	_ =	sdelay $0x1  }
0x1c0: {  	[tilespmem:v7+s2+$0x0] =	vst.idx.add.f32.msk $0xffff, v5  }
0x1c1: {  	v5 =	vld [tilespmem:s12+$0x20]  }
0x1c2: {  	v6 =	vld [tilespmem:s14+$0x20];
	_ =	sdelay $0x6  }
0x1c3: {  	v5 =	vld.idx.msk [tilespmem:v5+s5+$0x0], $0xffff  }
0x1c4: {  	v6 =	vld.idx.msk [tilespmem:v6+s26+$0x0], $0xffff  }
0x1c5: {  	v7 =	vld [tilespmem:s13+$0x20]  }
0x1c6: {  	v63 =	vld [tilespmem:s22+$0x20]  }
0x1c7: {  	s11 =	sadd.s32 $0x5, s11  }
0x1c8: {  	p0 =	slt.u32 s11, $0x78  }
.Ltmp7:
0x1c9: {  	v5 =	vmul.f32 v6, v5;
	(pc) =	sbr.rel @p0 .LBB2_18-.Ltmp7, $4  }
0x1ca: {  	_ = 	snop  }
0x1cb: {  	v5 =	vmul.f32 v5, v63  }
0x1cc: {  	s12 =	sadd.s32 $0x50, s12  }
0x1cd: {  	s13 =	sadd.s32 $0x50, s13;
	s14 =	sadd.s32 $0x50, s14;
	s22 =	sadd.s32 $0x50, s22;
	[tilespmem:v7+s2+$0x0] =	vst.idx.add.f32.msk $0xffff, v5  }
0x1ce: {  	p0 =	seq.s32 s19, $0x18  }
0x1cf: {  	s11 =	sadd.s32 @!p0 s23, s16  }
0x1d0: {  	s11 =	sshrl.u32 @!p0 s11, $0x3  }
0x1d1: {  	s13 =	simm.s32 @!p0 $0x0;
	s14 =	simm.s32 @!p0 $0x19C80;
	s12 =	sadd.s32 @!p0 s6, s11  }
0x1d2: {  	[tilespmem:s14], [sflag:$0x1] =	stream.linear.gather @!p0 [hbm4b:s12+s13], $0x7D0, $0x38;
	[tilespmem:$0x1F5E0] =	vst v63  }
0x1d3: {  	s12 =	sadd.s32 @!p0 $0x30D40, s12;
	s14 =	simm.s32 @!p0 $0x1A450  }
0x1d4: {  	[tilespmem:s14], [sflag:$0x1] =	stream.linear.gather @!p0 [hbm4b:s12+s13], $0x7D0, $0x38;
	[tilespmem:$0x1F5E0] =	vst v63  }
0x1d5: {  	s12 =	sadd.s32 @!p0 s1, s11;
	s14 =	simm.s32 @!p0 $0x1AC20  }
0x1d6: {  	[tilespmem:s14], [sflag:$0x1] =	stream.linear.gather @!p0 [hbm4b:s12+s13], $0x7D0, $0x38;
	[tilespmem:$0x1F5E0] =	vst v63  }
0x1d7: {  	s11 =	sadd.s32 @!p0 s7, s11;
	s12 =	simm.s32 @!p0 $0x1B3F0  }
0x1d8: {  	[tilespmem:s12], [sflag:$0x1] =	stream.linear.gather @!p0 [hbm4b:s11+s13], $0x7D0, $0x38;
	[tilespmem:$0x1F5E0] =	vst v63  }
0x1d9: {  	_ =	swait.ge [sflag:s21], $0x7D0  }
0x1da: {  	[sflag:s21] =	ssyncset.done $0x0  }
0x1db: {  	[sflag:s21] =	ssyncadd.s32 $0xFFFFF830  }
0x1dc: {  	_ =	swait.ge [sflag:s21], $0x7D0  }
0x1dd: {  	[sflag:s21] =	ssyncset.done $0x0  }
0x1de: {  	[sflag:s21] =	ssyncadd.s32 $0xFFFFF830  }
0x1df: {  	_ =	swait.ge [sflag:s21], $0x7D0  }
0x1e0: {  	[sflag:s21] =	ssyncset.done $0x0  }
0x1e1: {  	[sflag:s21] =	ssyncadd.s32 $0xFFFFF830  }
0x1e2: {  	s19 =	sadd.s32 $0x1, s19;
	s22 =	simm.s32 $0x1D350;
	_ =	swait.ge [sflag:s21], $0x7D0  }
0x1e3: {  	s14 =	simm.s32 $0x1CB80;
	s11 =	simm.s32 $0xFFFFFFFB;
	[sflag:s21] =	ssyncset.done $0x0  }
0x1e4: {  	s12 =	simm.s32 $0x1BBE0;
	s13 =	simm.s32 $0x1C3B0;
	[sflag:s21] =	ssyncadd.s32 $0xFFFFF830  }
.LBB2_20:
0x1e5: {  	v5 =	vld [tilespmem:s12+$0xFFFFFFE0]  }
0x1e6: {  	v6 =	vld [tilespmem:s14+$0xFFFFFFE0];
	_ =	sdelay $0x6  }
0x1e7: {  	v5 =	vld.idx.msk [tilespmem:v5+s5+$0x0], $0xffff  }
0x1e8: {  	v6 =	vld.idx.msk [tilespmem:v6+s26+$0x0], $0xffff  }
0x1e9: {  	v7 =	vld [tilespmem:s13+$0xFFFFFFE0]  }
0x1ea: {  	v8 =	vld [tilespmem:s22+$0xFFFFFFE0];
	_ =	sdelay $0x2  }
0x1eb: {  	v5 =	vmul.f32 v6, v5;
	_ =	sdelay $0x1  }
0x1ec: {  	v5 =	vmul.f32 v5, v8;
	_ =	sdelay $0x1  }
0x1ed: {  	[tilespmem:v7+s2+$0x0] =	vst.idx.add.f32.msk $0xffff, v5  }
0x1ee: {  	v5 =	vld [tilespmem:s12+$0xFFFFFFF0]  }
0x1ef: {  	v6 =	vld [tilespmem:s14+$0xFFFFFFF0];
	_ =	sdelay $0x6  }
0x1f0: {  	v5 =	vld.idx.msk [tilespmem:v5+s5+$0x0], $0xffff  }
0x1f1: {  	v6 =	vld.idx.msk [tilespmem:v6+s26+$0x0], $0xffff  }
0x1f2: {  	v7 =	vld [tilespmem:s13+$0xFFFFFFF0]  }
0x1f3: {  	v60 =	vld [tilespmem:s22+$0xFFFFFFF0];
	_ =	sdelay $0x2  }
0x1f4: {  	v5 =	vmul.f32 v6, v5;
	_ =	sdelay $0x1  }
0x1f5: {  	v5 =	vmul.f32 v5, v60;
	_ =	sdelay $0x1  }
0x1f6: {  	[tilespmem:v7+s2+$0x0] =	vst.idx.add.f32.msk $0xffff, v5  }
0x1f7: {  	v5 =	vld [tilespmem:s12+$0x0]  }
0x1f8: {  	v6 =	vld [tilespmem:s14+$0x0];
	_ =	sdelay $0x6  }
0x1f9: {  	v5 =	vld.idx.msk [tilespmem:v5+s5+$0x0], $0xffff  }
0x1fa: {  	v6 =	vld.idx.msk [tilespmem:v6+s26+$0x0], $0xffff  }
0x1fb: {  	v7 =	vld [tilespmem:s13+$0x0]  }
0x1fc: {  	v61 =	vld [tilespmem:s22+$0x0];
	_ =	sdelay $0x2  }
0x1fd: {  	v5 =	vmul.f32 v6, v5;
	_ =	sdelay $0x1  }
0x1fe: {  	v5 =	vmul.f32 v5, v61;
	_ =	sdelay $0x1  }
0x1ff: {  	[tilespmem:v7+s2+$0x0] =	vst.idx.add.f32.msk $0xffff, v5  }
0x200: {  	v5 =	vld [tilespmem:s12+$0x10]  }
0x201: {  	v6 =	vld [tilespmem:s14+$0x10];
	_ =	sdelay $0x6  }
0x202: {  	v5 =	vld.idx.msk [tilespmem:v5+s5+$0x0], $0xffff  }
0x203: {  	v6 =	vld.idx.msk [tilespmem:v6+s26+$0x0], $0xffff  }
0x204: {  	v7 =	vld [tilespmem:s13+$0x10]  }
0x205: {  	v62 =	vld [tilespmem:s22+$0x10];
	_ =	sdelay $0x2  }
0x206: {  	v5 =	vmul.f32 v6, v5;
	_ =	sdelay $0x1  }
0x207: {  	v5 =	vmul.f32 v5, v62;
	_ =	sdelay $0x1  }
0x208: {  	[tilespmem:v7+s2+$0x0] =	vst.idx.add.f32.msk $0xffff, v5  }
0x209: {  	v5 =	vld [tilespmem:s12+$0x20]  }
0x20a: {  	v6 =	vld [tilespmem:s14+$0x20];
	_ =	sdelay $0x6  }
0x20b: {  	v5 =	vld.idx.msk [tilespmem:v5+s5+$0x0], $0xffff  }
0x20c: {  	v6 =	vld.idx.msk [tilespmem:v6+s26+$0x0], $0xffff  }
0x20d: {  	v7 =	vld [tilespmem:s13+$0x20]  }
0x20e: {  	v63 =	vld [tilespmem:s22+$0x20]  }
0x20f: {  	s11 =	sadd.s32 $0x5, s11  }
0x210: {  	p0 =	slt.u32 s11, $0x78  }
.Ltmp8:
0x211: {  	v5 =	vmul.f32 v6, v5;
	(pc) =	sbr.rel @p0 .LBB2_20-.Ltmp8, $4  }
0x212: {  	_ = 	snop  }
0x213: {  	v5 =	vmul.f32 v5, v63  }
0x214: {  	s12 =	sadd.s32 $0x50, s12  }
0x215: {  	s13 =	sadd.s32 $0x50, s13;
	s14 =	sadd.s32 $0x50, s14;
	s22 =	sadd.s32 $0x50, s22;
	[tilespmem:v7+s2+$0x0] =	vst.idx.add.f32.msk $0xffff, v5  }
0x216: {  	p0 =	seq.s32 s19, $0x19  }
.Ltmp9:
0x217: {  	_ = 	snop;
	(pc) =	sbr.rel @!p0 .LBB2_17-.Ltmp9, $1  }
0x218: {  	_ =	sdelay $0x3  }
0x219: {  	s11 =	simm.s32 $0x1DCE0  }
0x21a: {  	[spmem:s3] =	stream.indirect.scatter.add.f32 [tilespmem:s2], [sflag:$0x3], $0x10, s11, s8, $0xb8;
	[tilespmem:$0x1F5E0] =	vst v63  }
0x21b: {  	s23 =	simm.s32 $0x1DD60;
	s12 =	simm.s32 $0xD000  }
0x21c: {  	[spmem:s3] =	stream.indirect.scatter.add.f32 [tilespmem:s12], [sflag:$0x3], $0x10, s23, s8, $0xb8;
	[tilespmem:$0x1F5E0] =	vst v63  }
0x21d: {  	s13 =	simm.s32 $0xD800;
	s12 =	simm.s32 $0x1DDE0  }
0x21e: {  	[spmem:s3] =	stream.indirect.scatter.add.f32 [tilespmem:s13], [sflag:$0x3], $0x10, s12, s8, $0xb8;
	[tilespmem:$0x1F5E0] =	vst v63  }
0x21f: {  	s14 =	simm.s32 $0x1DE60;
	s19 =	simm.s32 $0xE000  }
0x220: {  	[spmem:s3] =	stream.indirect.scatter.add.f32 [tilespmem:s19], [sflag:$0x3], $0x10, s14, s8, $0xb8;
	[tilespmem:$0x1F5E0] =	vst v63  }
0x221: {  	s22 =	simm.s32 $0x1DEE0;
	s23 =	simm.s32 $0xE800  }
0x222: {  	[spmem:s3] =	stream.indirect.scatter.add.f32 [tilespmem:s23], [sflag:$0x3], $0x10, s22, s8, $0xb8;
	[tilespmem:$0x1F5E0] =	vst v63  }
0x223: {  	s12 =	simm.s32 $0x1DF60;
	s13 =	simm.s32 $0xF000  }
0x224: {  	[spmem:s3] =	stream.indirect.scatter.add.f32 [tilespmem:s13], [sflag:$0x3], $0x10, s12, s8, $0xb8;
	[tilespmem:$0x1F5E0] =	vst v63  }
0x225: {  	s14 =	simm.s32 $0x1DFE0;
	s19 =	simm.s32 $0xF800  }
0x226: {  	[spmem:s3] =	stream.indirect.scatter.add.f32 [tilespmem:s19], [sflag:$0x3], $0x10, s14, s8, $0xb8;
	[tilespmem:$0x1F5E0] =	vst v63  }
0x227: {  	s22 =	simm.s32 $0x1E060;
	s23 =	simm.s32 $0x10000  }
0x228: {  	[spmem:s3] =	stream.indirect.scatter.add.f32 [tilespmem:s23], [sflag:$0x3], $0x10, s22, s8, $0xb8;
	[tilespmem:$0x1F5E0] =	vst v63  }
0x229: {  	s12 =	simm.s32 $0x1E0E0;
	s13 =	simm.s32 $0x10800  }
0x22a: {  	[spmem:s3] =	stream.indirect.scatter.add.f32 [tilespmem:s13], [sflag:$0x3], $0x10, s12, s8, $0xb8;
	[tilespmem:$0x1F5E0] =	vst v63  }
0x22b: {  	s14 =	simm.s32 $0x1E160;
	s19 =	simm.s32 $0x11000  }
0x22c: {  	[spmem:s3] =	stream.indirect.scatter.add.f32 [tilespmem:s19], [sflag:$0x3], $0x10, s14, s8, $0xb8;
	[tilespmem:$0x1F5E0] =	vst v63  }
0x22d: {  	s22 =	simm.s32 $0x1E1E0;
	s23 =	simm.s32 $0x11800  }
0x22e: {  	[spmem:s3] =	stream.indirect.scatter.add.f32 [tilespmem:s23], [sflag:$0x3], $0x10, s22, s8, $0xb8;
	[tilespmem:$0x1F5E0] =	vst v63  }
0x22f: {  	s12 =	simm.s32 $0x1E260;
	s13 =	simm.s32 $0x12000  }
0x230: {  	[spmem:s3] =	stream.indirect.scatter.add.f32 [tilespmem:s13], [sflag:$0x3], $0x10, s12, s8, $0xb8;
	[tilespmem:$0x1F5E0] =	vst v63  }
0x231: {  	s14 =	simm.s32 $0x1E2E0;
	s19 =	simm.s32 $0x12800  }
0x232: {  	[spmem:s3] =	stream.indirect.scatter.add.f32 [tilespmem:s19], [sflag:$0x3], $0x10, s14, s8, $0xb8;
	[tilespmem:$0x1F5E0] =	vst v63  }
0x233: {  	s22 =	simm.s32 $0x1E360;
	s23 =	simm.s32 $0x13000  }
0x234: {  	[spmem:s3] =	stream.indirect.scatter.add.f32 [tilespmem:s23], [sflag:$0x3], $0x10, s22, s8, $0xb8;
	[tilespmem:$0x1F5E0] =	vst v63  }
0x235: {  	s12 =	simm.s32 $0x1E3E0;
	s13 =	simm.s32 $0x13800  }
0x236: {  	[spmem:s3] =	stream.indirect.scatter.add.f32 [tilespmem:s13], [sflag:$0x3], $0x10, s12, s8, $0xb8;
	[tilespmem:$0x1F5E0] =	vst v63  }
0x237: {  	s14 =	simm.s32 $0x1E460;
	s19 =	simm.s32 $0x14000  }
0x238: {  	[spmem:s3] =	stream.indirect.scatter.add.f32 [tilespmem:s19], [sflag:$0x3], $0x10, s14, s8, $0xb8;
	[tilespmem:$0x1F5E0] =	vst v63  }
0x239: {  	s22 =	simm.s32 $0x1E4E0;
	s23 =	simm.s32 $0x14800  }
0x23a: {  	[spmem:s3] =	stream.indirect.scatter.add.f32 [tilespmem:s23], [sflag:$0x3], $0x10, s22, s8, $0xb8;
	[tilespmem:$0x1F5E0] =	vst v63  }
0x23b: {  	s12 =	simm.s32 $0x1E560;
	s13 =	simm.s32 $0x15000  }
0x23c: {  	[spmem:s3] =	stream.indirect.scatter.add.f32 [tilespmem:s13], [sflag:$0x3], $0x10, s12, s8, $0xb8;
	[tilespmem:$0x1F5E0] =	vst v63  }
0x23d: {  	s14 =	simm.s32 $0x1E5E0;
	s19 =	simm.s32 $0x15800  }
0x23e: {  	[spmem:s3] =	stream.indirect.scatter.add.f32 [tilespmem:s19], [sflag:$0x3], $0x10, s14, s8, $0xb8;
	[tilespmem:$0x1F5E0] =	vst v63  }
0x23f: {  	s22 =	simm.s32 $0x1E660;
	s23 =	simm.s32 $0x16000  }
0x240: {  	[spmem:s3] =	stream.indirect.scatter.add.f32 [tilespmem:s23], [sflag:$0x3], $0x10, s22, s8, $0xb8;
	[tilespmem:$0x1F5E0] =	vst v63  }
0x241: {  	s12 =	simm.s32 $0x1E6E0;
	s13 =	simm.s32 $0x16800  }
0x242: {  	[spmem:s3] =	stream.indirect.scatter.add.f32 [tilespmem:s13], [sflag:$0x3], $0x10, s12, s8, $0xb8;
	[tilespmem:$0x1F5E0] =	vst v63  }
0x243: {  	s14 =	simm.s32 $0x1E760;
	s19 =	simm.s32 $0x17000  }
0x244: {  	[spmem:s3] =	stream.indirect.scatter.add.f32 [tilespmem:s19], [sflag:$0x3], $0x10, s14, s8, $0xb8;
	[tilespmem:$0x1F5E0] =	vst v63  }
0x245: {  	s22 =	simm.s32 $0x1E7E0;
	s23 =	simm.s32 $0x17800  }
0x246: {  	[spmem:s3] =	stream.indirect.scatter.add.f32 [tilespmem:s23], [sflag:$0x3], $0x10, s22, s8, $0xb8;
	[tilespmem:$0x1F5E0] =	vst v63  }
0x247: {  	s13 =	simm.s32 $0x1E860;
	s14 =	simm.s32 $0x18000  }
0x248: {  	[spmem:s3] =	stream.indirect.scatter.add.f32 [tilespmem:s14], [sflag:$0x3], $0x10, s13, s8, $0xb8;
	[tilespmem:$0x1F5E0] =	vst v63  }
0x249: {  	s19 =	simm.s32 $0x1E8E0;
	s22 =	simm.s32 $0x18800  }
0x24a: {  	[spmem:s3] =	stream.indirect.scatter.add.f32 [tilespmem:s22], [sflag:$0x3], $0x10, s19, s8, $0xb8;
	[tilespmem:$0x1F5E0] =	vst v63  }
0x24b: {  	_ =	swait.ge [sflag:s24], $0x800  }
0x24c: {  	[sflag:s24] =	ssyncset.done $0x0  }
0x24d: {  	[sflag:s24] =	ssyncadd.s32 $0xFFFFF800  }
0x24e: {  	_ =	swait.ge [sflag:s24], $0x800  }
0x24f: {  	[sflag:s24] =	ssyncset.done $0x0  }
0x250: {  	[sflag:s24] =	ssyncadd.s32 $0xFFFFF800  }
0x251: {  	_ =	swait.ge [sflag:s24], $0x800  }
0x252: {  	[sflag:s24] =	ssyncset.done $0x0  }
0x253: {  	[sflag:s24] =	ssyncadd.s32 $0xFFFFF800  }
0x254: {  	_ =	swait.ge [sflag:s24], $0x800  }
0x255: {  	[sflag:s24] =	ssyncset.done $0x0  }
0x256: {  	[sflag:s24] =	ssyncadd.s32 $0xFFFFF800  }
0x257: {  	_ =	swait.ge [sflag:s24], $0x800  }
0x258: {  	[sflag:s24] =	ssyncset.done $0x0  }
0x259: {  	[sflag:s24] =	ssyncadd.s32 $0xFFFFF800  }
0x25a: {  	_ =	swait.ge [sflag:s24], $0x800  }
0x25b: {  	[sflag:s24] =	ssyncset.done $0x0  }
0x25c: {  	[sflag:s24] =	ssyncadd.s32 $0xFFFFF800  }
0x25d: {  	_ =	swait.ge [sflag:s24], $0x800  }
0x25e: {  	[sflag:s24] =	ssyncset.done $0x0  }
0x25f: {  	[sflag:s24] =	ssyncadd.s32 $0xFFFFF800  }
0x260: {  	_ =	swait.ge [sflag:s24], $0x800  }
0x261: {  	[sflag:s24] =	ssyncset.done $0x0  }
0x262: {  	[sflag:s24] =	ssyncadd.s32 $0xFFFFF800  }
0x263: {  	_ =	swait.ge [sflag:s24], $0x800  }
0x264: {  	[sflag:s24] =	ssyncset.done $0x0  }
0x265: {  	[sflag:s24] =	ssyncadd.s32 $0xFFFFF800  }
0x266: {  	_ =	swait.ge [sflag:s24], $0x800  }
0x267: {  	[sflag:s24] =	ssyncset.done $0x0  }
0x268: {  	[sflag:s24] =	ssyncadd.s32 $0xFFFFF800  }
0x269: {  	_ =	swait.ge [sflag:s24], $0x800  }
0x26a: {  	[sflag:s24] =	ssyncset.done $0x0  }
0x26b: {  	[sflag:s24] =	ssyncadd.s32 $0xFFFFF800  }
0x26c: {  	_ =	swait.ge [sflag:s24], $0x800  }
0x26d: {  	[sflag:s24] =	ssyncset.done $0x0  }
0x26e: {  	[sflag:s24] =	ssyncadd.s32 $0xFFFFF800  }
0x26f: {  	_ =	swait.ge [sflag:s24], $0x800  }
0x270: {  	[sflag:s24] =	ssyncset.done $0x0  }
0x271: {  	[sflag:s24] =	ssyncadd.s32 $0xFFFFF800  }
0x272: {  	_ =	swait.ge [sflag:s24], $0x800  }
0x273: {  	[sflag:s24] =	ssyncset.done $0x0  }
0x274: {  	[sflag:s24] =	ssyncadd.s32 $0xFFFFF800  }
0x275: {  	_ =	swait.ge [sflag:s24], $0x800  }
0x276: {  	[sflag:s24] =	ssyncset.done $0x0  }
0x277: {  	[sflag:s24] =	ssyncadd.s32 $0xFFFFF800  }
0x278: {  	_ =	swait.ge [sflag:s24], $0x800  }
0x279: {  	[sflag:s24] =	ssyncset.done $0x0  }
0x27a: {  	[sflag:s24] =	ssyncadd.s32 $0xFFFFF800  }
0x27b: {  	_ =	swait.ge [sflag:s24], $0x800  }
0x27c: {  	[sflag:s24] =	ssyncset.done $0x0  }
0x27d: {  	[sflag:s24] =	ssyncadd.s32 $0xFFFFF800  }
0x27e: {  	_ =	swait.ge [sflag:s24], $0x800  }
0x27f: {  	[sflag:s24] =	ssyncset.done $0x0  }
0x280: {  	[sflag:s24] =	ssyncadd.s32 $0xFFFFF800  }
0x281: {  	_ =	swait.ge [sflag:s24], $0x800  }
0x282: {  	[sflag:s24] =	ssyncset.done $0x0  }
0x283: {  	[sflag:s24] =	ssyncadd.s32 $0xFFFFF800  }
0x284: {  	_ =	swait.ge [sflag:s24], $0x800  }
0x285: {  	[sflag:s24] =	ssyncset.done $0x0  }
0x286: {  	[sflag:s24] =	ssyncadd.s32 $0xFFFFF800  }
0x287: {  	_ =	swait.ge [sflag:s24], $0x800  }
0x288: {  	[sflag:s24] =	ssyncset.done $0x0  }
0x289: {  	[sflag:s24] =	ssyncadd.s32 $0xFFFFF800  }
0x28a: {  	_ =	swait.ge [sflag:s24], $0x800  }
0x28b: {  	[sflag:s24] =	ssyncset.done $0x0  }
0x28c: {  	[sflag:s24] =	ssyncadd.s32 $0xFFFFF800  }
0x28d: {  	_ =	swait.ge [sflag:s24], $0x800  }
0x28e: {  	[sflag:s24] =	ssyncset.done $0x0  }
0x28f: {  	[sflag:s24] =	ssyncadd.s32 $0xFFFFF800  }
0x290: {  	_ =	swait.ge [sflag:s24], $0x800  }
0x291: {  	[sflag:s24] =	ssyncset.done $0x0  }
0x292: {  	[sflag:s24] =	ssyncadd.s32 $0xFFFFF800  }
0x293: {  	_ =	swait.ge [sflag:s24], $0x800  }
0x294: {  	[sflag:s24] =	ssyncset.done $0x0  }
0x295: {  	[sflag:s24] =	ssyncadd.s32 $0xFFFFF800  }
0x296: {  	[bflag:$0x0] =	sbarrier.arrive $0xFFFF  }
0x297: {  	[tilespmem:s25], [sflag:$0x4] =	stream.linear.gather [spmem:s9], $0xC80, $0x38;
	[tilespmem:$0x1F5E0] =	vst v63  }
0x298: {  	_ =	swait.ge [sflag:s20], $0xC80  }
0x299: {  	[sflag:s20] =	ssyncset.done $0x0  }
0x29a: {  	s23 =	simm.s32 $0x0;
	[sflag:s20] =	ssyncadd.s32 $0xFFFFF380  }
0x29b: {  	[tilespmem:s2], [sflag:$0x4] =	stream.linear.gather [hbm4b:s17+s23], $0xC80, $0x38;
	[tilespmem:$0x1F5E0] =	vst v63  }
0x29c: {  	_ =	swait.ge [sflag:s20], $0xC80  }
0x29d: {  	[sflag:s20] =	ssyncset.done $0x0  }
0x29e: {  	s11 =	simm.s32 $0x0;
	s12 =	simm.s32 $0x40;
	[sflag:s20] =	ssyncadd.s32 $0xFFFFF380  }
.LBB2_22:
0x29f: {  	p0 =	sne.s32 s12, $0x31C0;
	v5 =	vld [tilespmem:s11+$0x19000];
	_ =	sdelay $0x1  }
0x2a0: {  	v6 =	vld [tilespmem:s11+$0xC800];
	_ =	sdelay $0x2  }
.Ltmp10:
0x2a1: {  	v5 =	vadd.f32 v5, v4;
	(pc) =	sbr.rel @p0 .LBB2_22-.Ltmp10, $3  }
0x2a2: {  	_ = 	snop  }
0x2a3: {  	v5 =	vadd.f32 v6, v5;
	_ =	sdelay $0x1  }
0x2a4: {  	[tilespmem:s11+$0x19000] =	vst v5;
	s11 =	sshra.s32 s12, $0x2;
	s12 =	sadd.s32 $0x40, s12  }
0x2a5: {  	v5 =	vld [tilespmem:s11+$0x19000];
	_ =	sdelay $0x1  }
0x2a6: {  	v6 =	vld [tilespmem:s11+$0xC800];
	_ =	sdelay $0x2  }
0x2a7: {  	v4 =	vadd.f32 v5, v4;
	_ =	sdelay $0x1  }
0x2a8: {  	v4 =	vadd.f32 v6, v4;
	_ =	sdelay $0x1  }
0x2a9: {  	s22 =	rddreg [dreg:$0xa];
	[tilespmem:s11+$0x19000] =	vst v4  }
0x2aa: {  	[hbm4b:s22+s5] =	stream.linear.scatter [tilespmem:s25], [sflag:$0x4], $0xC80, $0x38;
	[tilespmem:$0x1F5E0] =	vst v63  }
0x2ab: {  	_ =	swait.ge [sflag:s20], $0xC80  }
0x2ac: {  	s18 =	sadd.s32 $0x1, s18;
	s23 =	rddreg [dreg:$0xb]  }
0x2ad: {  	p0 =	sne.s32 s18, s23  }
.Ltmp11:
0x2ae: {  	_ = 	snop;
	(pc) =	sbr.rel @p0 .LBB2_1-.Ltmp11, $3  }
0x2af: {  	_ =	sdelay $0x1  }
0x2b0: {  	[sflag:s20] =	ssyncset.done $0x0  }
0x2b1: {  	[sflag:s20] =	ssyncadd.s32 $0xFFFFF380  }
0x2b2: {  	_ =	sfence.sel $0x180000  }
0x2b3: {  	[bflag:$0x0] =	sbarrier.arrive $0xFFFF  }
0x2b4: {  	_ =	strace $0x90000047  }
0x2b5: {  	s0 =	stileid.u32;
	[bflag:$0x2] =	sbarrier.arrive $0xFFFF  }
0x2b6: {  	p0 =	sne.s32 s0, $0x0;
	s0 =	rddreg [dreg:$0x4]  }
0x2b7: {  	s0 =	sadd.s32 @!p0 $0x100000, s0  }
0x2b8: {  	[sflag:s0] =	ssyncadd.tile.s32 @!p0 $0x1;
	_ =	shalt  }
.Lfunc_end2:
_tile_overlayer_lowered:
.L_overlay_start_2:
0x2b9: {  	(tag) =	ssettag $0x2  }
0x2ba: {  	s0 =	rddreg [dreg:$0x0];
	s2 =	stileid.u32  }
0x2bb: {  	s1 =	rddreg [dreg:$0x1];
	p0 =	sne.s32 s2, $0x0  }
0x2bc: {  	s3 =	rddreg [dreg:$0x2];
	[bflag:$0x3] =	sbarrier.arrive $0xFFFF;
	s2 =	simm.s32 @!p0 $0x1C04  }
0x2bd: {  	[timem:s3], [sflag:s2] =	dma.local @!p0 [hbm:s0], s1  }
0x2be: {  	s0 =	simm.s32 @!p0 $0x4  }
0x2bf: {  	_ =	swait.ge @!p0 [sflag:s0], s1  }
0x2c0: {  	s1 =	ssub.s32 @!p0 $0x0, s1;
	[sflag:s0] =	ssyncset.done @!p0 $0x0  }
0x2c1: {  	[sflag:s0] =	ssyncadd.s32 @!p0 s1  }
0x2c2: {  	[bflag:$0x3] =	sbarrier.arrive $0xFFFF  }
0x2c3: {  	_ =	shalt  }

</sc_bundles>
